<compile_context>
chip_gen: v7x
topology: tpu7x:2x2x1
jax: 0.10.2.dev20260603
libtpu: 0.0.44.dev20260713+nightly
codegen_flags: <defaults>
</compile_context>

<pallas_src>
import functools
import math

import jax
import jax.numpy as jnp
from jax import lax
from jax.experimental import pallas as pl
from jax.experimental.pallas import tpu as pltpu
from jax.experimental.pallas import tpu_sc as plsc

H_DIM = 512
HALF = H_DIM // 2
BATCH = 16384
GAMMA = 12.0
EPSILON = 2.0
EMB_RANGE = (GAMMA + EPSILON) / H_DIM
PI = 3.141592653589793

NW = 32
CH = 64
CHUNKS = (4096, 4096, 4096, 4096)


def _sc_gather(embs, w_relation, h_idx, r_idx, t_idx, chunk_base, bc):
    mesh = plsc.VectorSubcoreMesh(core_axis_name="c", subcore_axis_name="s")
    bpw = bc // NW
    nsub = bpw // CH
    assert nsub == 2

    @functools.partial(
        pl.kernel,
        mesh=mesh,
        out_type=(
            jax.ShapeDtypeStruct((bc, H_DIM), jnp.float32),
            jax.ShapeDtypeStruct((bc, H_DIM), jnp.float32),
            jax.ShapeDtypeStruct((bc, HALF), jnp.float32),
        ),
        scratch_types=[
            pltpu.VMEM((bpw,), jnp.int32),
            pltpu.VMEM((bpw,), jnp.int32),
            pltpu.VMEM((bpw,), jnp.int32),
            pltpu.VMEM((CH, H_DIM), jnp.float32),
            pltpu.VMEM((CH, H_DIM), jnp.float32),
            pltpu.VMEM((CH, H_DIM), jnp.float32),
            pltpu.VMEM((CH, HALF), jnp.float32),
            pltpu.SemaphoreType.DMA,
            pltpu.SemaphoreType.DMA,
            pltpu.SemaphoreType.DMA,
            pltpu.SemaphoreType.DMA,
            pltpu.SemaphoreType.DMA,
            pltpu.SemaphoreType.DMA,
            pltpu.SemaphoreType.DMA,
            pltpu.SemaphoreType.DMA,
        ],
    )
    def k(embs_h, wrel_h, hidx_h, ridx_h, tidx_h,
          hout, tout, rout,
          hidx_v, ridx_v, tidx_v, b0, b1, b2, rb,
          gb0, gb1, gb2, grb, sb0, sb1, sb2, srb):
        wid = lax.axis_index("s") * 2 + lax.axis_index("c")
        base = wid * bpw
        src = chunk_base + base

        def sub(ref, j):
            return ref.at[pl.ds(j * CH, CH)]

        def out_sub(ref, j):
            return ref.at[pl.ds(base + j * CH, CH)]

        pltpu.sync_copy(hidx_h.at[pl.ds(src, bpw)], hidx_v)
        gh0 = pltpu.async_copy(embs_h.at[sub(hidx_v, 0)], b0, gb0)
        gh1 = pltpu.async_copy(embs_h.at[sub(hidx_v, 1)], b1, gb1)
        pltpu.sync_copy(tidx_h.at[pl.ds(src, bpw)], tidx_v)
        gt0 = pltpu.async_copy(embs_h.at[sub(tidx_v, 0)], b2, gb2)
        pltpu.sync_copy(ridx_h.at[pl.ds(src, bpw)], ridx_v)
        gr0 = pltpu.async_copy(wrel_h.at[sub(ridx_v, 0)], rb, grb)

        gh0.wait()
        sh0 = pltpu.async_copy(b0, out_sub(hout, 0), sb0)
        gh1.wait()
        sh1 = pltpu.async_copy(b1, out_sub(hout, 1), sb1)
        sh0.wait()
        gt1 = pltpu.async_copy(embs_h.at[sub(tidx_v, 1)], b0, gb0)
        gr0.wait()
        sr0 = pltpu.async_copy(rb, out_sub(rout, 0), srb)
        sr0.wait()
        gr1 = pltpu.async_copy(wrel_h.at[sub(ridx_v, 1)], rb, grb)
        gt0.wait()
        st0 = pltpu.async_copy(b2, out_sub(tout, 0), sb2)
        gt1.wait()
        st1 = pltpu.async_copy(b0, out_sub(tout, 1), sb0)
        gr1.wait()
        sr1 = pltpu.async_copy(rb, out_sub(rout, 1), srb)
        sh1.wait()
        st0.wait()
        st1.wait()
        sr1.wait()

    return k(embs, w_relation, h_idx, r_idx, t_idx)


_SIN_C = (9.999999992634e-01, -1.666666592737e-01, 8.333321297382e-03,
          -1.984053414314e-04, 2.753585048001e-06, -2.472881380150e-08,
          1.361309747309e-10)
_COS_C = (1.000000000293e+00, -4.999999985941e-01, 4.166666351410e-02,
          -1.388886311125e-03, 2.480055413054e-05, -2.753480385845e-07,
          2.060360183243e-09, -9.722486996111e-12)


def _horner(u, coeffs):
    acc = jnp.full_like(u, coeffs[-1])
    for c in coeffs[-2::-1]:
        acc = acc * u + c
    return acc


def _tc_score(head, tail, rel):
    b = head.shape[0]
    BR = min(2048, b)
    scale = EMB_RANGE / math.sqrt(3.0)
    inv_phase = PI / EMB_RANGE

    def body(h_ref, t_ref, r_ref, o_ref):
        h = h_ref[...]
        t = t_ref[...]
        r = r_ref[...]
        re_h = h[:, :HALF] * scale
        im_h = h[:, HALF:] * scale
        phase = r * inv_phase
        u = phase * phase
        cr = _horner(u, _COS_C)
        sr = _horner(u, _SIN_C) * phase
        re_s = re_h * cr - im_h * sr - t[:, :HALF] * scale
        im_s = re_h * sr + im_h * cr - t[:, HALF:] * scale
        dist = jnp.sqrt(re_s * re_s + im_s * im_s)
        o_ref[...] = GAMMA - jnp.sum(dist, axis=1, keepdims=True)

    return pl.pallas_call(
        body,
        grid=(b // BR,),
        in_specs=[
            pl.BlockSpec((BR, H_DIM), lambda i: (i, 0)),
            pl.BlockSpec((BR, H_DIM), lambda i: (i, 0)),
            pl.BlockSpec((BR, HALF), lambda i: (i, 0)),
        ],
        out_specs=pl.BlockSpec((BR, 1), lambda i: (i, 0)),
        out_shape=jax.ShapeDtypeStruct((b, 1), jnp.float32),
    )(head, tail, rel)


def kernel(embs, sample, w_relation):
    h_idx = sample[0]
    r_idx = sample[1]
    t_idx = sample[2]
    scores = []
    base = 0
    for bc in CHUNKS:
        head, tail, rel = _sc_gather(
            embs, w_relation, h_idx, r_idx, t_idx, base, bc)
        scores.append(_tc_score(head, tail, rel))
        base += bc
    return jnp.concatenate(scores, axis=0)

# --- scband reference (transcript-rebuilt; emitter-appended) ---
"""Pipeline reference for scband-rotat-edecoder-16879221473891 (READ-ONLY COPY).

The authoritative reference and input builder live on the scoring server;
editing this copy changes nothing except your own understanding.
"""

import jax, jax.numpy as jnp
import numpy as np
import math

NUM_ENT = 100000
NUM_REL = 100000
H_DIM = 512
BATCH = 16384
GAMMA = 12.0
EPSILON = 2.0
EMB_RANGE = (GAMMA + EPSILON) / H_DIM


def setup_inputs(seed: int = 0) -> dict:
    key = jax.random.key(seed)
    k1, k2, k3 = jax.random.split(key, 3)
    embs = jax.random.normal(k1, (NUM_ENT, H_DIM), dtype=jnp.float32)
    sample = jax.random.randint(k2, (3, BATCH), 0, NUM_ENT, dtype=jnp.int32)
    w_relation = jax.random.uniform(k3, (NUM_REL, H_DIM // 2), minval=-EMB_RANGE, maxval=EMB_RANGE, dtype=jnp.float32)
    return {"embs": embs, "sample": sample, "w_relation": w_relation}


def reference(embs, sample, w_relation):
    pi = 3.141592653589793
    # mode == 'single'
    head = jnp.take(embs, sample[0], axis=0)[:, None, :]
    relation = jnp.take(w_relation, sample[1], axis=0)[:, None, :]
    tail = jnp.take(embs, sample[2], axis=0)[:, None, :]
    head = head * EMB_RANGE / math.sqrt(3.0)
    tail = tail * EMB_RANGE / math.sqrt(3.0)
    re_head, im_head = jnp.split(head, 2, axis=2)
    re_tail, im_tail = jnp.split(tail, 2, axis=2)
    phase_relation = relation / (EMB_RANGE / pi)
    re_relation = jnp.cos(phase_relation)
    im_relation = jnp.sin(phase_relation)
    re_score = re_head * re_relation - im_head * im_relation
    im_score = re_head * im_relation + im_head * re_relation
    re_score = re_score - re_tail
    im_score = im_score - im_tail
    score = jnp.sqrt(re_score ** 2 + im_score ** 2)
    score = GAMMA - jnp.sum(score, axis=2)
    return score

if __name__ == "__main__":
    import jax
    _d = setup_inputs()
    print(jax.jit(kernel)(*tuple(_d.values())))

</pallas_src>

<mosaic_0001>
#map = affine_map<(d0, d1) -> (0, 0)>
#map1 = affine_map<(d0, d1) -> (0)>
module attributes {stable_mosaic.version = 14 : i64} {
  func.func @k(%arg0: i32, %arg1: i32, %arg2: memref<100000x512xf32, #tpu.memory_space<hbm>>, %arg3: memref<100000x256xf32, #tpu.memory_space<hbm>>, %arg4: memref<16384xi32, #tpu.memory_space<hbm>>, %arg5: memref<16384xi32, #tpu.memory_space<hbm>>, %arg6: memref<16384xi32, #tpu.memory_space<hbm>>, %arg7: memref<4096x512xf32, #tpu.memory_space<hbm>>, %arg8: memref<4096x512xf32, #tpu.memory_space<hbm>>, %arg9: memref<4096x256xf32, #tpu.memory_space<hbm>>, %arg10: memref<128xi32, #tpu.memory_space<vmem>>, %arg11: memref<128xi32, #tpu.memory_space<vmem>>, %arg12: memref<128xi32, #tpu.memory_space<vmem>>, %arg13: memref<64x512xf32, #tpu.memory_space<vmem>>, %arg14: memref<64x512xf32, #tpu.memory_space<vmem>>, %arg15: memref<64x512xf32, #tpu.memory_space<vmem>>, %arg16: memref<64x256xf32, #tpu.memory_space<vmem>>, %arg17: memref<!tpu.dma_semaphore, #tpu.memory_space<semaphore_mem>>, %arg18: memref<!tpu.dma_semaphore, #tpu.memory_space<semaphore_mem>>, %arg19: memref<!tpu.dma_semaphore, #tpu.memory_space<semaphore_mem>>, %arg20: memref<!tpu.dma_semaphore, #tpu.memory_space<semaphore_mem>>, %arg21: memref<!tpu.dma_semaphore, #tpu.memory_space<semaphore_mem>>, %arg22: memref<!tpu.dma_semaphore, #tpu.memory_space<semaphore_mem>>, %arg23: memref<!tpu.dma_semaphore, #tpu.memory_space<semaphore_mem>>, %arg24: memref<!tpu.dma_semaphore, #tpu.memory_space<semaphore_mem>>) attributes {dimension_semantics = [#tpu.dimension_semantics<core_parallel>, #tpu.dimension_semantics<subcore_parallel>], iteration_bounds = array<i64: 2, 16>, scalar_prefetch = 0 : i64, scratch_operands = 15 : i64, tpu.core_type = #tpu.core_type<sc_vector_subcore>, window_params = [{transform_indices = #map}, {transform_indices = #map}, {transform_indices = #map1}, {transform_indices = #map1}, {transform_indices = #map1}, {transform_indices = #map}, {transform_indices = #map}, {transform_indices = #map}]} {
    %mul3A = arith.constant 2 : i32
    %mul3A_0 = arith.muli %arg1, %mul3A : i32
    %add3A = arith.addi %mul3A_0, %arg0 : i32
    %mul3A_1 = arith.constant 128 : i32
    %mul3A_2 = arith.muli %add3A, %mul3A_1 : i32
    %add3A_3 = arith.constant 12288 : i32
    %add3A_4 = arith.addi %add3A_3, %mul3A_2 : i32
    "tpu.region"() ({
      %run_scoped3A = tpu.sem_alloc : memref<!tpu.dma_semaphore, #tpu.memory_space<semaphore_mem>>
      %dma_start3A_123 = tpu.memref_slice %arg4[%add3A_4] : memref<16384xi32, #tpu.memory_space<hbm>> -> memref<128xi32, #tpu.memory_space<hbm>>
      %dma_start3A_124 = tpu.memref_slice %arg4[%add3A_4] : memref<16384xi32, #tpu.memory_space<hbm>> -> memref<128xi32, #tpu.memory_space<hbm>>
      tpu.enqueue_dma source(%dma_start3A_124 : memref<128xi32, #tpu.memory_space<hbm>>) target(%arg10 : memref<128xi32, #tpu.memory_space<vmem>>) target_semaphore(%run_scoped3A : memref<!tpu.dma_semaphore, #tpu.memory_space<semaphore_mem>>)
      %dma_wait3A_125 = tpu.memref_slice %arg4[%add3A_4] : memref<16384xi32, #tpu.memory_space<hbm>> -> memref<128xi32, #tpu.memory_space<hbm>>
      %dma_wait3A_126 = tpu.memref_slice %arg4[%add3A_4] : memref<16384xi32, #tpu.memory_space<hbm>> -> memref<128xi32, #tpu.memory_space<hbm>>
      tpu.wait_dma2 semaphore(%run_scoped3A : memref<!tpu.dma_semaphore, #tpu.memory_space<semaphore_mem>>) src(%dma_wait3A_126 : memref<128xi32, #tpu.memory_space<hbm>>) dst(%arg10 : memref<128xi32, #tpu.memory_space<vmem>>)
      tpu.yield
    }) : () -> ()
    %dma_start3A = arith.constant 0 : i32
    %dma_start3A_5 = tpu.memref_slice %arg10[%dma_start3A] : memref<128xi32, #tpu.memory_space<vmem>> -> memref<64xi32, #tpu.memory_space<vmem>>
    %dma_start3A_6 = arith.constant 0 : i32
    %dma_start3A_7 = arith.constant 0 : i32
    %dma_start3A_8 = tpu.memref_slice %arg2[%dma_start3A_6, %dma_start3A_7] : memref<100000x512xf32, #tpu.memory_space<hbm>> -> memref<100000x512xf32, #tpu.memory_space<hbm>>
    tpu.enqueue_indirect_dma source(%dma_start3A_8 : memref<100000x512xf32, #tpu.memory_space<hbm>>) target(%arg13 : memref<64x512xf32, #tpu.memory_space<vmem>>) offsets(%dma_start3A_5 : memref<64xi32, #tpu.memory_space<vmem>>) semaphore(%arg17 : memref<!tpu.dma_semaphore, #tpu.memory_space<semaphore_mem>>)
    %dma_start3A_9 = arith.constant 64 : i32
    %dma_start3A_10 = tpu.memref_slice %arg10[%dma_start3A_9] : memref<128xi32, #tpu.memory_space<vmem>> -> memref<64xi32, #tpu.memory_space<vmem>>
    %dma_start3A_11 = arith.constant 0 : i32
    %dma_start3A_12 = arith.constant 0 : i32
    %dma_start3A_13 = tpu.memref_slice %arg2[%dma_start3A_11, %dma_start3A_12] : memref<100000x512xf32, #tpu.memory_space<hbm>> -> memref<100000x512xf32, #tpu.memory_space<hbm>>
    tpu.enqueue_indirect_dma source(%dma_start3A_13 : memref<100000x512xf32, #tpu.memory_space<hbm>>) target(%arg14 : memref<64x512xf32, #tpu.memory_space<vmem>>) offsets(%dma_start3A_10 : memref<64xi32, #tpu.memory_space<vmem>>) semaphore(%arg18 : memref<!tpu.dma_semaphore, #tpu.memory_space<semaphore_mem>>)
    "tpu.region"() ({
      %run_scoped3A = tpu.sem_alloc : memref<!tpu.dma_semaphore, #tpu.memory_space<semaphore_mem>>
      %dma_start3A_123 = tpu.memref_slice %arg6[%add3A_4] : memref<16384xi32, #tpu.memory_space<hbm>> -> memref<128xi32, #tpu.memory_space<hbm>>
      %dma_start3A_124 = tpu.memref_slice %arg6[%add3A_4] : memref<16384xi32, #tpu.memory_space<hbm>> -> memref<128xi32, #tpu.memory_space<hbm>>
      tpu.enqueue_dma source(%dma_start3A_124 : memref<128xi32, #tpu.memory_space<hbm>>) target(%arg12 : memref<128xi32, #tpu.memory_space<vmem>>) target_semaphore(%run_scoped3A : memref<!tpu.dma_semaphore, #tpu.memory_space<semaphore_mem>>)
      %dma_wait3A_125 = tpu.memref_slice %arg6[%add3A_4] : memref<16384xi32, #tpu.memory_space<hbm>> -> memref<128xi32, #tpu.memory_space<hbm>>
      %dma_wait3A_126 = tpu.memref_slice %arg6[%add3A_4] : memref<16384xi32, #tpu.memory_space<hbm>> -> memref<128xi32, #tpu.memory_space<hbm>>
      tpu.wait_dma2 semaphore(%run_scoped3A : memref<!tpu.dma_semaphore, #tpu.memory_space<semaphore_mem>>) src(%dma_wait3A_126 : memref<128xi32, #tpu.memory_space<hbm>>) dst(%arg12 : memref<128xi32, #tpu.memory_space<vmem>>)
      tpu.yield
    }) : () -> ()
    %dma_start3A_14 = arith.constant 0 : i32
    %dma_start3A_15 = tpu.memref_slice %arg12[%dma_start3A_14] : memref<128xi32, #tpu.memory_space<vmem>> -> memref<64xi32, #tpu.memory_space<vmem>>
    %dma_start3A_16 = arith.constant 0 : i32
    %dma_start3A_17 = arith.constant 0 : i32
    %dma_start3A_18 = tpu.memref_slice %arg2[%dma_start3A_16, %dma_start3A_17] : memref<100000x512xf32, #tpu.memory_space<hbm>> -> memref<100000x512xf32, #tpu.memory_space<hbm>>
    tpu.enqueue_indirect_dma source(%dma_start3A_18 : memref<100000x512xf32, #tpu.memory_space<hbm>>) target(%arg15 : memref<64x512xf32, #tpu.memory_space<vmem>>) offsets(%dma_start3A_15 : memref<64xi32, #tpu.memory_space<vmem>>) semaphore(%arg19 : memref<!tpu.dma_semaphore, #tpu.memory_space<semaphore_mem>>)
    "tpu.region"() ({
      %run_scoped3A = tpu.sem_alloc : memref<!tpu.dma_semaphore, #tpu.memory_space<semaphore_mem>>
      %dma_start3A_123 = tpu.memref_slice %arg5[%add3A_4] : memref<16384xi32, #tpu.memory_space<hbm>> -> memref<128xi32, #tpu.memory_space<hbm>>
      %dma_start3A_124 = tpu.memref_slice %arg5[%add3A_4] : memref<16384xi32, #tpu.memory_space<hbm>> -> memref<128xi32, #tpu.memory_space<hbm>>
      tpu.enqueue_dma source(%dma_start3A_124 : memref<128xi32, #tpu.memory_space<hbm>>) target(%arg11 : memref<128xi32, #tpu.memory_space<vmem>>) target_semaphore(%run_scoped3A : memref<!tpu.dma_semaphore, #tpu.memory_space<semaphore_mem>>)
      %dma_wait3A_125 = tpu.memref_slice %arg5[%add3A_4] : memref<16384xi32, #tpu.memory_space<hbm>> -> memref<128xi32, #tpu.memory_space<hbm>>
      %dma_wait3A_126 = tpu.memref_slice %arg5[%add3A_4] : memref<16384xi32, #tpu.memory_space<hbm>> -> memref<128xi32, #tpu.memory_space<hbm>>
      tpu.wait_dma2 semaphore(%run_scoped3A : memref<!tpu.dma_semaphore, #tpu.memory_space<semaphore_mem>>) src(%dma_wait3A_126 : memref<128xi32, #tpu.memory_space<hbm>>) dst(%arg11 : memref<128xi32, #tpu.memory_space<vmem>>)
      tpu.yield
    }) : () -> ()
    %dma_start3A_19 = arith.constant 0 : i32
    %dma_start3A_20 = tpu.memref_slice %arg11[%dma_start3A_19] : memref<128xi32, #tpu.memory_space<vmem>> -> memref<64xi32, #tpu.memory_space<vmem>>
    %dma_start3A_21 = arith.constant 0 : i32
    %dma_start3A_22 = arith.constant 0 : i32
    %dma_start3A_23 = tpu.memref_slice %arg3[%dma_start3A_21, %dma_start3A_22] : memref<100000x256xf32, #tpu.memory_space<hbm>> -> memref<100000x256xf32, #tpu.memory_space<hbm>>
    tpu.enqueue_indirect_dma source(%dma_start3A_23 : memref<100000x256xf32, #tpu.memory_space<hbm>>) target(%arg16 : memref<64x256xf32, #tpu.memory_space<vmem>>) offsets(%dma_start3A_20 : memref<64xi32, #tpu.memory_space<vmem>>) semaphore(%arg20 : memref<!tpu.dma_semaphore, #tpu.memory_space<semaphore_mem>>)
    %dma_wait3A = arith.constant 0 : i32
    %dma_wait3A_24 = tpu.memref_slice %arg10[%dma_wait3A] : memref<128xi32, #tpu.memory_space<vmem>> -> memref<64xi32, #tpu.memory_space<vmem>>
    %dma_wait3A_25 = arith.constant 0 : i32
    %dma_wait3A_26 = arith.constant 0 : i32
    %dma_wait3A_27 = tpu.memref_slice %arg2[%dma_wait3A_25, %dma_wait3A_26] : memref<100000x512xf32, #tpu.memory_space<hbm>> -> memref<100000x512xf32, #tpu.memory_space<hbm>>
    tpu.wait_indirect_dma semaphore(%arg17 : memref<!tpu.dma_semaphore, #tpu.memory_space<semaphore_mem>>) src(%dma_wait3A_27 : memref<100000x512xf32, #tpu.memory_space<hbm>>) dst(%arg13 : memref<64x512xf32, #tpu.memory_space<vmem>>)
    %add3A_28 = arith.constant 0 : i32
    %add3A_29 = arith.addi %mul3A_2, %add3A_28 : i32
    %dma_start3A_30 = arith.constant 0 : i32
    %dma_start3A_31 = tpu.memref_slice %arg7[%add3A_29, %dma_start3A_30] : memref<4096x512xf32, #tpu.memory_space<hbm>> -> memref<64x512xf32, #tpu.memory_space<hbm>>
    %dma_start3A_32 = arith.constant 0 : i32
    %dma_start3A_33 = tpu.memref_slice %arg7[%add3A_29, %dma_start3A_32] : memref<4096x512xf32, #tpu.memory_space<hbm>> -> memref<64x512xf32, #tpu.memory_space<hbm>>
    tpu.enqueue_dma source(%arg13 : memref<64x512xf32, #tpu.memory_space<vmem>>) target(%dma_start3A_33 : memref<64x512xf32, #tpu.memory_space<hbm>>) target_semaphore(%arg21 : memref<!tpu.dma_semaphore, #tpu.memory_space<semaphore_mem>>)
    %dma_wait3A_34 = arith.constant 64 : i32
    %dma_wait3A_35 = tpu.memref_slice %arg10[%dma_wait3A_34] : memref<128xi32, #tpu.memory_space<vmem>> -> memref<64xi32, #tpu.memory_space<vmem>>
    %dma_wait3A_36 = arith.constant 0 : i32
    %dma_wait3A_37 = arith.constant 0 : i32
    %dma_wait3A_38 = tpu.memref_slice %arg2[%dma_wait3A_36, %dma_wait3A_37] : memref<100000x512xf32, #tpu.memory_space<hbm>> -> memref<100000x512xf32, #tpu.memory_space<hbm>>
    tpu.wait_indirect_dma semaphore(%arg18 : memref<!tpu.dma_semaphore, #tpu.memory_space<semaphore_mem>>) src(%dma_wait3A_38 : memref<100000x512xf32, #tpu.memory_space<hbm>>) dst(%arg14 : memref<64x512xf32, #tpu.memory_space<vmem>>)
    %add3A_39 = arith.constant 64 : i32
    %add3A_40 = arith.addi %mul3A_2, %add3A_39 : i32
    %dma_start3A_41 = arith.constant 0 : i32
    %dma_start3A_42 = tpu.memref_slice %arg7[%add3A_40, %dma_start3A_41] : memref<4096x512xf32, #tpu.memory_space<hbm>> -> memref<64x512xf32, #tpu.memory_space<hbm>>
    %dma_start3A_43 = arith.constant 0 : i32
    %dma_start3A_44 = tpu.memref_slice %arg7[%add3A_40, %dma_start3A_43] : memref<4096x512xf32, #tpu.memory_space<hbm>> -> memref<64x512xf32, #tpu.memory_space<hbm>>
    tpu.enqueue_dma source(%arg14 : memref<64x512xf32, #tpu.memory_space<vmem>>) target(%dma_start3A_44 : memref<64x512xf32, #tpu.memory_space<hbm>>) target_semaphore(%arg22 : memref<!tpu.dma_semaphore, #tpu.memory_space<semaphore_mem>>)
    %dma_wait3A_45 = arith.constant 0 : i32
    %dma_wait3A_46 = tpu.memref_slice %arg7[%add3A_29, %dma_wait3A_45] : memref<4096x512xf32, #tpu.memory_space<hbm>> -> memref<64x512xf32, #tpu.memory_space<hbm>>
    %dma_wait3A_47 = arith.constant 0 : i32
    %dma_wait3A_48 = tpu.memref_slice %arg7[%add3A_29, %dma_wait3A_47] : memref<4096x512xf32, #tpu.memory_space<hbm>> -> memref<64x512xf32, #tpu.memory_space<hbm>>
    tpu.wait_dma2 semaphore(%arg21 : memref<!tpu.dma_semaphore, #tpu.memory_space<semaphore_mem>>) src(%arg13 : memref<64x512xf32, #tpu.memory_space<vmem>>) dst(%dma_wait3A_48 : memref<64x512xf32, #tpu.memory_space<hbm>>)
    %dma_start3A_49 = arith.constant 64 : i32
    %dma_start3A_50 = tpu.memref_slice %arg12[%dma_start3A_49] : memref<128xi32, #tpu.memory_space<vmem>> -> memref<64xi32, #tpu.memory_space<vmem>>
    %dma_start3A_51 = arith.constant 0 : i32
    %dma_start3A_52 = arith.constant 0 : i32
    %dma_start3A_53 = tpu.memref_slice %arg2[%dma_start3A_51, %dma_start3A_52] : memref<100000x512xf32, #tpu.memory_space<hbm>> -> memref<100000x512xf32, #tpu.memory_space<hbm>>
    tpu.enqueue_indirect_dma source(%dma_start3A_53 : memref<100000x512xf32, #tpu.memory_space<hbm>>) target(%arg13 : memref<64x512xf32, #tpu.memory_space<vmem>>) offsets(%dma_start3A_50 : memref<64xi32, #tpu.memory_space<vmem>>) semaphore(%arg17 : memref<!tpu.dma_semaphore, #tpu.memory_space<semaphore_mem>>)
    %dma_wait3A_54 = arith.constant 0 : i32
    %dma_wait3A_55 = tpu.memref_slice %arg11[%dma_wait3A_54] : memref<128xi32, #tpu.memory_space<vmem>> -> memref<64xi32, #tpu.memory_space<vmem>>
    %dma_wait3A_56 = arith.constant 0 : i32
    %dma_wait3A_57 = arith.constant 0 : i32
    %dma_wait3A_58 = tpu.memref_slice %arg3[%dma_wait3A_56, %dma_wait3A_57] : memref<100000x256xf32, #tpu.memory_space<hbm>> -> memref<100000x256xf32, #tpu.memory_space<hbm>>
    tpu.wait_indirect_dma semaphore(%arg20 : memref<!tpu.dma_semaphore, #tpu.memory_space<semaphore_mem>>) src(%dma_wait3A_58 : memref<100000x256xf32, #tpu.memory_space<hbm>>) dst(%arg16 : memref<64x256xf32, #tpu.memory_space<vmem>>)
    %add3A_59 = arith.constant 0 : i32
    %add3A_60 = arith.addi %mul3A_2, %add3A_59 : i32
    %dma_start3A_61 = arith.constant 0 : i32
    %dma_start3A_62 = tpu.memref_slice %arg9[%add3A_60, %dma_start3A_61] : memref<4096x256xf32, #tpu.memory_space<hbm>> -> memref<64x256xf32, #tpu.memory_space<hbm>>
    %dma_start3A_63 = arith.constant 0 : i32
    %dma_start3A_64 = tpu.memref_slice %arg9[%add3A_60, %dma_start3A_63] : memref<4096x256xf32, #tpu.memory_space<hbm>> -> memref<64x256xf32, #tpu.memory_space<hbm>>
    tpu.enqueue_dma source(%arg16 : memref<64x256xf32, #tpu.memory_space<vmem>>) target(%dma_start3A_64 : memref<64x256xf32, #tpu.memory_space<hbm>>) target_semaphore(%arg24 : memref<!tpu.dma_semaphore, #tpu.memory_space<semaphore_mem>>)
    %dma_wait3A_65 = arith.constant 0 : i32
    %dma_wait3A_66 = tpu.memref_slice %arg9[%add3A_60, %dma_wait3A_65] : memref<4096x256xf32, #tpu.memory_space<hbm>> -> memref<64x256xf32, #tpu.memory_space<hbm>>
    %dma_wait3A_67 = arith.constant 0 : i32
    %dma_wait3A_68 = tpu.memref_slice %arg9[%add3A_60, %dma_wait3A_67] : memref<4096x256xf32, #tpu.memory_space<hbm>> -> memref<64x256xf32, #tpu.memory_space<hbm>>
    tpu.wait_dma2 semaphore(%arg24 : memref<!tpu.dma_semaphore, #tpu.memory_space<semaphore_mem>>) src(%arg16 : memref<64x256xf32, #tpu.memory_space<vmem>>) dst(%dma_wait3A_68 : memref<64x256xf32, #tpu.memory_space<hbm>>)
    %dma_start3A_69 = arith.constant 64 : i32
    %dma_start3A_70 = tpu.memref_slice %arg11[%dma_start3A_69] : memref<128xi32, #tpu.memory_space<vmem>> -> memref<64xi32, #tpu.memory_space<vmem>>
    %dma_start3A_71 = arith.constant 0 : i32
    %dma_start3A_72 = arith.constant 0 : i32
    %dma_start3A_73 = tpu.memref_slice %arg3[%dma_start3A_71, %dma_start3A_72] : memref<100000x256xf32, #tpu.memory_space<hbm>> -> memref<100000x256xf32, #tpu.memory_space<hbm>>
    tpu.enqueue_indirect_dma source(%dma_start3A_73 : memref<100000x256xf32, #tpu.memory_space<hbm>>) target(%arg16 : memref<64x256xf32, #tpu.memory_space<vmem>>) offsets(%dma_start3A_70 : memref<64xi32, #tpu.memory_space<vmem>>) semaphore(%arg20 : memref<!tpu.dma_semaphore, #tpu.memory_space<semaphore_mem>>)
    %dma_wait3A_74 = arith.constant 0 : i32
    %dma_wait3A_75 = tpu.memref_slice %arg12[%dma_wait3A_74] : memref<128xi32, #tpu.memory_space<vmem>> -> memref<64xi32, #tpu.memory_space<vmem>>
    %dma_wait3A_76 = arith.constant 0 : i32
    %dma_wait3A_77 = arith.constant 0 : i32
    %dma_wait3A_78 = tpu.memref_slice %arg2[%dma_wait3A_76, %dma_wait3A_77] : memref<100000x512xf32, #tpu.memory_space<hbm>> -> memref<100000x512xf32, #tpu.memory_space<hbm>>
    tpu.wait_indirect_dma semaphore(%arg19 : memref<!tpu.dma_semaphore, #tpu.memory_space<semaphore_mem>>) src(%dma_wait3A_78 : memref<100000x512xf32, #tpu.memory_space<hbm>>) dst(%arg15 : memref<64x512xf32, #tpu.memory_space<vmem>>)
    %add3A_79 = arith.constant 0 : i32
    %add3A_80 = arith.addi %mul3A_2, %add3A_79 : i32
    %dma_start3A_81 = arith.constant 0 : i32
    %dma_start3A_82 = tpu.memref_slice %arg8[%add3A_80, %dma_start3A_81] : memref<4096x512xf32, #tpu.memory_space<hbm>> -> memref<64x512xf32, #tpu.memory_space<hbm>>
    %dma_start3A_83 = arith.constant 0 : i32
    %dma_start3A_84 = tpu.memref_slice %arg8[%add3A_80, %dma_start3A_83] : memref<4096x512xf32, #tpu.memory_space<hbm>> -> memref<64x512xf32, #tpu.memory_space<hbm>>
    tpu.enqueue_dma source(%arg15 : memref<64x512xf32, #tpu.memory_space<vmem>>) target(%dma_start3A_84 : memref<64x512xf32, #tpu.memory_space<hbm>>) target_semaphore(%arg23 : memref<!tpu.dma_semaphore, #tpu.memory_space<semaphore_mem>>)
    %dma_wait3A_85 = arith.constant 64 : i32
    %dma_wait3A_86 = tpu.memref_slice %arg12[%dma_wait3A_85] : memref<128xi32, #tpu.memory_space<vmem>> -> memref<64xi32, #tpu.memory_space<vmem>>
    %dma_wait3A_87 = arith.constant 0 : i32
    %dma_wait3A_88 = arith.constant 0 : i32
    %dma_wait3A_89 = tpu.memref_slice %arg2[%dma_wait3A_87, %dma_wait3A_88] : memref<100000x512xf32, #tpu.memory_space<hbm>> -> memref<100000x512xf32, #tpu.memory_space<hbm>>
    tpu.wait_indirect_dma semaphore(%arg17 : memref<!tpu.dma_semaphore, #tpu.memory_space<semaphore_mem>>) src(%dma_wait3A_89 : memref<100000x512xf32, #tpu.memory_space<hbm>>) dst(%arg13 : memref<64x512xf32, #tpu.memory_space<vmem>>)
    %add3A_90 = arith.constant 64 : i32
    %add3A_91 = arith.addi %mul3A_2, %add3A_90 : i32
    %dma_start3A_92 = arith.constant 0 : i32
    %dma_start3A_93 = tpu.memref_slice %arg8[%add3A_91, %dma_start3A_92] : memref<4096x512xf32, #tpu.memory_space<hbm>> -> memref<64x512xf32, #tpu.memory_space<hbm>>
    %dma_start3A_94 = arith.constant 0 : i32
    %dma_start3A_95 = tpu.memref_slice %arg8[%add3A_91, %dma_start3A_94] : memref<4096x512xf32, #tpu.memory_space<hbm>> -> memref<64x512xf32, #tpu.memory_space<hbm>>
    tpu.enqueue_dma source(%arg13 : memref<64x512xf32, #tpu.memory_space<vmem>>) target(%dma_start3A_95 : memref<64x512xf32, #tpu.memory_space<hbm>>) target_semaphore(%arg21 : memref<!tpu.dma_semaphore, #tpu.memory_space<semaphore_mem>>)
    %dma_wait3A_96 = arith.constant 64 : i32
    %dma_wait3A_97 = tpu.memref_slice %arg11[%dma_wait3A_96] : memref<128xi32, #tpu.memory_space<vmem>> -> memref<64xi32, #tpu.memory_space<vmem>>
    %dma_wait3A_98 = arith.constant 0 : i32
    %dma_wait3A_99 = arith.constant 0 : i32
    %dma_wait3A_100 = tpu.memref_slice %arg3[%dma_wait3A_98, %dma_wait3A_99] : memref<100000x256xf32, #tpu.memory_space<hbm>> -> memref<100000x256xf32, #tpu.memory_space<hbm>>
    tpu.wait_indirect_dma semaphore(%arg20 : memref<!tpu.dma_semaphore, #tpu.memory_space<semaphore_mem>>) src(%dma_wait3A_100 : memref<100000x256xf32, #tpu.memory_space<hbm>>) dst(%arg16 : memref<64x256xf32, #tpu.memory_space<vmem>>)
    %add3A_101 = arith.constant 64 : i32
    %add3A_102 = arith.addi %mul3A_2, %add3A_101 : i32
    %dma_start3A_103 = arith.constant 0 : i32
    %dma_start3A_104 = tpu.memref_slice %arg9[%add3A_102, %dma_start3A_103] : memref<4096x256xf32, #tpu.memory_space<hbm>> -> memref<64x256xf32, #tpu.memory_space<hbm>>
    %dma_start3A_105 = arith.constant 0 : i32
    %dma_start3A_106 = tpu.memref_slice %arg9[%add3A_102, %dma_start3A_105] : memref<4096x256xf32, #tpu.memory_space<hbm>> -> memref<64x256xf32, #tpu.memory_space<hbm>>
    tpu.enqueue_dma source(%arg16 : memref<64x256xf32, #tpu.memory_space<vmem>>) target(%dma_start3A_106 : memref<64x256xf32, #tpu.memory_space<hbm>>) target_semaphore(%arg24 : memref<!tpu.dma_semaphore, #tpu.memory_space<semaphore_mem>>)
    %dma_wait3A_107 = arith.constant 0 : i32
    %dma_wait3A_108 = tpu.memref_slice %arg7[%add3A_40, %dma_wait3A_107] : memref<4096x512xf32, #tpu.memory_space<hbm>> -> memref<64x512xf32, #tpu.memory_space<hbm>>
    %dma_wait3A_109 = arith.constant 0 : i32
    %dma_wait3A_110 = tpu.memref_slice %arg7[%add3A_40, %dma_wait3A_109] : memref<4096x512xf32, #tpu.memory_space<hbm>> -> memref<64x512xf32, #tpu.memory_space<hbm>>
    tpu.wait_dma2 semaphore(%arg22 : memref<!tpu.dma_semaphore, #tpu.memory_space<semaphore_mem>>) src(%arg14 : memref<64x512xf32, #tpu.memory_space<vmem>>) dst(%dma_wait3A_110 : memref<64x512xf32, #tpu.memory_space<hbm>>)
    %dma_wait3A_111 = arith.constant 0 : i32
    %dma_wait3A_112 = tpu.memref_slice %arg8[%add3A_80, %dma_wait3A_111] : memref<4096x512xf32, #tpu.memory_space<hbm>> -> memref<64x512xf32, #tpu.memory_space<hbm>>
    %dma_wait3A_113 = arith.constant 0 : i32
    %dma_wait3A_114 = tpu.memref_slice %arg8[%add3A_80, %dma_wait3A_113] : memref<4096x512xf32, #tpu.memory_space<hbm>> -> memref<64x512xf32, #tpu.memory_space<hbm>>
    tpu.wait_dma2 semaphore(%arg23 : memref<!tpu.dma_semaphore, #tpu.memory_space<semaphore_mem>>) src(%arg15 : memref<64x512xf32, #tpu.memory_space<vmem>>) dst(%dma_wait3A_114 : memref<64x512xf32, #tpu.memory_space<hbm>>)
    %dma_wait3A_115 = arith.constant 0 : i32
    %dma_wait3A_116 = tpu.memref_slice %arg8[%add3A_91, %dma_wait3A_115] : memref<4096x512xf32, #tpu.memory_space<hbm>> -> memref<64x512xf32, #tpu.memory_space<hbm>>
    %dma_wait3A_117 = arith.constant 0 : i32
    %dma_wait3A_118 = tpu.memref_slice %arg8[%add3A_91, %dma_wait3A_117] : memref<4096x512xf32, #tpu.memory_space<hbm>> -> memref<64x512xf32, #tpu.memory_space<hbm>>
    tpu.wait_dma2 semaphore(%arg21 : memref<!tpu.dma_semaphore, #tpu.memory_space<semaphore_mem>>) src(%arg13 : memref<64x512xf32, #tpu.memory_space<vmem>>) dst(%dma_wait3A_118 : memref<64x512xf32, #tpu.memory_space<hbm>>)
    %dma_wait3A_119 = arith.constant 0 : i32
    %dma_wait3A_120 = tpu.memref_slice %arg9[%add3A_102, %dma_wait3A_119] : memref<4096x256xf32, #tpu.memory_space<hbm>> -> memref<64x256xf32, #tpu.memory_space<hbm>>
    %dma_wait3A_121 = arith.constant 0 : i32
    %dma_wait3A_122 = tpu.memref_slice %arg9[%add3A_102, %dma_wait3A_121] : memref<4096x256xf32, #tpu.memory_space<hbm>> -> memref<64x256xf32, #tpu.memory_space<hbm>>
    tpu.wait_dma2 semaphore(%arg24 : memref<!tpu.dma_semaphore, #tpu.memory_space<semaphore_mem>>) src(%arg16 : memref<64x256xf32, #tpu.memory_space<vmem>>) dst(%dma_wait3A_122 : memref<64x256xf32, #tpu.memory_space<hbm>>)
    return
  }
}

#map = affine_map<(d0, d1) -> (0, 0)>
#map1 = affine_map<(d0, d1) -> (0)>
module attributes {stable_mosaic.version = 14 : i64} {
  func.func @k(%arg0: i32, %arg1: i32, %arg2: memref<100000x512xf32, #tpu.memory_space<hbm>>, %arg3: memref<100000x256xf32, #tpu.memory_space<hbm>>, %arg4: memref<16384xi32, #tpu.memory_space<hbm>>, %arg5: memref<16384xi32, #tpu.memory_space<hbm>>, %arg6: memref<16384xi32, #tpu.memory_space<hbm>>, %arg7: memref<4096x512xf32, #tpu.memory_space<hbm>>, %arg8: memref<4096x512xf32, #tpu.memory_space<hbm>>, %arg9: memref<4096x256xf32, #tpu.memory_space<hbm>>, %arg10: memref<128xi32, #tpu.memory_space<vmem>>, %arg11: memref<128xi32, #tpu.memory_space<vmem>>, %arg12: memref<128xi32, #tpu.memory_space<vmem>>, %arg13: memref<64x512xf32, #tpu.memory_space<vmem>>, %arg14: memref<64x512xf32, #tpu.memory_space<vmem>>, %arg15: memref<64x512xf32, #tpu.memory_space<vmem>>, %arg16: memref<64x256xf32, #tpu.memory_space<vmem>>, %arg17: memref<!tpu.dma_semaphore, #tpu.memory_space<semaphore_mem>>, %arg18: memref<!tpu.dma_semaphore, #tpu.memory_space<semaphore_mem>>, %arg19: memref<!tpu.dma_semaphore, #tpu.memory_space<semaphore_mem>>, %arg20: memref<!tpu.dma_semaphore, #tpu.memory_space<semaphore_mem>>, %arg21: memref<!tpu.dma_semaphore, #tpu.memory_space<semaphore_mem>>, %arg22: memref<!tpu.dma_semaphore, #tpu.memory_space<semaphore_mem>>, %arg23: memref<!tpu.dma_semaphore, #tpu.memory_space<semaphore_mem>>, %arg24: memref<!tpu.dma_semaphore, #tpu.memory_space<semaphore_mem>>) attributes {dimension_semantics = [#tpu.dimension_semantics<core_parallel>, #tpu.dimension_semantics<subcore_parallel>], iteration_bounds = array<i64: 2, 16>, scalar_prefetch = 0 : i64, scratch_operands = 15 : i64, tpu.core_type = #tpu.core_type<sc_vector_subcore>, window_params = [{transform_indices = #map}, {transform_indices = #map}, {transform_indices = #map1}, {transform_indices = #map1}, {transform_indices = #map1}, {transform_indices = #map}, {transform_indices = #map}, {transform_indices = #map}]} {
    %mul3A = arith.constant 2 : i32
    %mul3A_0 = arith.muli %arg1, %mul3A : i32
    %add3A = arith.addi %mul3A_0, %arg0 : i32
    %mul3A_1 = arith.constant 128 : i32
    %mul3A_2 = arith.muli %add3A, %mul3A_1 : i32
    %add3A_3 = arith.constant 8192 : i32
    %add3A_4 = arith.addi %add3A_3, %mul3A_2 : i32
    "tpu.region"() ({
      %run_scoped3A = tpu.sem_alloc : memref<!tpu.dma_semaphore, #tpu.memory_space<semaphore_mem>>
      %dma_start3A_123 = tpu.memref_slice %arg4[%add3A_4] : memref<16384xi32, #tpu.memory_space<hbm>> -> memref<128xi32, #tpu.memory_space<hbm>>
      %dma_start3A_124 = tpu.memref_slice %arg4[%add3A_4] : memref<16384xi32, #tpu.memory_space<hbm>> -> memref<128xi32, #tpu.memory_space<hbm>>
      tpu.enqueue_dma source(%dma_start3A_124 : memref<128xi32, #tpu.memory_space<hbm>>) target(%arg10 : memref<128xi32, #tpu.memory_space<vmem>>) target_semaphore(%run_scoped3A : memref<!tpu.dma_semaphore, #tpu.memory_space<semaphore_mem>>)
      %dma_wait3A_125 = tpu.memref_slice %arg4[%add3A_4] : memref<16384xi32, #tpu.memory_space<hbm>> -> memref<128xi32, #tpu.memory_space<hbm>>
      %dma_wait3A_126 = tpu.memref_slice %arg4[%add3A_4] : memref<16384xi32, #tpu.memory_space<hbm>> -> memref<128xi32, #tpu.memory_space<hbm>>
      tpu.wait_dma2 semaphore(%run_scoped3A : memref<!tpu.dma_semaphore, #tpu.memory_space<semaphore_mem>>) src(%dma_wait3A_126 : memref<128xi32, #tpu.memory_space<hbm>>) dst(%arg10 : memref<128xi32, #tpu.memory_space<vmem>>)
      tpu.yield
    }) : () -> ()
    %dma_start3A = arith.constant 0 : i32
    %dma_start3A_5 = tpu.memref_slice %arg10[%dma_start3A] : memref<128xi32, #tpu.memory_space<vmem>> -> memref<64xi32, #tpu.memory_space<vmem>>
    %dma_start3A_6 = arith.constant 0 : i32
    %dma_start3A_7 = arith.constant 0 : i32
    %dma_start3A_8 = tpu.memref_slice %arg2[%dma_start3A_6, %dma_start3A_7] : memref<100000x512xf32, #tpu.memory_space<hbm>> -> memref<100000x512xf32, #tpu.memory_space<hbm>>
    tpu.enqueue_indirect_dma source(%dma_start3A_8 : memref<100000x512xf32, #tpu.memory_space<hbm>>) target(%arg13 : memref<64x512xf32, #tpu.memory_space<vmem>>) offsets(%dma_start3A_5 : memref<64xi32, #tpu.memory_space<vmem>>) semaphore(%arg17 : memref<!tpu.dma_semaphore, #tpu.memory_space<semaphore_mem>>)
    %dma_start3A_9 = arith.constant 64 : i32
    %dma_start3A_10 = tpu.memref_slice %arg10[%dma_start3A_9] : memref<128xi32, #tpu.memory_space<vmem>> -> memref<64xi32, #tpu.memory_space<vmem>>
    %dma_start3A_11 = arith.constant 0 : i32
    %dma_start3A_12 = arith.constant 0 : i32
    %dma_start3A_13 = tpu.memref_slice %arg2[%dma_start3A_11, %dma_start3A_12] : memref<100000x512xf32, #tpu.memory_space<hbm>> -> memref<100000x512xf32, #tpu.memory_space<hbm>>
    tpu.enqueue_indirect_dma source(%dma_start3A_13 : memref<100000x512xf32, #tpu.memory_space<hbm>>) target(%arg14 : memref<64x512xf32, #tpu.memory_space<vmem>>) offsets(%dma_start3A_10 : memref<64xi32, #tpu.memory_space<vmem>>) semaphore(%arg18 : memref<!tpu.dma_semaphore, #tpu.memory_space<semaphore_mem>>)
    "tpu.region"() ({
      %run_scoped3A = tpu.sem_alloc : memref<!tpu.dma_semaphore, #tpu.memory_space<semaphore_mem>>
      %dma_start3A_123 = tpu.memref_slice %arg6[%add3A_4] : memref<16384xi32, #tpu.memory_space<hbm>> -> memref<128xi32, #tpu.memory_space<hbm>>
      %dma_start3A_124 = tpu.memref_slice %arg6[%add3A_4] : memref<16384xi32, #tpu.memory_space<hbm>> -> memref<128xi32, #tpu.memory_space<hbm>>
      tpu.enqueue_dma source(%dma_start3A_124 : memref<128xi32, #tpu.memory_space<hbm>>) target(%arg12 : memref<128xi32, #tpu.memory_space<vmem>>) target_semaphore(%run_scoped3A : memref<!tpu.dma_semaphore, #tpu.memory_space<semaphore_mem>>)
      %dma_wait3A_125 = tpu.memref_slice %arg6[%add3A_4] : memref<16384xi32, #tpu.memory_space<hbm>> -> memref<128xi32, #tpu.memory_space<hbm>>
      %dma_wait3A_126 = tpu.memref_slice %arg6[%add3A_4] : memref<16384xi32, #tpu.memory_space<hbm>> -> memref<128xi32, #tpu.memory_space<hbm>>
      tpu.wait_dma2 semaphore(%run_scoped3A : memref<!tpu.dma_semaphore, #tpu.memory_space<semaphore_mem>>) src(%dma_wait3A_126 : memref<128xi32, #tpu.memory_space<hbm>>) dst(%arg12 : memref<128xi32, #tpu.memory_space<vmem>>)
      tpu.yield
    }) : () -> ()
    %dma_start3A_14 = arith.constant 0 : i32
    %dma_start3A_15 = tpu.memref_slice %arg12[%dma_start3A_14] : memref<128xi32, #tpu.memory_space<vmem>> -> memref<64xi32, #tpu.memory_space<vmem>>
    %dma_start3A_16 = arith.constant 0 : i32
    %dma_start3A_17 = arith.constant 0 : i32
    %dma_start3A_18 = tpu.memref_slice %arg2[%dma_start3A_16, %dma_start3A_17] : memref<100000x512xf32, #tpu.memory_space<hbm>> -> memref<100000x512xf32, #tpu.memory_space<hbm>>
    tpu.enqueue_indirect_dma source(%dma_start3A_18 : memref<100000x512xf32, #tpu.memory_space<hbm>>) target(%arg15 : memref<64x512xf32, #tpu.memory_space<vmem>>) offsets(%dma_start3A_15 : memref<64xi32, #tpu.memory_space<vmem>>) semaphore(%arg19 : memref<!tpu.dma_semaphore, #tpu.memory_space<semaphore_mem>>)
    "tpu.region"() ({
      %run_scoped3A = tpu.sem_alloc : memref<!tpu.dma_semaphore, #tpu.memory_space<semaphore_mem>>
      %dma_start3A_123 = tpu.memref_slice %arg5[%add3A_4] : memref<16384xi32, #tpu.memory_space<hbm>> -> memref<128xi32, #tpu.memory_space<hbm>>
      %dma_start3A_124 = tpu.memref_slice %arg5[%add3A_4] : memref<16384xi32, #tpu.memory_space<hbm>> -> memref<128xi32, #tpu.memory_space<hbm>>
      tpu.enqueue_dma source(%dma_start3A_124 : memref<128xi32, #tpu.memory_space<hbm>>) target(%arg11 : memref<128xi32, #tpu.memory_space<vmem>>) target_semaphore(%run_scoped3A : memref<!tpu.dma_semaphore, #tpu.memory_space<semaphore_mem>>)
      %dma_wait3A_125 = tpu.memref_slice %arg5[%add3A_4] : memref<16384xi32, #tpu.memory_space<hbm>> -> memref<128xi32, #tpu.memory_space<hbm>>
      %dma_wait3A_126 = tpu.memref_slice %arg5[%add3A_4] : memref<16384xi32, #tpu.memory_space<hbm>> -> memref<128xi32, #tpu.memory_space<hbm>>
      tpu.wait_dma2 semaphore(%run_scoped3A : memref<!tpu.dma_semaphore, #tpu.memory_space<semaphore_mem>>) src(%dma_wait3A_126 : memref<128xi32, #tpu.memory_space<hbm>>) dst(%arg11 : memref<128xi32, #tpu.memory_space<vmem>>)
      tpu.yield
    }) : () -> ()
    %dma_start3A_19 = arith.constant 0 : i32
    %dma_start3A_20 = tpu.memref_slice %arg11[%dma_start3A_19] : memref<128xi32, #tpu.memory_space<vmem>> -> memref<64xi32, #tpu.memory_space<vmem>>
    %dma_start3A_21 = arith.constant 0 : i32
    %dma_start3A_22 = arith.constant 0 : i32
    %dma_start3A_23 = tpu.memref_slice %arg3[%dma_start3A_21, %dma_start3A_22] : memref<100000x256xf32, #tpu.memory_space<hbm>> -> memref<100000x256xf32, #tpu.memory_space<hbm>>
    tpu.enqueue_indirect_dma source(%dma_start3A_23 : memref<100000x256xf32, #tpu.memory_space<hbm>>) target(%arg16 : memref<64x256xf32, #tpu.memory_space<vmem>>) offsets(%dma_start3A_20 : memref<64xi32, #tpu.memory_space<vmem>>) semaphore(%arg20 : memref<!tpu.dma_semaphore, #tpu.memory_space<semaphore_mem>>)
    %dma_wait3A = arith.constant 0 : i32
    %dma_wait3A_24 = tpu.memref_slice %arg10[%dma_wait3A] : memref<128xi32, #tpu.memory_space<vmem>> -> memref<64xi32, #tpu.memory_space<vmem>>
    %dma_wait3A_25 = arith.constant 0 : i32
    %dma_wait3A_26 = arith.constant 0 : i32
    %dma_wait3A_27 = tpu.memref_slice %arg2[%dma_wait3A_25, %dma_wait3A_26] : memref<100000x512xf32, #tpu.memory_space<hbm>> -> memref<100000x512xf32, #tpu.memory_space<hbm>>
    tpu.wait_indirect_dma semaphore(%arg17 : memref<!tpu.dma_semaphore, #tpu.memory_space<semaphore_mem>>) src(%dma_wait3A_27 : memref<100000x512xf32, #tpu.memory_space<hbm>>) dst(%arg13 : memref<64x512xf32, #tpu.memory_space<vmem>>)
    %add3A_28 = arith.constant 0 : i32
    %add3A_29 = arith.addi %mul3A_2, %add3A_28 : i32
    %dma_start3A_30 = arith.constant 0 : i32
    %dma_start3A_31 = tpu.memref_slice %arg7[%add3A_29, %dma_start3A_30] : memref<4096x512xf32, #tpu.memory_space<hbm>> -> memref<64x512xf32, #tpu.memory_space<hbm>>
    %dma_start3A_32 = arith.constant 0 : i32
    %dma_start3A_33 = tpu.memref_slice %arg7[%add3A_29, %dma_start3A_32] : memref<4096x512xf32, #tpu.memory_space<hbm>> -> memref<64x512xf32, #tpu.memory_space<hbm>>
    tpu.enqueue_dma source(%arg13 : memref<64x512xf32, #tpu.memory_space<vmem>>) target(%dma_start3A_33 : memref<64x512xf32, #tpu.memory_space<hbm>>) target_semaphore(%arg21 : memref<!tpu.dma_semaphore, #tpu.memory_space<semaphore_mem>>)
    %dma_wait3A_34 = arith.constant 64 : i32
    %dma_wait3A_35 = tpu.memref_slice %arg10[%dma_wait3A_34] : memref<128xi32, #tpu.memory_space<vmem>> -> memref<64xi32, #tpu.memory_space<vmem>>
    %dma_wait3A_36 = arith.constant 0 : i32
    %dma_wait3A_37 = arith.constant 0 : i32
    %dma_wait3A_38 = tpu.memref_slice %arg2[%dma_wait3A_36, %dma_wait3A_37] : memref<100000x512xf32, #tpu.memory_space<hbm>> -> memref<100000x512xf32, #tpu.memory_space<hbm>>
    tpu.wait_indirect_dma semaphore(%arg18 : memref<!tpu.dma_semaphore, #tpu.memory_space<semaphore_mem>>) src(%dma_wait3A_38 : memref<100000x512xf32, #tpu.memory_space<hbm>>) dst(%arg14 : memref<64x512xf32, #tpu.memory_space<vmem>>)
    %add3A_39 = arith.constant 64 : i32
    %add3A_40 = arith.addi %mul3A_2, %add3A_39 : i32
    %dma_start3A_41 = arith.constant 0 : i32
    %dma_start3A_42 = tpu.memref_slice %arg7[%add3A_40, %dma_start3A_41] : memref<4096x512xf32, #tpu.memory_space<hbm>> -> memref<64x512xf32, #tpu.memory_space<hbm>>
    %dma_start3A_43 = arith.constant 0 : i32
    %dma_start3A_44 = tpu.memref_slice %arg7[%add3A_40, %dma_start3A_43] : memref<4096x512xf32, #tpu.memory_space<hbm>> -> memref<64x512xf32, #tpu.memory_space<hbm>>
    tpu.enqueue_dma source(%arg14 : memref<64x512xf32, #tpu.memory_space<vmem>>) target(%dma_start3A_44 : memref<64x512xf32, #tpu.memory_space<hbm>>) target_semaphore(%arg22 : memref<!tpu.dma_semaphore, #tpu.memory_space<semaphore_mem>>)
    %dma_wait3A_45 = arith.constant 0 : i32
    %dma_wait3A_46 = tpu.memref_slice %arg7[%add3A_29, %dma_wait3A_45] : memref<4096x512xf32, #tpu.memory_space<hbm>> -> memref<64x512xf32, #tpu.memory_space<hbm>>
    %dma_wait3A_47 = arith.constant 0 : i32
    %dma_wait3A_48 = tpu.memref_slice %arg7[%add3A_29, %dma_wait3A_47] : memref<4096x512xf32, #tpu.memory_space<hbm>> -> memref<64x512xf32, #tpu.memory_space<hbm>>
    tpu.wait_dma2 semaphore(%arg21 : memref<!tpu.dma_semaphore, #tpu.memory_space<semaphore_mem>>) src(%arg13 : memref<64x512xf32, #tpu.memory_space<vmem>>) dst(%dma_wait3A_48 : memref<64x512xf32, #tpu.memory_space<hbm>>)
    %dma_start3A_49 = arith.constant 64 : i32
    %dma_start3A_50 = tpu.memref_slice %arg12[%dma_start3A_49] : memref<128xi32, #tpu.memory_space<vmem>> -> memref<64xi32, #tpu.memory_space<vmem>>
    %dma_start3A_51 = arith.constant 0 : i32
    %dma_start3A_52 = arith.constant 0 : i32
    %dma_start3A_53 = tpu.memref_slice %arg2[%dma_start3A_51, %dma_start3A_52] : memref<100000x512xf32, #tpu.memory_space<hbm>> -> memref<100000x512xf32, #tpu.memory_space<hbm>>
    tpu.enqueue_indirect_dma source(%dma_start3A_53 : memref<100000x512xf32, #tpu.memory_space<hbm>>) target(%arg13 : memref<64x512xf32, #tpu.memory_space<vmem>>) offsets(%dma_start3A_50 : memref<64xi32, #tpu.memory_space<vmem>>) semaphore(%arg17 : memref<!tpu.dma_semaphore, #tpu.memory_space<semaphore_mem>>)
    %dma_wait3A_54 = arith.constant 0 : i32
    %dma_wait3A_55 = tpu.memref_slice %arg11[%dma_wait3A_54] : memref<128xi32, #tpu.memory_space<vmem>> -> memref<64xi32, #tpu.memory_space<vmem>>
    %dma_wait3A_56 = arith.constant 0 : i32
    %dma_wait3A_57 = arith.constant 0 : i32
    %dma_wait3A_58 = tpu.memref_slice %arg3[%dma_wait3A_56, %dma_wait3A_57] : memref<100000x256xf32, #tpu.memory_space<hbm>> -> memref<100000x256xf32, #tpu.memory_space<hbm>>
    tpu.wait_indirect_dma semaphore(%arg20 : memref<!tpu.dma_semaphore, #tpu.memory_space<semaphore_mem>>) src(%dma_wait3A_58 : memref<100000x256xf32, #tpu.memory_space<hbm>>) dst(%arg16 : memref<64x256xf32, #tpu.memory_space<vmem>>)
    %add3A_59 = arith.constant 0 : i32
    %add3A_60 = arith.addi %mul3A_2, %add3A_59 : i32
    %dma_start3A_61 = arith.constant 0 : i32
    %dma_start3A_62 = tpu.memref_slice %arg9[%add3A_60, %dma_start3A_61] : memref<4096x256xf32, #tpu.memory_space<hbm>> -> memref<64x256xf32, #tpu.memory_space<hbm>>
    %dma_start3A_63 = arith.constant 0 : i32
    %dma_start3A_64 = tpu.memref_slice %arg9[%add3A_60, %dma_start3A_63] : memref<4096x256xf32, #tpu.memory_space<hbm>> -> memref<64x256xf32, #tpu.memory_space<hbm>>
    tpu.enqueue_dma source(%arg16 : memref<64x256xf32, #tpu.memory_space<vmem>>) target(%dma_start3A_64 : memref<64x256xf32, #tpu.memory_space<hbm>>) target_semaphore(%arg24 : memref<!tpu.dma_semaphore, #tpu.memory_space<semaphore_mem>>)
    %dma_wait3A_65 = arith.constant 0 : i32
    %dma_wait3A_66 = tpu.memref_slice %arg9[%add3A_60, %dma_wait3A_65] : memref<4096x256xf32, #tpu.memory_space<hbm>> -> memref<64x256xf32, #tpu.memory_space<hbm>>
    %dma_wait3A_67 = arith.constant 0 : i32
    %dma_wait3A_68 = tpu.memref_slice %arg9[%add3A_60, %dma_wait3A_67] : memref<4096x256xf32, #tpu.memory_space<hbm>> -> memref<64x256xf32, #tpu.memory_space<hbm>>
    tpu.wait_dma2 semaphore(%arg24 : memref<!tpu.dma_semaphore, #tpu.memory_space<semaphore_mem>>) src(%arg16 : memref<64x256xf32, #tpu.memory_space<vmem>>) dst(%dma_wait3A_68 : memref<64x256xf32, #tpu.memory_space<hbm>>)
    %dma_start3A_69 = arith.constant 64 : i32
    %dma_start3A_70 = tpu.memref_slice %arg11[%dma_start3A_69] : memref<128xi32, #tpu.memory_space<vmem>> -> memref<64xi32, #tpu.memory_space<vmem>>
    %dma_start3A_71 = arith.constant 0 : i32
    %dma_start3A_72 = arith.constant 0 : i32
    %dma_start3A_73 = tpu.memref_slice %arg3[%dma_start3A_71, %dma_start3A_72] : memref<100000x256xf32, #tpu.memory_space<hbm>> -> memref<100000x256xf32, #tpu.memory_space<hbm>>
    tpu.enqueue_indirect_dma source(%dma_start3A_73 : memref<100000x256xf32, #tpu.memory_space<hbm>>) target(%arg16 : memref<64x256xf32, #tpu.memory_space<vmem>>) offsets(%dma_start3A_70 : memref<64xi32, #tpu.memory_space<vmem>>) semaphore(%arg20 : memref<!tpu.dma_semaphore, #tpu.memory_space<semaphore_mem>>)
    %dma_wait3A_74 = arith.constant 0 : i32
    %dma_wait3A_75 = tpu.memref_slice %arg12[%dma_wait3A_74] : memref<128xi32, #tpu.memory_space<vmem>> -> memref<64xi32, #tpu.memory_space<vmem>>
    %dma_wait3A_76 = arith.constant 0 : i32
    %dma_wait3A_77 = arith.constant 0 : i32
    %dma_wait3A_78 = tpu.memref_slice %arg2[%dma_wait3A_76, %dma_wait3A_77] : memref<100000x512xf32, #tpu.memory_space<hbm>> -> memref<100000x512xf32, #tpu.memory_space<hbm>>
    tpu.wait_indirect_dma semaphore(%arg19 : memref<!tpu.dma_semaphore, #tpu.memory_space<semaphore_mem>>) src(%dma_wait3A_78 : memref<100000x512xf32, #tpu.memory_space<hbm>>) dst(%arg15 : memref<64x512xf32, #tpu.memory_space<vmem>>)
    %add3A_79 = arith.constant 0 : i32
    %add3A_80 = arith.addi %mul3A_2, %add3A_79 : i32
    %dma_start3A_81 = arith.constant 0 : i32
    %dma_start3A_82 = tpu.memref_slice %arg8[%add3A_80, %dma_start3A_81] : memref<4096x512xf32, #tpu.memory_space<hbm>> -> memref<64x512xf32, #tpu.memory_space<hbm>>
    %dma_start3A_83 = arith.constant 0 : i32
    %dma_start3A_84 = tpu.memref_slice %arg8[%add3A_80, %dma_start3A_83] : memref<4096x512xf32, #tpu.memory_space<hbm>> -> memref<64x512xf32, #tpu.memory_space<hbm>>
    tpu.enqueue_dma source(%arg15 : memref<64x512xf32, #tpu.memory_space<vmem>>) target(%dma_start3A_84 : memref<64x512xf32, #tpu.memory_space<hbm>>) target_semaphore(%arg23 : memref<!tpu.dma_semaphore, #tpu.memory_space<semaphore_mem>>)
    %dma_wait3A_85 = arith.constant 64 : i32
    %dma_wait3A_86 = tpu.memref_slice %arg12[%dma_wait3A_85] : memref<128xi32, #tpu.memory_space<vmem>> -> memref<64xi32, #tpu.memory_space<vmem>>
    %dma_wait3A_87 = arith.constant 0 : i32
    %dma_wait3A_88 = arith.constant 0 : i32
    %dma_wait3A_89 = tpu.memref_slice %arg2[%dma_wait3A_87, %dma_wait3A_88] : memref<100000x512xf32, #tpu.memory_space<hbm>> -> memref<100000x512xf32, #tpu.memory_space<hbm>>
    tpu.wait_indirect_dma semaphore(%arg17 : memref<!tpu.dma_semaphore, #tpu.memory_space<semaphore_mem>>) src(%dma_wait3A_89 : memref<100000x512xf32, #tpu.memory_space<hbm>>) dst(%arg13 : memref<64x512xf32, #tpu.memory_space<vmem>>)
    %add3A_90 = arith.constant 64 : i32
    %add3A_91 = arith.addi %mul3A_2, %add3A_90 : i32
    %dma_start3A_92 = arith.constant 0 : i32
    %dma_start3A_93 = tpu.memref_slice %arg8[%add3A_91, %dma_start3A_92] : memref<4096x512xf32, #tpu.memory_space<hbm>> -> memref<64x512xf32, #tpu.memory_space<hbm>>
    %dma_start3A_94 = arith.constant 0 : i32
    %dma_start3A_95 = tpu.memref_slice %arg8[%add3A_91, %dma_start3A_94] : memref<4096x512xf32, #tpu.memory_space<hbm>> -> memref<64x512xf32, #tpu.memory_space<hbm>>
    tpu.enqueue_dma source(%arg13 : memref<64x512xf32, #tpu.memory_space<vmem>>) target(%dma_start3A_95 : memref<64x512xf32, #tpu.memory_space<hbm>>) target_semaphore(%arg21 : memref<!tpu.dma_semaphore, #tpu.memory_space<semaphore_mem>>)
    %dma_wait3A_96 = arith.constant 64 : i32
    %dma_wait3A_97 = tpu.memref_slice %arg11[%dma_wait3A_96] : memref<128xi32, #tpu.memory_space<vmem>> -> memref<64xi32, #tpu.memory_space<vmem>>
    %dma_wait3A_98 = arith.constant 0 : i32
    %dma_wait3A_99 = arith.constant 0 : i32
    %dma_wait3A_100 = tpu.memref_slice %arg3[%dma_wait3A_98, %dma_wait3A_99] : memref<100000x256xf32, #tpu.memory_space<hbm>> -> memref<100000x256xf32, #tpu.memory_space<hbm>>
    tpu.wait_indirect_dma semaphore(%arg20 : memref<!tpu.dma_semaphore, #tpu.memory_space<semaphore_mem>>) src(%dma_wait3A_100 : memref<100000x256xf32, #tpu.memory_space<hbm>>) dst(%arg16 : memref<64x256xf32, #tpu.memory_space<vmem>>)
    %add3A_101 = arith.constant 64 : i32
    %add3A_102 = arith.addi %mul3A_2, %add3A_101 : i32
    %dma_start3A_103 = arith.constant 0 : i32
    %dma_start3A_104 = tpu.memref_slice %arg9[%add3A_102, %dma_start3A_103] : memref<4096x256xf32, #tpu.memory_space<hbm>> -> memref<64x256xf32, #tpu.memory_space<hbm>>
    %dma_start3A_105 = arith.constant 0 : i32
    %dma_start3A_106 = tpu.memref_slice %arg9[%add3A_102, %dma_start3A_105] : memref<4096x256xf32, #tpu.memory_space<hbm>> -> memref<64x256xf32, #tpu.memory_space<hbm>>
    tpu.enqueue_dma source(%arg16 : memref<64x256xf32, #tpu.memory_space<vmem>>) target(%dma_start3A_106 : memref<64x256xf32, #tpu.memory_space<hbm>>) target_semaphore(%arg24 : memref<!tpu.dma_semaphore, #tpu.memory_space<semaphore_mem>>)
    %dma_wait3A_107 = arith.constant 0 : i32
    %dma_wait3A_108 = tpu.memref_slice %arg7[%add3A_40, %dma_wait3A_107] : memref<4096x512xf32, #tpu.memory_space<hbm>> -> memref<64x512xf32, #tpu.memory_space<hbm>>
    %dma_wait3A_109 = arith.constant 0 : i32
    %dma_wait3A_110 = tpu.memref_slice %arg7[%add3A_40, %dma_wait3A_109] : memref<4096x512xf32, #tpu.memory_space<hbm>> -> memref<64x512xf32, #tpu.memory_space<hbm>>
    tpu.wait_dma2 semaphore(%arg22 : memref<!tpu.dma_semaphore, #tpu.memory_space<semaphore_mem>>) src(%arg14 : memref<64x512xf32, #tpu.memory_space<vmem>>) dst(%dma_wait3A_110 : memref<64x512xf32, #tpu.memory_space<hbm>>)
    %dma_wait3A_111 = arith.constant 0 : i32
    %dma_wait3A_112 = tpu.memref_slice %arg8[%add3A_80, %dma_wait3A_111] : memref<4096x512xf32, #tpu.memory_space<hbm>> -> memref<64x512xf32, #tpu.memory_space<hbm>>
    %dma_wait3A_113 = arith.constant 0 : i32
    %dma_wait3A_114 = tpu.memref_slice %arg8[%add3A_80, %dma_wait3A_113] : memref<4096x512xf32, #tpu.memory_space<hbm>> -> memref<64x512xf32, #tpu.memory_space<hbm>>
    tpu.wait_dma2 semaphore(%arg23 : memref<!tpu.dma_semaphore, #tpu.memory_space<semaphore_mem>>) src(%arg15 : memref<64x512xf32, #tpu.memory_space<vmem>>) dst(%dma_wait3A_114 : memref<64x512xf32, #tpu.memory_space<hbm>>)
    %dma_wait3A_115 = arith.constant 0 : i32
    %dma_wait3A_116 = tpu.memref_slice %arg8[%add3A_91, %dma_wait3A_115] : memref<4096x512xf32, #tpu.memory_space<hbm>> -> memref<64x512xf32, #tpu.memory_space<hbm>>
    %dma_wait3A_117 = arith.constant 0 : i32
    %dma_wait3A_118 = tpu.memref_slice %arg8[%add3A_91, %dma_wait3A_117] : memref<4096x512xf32, #tpu.memory_space<hbm>> -> memref<64x512xf32, #tpu.memory_space<hbm>>
    tpu.wait_dma2 semaphore(%arg21 : memref<!tpu.dma_semaphore, #tpu.memory_space<semaphore_mem>>) src(%arg13 : memref<64x512xf32, #tpu.memory_space<vmem>>) dst(%dma_wait3A_118 : memref<64x512xf32, #tpu.memory_space<hbm>>)
    %dma_wait3A_119 = arith.constant 0 : i32
    %dma_wait3A_120 = tpu.memref_slice %arg9[%add3A_102, %dma_wait3A_119] : memref<4096x256xf32, #tpu.memory_space<hbm>> -> memref<64x256xf32, #tpu.memory_space<hbm>>
    %dma_wait3A_121 = arith.constant 0 : i32
    %dma_wait3A_122 = tpu.memref_slice %arg9[%add3A_102, %dma_wait3A_121] : memref<4096x256xf32, #tpu.memory_space<hbm>> -> memref<64x256xf32, #tpu.memory_space<hbm>>
    tpu.wait_dma2 semaphore(%arg24 : memref<!tpu.dma_semaphore, #tpu.memory_space<semaphore_mem>>) src(%arg16 : memref<64x256xf32, #tpu.memory_space<vmem>>) dst(%dma_wait3A_122 : memref<64x256xf32, #tpu.memory_space<hbm>>)
    return
  }
}

#map = affine_map<(d0, d1) -> (0, 0)>
#map1 = affine_map<(d0, d1) -> (0)>
module attributes {stable_mosaic.version = 14 : i64} {
  func.func @k(%arg0: i32, %arg1: i32, %arg2: memref<100000x512xf32, #tpu.memory_space<hbm>>, %arg3: memref<100000x256xf32, #tpu.memory_space<hbm>>, %arg4: memref<16384xi32, #tpu.memory_space<hbm>>, %arg5: memref<16384xi32, #tpu.memory_space<hbm>>, %arg6: memref<16384xi32, #tpu.memory_space<hbm>>, %arg7: memref<4096x512xf32, #tpu.memory_space<hbm>>, %arg8: memref<4096x512xf32, #tpu.memory_space<hbm>>, %arg9: memref<4096x256xf32, #tpu.memory_space<hbm>>, %arg10: memref<128xi32, #tpu.memory_space<vmem>>, %arg11: memref<128xi32, #tpu.memory_space<vmem>>, %arg12: memref<128xi32, #tpu.memory_space<vmem>>, %arg13: memref<64x512xf32, #tpu.memory_space<vmem>>, %arg14: memref<64x512xf32, #tpu.memory_space<vmem>>, %arg15: memref<64x512xf32, #tpu.memory_space<vmem>>, %arg16: memref<64x256xf32, #tpu.memory_space<vmem>>, %arg17: memref<!tpu.dma_semaphore, #tpu.memory_space<semaphore_mem>>, %arg18: memref<!tpu.dma_semaphore, #tpu.memory_space<semaphore_mem>>, %arg19: memref<!tpu.dma_semaphore, #tpu.memory_space<semaphore_mem>>, %arg20: memref<!tpu.dma_semaphore, #tpu.memory_space<semaphore_mem>>, %arg21: memref<!tpu.dma_semaphore, #tpu.memory_space<semaphore_mem>>, %arg22: memref<!tpu.dma_semaphore, #tpu.memory_space<semaphore_mem>>, %arg23: memref<!tpu.dma_semaphore, #tpu.memory_space<semaphore_mem>>, %arg24: memref<!tpu.dma_semaphore, #tpu.memory_space<semaphore_mem>>) attributes {dimension_semantics = [#tpu.dimension_semantics<core_parallel>, #tpu.dimension_semantics<subcore_parallel>], iteration_bounds = array<i64: 2, 16>, scalar_prefetch = 0 : i64, scratch_operands = 15 : i64, tpu.core_type = #tpu.core_type<sc_vector_subcore>, window_params = [{transform_indices = #map}, {transform_indices = #map}, {transform_indices = #map1}, {transform_indices = #map1}, {transform_indices = #map1}, {transform_indices = #map}, {transform_indices = #map}, {transform_indices = #map}]} {
    %mul3A = arith.constant 2 : i32
    %mul3A_0 = arith.muli %arg1, %mul3A : i32
    %add3A = arith.addi %mul3A_0, %arg0 : i32
    %mul3A_1 = arith.constant 128 : i32
    %mul3A_2 = arith.muli %add3A, %mul3A_1 : i32
    %add3A_3 = arith.constant 0 : i32
    %add3A_4 = arith.addi %add3A_3, %mul3A_2 : i32
    "tpu.region"() ({
      %run_scoped3A = tpu.sem_alloc : memref<!tpu.dma_semaphore, #tpu.memory_space<semaphore_mem>>
      %dma_start3A_123 = tpu.memref_slice %arg4[%add3A_4] : memref<16384xi32, #tpu.memory_space<hbm>> -> memref<128xi32, #tpu.memory_space<hbm>>
      %dma_start3A_124 = tpu.memref_slice %arg4[%add3A_4] : memref<16384xi32, #tpu.memory_space<hbm>> -> memref<128xi32, #tpu.memory_space<hbm>>
      tpu.enqueue_dma source(%dma_start3A_124 : memref<128xi32, #tpu.memory_space<hbm>>) target(%arg10 : memref<128xi32, #tpu.memory_space<vmem>>) target_semaphore(%run_scoped3A : memref<!tpu.dma_semaphore, #tpu.memory_space<semaphore_mem>>)
      %dma_wait3A_125 = tpu.memref_slice %arg4[%add3A_4] : memref<16384xi32, #tpu.memory_space<hbm>> -> memref<128xi32, #tpu.memory_space<hbm>>
      %dma_wait3A_126 = tpu.memref_slice %arg4[%add3A_4] : memref<16384xi32, #tpu.memory_space<hbm>> -> memref<128xi32, #tpu.memory_space<hbm>>
      tpu.wait_dma2 semaphore(%run_scoped3A : memref<!tpu.dma_semaphore, #tpu.memory_space<semaphore_mem>>) src(%dma_wait3A_126 : memref<128xi32, #tpu.memory_space<hbm>>) dst(%arg10 : memref<128xi32, #tpu.memory_space<vmem>>)
      tpu.yield
    }) : () -> ()
    %dma_start3A = arith.constant 0 : i32
    %dma_start3A_5 = tpu.memref_slice %arg10[%dma_start3A] : memref<128xi32, #tpu.memory_space<vmem>> -> memref<64xi32, #tpu.memory_space<vmem>>
    %dma_start3A_6 = arith.constant 0 : i32
    %dma_start3A_7 = arith.constant 0 : i32
    %dma_start3A_8 = tpu.memref_slice %arg2[%dma_start3A_6, %dma_start3A_7] : memref<100000x512xf32, #tpu.memory_space<hbm>> -> memref<100000x512xf32, #tpu.memory_space<hbm>>
    tpu.enqueue_indirect_dma source(%dma_start3A_8 : memref<100000x512xf32, #tpu.memory_space<hbm>>) target(%arg13 : memref<64x512xf32, #tpu.memory_space<vmem>>) offsets(%dma_start3A_5 : memref<64xi32, #tpu.memory_space<vmem>>) semaphore(%arg17 : memref<!tpu.dma_semaphore, #tpu.memory_space<semaphore_mem>>)
    %dma_start3A_9 = arith.constant 64 : i32
    %dma_start3A_10 = tpu.memref_slice %arg10[%dma_start3A_9] : memref<128xi32, #tpu.memory_space<vmem>> -> memref<64xi32, #tpu.memory_space<vmem>>
    %dma_start3A_11 = arith.constant 0 : i32
    %dma_start3A_12 = arith.constant 0 : i32
    %dma_start3A_13 = tpu.memref_slice %arg2[%dma_start3A_11, %dma_start3A_12] : memref<100000x512xf32, #tpu.memory_space<hbm>> -> memref<100000x512xf32, #tpu.memory_space<hbm>>
    tpu.enqueue_indirect_dma source(%dma_start3A_13 : memref<100000x512xf32, #tpu.memory_space<hbm>>) target(%arg14 : memref<64x512xf32, #tpu.memory_space<vmem>>) offsets(%dma_start3A_10 : memref<64xi32, #tpu.memory_space<vmem>>) semaphore(%arg18 : memref<!tpu.dma_semaphore, #tpu.memory_space<semaphore_mem>>)
    "tpu.region"() ({
      %run_scoped3A = tpu.sem_alloc : memref<!tpu.dma_semaphore, #tpu.memory_space<semaphore_mem>>
      %dma_start3A_123 = tpu.memref_slice %arg6[%add3A_4] : memref<16384xi32, #tpu.memory_space<hbm>> -> memref<128xi32, #tpu.memory_space<hbm>>
      %dma_start3A_124 = tpu.memref_slice %arg6[%add3A_4] : memref<16384xi32, #tpu.memory_space<hbm>> -> memref<128xi32, #tpu.memory_space<hbm>>
      tpu.enqueue_dma source(%dma_start3A_124 : memref<128xi32, #tpu.memory_space<hbm>>) target(%arg12 : memref<128xi32, #tpu.memory_space<vmem>>) target_semaphore(%run_scoped3A : memref<!tpu.dma_semaphore, #tpu.memory_space<semaphore_mem>>)
      %dma_wait3A_125 = tpu.memref_slice %arg6[%add3A_4] : memref<16384xi32, #tpu.memory_space<hbm>> -> memref<128xi32, #tpu.memory_space<hbm>>
      %dma_wait3A_126 = tpu.memref_slice %arg6[%add3A_4] : memref<16384xi32, #tpu.memory_space<hbm>> -> memref<128xi32, #tpu.memory_space<hbm>>
      tpu.wait_dma2 semaphore(%run_scoped3A : memref<!tpu.dma_semaphore, #tpu.memory_space<semaphore_mem>>) src(%dma_wait3A_126 : memref<128xi32, #tpu.memory_space<hbm>>) dst(%arg12 : memref<128xi32, #tpu.memory_space<vmem>>)
      tpu.yield
    }) : () -> ()
    %dma_start3A_14 = arith.constant 0 : i32
    %dma_start3A_15 = tpu.memref_slice %arg12[%dma_start3A_14] : memref<128xi32, #tpu.memory_space<vmem>> -> memref<64xi32, #tpu.memory_space<vmem>>
    %dma_start3A_16 = arith.constant 0 : i32
    %dma_start3A_17 = arith.constant 0 : i32
    %dma_start3A_18 = tpu.memref_slice %arg2[%dma_start3A_16, %dma_start3A_17] : memref<100000x512xf32, #tpu.memory_space<hbm>> -> memref<100000x512xf32, #tpu.memory_space<hbm>>
    tpu.enqueue_indirect_dma source(%dma_start3A_18 : memref<100000x512xf32, #tpu.memory_space<hbm>>) target(%arg15 : memref<64x512xf32, #tpu.memory_space<vmem>>) offsets(%dma_start3A_15 : memref<64xi32, #tpu.memory_space<vmem>>) semaphore(%arg19 : memref<!tpu.dma_semaphore, #tpu.memory_space<semaphore_mem>>)
    "tpu.region"() ({
      %run_scoped3A = tpu.sem_alloc : memref<!tpu.dma_semaphore, #tpu.memory_space<semaphore_mem>>
      %dma_start3A_123 = tpu.memref_slice %arg5[%add3A_4] : memref<16384xi32, #tpu.memory_space<hbm>> -> memref<128xi32, #tpu.memory_space<hbm>>
      %dma_start3A_124 = tpu.memref_slice %arg5[%add3A_4] : memref<16384xi32, #tpu.memory_space<hbm>> -> memref<128xi32, #tpu.memory_space<hbm>>
      tpu.enqueue_dma source(%dma_start3A_124 : memref<128xi32, #tpu.memory_space<hbm>>) target(%arg11 : memref<128xi32, #tpu.memory_space<vmem>>) target_semaphore(%run_scoped3A : memref<!tpu.dma_semaphore, #tpu.memory_space<semaphore_mem>>)
      %dma_wait3A_125 = tpu.memref_slice %arg5[%add3A_4] : memref<16384xi32, #tpu.memory_space<hbm>> -> memref<128xi32, #tpu.memory_space<hbm>>
      %dma_wait3A_126 = tpu.memref_slice %arg5[%add3A_4] : memref<16384xi32, #tpu.memory_space<hbm>> -> memref<128xi32, #tpu.memory_space<hbm>>
      tpu.wait_dma2 semaphore(%run_scoped3A : memref<!tpu.dma_semaphore, #tpu.memory_space<semaphore_mem>>) src(%dma_wait3A_126 : memref<128xi32, #tpu.memory_space<hbm>>) dst(%arg11 : memref<128xi32, #tpu.memory_space<vmem>>)
      tpu.yield
    }) : () -> ()
    %dma_start3A_19 = arith.constant 0 : i32
    %dma_start3A_20 = tpu.memref_slice %arg11[%dma_start3A_19] : memref<128xi32, #tpu.memory_space<vmem>> -> memref<64xi32, #tpu.memory_space<vmem>>
    %dma_start3A_21 = arith.constant 0 : i32
    %dma_start3A_22 = arith.constant 0 : i32
    %dma_start3A_23 = tpu.memref_slice %arg3[%dma_start3A_21, %dma_start3A_22] : memref<100000x256xf32, #tpu.memory_space<hbm>> -> memref<100000x256xf32, #tpu.memory_space<hbm>>
    tpu.enqueue_indirect_dma source(%dma_start3A_23 : memref<100000x256xf32, #tpu.memory_space<hbm>>) target(%arg16 : memref<64x256xf32, #tpu.memory_space<vmem>>) offsets(%dma_start3A_20 : memref<64xi32, #tpu.memory_space<vmem>>) semaphore(%arg20 : memref<!tpu.dma_semaphore, #tpu.memory_space<semaphore_mem>>)
    %dma_wait3A = arith.constant 0 : i32
    %dma_wait3A_24 = tpu.memref_slice %arg10[%dma_wait3A] : memref<128xi32, #tpu.memory_space<vmem>> -> memref<64xi32, #tpu.memory_space<vmem>>
    %dma_wait3A_25 = arith.constant 0 : i32
    %dma_wait3A_26 = arith.constant 0 : i32
    %dma_wait3A_27 = tpu.memref_slice %arg2[%dma_wait3A_25, %dma_wait3A_26] : memref<100000x512xf32, #tpu.memory_space<hbm>> -> memref<100000x512xf32, #tpu.memory_space<hbm>>
    tpu.wait_indirect_dma semaphore(%arg17 : memref<!tpu.dma_semaphore, #tpu.memory_space<semaphore_mem>>) src(%dma_wait3A_27 : memref<100000x512xf32, #tpu.memory_space<hbm>>) dst(%arg13 : memref<64x512xf32, #tpu.memory_space<vmem>>)
    %add3A_28 = arith.constant 0 : i32
    %add3A_29 = arith.addi %mul3A_2, %add3A_28 : i32
    %dma_start3A_30 = arith.constant 0 : i32
    %dma_start3A_31 = tpu.memref_slice %arg7[%add3A_29, %dma_start3A_30] : memref<4096x512xf32, #tpu.memory_space<hbm>> -> memref<64x512xf32, #tpu.memory_space<hbm>>
    %dma_start3A_32 = arith.constant 0 : i32
    %dma_start3A_33 = tpu.memref_slice %arg7[%add3A_29, %dma_start3A_32] : memref<4096x512xf32, #tpu.memory_space<hbm>> -> memref<64x512xf32, #tpu.memory_space<hbm>>
    tpu.enqueue_dma source(%arg13 : memref<64x512xf32, #tpu.memory_space<vmem>>) target(%dma_start3A_33 : memref<64x512xf32, #tpu.memory_space<hbm>>) target_semaphore(%arg21 : memref<!tpu.dma_semaphore, #tpu.memory_space<semaphore_mem>>)
    %dma_wait3A_34 = arith.constant 64 : i32
    %dma_wait3A_35 = tpu.memref_slice %arg10[%dma_wait3A_34] : memref<128xi32, #tpu.memory_space<vmem>> -> memref<64xi32, #tpu.memory_space<vmem>>
    %dma_wait3A_36 = arith.constant 0 : i32
    %dma_wait3A_37 = arith.constant 0 : i32
    %dma_wait3A_38 = tpu.memref_slice %arg2[%dma_wait3A_36, %dma_wait3A_37] : memref<100000x512xf32, #tpu.memory_space<hbm>> -> memref<100000x512xf32, #tpu.memory_space<hbm>>
    tpu.wait_indirect_dma semaphore(%arg18 : memref<!tpu.dma_semaphore, #tpu.memory_space<semaphore_mem>>) src(%dma_wait3A_38 : memref<100000x512xf32, #tpu.memory_space<hbm>>) dst(%arg14 : memref<64x512xf32, #tpu.memory_space<vmem>>)
    %add3A_39 = arith.constant 64 : i32
    %add3A_40 = arith.addi %mul3A_2, %add3A_39 : i32
    %dma_start3A_41 = arith.constant 0 : i32
    %dma_start3A_42 = tpu.memref_slice %arg7[%add3A_40, %dma_start3A_41] : memref<4096x512xf32, #tpu.memory_space<hbm>> -> memref<64x512xf32, #tpu.memory_space<hbm>>
    %dma_start3A_43 = arith.constant 0 : i32
    %dma_start3A_44 = tpu.memref_slice %arg7[%add3A_40, %dma_start3A_43] : memref<4096x512xf32, #tpu.memory_space<hbm>> -> memref<64x512xf32, #tpu.memory_space<hbm>>
    tpu.enqueue_dma source(%arg14 : memref<64x512xf32, #tpu.memory_space<vmem>>) target(%dma_start3A_44 : memref<64x512xf32, #tpu.memory_space<hbm>>) target_semaphore(%arg22 : memref<!tpu.dma_semaphore, #tpu.memory_space<semaphore_mem>>)
    %dma_wait3A_45 = arith.constant 0 : i32
    %dma_wait3A_46 = tpu.memref_slice %arg7[%add3A_29, %dma_wait3A_45] : memref<4096x512xf32, #tpu.memory_space<hbm>> -> memref<64x512xf32, #tpu.memory_space<hbm>>
    %dma_wait3A_47 = arith.constant 0 : i32
    %dma_wait3A_48 = tpu.memref_slice %arg7[%add3A_29, %dma_wait3A_47] : memref<4096x512xf32, #tpu.memory_space<hbm>> -> memref<64x512xf32, #tpu.memory_space<hbm>>
    tpu.wait_dma2 semaphore(%arg21 : memref<!tpu.dma_semaphore, #tpu.memory_space<semaphore_mem>>) src(%arg13 : memref<64x512xf32, #tpu.memory_space<vmem>>) dst(%dma_wait3A_48 : memref<64x512xf32, #tpu.memory_space<hbm>>)
    %dma_start3A_49 = arith.constant 64 : i32
    %dma_start3A_50 = tpu.memref_slice %arg12[%dma_start3A_49] : memref<128xi32, #tpu.memory_space<vmem>> -> memref<64xi32, #tpu.memory_space<vmem>>
    %dma_start3A_51 = arith.constant 0 : i32
    %dma_start3A_52 = arith.constant 0 : i32
    %dma_start3A_53 = tpu.memref_slice %arg2[%dma_start3A_51, %dma_start3A_52] : memref<100000x512xf32, #tpu.memory_space<hbm>> -> memref<100000x512xf32, #tpu.memory_space<hbm>>
    tpu.enqueue_indirect_dma source(%dma_start3A_53 : memref<100000x512xf32, #tpu.memory_space<hbm>>) target(%arg13 : memref<64x512xf32, #tpu.memory_space<vmem>>) offsets(%dma_start3A_50 : memref<64xi32, #tpu.memory_space<vmem>>) semaphore(%arg17 : memref<!tpu.dma_semaphore, #tpu.memory_space<semaphore_mem>>)
    %dma_wait3A_54 = arith.constant 0 : i32
    %dma_wait3A_55 = tpu.memref_slice %arg11[%dma_wait3A_54] : memref<128xi32, #tpu.memory_space<vmem>> -> memref<64xi32, #tpu.memory_space<vmem>>
    %dma_wait3A_56 = arith.constant 0 : i32
    %dma_wait3A_57 = arith.constant 0 : i32
    %dma_wait3A_58 = tpu.memref_slice %arg3[%dma_wait3A_56, %dma_wait3A_57] : memref<100000x256xf32, #tpu.memory_space<hbm>> -> memref<100000x256xf32, #tpu.memory_space<hbm>>
    tpu.wait_indirect_dma semaphore(%arg20 : memref<!tpu.dma_semaphore, #tpu.memory_space<semaphore_mem>>) src(%dma_wait3A_58 : memref<100000x256xf32, #tpu.memory_space<hbm>>) dst(%arg16 : memref<64x256xf32, #tpu.memory_space<vmem>>)
    %add3A_59 = arith.constant 0 : i32
    %add3A_60 = arith.addi %mul3A_2, %add3A_59 : i32
    %dma_start3A_61 = arith.constant 0 : i32
    %dma_start3A_62 = tpu.memref_slice %arg9[%add3A_60, %dma_start3A_61] : memref<4096x256xf32, #tpu.memory_space<hbm>> -> memref<64x256xf32, #tpu.memory_space<hbm>>
    %dma_start3A_63 = arith.constant 0 : i32
    %dma_start3A_64 = tpu.memref_slice %arg9[%add3A_60, %dma_start3A_63] : memref<4096x256xf32, #tpu.memory_space<hbm>> -> memref<64x256xf32, #tpu.memory_space<hbm>>
    tpu.enqueue_dma source(%arg16 : memref<64x256xf32, #tpu.memory_space<vmem>>) target(%dma_start3A_64 : memref<64x256xf32, #tpu.memory_space<hbm>>) target_semaphore(%arg24 : memref<!tpu.dma_semaphore, #tpu.memory_space<semaphore_mem>>)
    %dma_wait3A_65 = arith.constant 0 : i32
    %dma_wait3A_66 = tpu.memref_slice %arg9[%add3A_60, %dma_wait3A_65] : memref<4096x256xf32, #tpu.memory_space<hbm>> -> memref<64x256xf32, #tpu.memory_space<hbm>>
    %dma_wait3A_67 = arith.constant 0 : i32
    %dma_wait3A_68 = tpu.memref_slice %arg9[%add3A_60, %dma_wait3A_67] : memref<4096x256xf32, #tpu.memory_space<hbm>> -> memref<64x256xf32, #tpu.memory_space<hbm>>
    tpu.wait_dma2 semaphore(%arg24 : memref<!tpu.dma_semaphore, #tpu.memory_space<semaphore_mem>>) src(%arg16 : memref<64x256xf32, #tpu.memory_space<vmem>>) dst(%dma_wait3A_68 : memref<64x256xf32, #tpu.memory_space<hbm>>)
    %dma_start3A_69 = arith.constant 64 : i32
    %dma_start3A_70 = tpu.memref_slice %arg11[%dma_start3A_69] : memref<128xi32, #tpu.memory_space<vmem>> -> memref<64xi32, #tpu.memory_space<vmem>>
    %dma_start3A_71 = arith.constant 0 : i32
    %dma_start3A_72 = arith.constant 0 : i32
    %dma_start3A_73 = tpu.memref_slice %arg3[%dma_start3A_71, %dma_start3A_72] : memref<100000x256xf32, #tpu.memory_space<hbm>> -> memref<100000x256xf32, #tpu.memory_space<hbm>>
    tpu.enqueue_indirect_dma source(%dma_start3A_73 : memref<100000x256xf32, #tpu.memory_space<hbm>>) target(%arg16 : memref<64x256xf32, #tpu.memory_space<vmem>>) offsets(%dma_start3A_70 : memref<64xi32, #tpu.memory_space<vmem>>) semaphore(%arg20 : memref<!tpu.dma_semaphore, #tpu.memory_space<semaphore_mem>>)
    %dma_wait3A_74 = arith.constant 0 : i32
    %dma_wait3A_75 = tpu.memref_slice %arg12[%dma_wait3A_74] : memref<128xi32, #tpu.memory_space<vmem>> -> memref<64xi32, #tpu.memory_space<vmem>>
    %dma_wait3A_76 = arith.constant 0 : i32
    %dma_wait3A_77 = arith.constant 0 : i32
    %dma_wait3A_78 = tpu.memref_slice %arg2[%dma_wait3A_76, %dma_wait3A_77] : memref<100000x512xf32, #tpu.memory_space<hbm>> -> memref<100000x512xf32, #tpu.memory_space<hbm>>
    tpu.wait_indirect_dma semaphore(%arg19 : memref<!tpu.dma_semaphore, #tpu.memory_space<semaphore_mem>>) src(%dma_wait3A_78 : memref<100000x512xf32, #tpu.memory_space<hbm>>) dst(%arg15 : memref<64x512xf32, #tpu.memory_space<vmem>>)
    %add3A_79 = arith.constant 0 : i32
    %add3A_80 = arith.addi %mul3A_2, %add3A_79 : i32
    %dma_start3A_81 = arith.constant 0 : i32
    %dma_start3A_82 = tpu.memref_slice %arg8[%add3A_80, %dma_start3A_81] : memref<4096x512xf32, #tpu.memory_space<hbm>> -> memref<64x512xf32, #tpu.memory_space<hbm>>
    %dma_start3A_83 = arith.constant 0 : i32
    %dma_start3A_84 = tpu.memref_slice %arg8[%add3A_80, %dma_start3A_83] : memref<4096x512xf32, #tpu.memory_space<hbm>> -> memref<64x512xf32, #tpu.memory_space<hbm>>
    tpu.enqueue_dma source(%arg15 : memref<64x512xf32, #tpu.memory_space<vmem>>) target(%dma_start3A_84 : memref<64x512xf32, #tpu.memory_space<hbm>>) target_semaphore(%arg23 : memref<!tpu.dma_semaphore, #tpu.memory_space<semaphore_mem>>)
    %dma_wait3A_85 = arith.constant 64 : i32
    %dma_wait3A_86 = tpu.memref_slice %arg12[%dma_wait3A_85] : memref<128xi32, #tpu.memory_space<vmem>> -> memref<64xi32, #tpu.memory_space<vmem>>
    %dma_wait3A_87 = arith.constant 0 : i32
    %dma_wait3A_88 = arith.constant 0 : i32
    %dma_wait3A_89 = tpu.memref_slice %arg2[%dma_wait3A_87, %dma_wait3A_88] : memref<100000x512xf32, #tpu.memory_space<hbm>> -> memref<100000x512xf32, #tpu.memory_space<hbm>>
    tpu.wait_indirect_dma semaphore(%arg17 : memref<!tpu.dma_semaphore, #tpu.memory_space<semaphore_mem>>) src(%dma_wait3A_89 : memref<100000x512xf32, #tpu.memory_space<hbm>>) dst(%arg13 : memref<64x512xf32, #tpu.memory_space<vmem>>)
    %add3A_90 = arith.constant 64 : i32
    %add3A_91 = arith.addi %mul3A_2, %add3A_90 : i32
    %dma_start3A_92 = arith.constant 0 : i32
    %dma_start3A_93 = tpu.memref_slice %arg8[%add3A_91, %dma_start3A_92] : memref<4096x512xf32, #tpu.memory_space<hbm>> -> memref<64x512xf32, #tpu.memory_space<hbm>>
    %dma_start3A_94 = arith.constant 0 : i32
    %dma_start3A_95 = tpu.memref_slice %arg8[%add3A_91, %dma_start3A_94] : memref<4096x512xf32, #tpu.memory_space<hbm>> -> memref<64x512xf32, #tpu.memory_space<hbm>>
    tpu.enqueue_dma source(%arg13 : memref<64x512xf32, #tpu.memory_space<vmem>>) target(%dma_start3A_95 : memref<64x512xf32, #tpu.memory_space<hbm>>) target_semaphore(%arg21 : memref<!tpu.dma_semaphore, #tpu.memory_space<semaphore_mem>>)
    %dma_wait3A_96 = arith.constant 64 : i32
    %dma_wait3A_97 = tpu.memref_slice %arg11[%dma_wait3A_96] : memref<128xi32, #tpu.memory_space<vmem>> -> memref<64xi32, #tpu.memory_space<vmem>>
    %dma_wait3A_98 = arith.constant 0 : i32
    %dma_wait3A_99 = arith.constant 0 : i32
    %dma_wait3A_100 = tpu.memref_slice %arg3[%dma_wait3A_98, %dma_wait3A_99] : memref<100000x256xf32, #tpu.memory_space<hbm>> -> memref<100000x256xf32, #tpu.memory_space<hbm>>
    tpu.wait_indirect_dma semaphore(%arg20 : memref<!tpu.dma_semaphore, #tpu.memory_space<semaphore_mem>>) src(%dma_wait3A_100 : memref<100000x256xf32, #tpu.memory_space<hbm>>) dst(%arg16 : memref<64x256xf32, #tpu.memory_space<vmem>>)
    %add3A_101 = arith.constant 64 : i32
    %add3A_102 = arith.addi %mul3A_2, %add3A_101 : i32
    %dma_start3A_103 = arith.constant 0 : i32
    %dma_start3A_104 = tpu.memref_slice %arg9[%add3A_102, %dma_start3A_103] : memref<4096x256xf32, #tpu.memory_space<hbm>> -> memref<64x256xf32, #tpu.memory_space<hbm>>
    %dma_start3A_105 = arith.constant 0 : i32
    %dma_start3A_106 = tpu.memref_slice %arg9[%add3A_102, %dma_start3A_105] : memref<4096x256xf32, #tpu.memory_space<hbm>> -> memref<64x256xf32, #tpu.memory_space<hbm>>
    tpu.enqueue_dma source(%arg16 : memref<64x256xf32, #tpu.memory_space<vmem>>) target(%dma_start3A_106 : memref<64x256xf32, #tpu.memory_space<hbm>>) target_semaphore(%arg24 : memref<!tpu.dma_semaphore, #tpu.memory_space<semaphore_mem>>)
    %dma_wait3A_107 = arith.constant 0 : i32
    %dma_wait3A_108 = tpu.memref_slice %arg7[%add3A_40, %dma_wait3A_107] : memref<4096x512xf32, #tpu.memory_space<hbm>> -> memref<64x512xf32, #tpu.memory_space<hbm>>
    %dma_wait3A_109 = arith.constant 0 : i32
    %dma_wait3A_110 = tpu.memref_slice %arg7[%add3A_40, %dma_wait3A_109] : memref<4096x512xf32, #tpu.memory_space<hbm>> -> memref<64x512xf32, #tpu.memory_space<hbm>>
    tpu.wait_dma2 semaphore(%arg22 : memref<!tpu.dma_semaphore, #tpu.memory_space<semaphore_mem>>) src(%arg14 : memref<64x512xf32, #tpu.memory_space<vmem>>) dst(%dma_wait3A_110 : memref<64x512xf32, #tpu.memory_space<hbm>>)
    %dma_wait3A_111 = arith.constant 0 : i32
    %dma_wait3A_112 = tpu.memref_slice %arg8[%add3A_80, %dma_wait3A_111] : memref<4096x512xf32, #tpu.memory_space<hbm>> -> memref<64x512xf32, #tpu.memory_space<hbm>>
    %dma_wait3A_113 = arith.constant 0 : i32
    %dma_wait3A_114 = tpu.memref_slice %arg8[%add3A_80, %dma_wait3A_113] : memref<4096x512xf32, #tpu.memory_space<hbm>> -> memref<64x512xf32, #tpu.memory_space<hbm>>
    tpu.wait_dma2 semaphore(%arg23 : memref<!tpu.dma_semaphore, #tpu.memory_space<semaphore_mem>>) src(%arg15 : memref<64x512xf32, #tpu.memory_space<vmem>>) dst(%dma_wait3A_114 : memref<64x512xf32, #tpu.memory_space<hbm>>)
    %dma_wait3A_115 = arith.constant 0 : i32
    %dma_wait3A_116 = tpu.memref_slice %arg8[%add3A_91, %dma_wait3A_115] : memref<4096x512xf32, #tpu.memory_space<hbm>> -> memref<64x512xf32, #tpu.memory_space<hbm>>
    %dma_wait3A_117 = arith.constant 0 : i32
    %dma_wait3A_118 = tpu.memref_slice %arg8[%add3A_91, %dma_wait3A_117] : memref<4096x512xf32, #tpu.memory_space<hbm>> -> memref<64x512xf32, #tpu.memory_space<hbm>>
    tpu.wait_dma2 semaphore(%arg21 : memref<!tpu.dma_semaphore, #tpu.memory_space<semaphore_mem>>) src(%arg13 : memref<64x512xf32, #tpu.memory_space<vmem>>) dst(%dma_wait3A_118 : memref<64x512xf32, #tpu.memory_space<hbm>>)
    %dma_wait3A_119 = arith.constant 0 : i32
    %dma_wait3A_120 = tpu.memref_slice %arg9[%add3A_102, %dma_wait3A_119] : memref<4096x256xf32, #tpu.memory_space<hbm>> -> memref<64x256xf32, #tpu.memory_space<hbm>>
    %dma_wait3A_121 = arith.constant 0 : i32
    %dma_wait3A_122 = tpu.memref_slice %arg9[%add3A_102, %dma_wait3A_121] : memref<4096x256xf32, #tpu.memory_space<hbm>> -> memref<64x256xf32, #tpu.memory_space<hbm>>
    tpu.wait_dma2 semaphore(%arg24 : memref<!tpu.dma_semaphore, #tpu.memory_space<semaphore_mem>>) src(%arg16 : memref<64x256xf32, #tpu.memory_space<vmem>>) dst(%dma_wait3A_122 : memref<64x256xf32, #tpu.memory_space<hbm>>)
    return
  }
}

#map = affine_map<(d0, d1) -> (0, 0)>
#map1 = affine_map<(d0, d1) -> (0)>
module attributes {stable_mosaic.version = 14 : i64} {
  func.func @k(%arg0: i32, %arg1: i32, %arg2: memref<100000x512xf32, #tpu.memory_space<hbm>>, %arg3: memref<100000x256xf32, #tpu.memory_space<hbm>>, %arg4: memref<16384xi32, #tpu.memory_space<hbm>>, %arg5: memref<16384xi32, #tpu.memory_space<hbm>>, %arg6: memref<16384xi32, #tpu.memory_space<hbm>>, %arg7: memref<4096x512xf32, #tpu.memory_space<hbm>>, %arg8: memref<4096x512xf32, #tpu.memory_space<hbm>>, %arg9: memref<4096x256xf32, #tpu.memory_space<hbm>>, %arg10: memref<128xi32, #tpu.memory_space<vmem>>, %arg11: memref<128xi32, #tpu.memory_space<vmem>>, %arg12: memref<128xi32, #tpu.memory_space<vmem>>, %arg13: memref<64x512xf32, #tpu.memory_space<vmem>>, %arg14: memref<64x512xf32, #tpu.memory_space<vmem>>, %arg15: memref<64x512xf32, #tpu.memory_space<vmem>>, %arg16: memref<64x256xf32, #tpu.memory_space<vmem>>, %arg17: memref<!tpu.dma_semaphore, #tpu.memory_space<semaphore_mem>>, %arg18: memref<!tpu.dma_semaphore, #tpu.memory_space<semaphore_mem>>, %arg19: memref<!tpu.dma_semaphore, #tpu.memory_space<semaphore_mem>>, %arg20: memref<!tpu.dma_semaphore, #tpu.memory_space<semaphore_mem>>, %arg21: memref<!tpu.dma_semaphore, #tpu.memory_space<semaphore_mem>>, %arg22: memref<!tpu.dma_semaphore, #tpu.memory_space<semaphore_mem>>, %arg23: memref<!tpu.dma_semaphore, #tpu.memory_space<semaphore_mem>>, %arg24: memref<!tpu.dma_semaphore, #tpu.memory_space<semaphore_mem>>) attributes {dimension_semantics = [#tpu.dimension_semantics<core_parallel>, #tpu.dimension_semantics<subcore_parallel>], iteration_bounds = array<i64: 2, 16>, scalar_prefetch = 0 : i64, scratch_operands = 15 : i64, tpu.core_type = #tpu.core_type<sc_vector_subcore>, window_params = [{transform_indices = #map}, {transform_indices = #map}, {transform_indices = #map1}, {transform_indices = #map1}, {transform_indices = #map1}, {transform_indices = #map}, {transform_indices = #map}, {transform_indices = #map}]} {
    %mul3A = arith.constant 2 : i32
    %mul3A_0 = arith.muli %arg1, %mul3A : i32
    %add3A = arith.addi %mul3A_0, %arg0 : i32
    %mul3A_1 = arith.constant 128 : i32
    %mul3A_2 = arith.muli %add3A, %mul3A_1 : i32
    %add3A_3 = arith.constant 4096 : i32
    %add3A_4 = arith.addi %add3A_3, %mul3A_2 : i32
    "tpu.region"() ({
      %run_scoped3A = tpu.sem_alloc : memref<!tpu.dma_semaphore, #tpu.memory_space<semaphore_mem>>
      %dma_start3A_123 = tpu.memref_slice %arg4[%add3A_4] : memref<16384xi32, #tpu.memory_space<hbm>> -> memref<128xi32, #tpu.memory_space<hbm>>
      %dma_start3A_124 = tpu.memref_slice %arg4[%add3A_4] : memref<16384xi32, #tpu.memory_space<hbm>> -> memref<128xi32, #tpu.memory_space<hbm>>
      tpu.enqueue_dma source(%dma_start3A_124 : memref<128xi32, #tpu.memory_space<hbm>>) target(%arg10 : memref<128xi32, #tpu.memory_space<vmem>>) target_semaphore(%run_scoped3A : memref<!tpu.dma_semaphore, #tpu.memory_space<semaphore_mem>>)
      %dma_wait3A_125 = tpu.memref_slice %arg4[%add3A_4] : memref<16384xi32, #tpu.memory_space<hbm>> -> memref<128xi32, #tpu.memory_space<hbm>>
      %dma_wait3A_126 = tpu.memref_slice %arg4[%add3A_4] : memref<16384xi32, #tpu.memory_space<hbm>> -> memref<128xi32, #tpu.memory_space<hbm>>
      tpu.wait_dma2 semaphore(%run_scoped3A : memref<!tpu.dma_semaphore, #tpu.memory_space<semaphore_mem>>) src(%dma_wait3A_126 : memref<128xi32, #tpu.memory_space<hbm>>) dst(%arg10 : memref<128xi32, #tpu.memory_space<vmem>>)
      tpu.yield
    }) : () -> ()
    %dma_start3A = arith.constant 0 : i32
    %dma_start3A_5 = tpu.memref_slice %arg10[%dma_start3A] : memref<128xi32, #tpu.memory_space<vmem>> -> memref<64xi32, #tpu.memory_space<vmem>>
    %dma_start3A_6 = arith.constant 0 : i32
    %dma_start3A_7 = arith.constant 0 : i32
    %dma_start3A_8 = tpu.memref_slice %arg2[%dma_start3A_6, %dma_start3A_7] : memref<100000x512xf32, #tpu.memory_space<hbm>> -> memref<100000x512xf32, #tpu.memory_space<hbm>>
    tpu.enqueue_indirect_dma source(%dma_start3A_8 : memref<100000x512xf32, #tpu.memory_space<hbm>>) target(%arg13 : memref<64x512xf32, #tpu.memory_space<vmem>>) offsets(%dma_start3A_5 : memref<64xi32, #tpu.memory_space<vmem>>) semaphore(%arg17 : memref<!tpu.dma_semaphore, #tpu.memory_space<semaphore_mem>>)
    %dma_start3A_9 = arith.constant 64 : i32
    %dma_start3A_10 = tpu.memref_slice %arg10[%dma_start3A_9] : memref<128xi32, #tpu.memory_space<vmem>> -> memref<64xi32, #tpu.memory_space<vmem>>
    %dma_start3A_11 = arith.constant 0 : i32
    %dma_start3A_12 = arith.constant 0 : i32
    %dma_start3A_13 = tpu.memref_slice %arg2[%dma_start3A_11, %dma_start3A_12] : memref<100000x512xf32, #tpu.memory_space<hbm>> -> memref<100000x512xf32, #tpu.memory_space<hbm>>
    tpu.enqueue_indirect_dma source(%dma_start3A_13 : memref<100000x512xf32, #tpu.memory_space<hbm>>) target(%arg14 : memref<64x512xf32, #tpu.memory_space<vmem>>) offsets(%dma_start3A_10 : memref<64xi32, #tpu.memory_space<vmem>>) semaphore(%arg18 : memref<!tpu.dma_semaphore, #tpu.memory_space<semaphore_mem>>)
    "tpu.region"() ({
      %run_scoped3A = tpu.sem_alloc : memref<!tpu.dma_semaphore, #tpu.memory_space<semaphore_mem>>
      %dma_start3A_123 = tpu.memref_slice %arg6[%add3A_4] : memref<16384xi32, #tpu.memory_space<hbm>> -> memref<128xi32, #tpu.memory_space<hbm>>
      %dma_start3A_124 = tpu.memref_slice %arg6[%add3A_4] : memref<16384xi32, #tpu.memory_space<hbm>> -> memref<128xi32, #tpu.memory_space<hbm>>
      tpu.enqueue_dma source(%dma_start3A_124 : memref<128xi32, #tpu.memory_space<hbm>>) target(%arg12 : memref<128xi32, #tpu.memory_space<vmem>>) target_semaphore(%run_scoped3A : memref<!tpu.dma_semaphore, #tpu.memory_space<semaphore_mem>>)
      %dma_wait3A_125 = tpu.memref_slice %arg6[%add3A_4] : memref<16384xi32, #tpu.memory_space<hbm>> -> memref<128xi32, #tpu.memory_space<hbm>>
      %dma_wait3A_126 = tpu.memref_slice %arg6[%add3A_4] : memref<16384xi32, #tpu.memory_space<hbm>> -> memref<128xi32, #tpu.memory_space<hbm>>
      tpu.wait_dma2 semaphore(%run_scoped3A : memref<!tpu.dma_semaphore, #tpu.memory_space<semaphore_mem>>) src(%dma_wait3A_126 : memref<128xi32, #tpu.memory_space<hbm>>) dst(%arg12 : memref<128xi32, #tpu.memory_space<vmem>>)
      tpu.yield
    }) : () -> ()
    %dma_start3A_14 = arith.constant 0 : i32
    %dma_start3A_15 = tpu.memref_slice %arg12[%dma_start3A_14] : memref<128xi32, #tpu.memory_space<vmem>> -> memref<64xi32, #tpu.memory_space<vmem>>
    %dma_start3A_16 = arith.constant 0 : i32
    %dma_start3A_17 = arith.constant 0 : i32
    %dma_start3A_18 = tpu.memref_slice %arg2[%dma_start3A_16, %dma_start3A_17] : memref<100000x512xf32, #tpu.memory_space<hbm>> -> memref<100000x512xf32, #tpu.memory_space<hbm>>
    tpu.enqueue_indirect_dma source(%dma_start3A_18 : memref<100000x512xf32, #tpu.memory_space<hbm>>) target(%arg15 : memref<64x512xf32, #tpu.memory_space<vmem>>) offsets(%dma_start3A_15 : memref<64xi32, #tpu.memory_space<vmem>>) semaphore(%arg19 : memref<!tpu.dma_semaphore, #tpu.memory_space<semaphore_mem>>)
    "tpu.region"() ({
      %run_scoped3A = tpu.sem_alloc : memref<!tpu.dma_semaphore, #tpu.memory_space<semaphore_mem>>
      %dma_start3A_123 = tpu.memref_slice %arg5[%add3A_4] : memref<16384xi32, #tpu.memory_space<hbm>> -> memref<128xi32, #tpu.memory_space<hbm>>
      %dma_start3A_124 = tpu.memref_slice %arg5[%add3A_4] : memref<16384xi32, #tpu.memory_space<hbm>> -> memref<128xi32, #tpu.memory_space<hbm>>
      tpu.enqueue_dma source(%dma_start3A_124 : memref<128xi32, #tpu.memory_space<hbm>>) target(%arg11 : memref<128xi32, #tpu.memory_space<vmem>>) target_semaphore(%run_scoped3A : memref<!tpu.dma_semaphore, #tpu.memory_space<semaphore_mem>>)
      %dma_wait3A_125 = tpu.memref_slice %arg5[%add3A_4] : memref<16384xi32, #tpu.memory_space<hbm>> -> memref<128xi32, #tpu.memory_space<hbm>>
      %dma_wait3A_126 = tpu.memref_slice %arg5[%add3A_4] : memref<16384xi32, #tpu.memory_space<hbm>> -> memref<128xi32, #tpu.memory_space<hbm>>
      tpu.wait_dma2 semaphore(%run_scoped3A : memref<!tpu.dma_semaphore, #tpu.memory_space<semaphore_mem>>) src(%dma_wait3A_126 : memref<128xi32, #tpu.memory_space<hbm>>) dst(%arg11 : memref<128xi32, #tpu.memory_space<vmem>>)
      tpu.yield
    }) : () -> ()
    %dma_start3A_19 = arith.constant 0 : i32
    %dma_start3A_20 = tpu.memref_slice %arg11[%dma_start3A_19] : memref<128xi32, #tpu.memory_space<vmem>> -> memref<64xi32, #tpu.memory_space<vmem>>
    %dma_start3A_21 = arith.constant 0 : i32
    %dma_start3A_22 = arith.constant 0 : i32
    %dma_start3A_23 = tpu.memref_slice %arg3[%dma_start3A_21, %dma_start3A_22] : memref<100000x256xf32, #tpu.memory_space<hbm>> -> memref<100000x256xf32, #tpu.memory_space<hbm>>
    tpu.enqueue_indirect_dma source(%dma_start3A_23 : memref<100000x256xf32, #tpu.memory_space<hbm>>) target(%arg16 : memref<64x256xf32, #tpu.memory_space<vmem>>) offsets(%dma_start3A_20 : memref<64xi32, #tpu.memory_space<vmem>>) semaphore(%arg20 : memref<!tpu.dma_semaphore, #tpu.memory_space<semaphore_mem>>)
    %dma_wait3A = arith.constant 0 : i32
    %dma_wait3A_24 = tpu.memref_slice %arg10[%dma_wait3A] : memref<128xi32, #tpu.memory_space<vmem>> -> memref<64xi32, #tpu.memory_space<vmem>>
    %dma_wait3A_25 = arith.constant 0 : i32
    %dma_wait3A_26 = arith.constant 0 : i32
    %dma_wait3A_27 = tpu.memref_slice %arg2[%dma_wait3A_25, %dma_wait3A_26] : memref<100000x512xf32, #tpu.memory_space<hbm>> -> memref<100000x512xf32, #tpu.memory_space<hbm>>
    tpu.wait_indirect_dma semaphore(%arg17 : memref<!tpu.dma_semaphore, #tpu.memory_space<semaphore_mem>>) src(%dma_wait3A_27 : memref<100000x512xf32, #tpu.memory_space<hbm>>) dst(%arg13 : memref<64x512xf32, #tpu.memory_space<vmem>>)
    %add3A_28 = arith.constant 0 : i32
    %add3A_29 = arith.addi %mul3A_2, %add3A_28 : i32
    %dma_start3A_30 = arith.constant 0 : i32
    %dma_start3A_31 = tpu.memref_slice %arg7[%add3A_29, %dma_start3A_30] : memref<4096x512xf32, #tpu.memory_space<hbm>> -> memref<64x512xf32, #tpu.memory_space<hbm>>
    %dma_start3A_32 = arith.constant 0 : i32
    %dma_start3A_33 = tpu.memref_slice %arg7[%add3A_29, %dma_start3A_32] : memref<4096x512xf32, #tpu.memory_space<hbm>> -> memref<64x512xf32, #tpu.memory_space<hbm>>
    tpu.enqueue_dma source(%arg13 : memref<64x512xf32, #tpu.memory_space<vmem>>) target(%dma_start3A_33 : memref<64x512xf32, #tpu.memory_space<hbm>>) target_semaphore(%arg21 : memref<!tpu.dma_semaphore, #tpu.memory_space<semaphore_mem>>)
    %dma_wait3A_34 = arith.constant 64 : i32
    %dma_wait3A_35 = tpu.memref_slice %arg10[%dma_wait3A_34] : memref<128xi32, #tpu.memory_space<vmem>> -> memref<64xi32, #tpu.memory_space<vmem>>
    %dma_wait3A_36 = arith.constant 0 : i32
    %dma_wait3A_37 = arith.constant 0 : i32
    %dma_wait3A_38 = tpu.memref_slice %arg2[%dma_wait3A_36, %dma_wait3A_37] : memref<100000x512xf32, #tpu.memory_space<hbm>> -> memref<100000x512xf32, #tpu.memory_space<hbm>>
    tpu.wait_indirect_dma semaphore(%arg18 : memref<!tpu.dma_semaphore, #tpu.memory_space<semaphore_mem>>) src(%dma_wait3A_38 : memref<100000x512xf32, #tpu.memory_space<hbm>>) dst(%arg14 : memref<64x512xf32, #tpu.memory_space<vmem>>)
    %add3A_39 = arith.constant 64 : i32
    %add3A_40 = arith.addi %mul3A_2, %add3A_39 : i32
    %dma_start3A_41 = arith.constant 0 : i32
    %dma_start3A_42 = tpu.memref_slice %arg7[%add3A_40, %dma_start3A_41] : memref<4096x512xf32, #tpu.memory_space<hbm>> -> memref<64x512xf32, #tpu.memory_space<hbm>>
    %dma_start3A_43 = arith.constant 0 : i32
    %dma_start3A_44 = tpu.memref_slice %arg7[%add3A_40, %dma_start3A_43] : memref<4096x512xf32, #tpu.memory_space<hbm>> -> memref<64x512xf32, #tpu.memory_space<hbm>>
    tpu.enqueue_dma source(%arg14 : memref<64x512xf32, #tpu.memory_space<vmem>>) target(%dma_start3A_44 : memref<64x512xf32, #tpu.memory_space<hbm>>) target_semaphore(%arg22 : memref<!tpu.dma_semaphore, #tpu.memory_space<semaphore_mem>>)
    %dma_wait3A_45 = arith.constant 0 : i32
    %dma_wait3A_46 = tpu.memref_slice %arg7[%add3A_29, %dma_wait3A_45] : memref<4096x512xf32, #tpu.memory_space<hbm>> -> memref<64x512xf32, #tpu.memory_space<hbm>>
    %dma_wait3A_47 = arith.constant 0 : i32
    %dma_wait3A_48 = tpu.memref_slice %arg7[%add3A_29, %dma_wait3A_47] : memref<4096x512xf32, #tpu.memory_space<hbm>> -> memref<64x512xf32, #tpu.memory_space<hbm>>
    tpu.wait_dma2 semaphore(%arg21 : memref<!tpu.dma_semaphore, #tpu.memory_space<semaphore_mem>>) src(%arg13 : memref<64x512xf32, #tpu.memory_space<vmem>>) dst(%dma_wait3A_48 : memref<64x512xf32, #tpu.memory_space<hbm>>)
    %dma_start3A_49 = arith.constant 64 : i32
    %dma_start3A_50 = tpu.memref_slice %arg12[%dma_start3A_49] : memref<128xi32, #tpu.memory_space<vmem>> -> memref<64xi32, #tpu.memory_space<vmem>>
    %dma_start3A_51 = arith.constant 0 : i32
    %dma_start3A_52 = arith.constant 0 : i32
    %dma_start3A_53 = tpu.memref_slice %arg2[%dma_start3A_51, %dma_start3A_52] : memref<100000x512xf32, #tpu.memory_space<hbm>> -> memref<100000x512xf32, #tpu.memory_space<hbm>>
    tpu.enqueue_indirect_dma source(%dma_start3A_53 : memref<100000x512xf32, #tpu.memory_space<hbm>>) target(%arg13 : memref<64x512xf32, #tpu.memory_space<vmem>>) offsets(%dma_start3A_50 : memref<64xi32, #tpu.memory_space<vmem>>) semaphore(%arg17 : memref<!tpu.dma_semaphore, #tpu.memory_space<semaphore_mem>>)
    %dma_wait3A_54 = arith.constant 0 : i32
    %dma_wait3A_55 = tpu.memref_slice %arg11[%dma_wait3A_54] : memref<128xi32, #tpu.memory_space<vmem>> -> memref<64xi32, #tpu.memory_space<vmem>>
    %dma_wait3A_56 = arith.constant 0 : i32
    %dma_wait3A_57 = arith.constant 0 : i32
    %dma_wait3A_58 = tpu.memref_slice %arg3[%dma_wait3A_56, %dma_wait3A_57] : memref<100000x256xf32, #tpu.memory_space<hbm>> -> memref<100000x256xf32, #tpu.memory_space<hbm>>
    tpu.wait_indirect_dma semaphore(%arg20 : memref<!tpu.dma_semaphore, #tpu.memory_space<semaphore_mem>>) src(%dma_wait3A_58 : memref<100000x256xf32, #tpu.memory_space<hbm>>) dst(%arg16 : memref<64x256xf32, #tpu.memory_space<vmem>>)
    %add3A_59 = arith.constant 0 : i32
    %add3A_60 = arith.addi %mul3A_2, %add3A_59 : i32
    %dma_start3A_61 = arith.constant 0 : i32
    %dma_start3A_62 = tpu.memref_slice %arg9[%add3A_60, %dma_start3A_61] : memref<4096x256xf32, #tpu.memory_space<hbm>> -> memref<64x256xf32, #tpu.memory_space<hbm>>
    %dma_start3A_63 = arith.constant 0 : i32
    %dma_start3A_64 = tpu.memref_slice %arg9[%add3A_60, %dma_start3A_63] : memref<4096x256xf32, #tpu.memory_space<hbm>> -> memref<64x256xf32, #tpu.memory_space<hbm>>
    tpu.enqueue_dma source(%arg16 : memref<64x256xf32, #tpu.memory_space<vmem>>) target(%dma_start3A_64 : memref<64x256xf32, #tpu.memory_space<hbm>>) target_semaphore(%arg24 : memref<!tpu.dma_semaphore, #tpu.memory_space<semaphore_mem>>)
    %dma_wait3A_65 = arith.constant 0 : i32
    %dma_wait3A_66 = tpu.memref_slice %arg9[%add3A_60, %dma_wait3A_65] : memref<4096x256xf32, #tpu.memory_space<hbm>> -> memref<64x256xf32, #tpu.memory_space<hbm>>
    %dma_wait3A_67 = arith.constant 0 : i32
    %dma_wait3A_68 = tpu.memref_slice %arg9[%add3A_60, %dma_wait3A_67] : memref<4096x256xf32, #tpu.memory_space<hbm>> -> memref<64x256xf32, #tpu.memory_space<hbm>>
    tpu.wait_dma2 semaphore(%arg24 : memref<!tpu.dma_semaphore, #tpu.memory_space<semaphore_mem>>) src(%arg16 : memref<64x256xf32, #tpu.memory_space<vmem>>) dst(%dma_wait3A_68 : memref<64x256xf32, #tpu.memory_space<hbm>>)
    %dma_start3A_69 = arith.constant 64 : i32
    %dma_start3A_70 = tpu.memref_slice %arg11[%dma_start3A_69] : memref<128xi32, #tpu.memory_space<vmem>> -> memref<64xi32, #tpu.memory_space<vmem>>
    %dma_start3A_71 = arith.constant 0 : i32
    %dma_start3A_72 = arith.constant 0 : i32
    %dma_start3A_73 = tpu.memref_slice %arg3[%dma_start3A_71, %dma_start3A_72] : memref<100000x256xf32, #tpu.memory_space<hbm>> -> memref<100000x256xf32, #tpu.memory_space<hbm>>
    tpu.enqueue_indirect_dma source(%dma_start3A_73 : memref<100000x256xf32, #tpu.memory_space<hbm>>) target(%arg16 : memref<64x256xf32, #tpu.memory_space<vmem>>) offsets(%dma_start3A_70 : memref<64xi32, #tpu.memory_space<vmem>>) semaphore(%arg20 : memref<!tpu.dma_semaphore, #tpu.memory_space<semaphore_mem>>)
    %dma_wait3A_74 = arith.constant 0 : i32
    %dma_wait3A_75 = tpu.memref_slice %arg12[%dma_wait3A_74] : memref<128xi32, #tpu.memory_space<vmem>> -> memref<64xi32, #tpu.memory_space<vmem>>
    %dma_wait3A_76 = arith.constant 0 : i32
    %dma_wait3A_77 = arith.constant 0 : i32
    %dma_wait3A_78 = tpu.memref_slice %arg2[%dma_wait3A_76, %dma_wait3A_77] : memref<100000x512xf32, #tpu.memory_space<hbm>> -> memref<100000x512xf32, #tpu.memory_space<hbm>>
    tpu.wait_indirect_dma semaphore(%arg19 : memref<!tpu.dma_semaphore, #tpu.memory_space<semaphore_mem>>) src(%dma_wait3A_78 : memref<100000x512xf32, #tpu.memory_space<hbm>>) dst(%arg15 : memref<64x512xf32, #tpu.memory_space<vmem>>)
    %add3A_79 = arith.constant 0 : i32
    %add3A_80 = arith.addi %mul3A_2, %add3A_79 : i32
    %dma_start3A_81 = arith.constant 0 : i32
    %dma_start3A_82 = tpu.memref_slice %arg8[%add3A_80, %dma_start3A_81] : memref<4096x512xf32, #tpu.memory_space<hbm>> -> memref<64x512xf32, #tpu.memory_space<hbm>>
    %dma_start3A_83 = arith.constant 0 : i32
    %dma_start3A_84 = tpu.memref_slice %arg8[%add3A_80, %dma_start3A_83] : memref<4096x512xf32, #tpu.memory_space<hbm>> -> memref<64x512xf32, #tpu.memory_space<hbm>>
    tpu.enqueue_dma source(%arg15 : memref<64x512xf32, #tpu.memory_space<vmem>>) target(%dma_start3A_84 : memref<64x512xf32, #tpu.memory_space<hbm>>) target_semaphore(%arg23 : memref<!tpu.dma_semaphore, #tpu.memory_space<semaphore_mem>>)
    %dma_wait3A_85 = arith.constant 64 : i32
    %dma_wait3A_86 = tpu.memref_slice %arg12[%dma_wait3A_85] : memref<128xi32, #tpu.memory_space<vmem>> -> memref<64xi32, #tpu.memory_space<vmem>>
    %dma_wait3A_87 = arith.constant 0 : i32
    %dma_wait3A_88 = arith.constant 0 : i32
    %dma_wait3A_89 = tpu.memref_slice %arg2[%dma_wait3A_87, %dma_wait3A_88] : memref<100000x512xf32, #tpu.memory_space<hbm>> -> memref<100000x512xf32, #tpu.memory_space<hbm>>
    tpu.wait_indirect_dma semaphore(%arg17 : memref<!tpu.dma_semaphore, #tpu.memory_space<semaphore_mem>>) src(%dma_wait3A_89 : memref<100000x512xf32, #tpu.memory_space<hbm>>) dst(%arg13 : memref<64x512xf32, #tpu.memory_space<vmem>>)
    %add3A_90 = arith.constant 64 : i32
    %add3A_91 = arith.addi %mul3A_2, %add3A_90 : i32
    %dma_start3A_92 = arith.constant 0 : i32
    %dma_start3A_93 = tpu.memref_slice %arg8[%add3A_91, %dma_start3A_92] : memref<4096x512xf32, #tpu.memory_space<hbm>> -> memref<64x512xf32, #tpu.memory_space<hbm>>
    %dma_start3A_94 = arith.constant 0 : i32
    %dma_start3A_95 = tpu.memref_slice %arg8[%add3A_91, %dma_start3A_94] : memref<4096x512xf32, #tpu.memory_space<hbm>> -> memref<64x512xf32, #tpu.memory_space<hbm>>
    tpu.enqueue_dma source(%arg13 : memref<64x512xf32, #tpu.memory_space<vmem>>) target(%dma_start3A_95 : memref<64x512xf32, #tpu.memory_space<hbm>>) target_semaphore(%arg21 : memref<!tpu.dma_semaphore, #tpu.memory_space<semaphore_mem>>)
    %dma_wait3A_96 = arith.constant 64 : i32
    %dma_wait3A_97 = tpu.memref_slice %arg11[%dma_wait3A_96] : memref<128xi32, #tpu.memory_space<vmem>> -> memref<64xi32, #tpu.memory_space<vmem>>
    %dma_wait3A_98 = arith.constant 0 : i32
    %dma_wait3A_99 = arith.constant 0 : i32
    %dma_wait3A_100 = tpu.memref_slice %arg3[%dma_wait3A_98, %dma_wait3A_99] : memref<100000x256xf32, #tpu.memory_space<hbm>> -> memref<100000x256xf32, #tpu.memory_space<hbm>>
    tpu.wait_indirect_dma semaphore(%arg20 : memref<!tpu.dma_semaphore, #tpu.memory_space<semaphore_mem>>) src(%dma_wait3A_100 : memref<100000x256xf32, #tpu.memory_space<hbm>>) dst(%arg16 : memref<64x256xf32, #tpu.memory_space<vmem>>)
    %add3A_101 = arith.constant 64 : i32
    %add3A_102 = arith.addi %mul3A_2, %add3A_101 : i32
    %dma_start3A_103 = arith.constant 0 : i32
    %dma_start3A_104 = tpu.memref_slice %arg9[%add3A_102, %dma_start3A_103] : memref<4096x256xf32, #tpu.memory_space<hbm>> -> memref<64x256xf32, #tpu.memory_space<hbm>>
    %dma_start3A_105 = arith.constant 0 : i32
    %dma_start3A_106 = tpu.memref_slice %arg9[%add3A_102, %dma_start3A_105] : memref<4096x256xf32, #tpu.memory_space<hbm>> -> memref<64x256xf32, #tpu.memory_space<hbm>>
    tpu.enqueue_dma source(%arg16 : memref<64x256xf32, #tpu.memory_space<vmem>>) target(%dma_start3A_106 : memref<64x256xf32, #tpu.memory_space<hbm>>) target_semaphore(%arg24 : memref<!tpu.dma_semaphore, #tpu.memory_space<semaphore_mem>>)
    %dma_wait3A_107 = arith.constant 0 : i32
    %dma_wait3A_108 = tpu.memref_slice %arg7[%add3A_40, %dma_wait3A_107] : memref<4096x512xf32, #tpu.memory_space<hbm>> -> memref<64x512xf32, #tpu.memory_space<hbm>>
    %dma_wait3A_109 = arith.constant 0 : i32
    %dma_wait3A_110 = tpu.memref_slice %arg7[%add3A_40, %dma_wait3A_109] : memref<4096x512xf32, #tpu.memory_space<hbm>> -> memref<64x512xf32, #tpu.memory_space<hbm>>
    tpu.wait_dma2 semaphore(%arg22 : memref<!tpu.dma_semaphore, #tpu.memory_space<semaphore_mem>>) src(%arg14 : memref<64x512xf32, #tpu.memory_space<vmem>>) dst(%dma_wait3A_110 : memref<64x512xf32, #tpu.memory_space<hbm>>)
    %dma_wait3A_111 = arith.constant 0 : i32
    %dma_wait3A_112 = tpu.memref_slice %arg8[%add3A_80, %dma_wait3A_111] : memref<4096x512xf32, #tpu.memory_space<hbm>> -> memref<64x512xf32, #tpu.memory_space<hbm>>
    %dma_wait3A_113 = arith.constant 0 : i32
    %dma_wait3A_114 = tpu.memref_slice %arg8[%add3A_80, %dma_wait3A_113] : memref<4096x512xf32, #tpu.memory_space<hbm>> -> memref<64x512xf32, #tpu.memory_space<hbm>>
    tpu.wait_dma2 semaphore(%arg23 : memref<!tpu.dma_semaphore, #tpu.memory_space<semaphore_mem>>) src(%arg15 : memref<64x512xf32, #tpu.memory_space<vmem>>) dst(%dma_wait3A_114 : memref<64x512xf32, #tpu.memory_space<hbm>>)
    %dma_wait3A_115 = arith.constant 0 : i32
    %dma_wait3A_116 = tpu.memref_slice %arg8[%add3A_91, %dma_wait3A_115] : memref<4096x512xf32, #tpu.memory_space<hbm>> -> memref<64x512xf32, #tpu.memory_space<hbm>>
    %dma_wait3A_117 = arith.constant 0 : i32
    %dma_wait3A_118 = tpu.memref_slice %arg8[%add3A_91, %dma_wait3A_117] : memref<4096x512xf32, #tpu.memory_space<hbm>> -> memref<64x512xf32, #tpu.memory_space<hbm>>
    tpu.wait_dma2 semaphore(%arg21 : memref<!tpu.dma_semaphore, #tpu.memory_space<semaphore_mem>>) src(%arg13 : memref<64x512xf32, #tpu.memory_space<vmem>>) dst(%dma_wait3A_118 : memref<64x512xf32, #tpu.memory_space<hbm>>)
    %dma_wait3A_119 = arith.constant 0 : i32
    %dma_wait3A_120 = tpu.memref_slice %arg9[%add3A_102, %dma_wait3A_119] : memref<4096x256xf32, #tpu.memory_space<hbm>> -> memref<64x256xf32, #tpu.memory_space<hbm>>
    %dma_wait3A_121 = arith.constant 0 : i32
    %dma_wait3A_122 = tpu.memref_slice %arg9[%add3A_102, %dma_wait3A_121] : memref<4096x256xf32, #tpu.memory_space<hbm>> -> memref<64x256xf32, #tpu.memory_space<hbm>>
    tpu.wait_dma2 semaphore(%arg24 : memref<!tpu.dma_semaphore, #tpu.memory_space<semaphore_mem>>) src(%arg16 : memref<64x256xf32, #tpu.memory_space<vmem>>) dst(%dma_wait3A_122 : memref<64x256xf32, #tpu.memory_space<hbm>>)
    return
  }
}

module attributes {stable_mosaic.version = 14 : i64} {
  func.func @body(%arg0: i32, %arg1: memref<2048x512xf32, #tpu.memory_space<vmem>>, %arg2: memref<2048x512xf32, #tpu.memory_space<vmem>>, %arg3: memref<2048x256xf32, #tpu.memory_space<vmem>>, %arg4: memref<2048x1xf32, #tpu.memory_space<vmem>>) attributes {dimension_semantics = [#tpu.dimension_semantics<arbitrary>], iteration_bounds = array<i64: 2>, scalar_prefetch = 0 : i64, scratch_operands = 0 : i64, tpu.core_type = #tpu.core_type<tc>, window_params = [{transform_indices = @transform_0, window_bounds = array<i64: 2048, 512>}, {transform_indices = @transform_1, window_bounds = array<i64: 2048, 512>}, {transform_indices = @transform_2, window_bounds = array<i64: 2048, 256>}, {transform_indices = @transform_3, window_bounds = array<i64: 2048, 1>}]} {
    %get3A = arith.constant 0 : index
    %get3A_0 = arith.constant 0 : index
    %get3A_1 = vector.load %arg1[%get3A, %get3A_0] : memref<2048x512xf32, #tpu.memory_space<vmem>>, vector<2048x512xf32>
    %get3A_2 = arith.constant 0 : index
    %get3A_3 = arith.constant 0 : index
    %get3A_4 = vector.load %arg2[%get3A_2, %get3A_3] : memref<2048x512xf32, #tpu.memory_space<vmem>>, vector<2048x512xf32>
    %get3A_5 = arith.constant 0 : index
    %get3A_6 = arith.constant 0 : index
    %get3A_7 = vector.load %arg3[%get3A_5, %get3A_6] : memref<2048x256xf32, #tpu.memory_space<vmem>>, vector<2048x256xf32>
    %slice3A = vector.extract_strided_slice %get3A_1 {offsets = [0, 0], sizes = [2048, 256], strides = [1, 1]} : vector<2048x512xf32> to vector<2048x256xf32>
    %mul3A = arith.constant 0.0157869216 : f32
    %mul3A_8 = vector.broadcast %mul3A : f32 to vector<2048x256xf32>
    %mul3A_9 = arith.mulf %slice3A, %mul3A_8 : vector<2048x256xf32>
    %slice3A_10 = vector.extract_strided_slice %get3A_1 {offsets = [0, 256], sizes = [2048, 256], strides = [1, 1]} : vector<2048x512xf32> to vector<2048x256xf32>
    %mul3A_11 = arith.constant 0.0157869216 : f32
    %mul3A_12 = vector.broadcast %mul3A_11 : f32 to vector<2048x256xf32>
    %mul3A_13 = arith.mulf %slice3A_10, %mul3A_12 : vector<2048x256xf32>
    %mul3A_14 = arith.constant 114.892532 : f32
    %mul3A_15 = vector.broadcast %mul3A_14 : f32 to vector<2048x256xf32>
    %mul3A_16 = arith.mulf %get3A_7, %mul3A_15 : vector<2048x256xf32>
    %mul3A_17 = arith.mulf %mul3A_16, %mul3A_16 : vector<2048x256xf32>
    %broadcast_in_dim3A = arith.constant -9.7224867E-12 : f32
    %broadcast_in_dim3A_18 = vector.broadcast %broadcast_in_dim3A : f32 to vector<2048x256xf32>
    %mul3A_19 = arith.mulf %broadcast_in_dim3A_18, %mul3A_17 : vector<2048x256xf32>
    %add3A = arith.constant 2.060360e-09 : f32
    %add3A_20 = vector.broadcast %add3A : f32 to vector<2048x256xf32>
    %add3A_21 = arith.addf %mul3A_19, %add3A_20 : vector<2048x256xf32>
    %mul3A_22 = arith.mulf %add3A_21, %mul3A_17 : vector<2048x256xf32>
    %add3A_23 = arith.constant -2.75348043E-7 : f32
    %add3A_24 = vector.broadcast %add3A_23 : f32 to vector<2048x256xf32>
    %add3A_25 = arith.addf %mul3A_22, %add3A_24 : vector<2048x256xf32>
    %mul3A_26 = arith.mulf %add3A_25, %mul3A_17 : vector<2048x256xf32>
    %add3A_27 = arith.constant 2.48005545E-5 : f32
    %add3A_28 = vector.broadcast %add3A_27 : f32 to vector<2048x256xf32>
    %add3A_29 = arith.addf %mul3A_26, %add3A_28 : vector<2048x256xf32>
    %mul3A_30 = arith.mulf %add3A_29, %mul3A_17 : vector<2048x256xf32>
    %add3A_31 = arith.constant -0.00138888636 : f32
    %add3A_32 = vector.broadcast %add3A_31 : f32 to vector<2048x256xf32>
    %add3A_33 = arith.addf %mul3A_30, %add3A_32 : vector<2048x256xf32>
    %mul3A_34 = arith.mulf %add3A_33, %mul3A_17 : vector<2048x256xf32>
    %add3A_35 = arith.constant 0.0416666642 : f32
    %add3A_36 = vector.broadcast %add3A_35 : f32 to vector<2048x256xf32>
    %add3A_37 = arith.addf %mul3A_34, %add3A_36 : vector<2048x256xf32>
    %mul3A_38 = arith.mulf %add3A_37, %mul3A_17 : vector<2048x256xf32>
    %add3A_39 = arith.constant -5.000000e-01 : f32
    %add3A_40 = vector.broadcast %add3A_39 : f32 to vector<2048x256xf32>
    %add3A_41 = arith.addf %mul3A_38, %add3A_40 : vector<2048x256xf32>
    %mul3A_42 = arith.mulf %add3A_41, %mul3A_17 : vector<2048x256xf32>
    %add3A_43 = arith.constant 1.000000e+00 : f32
    %add3A_44 = vector.broadcast %add3A_43 : f32 to vector<2048x256xf32>
    %add3A_45 = arith.addf %mul3A_42, %add3A_44 : vector<2048x256xf32>
    %broadcast_in_dim3A_46 = arith.constant 1.36130981E-10 : f32
    %broadcast_in_dim3A_47 = vector.broadcast %broadcast_in_dim3A_46 : f32 to vector<2048x256xf32>
    %mul3A_48 = arith.mulf %broadcast_in_dim3A_47, %mul3A_17 : vector<2048x256xf32>
    %add3A_49 = arith.constant -2.47288146E-8 : f32
    %add3A_50 = vector.broadcast %add3A_49 : f32 to vector<2048x256xf32>
    %add3A_51 = arith.addf %mul3A_48, %add3A_50 : vector<2048x256xf32>
    %mul3A_52 = arith.mulf %add3A_51, %mul3A_17 : vector<2048x256xf32>
    %add3A_53 = arith.constant 2.75358502E-6 : f32
    %add3A_54 = vector.broadcast %add3A_53 : f32 to vector<2048x256xf32>
    %add3A_55 = arith.addf %mul3A_52, %add3A_54 : vector<2048x256xf32>
    %mul3A_56 = arith.mulf %add3A_55, %mul3A_17 : vector<2048x256xf32>
    %add3A_57 = arith.constant -1.98405338E-4 : f32
    %add3A_58 = vector.broadcast %add3A_57 : f32 to vector<2048x256xf32>
    %add3A_59 = arith.addf %mul3A_56, %add3A_58 : vector<2048x256xf32>
    %mul3A_60 = arith.mulf %add3A_59, %mul3A_17 : vector<2048x256xf32>
    %add3A_61 = arith.constant 0.00833332166 : f32
    %add3A_62 = vector.broadcast %add3A_61 : f32 to vector<2048x256xf32>
    %add3A_63 = arith.addf %mul3A_60, %add3A_62 : vector<2048x256xf32>
    %mul3A_64 = arith.mulf %add3A_63, %mul3A_17 : vector<2048x256xf32>
    %add3A_65 = arith.constant -0.166666657 : f32
    %add3A_66 = vector.broadcast %add3A_65 : f32 to vector<2048x256xf32>
    %add3A_67 = arith.addf %mul3A_64, %add3A_66 : vector<2048x256xf32>
    %mul3A_68 = arith.mulf %add3A_67, %mul3A_17 : vector<2048x256xf32>
    %add3A_69 = arith.constant 1.000000e+00 : f32
    %add3A_70 = vector.broadcast %add3A_69 : f32 to vector<2048x256xf32>
    %add3A_71 = arith.addf %mul3A_68, %add3A_70 : vector<2048x256xf32>
    %mul3A_72 = arith.mulf %add3A_71, %mul3A_16 : vector<2048x256xf32>
    %mul3A_73 = arith.mulf %mul3A_9, %add3A_45 : vector<2048x256xf32>
    %mul3A_74 = arith.mulf %mul3A_13, %mul3A_72 : vector<2048x256xf32>
    %sub3A = arith.subf %mul3A_73, %mul3A_74 : vector<2048x256xf32>
    %slice3A_75 = vector.extract_strided_slice %get3A_4 {offsets = [0, 0], sizes = [2048, 256], strides = [1, 1]} : vector<2048x512xf32> to vector<2048x256xf32>
    %mul3A_76 = arith.constant 0.0157869216 : f32
    %mul3A_77 = vector.broadcast %mul3A_76 : f32 to vector<2048x256xf32>
    %mul3A_78 = arith.mulf %slice3A_75, %mul3A_77 : vector<2048x256xf32>
    %sub3A_79 = arith.subf %sub3A, %mul3A_78 : vector<2048x256xf32>
    %mul3A_80 = arith.mulf %mul3A_9, %mul3A_72 : vector<2048x256xf32>
    %mul3A_81 = arith.mulf %mul3A_13, %add3A_45 : vector<2048x256xf32>
    %add3A_82 = arith.addf %mul3A_80, %mul3A_81 : vector<2048x256xf32>
    %slice3A_83 = vector.extract_strided_slice %get3A_4 {offsets = [0, 256], sizes = [2048, 256], strides = [1, 1]} : vector<2048x512xf32> to vector<2048x256xf32>
    %mul3A_84 = arith.constant 0.0157869216 : f32
    %mul3A_85 = vector.broadcast %mul3A_84 : f32 to vector<2048x256xf32>
    %mul3A_86 = arith.mulf %slice3A_83, %mul3A_85 : vector<2048x256xf32>
    %sub3A_87 = arith.subf %add3A_82, %mul3A_86 : vector<2048x256xf32>
    %mul3A_88 = arith.mulf %sub3A_79, %sub3A_79 : vector<2048x256xf32>
    %mul3A_89 = arith.mulf %sub3A_87, %sub3A_87 : vector<2048x256xf32>
    %add3A_90 = arith.addf %mul3A_88, %mul3A_89 : vector<2048x256xf32>
    %sqrt3A = math.sqrt %add3A_90 : vector<2048x256xf32>
    %reduce_sum3A = arith.constant dense<0.000000e+00> : vector<2048xf32>
    %reduce_sum3A_91 = vector.multi_reduction <add>, %sqrt3A, %reduce_sum3A [1] : vector<2048x256xf32> to vector<2048xf32>
    %broadcast_in_dim3A_92 = vector.shape_cast %reduce_sum3A_91 : vector<2048xf32> to vector<2048x1xf32>
    %sub3A_93 = arith.constant 1.200000e+01 : f32
    %sub3A_94 = vector.broadcast %sub3A_93 : f32 to vector<2048x1xf32>
    %sub3A_95 = arith.subf %sub3A_94, %broadcast_in_dim3A_92 : vector<2048x1xf32>
    %swap3A = arith.constant 0 : index
    %swap3A_96 = arith.constant 0 : index
    %swap3A_97 = vector.load %arg4[%swap3A, %swap3A_96] : memref<2048x1xf32, #tpu.memory_space<vmem>>, vector<2048x1xf32>
    tpu.vector_store %arg4[%swap3A, %swap3A_96], %sub3A_95 {strides = array<i32>} : memref<2048x1xf32, #tpu.memory_space<vmem>>, vector<2048x1xf32>,
    return
  }
  func.func @transform_0(%arg0: i32) -> (i32, i32) {
    %c0_i32 = arith.constant 0 : i32
    %c0_i32_0 = arith.constant 0 : i32
    return %arg0, %c0_i32 : i32, i32
  }
  func.func @transform_1(%arg0: i32) -> (i32, i32) {
    %c0_i32 = arith.constant 0 : i32
    %c0_i32_0 = arith.constant 0 : i32
    return %arg0, %c0_i32 : i32, i32
  }
  func.func @transform_2(%arg0: i32) -> (i32, i32) {
    %c0_i32 = arith.constant 0 : i32
    %c0_i32_0 = arith.constant 0 : i32
    return %arg0, %c0_i32 : i32, i32
  }
  func.func @transform_3(%arg0: i32) -> (i32, i32) {
    %c0_i32 = arith.constant 0 : i32
    %c0_i32_0 = arith.constant 0 : i32
    return %arg0, %c0_i32 : i32, i32
  }
}

</mosaic_0001>

<sc_bundles>
// kernel: kernel.10.cloned.1.call-start
scs
__scs_entry_jumppad:
0x0: {  	(pc) =	sbr.rel $0x88, $3  }
0x1: {  	(tag) =	ssettag $0x0;
	lr =	simm.s32 $0x1  }
0x2: {  	[smem:$0x3F9E] =	sst lr;
	_ =	strace $0xD0000000  }
0x3: {  	_ = 	snop  }
0x4: {  	_ = 	snop  }
0x5: {  	_ = 	snop  }
0x6: {  	_ = 	snop  }
0x7: {  	_ = 	snop  }
__scs_overlays_trampoline_lowered:
0x8: {  	[smem:$0x3FAD] =	sst s0  }
0x9: {  	[smem:$0x3FAE] =	sst s1  }
0xa: {  	[smem:$0x3FAF] =	sst s2  }
0xb: {  	[smem:$0x3FB0] =	sst s3  }
0xc: {  	[smem:$0x3FB1] =	sst s4  }
0xd: {  	[smem:$0x3FB2] =	sst s5  }
0xe: {  	[smem:$0x3FB3] =	sst s6  }
0xf: {  	[smem:$0x3FB4] =	sst s7  }
0x10: {  	[smem:$0x3FB5] =	sst s8  }
0x11: {  	[smem:$0x3FB6] =	sst s9;
	s0 =	simm.s32 @!p0 $0x0  }
0x12: {  	s1 =	sld [smem:$0x3F9C];
	s0 =	simm.s32 @p0 $0x1  }
0x13: {  	[smem:$0x3FB7] =	sst s0;
	s0 =	simm.s32 @!p1 $0x0  }
0x14: {  	s2 =	sld [smem:$0x3F9B];
	s0 =	simm.s32 @p1 $0x1  }
0x15: {  	[smem:$0x3FB8] =	sst s0;
	s0 =	simm.s32 @!p2 $0x0  }
0x16: {  	s3 =	sld [smem:$0x3FDB];
	s0 =	simm.s32 @p2 $0x1  }
0x17: {  	s4 =	simm.s32 $0x1BF5;
	[smem:$0x3FBA] =	sst s0  }
0x18: {  	s0 =	sld [smem:$0x3F9D];
	_ =	swait.ge [sflag:s4], $0x0  }
0x19: {  	s7 =	sld [smem:$0x3F9E]  }
0x1a: {  	s8 =	sadd.s32 $0xFFFFE003, lr  }
0x1b: {  	s9 =	sadd.s32 $0xFFFFFEF7, lr;
	s5 =	simm.s32 $0xFFFFFFFF;
	p2 =	slt.u32 s8, $0xFFFFF086  }
0x1c: {  	p1 =	slt.u32 s9, $0xF7A;
	s5 =	simm.s32 @!p2 $0x0  }
0x1d: {  	s5 =	simm.s32 @p1 $0x1;
	p0 =	seq.s32 s7, s2  }
0x1e: {  	s7 =	smul.u32 @!p0 $0xF7A, s2;
	p2 =	seq.s32 @!p0 s5, $0x0  }
0x1f: {  	s9 =	smul.u32 $0xF7A, s1;
	s8 =	simm.s32 @!p0 $0x1BF5;
	p2 =	por !p2, p0  }
0x20: {  	[sflag:s8] =	ssyncset.s32 @!p0 $0xFFFFF086;
	s6 =	sadd.s32 @!p0 s3, s7;
	s7 =	simm.s32 @!p0 $0x108  }
0x21: {  	s3 =	sadd.s32 s3, s9;
	s6 =	sadd.s32 @!p0 $0x88, s6;
	s7 =	simm.s32 @p2 $0x1082  }
0x22: {  	[simem:s7], [sflag:s8] =	dma.local @!p0 [hbm:s6], $0xF7A  }
0x23: {  	s9 =	sor.u32 $0xD0000000, s2;
	s6 =	simm.s32 $0x108;
	_ =	swait.ge @!p0 [sflag:s8], $0x0  }
0x24: {  	s3 =	sadd.s32 $0x88, s3;
	s6 =	simm.s32 @!p1 $0x1082;
	[sflag:s4] =	ssyncset.s32 $0xFFFFF086  }
0x25: {  	[simem:s6], [sflag:s4] =	dma.local [hbm:s3], $0xF7A  }
0x26: {  	[smem:$0x3F9E] =	sst s1;
	(tag) =	ssettag s2;
	_ =	strace s9  }
0x27: {  	s1 =	sld [smem:$0x3FAE]  }
0x28: {  	s2 =	sld [smem:$0x3FAF]  }
0x29: {  	s4 =	sld [smem:$0x3FB1]  }
0x2a: {  	p0 =	seq.s32 s5, $0x0;
	s5 =	sld [smem:$0x3FB2]  }
0x2b: {  	s6 =	sld [smem:$0x3FB3]  }
0x2c: {  	s7 =	sld [smem:$0x3FB4]  }
0x2d: {  	s3 =	simm.s32 $0x108;
	s8 =	sld [smem:$0x3FB5]  }
0x2e: {  	s3 =	simm.s32 @!p0 $0x1082;
	s9 =	sld [smem:$0x3FB6]  }
0x2f: {  	lr =	sadd.s32 s0, s3;
	s0 =	sld [smem:$0x3FAD]  }
0x30: {  	s3 =	sld [smem:$0x3FB0]  }
0x31: {  	[smem:$0x3FB9] =	sst s10  }
0x32: {  	s10 =	sld [smem:$0x3FB7];
	_ =	sdelay $0x3  }
0x33: {  	p0 =	seq.s32 s10, $0x1;
	s10 =	sld [smem:$0x3FB9];
	_ =	sdelay $0x3  }
0x34: {  	[smem:$0x3FB9] =	sst s10  }
0x35: {  	s10 =	sld [smem:$0x3FB8];
	_ =	sdelay $0x3  }
0x36: {  	p1 =	seq.s32 s10, $0x1;
	s10 =	sld [smem:$0x3FB9];
	_ =	sdelay $0x3  }
0x37: {  	[smem:$0x3FB9] =	sst s10  }
0x38: {  	s10 =	sld [smem:$0x3FBA]  }
0x39: {  	_ = 	snop;
	(pc) =	sbr.ind lr, $3  }
0x3a: {  	_ = 	snop  }
0x3b: {  	_ = 	snop  }
0x3c: {  	p2 =	seq.s32 s10, $0x1;
	s10 =	sld [smem:$0x3FB9]  }
0x3d: {  	_ =	shalt  }
0x3e: {  	_ =	shalt  }
0x3f: {  	_ =	shalt  }
0x40: {  	_ =	shalt  }
0x41: {  	_ =	shalt  }
0x42: {  	_ =	shalt  }
0x43: {  	_ =	shalt  }
0x44: {  	_ =	shalt  }
0x45: {  	_ =	shalt  }
0x46: {  	_ =	shalt  }
0x47: {  	_ =	shalt  }
0x48: {  	_ =	shalt  }
0x49: {  	_ =	shalt  }
0x4a: {  	_ =	shalt  }
0x4b: {  	_ =	shalt  }
0x4c: {  	_ =	shalt  }
0x4d: {  	_ =	shalt  }
0x4e: {  	_ =	shalt  }
0x4f: {  	_ =	shalt  }
0x50: {  	_ =	shalt  }
0x51: {  	_ =	shalt  }
0x52: {  	_ =	shalt  }
0x53: {  	_ =	shalt  }
0x54: {  	_ =	shalt  }
0x55: {  	_ =	shalt  }
0x56: {  	_ =	shalt  }
0x57: {  	_ =	shalt  }
0x58: {  	_ =	shalt  }
0x59: {  	_ =	shalt  }
0x5a: {  	_ =	shalt  }
0x5b: {  	_ =	shalt  }
0x5c: {  	_ =	shalt  }
0x5d: {  	_ =	shalt  }
0x5e: {  	_ =	shalt  }
0x5f: {  	_ =	shalt  }
0x60: {  	_ =	shalt  }
0x61: {  	_ =	shalt  }
0x62: {  	_ =	shalt  }
0x63: {  	_ =	shalt  }
0x64: {  	_ =	shalt  }
0x65: {  	_ =	shalt  }
0x66: {  	_ =	shalt  }
0x67: {  	_ =	shalt  }
0x68: {  	_ =	shalt  }
0x69: {  	_ =	shalt  }
0x6a: {  	_ =	shalt  }
0x6b: {  	_ =	shalt  }
0x6c: {  	_ =	shalt  }
0x6d: {  	_ =	shalt  }
0x6e: {  	_ =	shalt  }
0x6f: {  	_ =	shalt  }
0x70: {  	_ =	shalt  }
0x71: {  	_ =	shalt  }
0x72: {  	_ =	shalt  }
0x73: {  	_ =	shalt  }
0x74: {  	_ =	shalt  }
0x75: {  	_ =	shalt  }
0x76: {  	_ =	shalt  }
0x77: {  	_ =	shalt  }
0x78: {  	_ =	shalt  }
0x79: {  	_ =	shalt  }
0x7a: {  	_ =	shalt  }
0x7b: {  	_ =	shalt  }
0x7c: {  	_ =	shalt  }
0x7d: {  	_ =	shalt  }
0x7e: {  	_ =	shalt  }
0x7f: {  	_ =	shalt  }
0x80: {  	_ =	shalt  }
0x81: {  	_ =	shalt  }
0x82: {  	_ =	shalt  }
0x83: {  	_ =	shalt  }
0x84: {  	_ =	shalt  }
0x85: {  	_ =	shalt  }
0x86: {  	_ =	shalt  }
0x87: {  	_ =	shalt  }
.Lfunc_end0:
.L_simem_size_0:
called_computation_lowered:
.L_overlay_start_0:
0x88: {  	s2 =	sld [smem:$0x3FD9]  }
0x89: {  	s3 =	sld [smem:$0x3FFE];
	_ =	sdelay $0x1  }
0x8a: {  	s1 =	srdreg.scid  }
0x8b: {  	s0 =	sand.u32 $0x1, s1  }
0x8c: {  	s17 =	sshll.u32 s0, $0xA;
	s2 =	sadd.s32 s3, s2  }
0x8d: {  	s2 =	sadd.s32 s2, s17  }
0x8e: {  	[smem:$0x3FC5] =	sst s2  }
0x8f: {  	_ = 	snop  }
0x90: {  	s4 =	sld [smem:$0x3FC9]  }
0x91: {  	s5 =	sld [smem:$0x3FC7]  }
0x92: {  	s18 =	sld [smem:$0x3FD0];
	(tm) =	ssettm $0x1  }
0x93: {  	s19 =	sld [smem:$0x3FFB];
	_ =	sdelay $0x3  }
0x94: {  	_ =	strace s19  }
0x95: {  	s2 =	sld [smem:$0x3FFC];
	_ =	sdelay $0x3  }
0x96: {  	_ =	strace s2  }
0x97: {  	s2 =	sld [smem:$0x3FFD];
	_ =	sdelay $0x3  }
0x98: {  	_ =	strace s2  }
0x99: {  	_ =	strace $0x8FFFFFFF  }
0x9a: {  	s20 =	sld [smem:$0x3FDB];
	_ =	sdelay $0x1  }
0x9b: {  	s6 =	simm.s32 $_scs_section_size  }
0x9c: {  	s7 =	simm.s32 $_size__tile_overlayer_lowered;
	s8 =	simm.s32 $_tile_overlayer_lowered  }
0x9d: {  	s9 =	simm.s32 $0x1BFF;
	s21 =	sshll.u32 s8, $0x1;
	s6 =	sadd.s32 s6, s20  }
0x9e: {  	s22 =	simm.s32 $0x0;
	s7 =	sshll.u32 s7, $0x1;
	s8 =	sadd.s32 s21, s6  }
0x9f: {  	[timem:s22], [sflag:s9] =	dma.local [hbm:s8], s7  }
0xa0: {  	_ =	swait.ge [sflag:s9], s7  }
0xa1: {  	s7 =	ssub.s32 $0x0, s7;
	[sflag:s9] =	ssyncset.done $0x0  }
0xa2: {  	[sflag:s9] =	ssyncadd.s32 s7;
	_ =	sdelay $0x1  }
0xa3: {  	s23 =	simm.s32 $0x1B8B  }
0xa4: {  	_ =	swait.ge [sflag:s23], $0x1  }
0xa5: {  	[sflag:s23] =	ssyncset.done $0x0  }
0xa6: {  	[sflag:s23] =	ssyncadd.s32 $0xFFFFFFFF  }
0xa7: {  	s7 =	sld [smem:$0x0]  }
0xa8: {  	s8 =	sand.u32 $0xFFFFFFFE, s1  }
0xa9: {  	p0 =	sne.s32 s1, s8  }
0xaa: {  	s8 =	sshll.u32 @p0 s8, $0xE  }
0xab: {  	s8 =	sadd.s32 @p0 $0x11B8D, s8;
	s9 =	sshll.u32 @p0 s7, $0x11  }
0xac: {  	s8 =	sor.u32 @p0 s9, s8  }
0xad: {  	[sflag:s8] =	ssyncadd.remote.s32 @p0 $0x1;
	_ =	sdelay $0x1  }
0xae: {  	s8 =	simm.s32 @p0 $0x1B8D  }
0xaf: {  	_ =	swait.eq @p0 [sflag:s8], $0x1  }
0xb0: {  	[sflag:s8] =	ssyncadd.s32 @p0 $0xFFFFFFFF  }
0xb1: {  	s9 =	sshll.u32 @!p0 s1, $0xE  }
0xb2: {  	s9 =	sor.u32 @!p0 $0x4000, s9;
	s8 =	simm.s32 @!p0 $0x1B8D  }
0xb3: {  	s7 =	sshll.u32 @!p0 s7, $0x11;
	s9 =	sadd.s32 @!p0 $0x11B8D, s9;
	_ =	swait.eq @!p0 [sflag:s8], $0x1  }
0xb4: {  	s7 =	sor.u32 @!p0 s7, s9;
	[sflag:s8] =	ssyncadd.s32 @!p0 $0xFFFFFFFF  }
0xb5: {  	s25 =	simm.s32 $0x1B8E;
	s24 =	sld [smem:$0x3FFE];
	[sflag:s7] =	ssyncadd.remote.s32 @!p0 $0x1  }
0xb6: {  	s26 =	simm.s32 $execute0_lowered;
	[smem:$0x3FD2] =	sst s25  }
0xb7: {  	s8 =	sshll.u32 s26, $0x1;
	_ =	strace $0x8000004F;
	[dreg:$0x1] =	wrdreg $0xFFFFFFFF  }
0xb8: {  	s28 =	simm.s32 $_size_execute0_lowered;
	s6 =	sadd.s32 s6, s8;
	[dreg:$0x0] =	wrdreg $0x0  }
0xb9: {  	s8 =	sshll.u32 s28, $0x1;
	[dreg:$0x2] =	wrdreg s6  }
0xba: {  	[dreg:$0x3] =	wrdreg s8  }
0xbb: {  	[dreg:$0x4] =	wrdreg $0xC0  }
0xbc: {  	_ =	task [dreg:s22], $0x5FFFF  }
0xbd: {  	[dreg:$0x1] =	wrdreg $0xFFFFFFFF  }
0xbe: {  	[dreg:$0x0] =	wrdreg $0x60  }
0xbf: {  	[dreg:$0x2] =	wrdreg s4  }
0xc0: {  	[dreg:$0x3] =	wrdreg s5  }
0xc1: {  	[dreg:$0x4] =	wrdreg s24  }
0xc2: {  	[dreg:$0x5] =	wrdreg s18  }
0xc3: {  	[dreg:$0x6] =	wrdreg $0x9  }
0xc4: {  	_ =	task.clear_ibuf [dreg:s22], $0x7FFFF;
	_ =	strace $0x9000004F  }
0xc5: {  	s29 =	simm.s32 $0x9;
	_ =	strace $0x80000051  }
0xc6: {  	_ =	swait.ge [sflag:s29], $0x1  }
0xc7: {  	[sflag:s29] =	ssyncadd.s32 $0xFFFFFFFF  }
0xc8: {  	_ =	strace $0x90000051  }
0xc9: {  	_ =	sfence  }
0xca: {  	s30 =	sld [smem:$0x0];
	_ =	sdelay $0x2  }
0xcb: {  	s31 =	sshll.u32 s1, $0xD;
	s1 =	sshrl.u32 s1, $0x2  }
0xcc: {  	s4 =	sand.u32 $0x4000, s31;
	s1 =	sadd.s32 s1, s30  }
0xcd: {  	s0 =	sor.u32 s4, s0;
	s1 =	sshll.u32 s1, $0x11  }
0xce: {  	s0 =	sor.u32 s1, s0  }
0xcf: {  	s0 =	sadd.s32 $0x8F2B, s0  }
0xd0: {  	[sflag:s0] =	ssyncadd.remote.s32 $0x1  }
0xd1: {  	_ =	sfence.sel $0xFFFF  }
0xd2: {  	[dreg:$0x0] =	wrdreg $0xFFFFFFFF;
	(pc) =	sbr.abs _section_cstart, $3  }
0xd3: {  	[dreg:$0x1] =	wrdreg $0xFFFFFFFF  }
0xd4: {  	_ =	task.clear_ibuf [dreg:s22], $0x2FFFF;
	_ =	strace $0x9FFFFFFF  }
0xd5: {  	(tm) =	ssettm $0x7FFFFFFF  }
tec
execute0_lowered:
.L_overlay_start_1:
0x0: {  	(tag) =	ssettag $0x1  }
0x1: {  	s1 =	rddreg [dreg:$0x0];
	s0 =	srdreg.scid  }
0x2: {  	s2 =	rddreg [dreg:$0x1];
	s4 =	stileid.u32;
	s0 =	sand.u32 $0x1, s0  }
0x3: {  	s3 =	rddreg [dreg:$0x2];
	s4 =	sshll.u32 s4, $0x8;
	s5 =	sshll.u32 s0, $0x7  }
0x4: {  	s6 =	rddreg [dreg:$0x3];
	s5 =	sor.u32 s5, s4;
	s4 =	simm.s32 $0x0  }
0x5: {  	s15 =	simm.s32 $0x8980;
	[smem:$0x7FF] =	sst s4  }
0x6: {  	s16 =	simm.s32 $0x9180;
	_ =	strace $0x80000050;
	[dreg:$0xe] =	wrdreg s15  }
0x7: {  	s17 =	simm.s32 $0x9980;
	[dreg:$0xf] =	wrdreg s16  }
0x8: {  	s18 =	simm.s32 $0xA180;
	[dreg:$0x10] =	wrdreg s17  }
0x9: {  	s19 =	simm.s32 $0xA980;
	[dreg:$0x11] =	wrdreg s18  }
0xa: {  	s20 =	simm.s32 $0xB180;
	s21 =	simm.s32 $0xB980;
	[dreg:$0x12] =	wrdreg s19  }
0xb: {  	s22 =	simm.s32 $0xC180;
	s23 =	sadd.s32 $0x1E4200, s3;
	[dreg:$0x13] =	wrdreg s20  }
0xc: {  	s10 =	sadd.s32 $0x224200, s3;
	s7 =	sshrl.u32 s5, $0x3;
	[dreg:$0x14] =	wrdreg s21  }
0xd: {  	s25 =	sshll.u32 s5, $0x6;
	s6 =	sadd.s32 s6, s7;
	[dreg:$0x15] =	wrdreg s22  }
0xe: {  	s5 =	sshll.u32 s5, $0x5;
	s26 =	sadd.s32 s23, s25;
	[dreg:$0x6] =	wrdreg s6  }
0xf: {  	s5 =	sadd.s32 s10, s5;
	[dreg:$0x8] =	wrdreg s26  }
0x10: {  	s15 =	simm.s32 $0x12980;
	[dreg:$0xa] =	wrdreg s5  }
0x11: {  	s16 =	simm.s32 $0x13180;
	[smem:$0x7F2] =	sst s15  }
0x12: {  	s17 =	simm.s32 $0x13980;
	[smem:$0x7F3] =	sst s16  }
0x13: {  	s18 =	simm.s32 $0x14180;
	[smem:$0x7F4] =	sst s17  }
0x14: {  	s28 =	simm.s32 $0x3180;
	s19 =	simm.s32 $0x14980;
	[smem:$0x7F5] =	sst s18  }
0x15: {  	s29 =	simm.s32 $0x3980;
	s20 =	simm.s32 $0x15180;
	[smem:$0x7F6] =	sst s19  }
0x16: {  	s30 =	simm.s32 $0x4180;
	s21 =	simm.s32 $0x15980;
	[smem:$0x7F7] =	sst s20  }
0x17: {  	s8 =	sadd.s32 s7, s3;
	s22 =	simm.s32 $0x16180;
	[smem:$0x7F8] =	sst s21  }
0x18: {  	s31 =	simm.s32 $0x4980;
	s9 =	sadd.s32 $0x3A00, s8;
	[smem:$0x7F9] =	sst s22  }
0x19: {  	s3 =	sadd.s32 $0x244200, s3;
	s24 =	sadd.s32 $0x3200, s8;
	[dreg:$0x5] =	wrdreg s9  }
0x1a: {  	s0 =	ssub.s32 $0x2, s0;
	s12 =	sadd.s32 s3, s25;
	[dreg:$0x7] =	wrdreg s24  }
0x1b: {  	s7 =	sor.u32 $0x8, s7;
	s26 =	simm.s32 $0xD980;
	[dreg:$0xb] =	wrdreg s12  }
0x1c: {  	s11 =	sshll.u32 s7, $0x9;
	s6 =	simm.s32 $0xE180;
	[dreg:$0x18] =	wrdreg s26  }
0x1d: {  	s13 =	sshll.u32 s7, $0x8;
	s7 =	simm.s32 $0xE980;
	[dreg:$0x19] =	wrdreg s6  }
0x1e: {  	s25 =	sshrl.u32 s0, $0x1;
	s8 =	simm.s32 $0xF180;
	[dreg:$0x1a] =	wrdreg s7  }
0x1f: {  	s5 =	sadd.s32 $0x100, s1;
	s9 =	sadd.s32 s23, s11;
	[dreg:$0x1b] =	wrdreg s8  }
0x20: {  	s21 =	simm.s32 $0x1;
	s3 =	sadd.s32 s3, s11;
	[dreg:$0x9] =	wrdreg s9  }
0x21: {  	s22 =	simm.s32 $0x1180;
	s14 =	sadd.s32 s10, s13;
	[dreg:$0xc] =	wrdreg s3  }
0x22: {  	s17 =	simm.s32 $0x8180;
	s23 =	simm.s32 $0xC980;
	[dreg:$0xd] =	wrdreg s14  }
0x23: {  	s15 =	simm.s32 $0x1B980;
	s24 =	simm.s32 $0xD180;
	[dreg:$0x16] =	wrdreg s23  }
0x24: {  	s0 =	ssub.s32 s0, s25;
	s10 =	simm.s32 $0x100;
	[dreg:$0x17] =	wrdreg s24  }
0x25: {  	s7 =	simm.s32 $0x9;
	s11 =	simm.s32 $0x10980;
	[dreg:$0x1d] =	wrdreg s10  }
0x26: {  	s12 =	simm.s32 $0x11180;
	s13 =	simm.s32 $0x11980;
	[dreg:$0x1e] =	wrdreg s11  }
0x27: {  	s25 =	simm.s32 $0x17980;
	s26 =	simm.s32 $0x80;
	[dreg:$0x1f] =	wrdreg s12  }
0x28: {  	s8 =	simm.s32 $0x10180;
	s6 =	smax.u32 s0, $0x1;
	[smem:$0x7F0] =	sst s13  }
0x29: {  	s9 =	simm.s32 $0xF980;
	s14 =	simm.s32 $0x12180;
	[smem:$0x7FC] =	sst s25  }
0x2a: {  	s23 =	simm.s32 $0x16980;
	s24 =	simm.s32 $0x17180;
	[smem:$0x7FD] =	sst s26  }
0x2b: {  	s12 =	simm.s32 $0x5;
	s13 =	simm.s32 $0x4;
	[dreg:$0x1c] =	wrdreg s9  }
0x2c: {  	s26 =	simm.s32 $0x180;
	s25 =	simm.s32 $0x2980;
	[smem:$0x7F1] =	sst s14  }
0x2d: {  	v2 =	vlaneseq.u32;
	s3 =	simm.s32 $0x19980;
	s10 =	simm.s32 $0x1A180;
	[smem:$0x7FA] =	sst s23  }
0x2e: {  	vm0 =	vmmov $0xffff;
	v1 =	vshrl.u32 v2, $0x3;
	s11 =	simm.s32 $0x1B180;
	[smem:$0x7FB] =	sst s24;
	s14 =	simm.s32 $0x8  }
0x2f: {  	v0 =	vand.u32 $0x7, v2;
	v2 =	vor.u32 $0x8, v2;
	v1 =	vmul.u32 $0x8, v1;
	s23 =	simm.s32 $0x1980;
	s24 =	simm.s32 $0x2180;
	s9 =	simm.s32 $0x1A980  }
.LBB2_1:
0x30: {  	s18 =	rddreg [dreg:$0x5]  }
0x31: {  	[tilespmem:s4], [sflag:$0x9] =	stream.linear.gather [hbm4b:s18+s4], $0x80, $0x38;
	[tilespmem:$0x1C180] =	vst v63  }
0x32: {  	_ =	swait.ge [sflag:s7], $0x80  }
0x33: {  	[sflag:s7] =	ssyncset.done $0x0  }
0x34: {  	[sflag:s7] =	ssyncadd.s32 $0xFFFFFF80  }
0x35: {  	v3 =	vld [tilespmem:$0x0];
	_ =	sdelay $0x4  }
0x36: {  	v4 =	vshll.u32 v3, $0x2  }
0x37: {  	v3 =	vand.u32 $0x7, v3;
	v4 =	vand.u32 $0xFFFFFFE0, v4  }
0x38: {  	v3 =	vor.u32 v3, v4  }
0x39: {  	v4 =	vperm.xlane v3, v0;
	_ =	sdelay $0x1  }
0x3a: {  	v4 =	vadd.s32 v1, v4;
	_ =	sdelay $0x1  }
0x3b: {  	v3 =	vperm.xlane v3, v2;
	_ =	sdelay $0x1  }
0x3c: {  	v3 =	vadd.s32 v1, v3  }
0x3d: {  	[tilespmem:s26], [sflag:$0x1] =	stream.indirect_vreg.gather [hbm4b:s1+s4], $0x80, v4, vm0, $0xb8;
	[tilespmem:$0x1C180] =	vst v63  }
0x3e: {  	s0 =	simm.s32 $0x980  }
0x3f: {  	[tilespmem:s0], [sflag:$0x1] =	stream.indirect_vreg.gather [hbm4b:s5+s4], $0x80, v4, vm0, $0xb8;
	[tilespmem:$0x1C180] =	vst v63  }
0x40: {  	_ = 	snop  }
0x41: {  	[tilespmem:s22], [sflag:$0x1] =	stream.indirect_vreg.gather [hbm4b:s1+s4], $0x80, v3, vm0, $0xb8;
	[tilespmem:$0x1C180] =	vst v63  }
0x42: {  	_ = 	snop  }
0x43: {  	[tilespmem:s23], [sflag:$0x1] =	stream.indirect_vreg.gather [hbm4b:s5+s4], $0x80, v3, vm0, $0xb8;
	[tilespmem:$0x1C180] =	vst v63  }
0x44: {  	v3 =	vld [tilespmem:$0x10];
	_ =	sdelay $0x4  }
0x45: {  	v41 =	vshll.u32 v3, $0x2  }
0x46: {  	v3 =	vand.u32 $0x7, v3;
	v4 =	vand.u32 $0xFFFFFFE0, v41  }
0x47: {  	v3 =	vor.u32 v3, v4  }
0x48: {  	v4 =	vperm.xlane v3, v0;
	_ =	sdelay $0x1  }
0x49: {  	v4 =	vadd.s32 v1, v4;
	_ =	sdelay $0x1  }
0x4a: {  	v3 =	vperm.xlane v3, v2;
	_ =	sdelay $0x1  }
0x4b: {  	v3 =	vadd.s32 v1, v3  }
0x4c: {  	[tilespmem:s24], [sflag:$0x1] =	stream.indirect_vreg.gather [hbm4b:s1+s4], $0x80, v4, vm0, $0xb8;
	[tilespmem:$0x1C180] =	vst v63  }
0x4d: {  	_ = 	snop  }
0x4e: {  	[tilespmem:s25], [sflag:$0x1] =	stream.indirect_vreg.gather [hbm4b:s5+s4], $0x80, v4, vm0, $0xb8;
	[tilespmem:$0x1C180] =	vst v63  }
0x4f: {  	_ = 	snop  }
0x50: {  	[tilespmem:s28], [sflag:$0x1] =	stream.indirect_vreg.gather [hbm4b:s1+s4], $0x80, v3, vm0, $0xb8;
	[tilespmem:$0x1C180] =	vst v63  }
0x51: {  	_ = 	snop  }
0x52: {  	[tilespmem:s29], [sflag:$0x1] =	stream.indirect_vreg.gather [hbm4b:s5+s4], $0x80, v3, vm0, $0xb8;
	[tilespmem:$0x1C180] =	vst v63  }
0x53: {  	v3 =	vld [tilespmem:$0x20];
	_ =	sdelay $0x4  }
0x54: {  	v42 =	vshll.u32 v3, $0x2  }
0x55: {  	v3 =	vand.u32 $0x7, v3;
	v4 =	vand.u32 $0xFFFFFFE0, v42  }
0x56: {  	v3 =	vor.u32 v3, v4  }
0x57: {  	v4 =	vperm.xlane v3, v0;
	_ =	sdelay $0x1  }
0x58: {  	v4 =	vadd.s32 v1, v4;
	_ =	sdelay $0x1  }
0x59: {  	v3 =	vperm.xlane v3, v2;
	_ =	sdelay $0x1  }
0x5a: {  	v3 =	vadd.s32 v1, v3  }
0x5b: {  	[tilespmem:s30], [sflag:$0x1] =	stream.indirect_vreg.gather [hbm4b:s1+s4], $0x80, v4, vm0, $0xb8;
	[tilespmem:$0x1C180] =	vst v63  }
0x5c: {  	_ = 	snop  }
0x5d: {  	[tilespmem:s31], [sflag:$0x1] =	stream.indirect_vreg.gather [hbm4b:s5+s4], $0x80, v4, vm0, $0xb8;
	[tilespmem:$0x1C180] =	vst v63  }
0x5e: {  	s19 =	simm.s32 $0x5180  }
0x5f: {  	[tilespmem:s19], [sflag:$0x1] =	stream.indirect_vreg.gather [hbm4b:s1+s4], $0x80, v3, vm0, $0xb8;
	[tilespmem:$0x1C180] =	vst v63  }
0x60: {  	s20 =	simm.s32 $0x5980  }
0x61: {  	[tilespmem:s20], [sflag:$0x1] =	stream.indirect_vreg.gather [hbm4b:s5+s4], $0x80, v3, vm0, $0xb8;
	[tilespmem:$0x1C180] =	vst v63  }
0x62: {  	v3 =	vld [tilespmem:$0x30];
	_ =	sdelay $0x4  }
0x63: {  	v43 =	vshll.u32 v3, $0x2  }
0x64: {  	v3 =	vand.u32 $0x7, v3;
	v4 =	vand.u32 $0xFFFFFFE0, v43  }
0x65: {  	v3 =	vor.u32 v3, v4  }
0x66: {  	v4 =	vperm.xlane v3, v0;
	_ =	sdelay $0x1  }
0x67: {  	v4 =	vadd.s32 v1, v4;
	_ =	sdelay $0x1  }
0x68: {  	v3 =	vperm.xlane v3, v2;
	_ =	sdelay $0x1  }
0x69: {  	s16 =	simm.s32 $0x6180;
	v3 =	vadd.s32 v1, v3  }
0x6a: {  	[tilespmem:s16], [sflag:$0x1] =	stream.indirect_vreg.gather [hbm4b:s1+s4], $0x80, v4, vm0, $0xb8;
	[tilespmem:$0x1C180] =	vst v63  }
0x6b: {  	s18 =	simm.s32 $0x6980  }
0x6c: {  	[tilespmem:s18], [sflag:$0x1] =	stream.indirect_vreg.gather [hbm4b:s5+s4], $0x80, v4, vm0, $0xb8;
	[tilespmem:$0x1C180] =	vst v63  }
0x6d: {  	s19 =	simm.s32 $0x7180  }
0x6e: {  	[tilespmem:s19], [sflag:$0x1] =	stream.indirect_vreg.gather [hbm4b:s1+s4], $0x80, v3, vm0, $0xb8;
	[tilespmem:$0x1C180] =	vst v63  }
0x6f: {  	s20 =	simm.s32 $0x7980  }
0x70: {  	[tilespmem:s20], [sflag:$0x1] =	stream.indirect_vreg.gather [hbm4b:s5+s4], $0x80, v3, vm0, $0xb8;
	[tilespmem:$0x1C180] =	vst v63  }
0x71: {  	v3 =	vld [tilespmem:$0x40];
	_ =	sdelay $0x4  }
0x72: {  	v44 =	vshll.u32 v3, $0x2  }
0x73: {  	v3 =	vand.u32 $0x7, v3;
	v4 =	vand.u32 $0xFFFFFFE0, v44  }
0x74: {  	v3 =	vor.u32 v3, v4  }
0x75: {  	v4 =	vperm.xlane v3, v0;
	_ =	sdelay $0x1  }
0x76: {  	v4 =	vadd.s32 v1, v4;
	_ =	sdelay $0x1  }
0x77: {  	v3 =	vperm.xlane v3, v2;
	_ =	sdelay $0x1  }
0x78: {  	v3 =	vadd.s32 v1, v3  }
0x79: {  	[tilespmem:s17], [sflag:$0x2] =	stream.indirect_vreg.gather [hbm4b:s1+s4], $0x80, v4, vm0, $0xb8;
	[tilespmem:$0x1C180] =	vst v63  }
0x7a: {  	s0 =	rddreg [dreg:$0xe]  }
0x7b: {  	[tilespmem:s0], [sflag:$0x2] =	stream.indirect_vreg.gather [hbm4b:s5+s4], $0x80, v4, vm0, $0xb8;
	[tilespmem:$0x1C180] =	vst v63  }
0x7c: {  	s19 =	rddreg [dreg:$0xf]  }
0x7d: {  	[tilespmem:s19], [sflag:$0x2] =	stream.indirect_vreg.gather [hbm4b:s1+s4], $0x80, v3, vm0, $0xb8;
	[tilespmem:$0x1C180] =	vst v63  }
0x7e: {  	s16 =	rddreg [dreg:$0x10]  }
0x7f: {  	[tilespmem:s16], [sflag:$0x2] =	stream.indirect_vreg.gather [hbm4b:s5+s4], $0x80, v3, vm0, $0xb8;
	[tilespmem:$0x1C180] =	vst v63  }
0x80: {  	v3 =	vld [tilespmem:$0x50];
	_ =	sdelay $0x4  }
0x81: {  	v45 =	vshll.u32 v3, $0x2  }
0x82: {  	v3 =	vand.u32 $0x7, v3;
	v4 =	vand.u32 $0xFFFFFFE0, v45  }
0x83: {  	v3 =	vor.u32 v3, v4  }
0x84: {  	v4 =	vperm.xlane v3, v0;
	_ =	sdelay $0x1  }
0x85: {  	v4 =	vadd.s32 v1, v4;
	_ =	sdelay $0x1  }
0x86: {  	v3 =	vperm.xlane v3, v2;
	_ =	sdelay $0x1  }
0x87: {  	s19 =	rddreg [dreg:$0x11];
	v3 =	vadd.s32 v1, v3  }
0x88: {  	[tilespmem:s19], [sflag:$0x2] =	stream.indirect_vreg.gather [hbm4b:s1+s4], $0x80, v4, vm0, $0xb8;
	[tilespmem:$0x1C180] =	vst v63  }
0x89: {  	s20 =	rddreg [dreg:$0x12]  }
0x8a: {  	[tilespmem:s20], [sflag:$0x2] =	stream.indirect_vreg.gather [hbm4b:s5+s4], $0x80, v4, vm0, $0xb8;
	[tilespmem:$0x1C180] =	vst v63  }
0x8b: {  	s0 =	rddreg [dreg:$0x13]  }
0x8c: {  	[tilespmem:s0], [sflag:$0x2] =	stream.indirect_vreg.gather [hbm4b:s1+s4], $0x80, v3, vm0, $0xb8;
	[tilespmem:$0x1C180] =	vst v63  }
0x8d: {  	s16 =	rddreg [dreg:$0x14]  }
0x8e: {  	[tilespmem:s16], [sflag:$0x2] =	stream.indirect_vreg.gather [hbm4b:s5+s4], $0x80, v3, vm0, $0xb8;
	[tilespmem:$0x1C180] =	vst v63  }
0x8f: {  	v3 =	vld [tilespmem:$0x60];
	_ =	sdelay $0x4  }
0x90: {  	v46 =	vshll.u32 v3, $0x2  }
0x91: {  	v3 =	vand.u32 $0x7, v3;
	v4 =	vand.u32 $0xFFFFFFE0, v46  }
0x92: {  	v3 =	vor.u32 v3, v4  }
0x93: {  	v4 =	vperm.xlane v3, v0;
	_ =	sdelay $0x1  }
0x94: {  	v4 =	vadd.s32 v1, v4;
	_ =	sdelay $0x1  }
0x95: {  	v3 =	vperm.xlane v3, v2;
	_ =	sdelay $0x1  }
0x96: {  	s20 =	rddreg [dreg:$0x15];
	v3 =	vadd.s32 v1, v3  }
0x97: {  	[tilespmem:s20], [sflag:$0x2] =	stream.indirect_vreg.gather [hbm4b:s1+s4], $0x80, v4, vm0, $0xb8;
	[tilespmem:$0x1C180] =	vst v63  }
0x98: {  	s0 =	rddreg [dreg:$0x16]  }
0x99: {  	[tilespmem:s0], [sflag:$0x2] =	stream.indirect_vreg.gather [hbm4b:s5+s4], $0x80, v4, vm0, $0xb8;
	[tilespmem:$0x1C180] =	vst v63  }
0x9a: {  	s16 =	rddreg [dreg:$0x17]  }
0x9b: {  	[tilespmem:s16], [sflag:$0x2] =	stream.indirect_vreg.gather [hbm4b:s1+s4], $0x80, v3, vm0, $0xb8;
	[tilespmem:$0x1C180] =	vst v63  }
0x9c: {  	s20 =	rddreg [dreg:$0x18]  }
0x9d: {  	[tilespmem:s20], [sflag:$0x2] =	stream.indirect_vreg.gather [hbm4b:s5+s4], $0x80, v3, vm0, $0xb8;
	[tilespmem:$0x1C180] =	vst v63  }
0x9e: {  	v3 =	vld [tilespmem:$0x70];
	_ =	sdelay $0x4  }
0x9f: {  	v47 =	vshll.u32 v3, $0x2  }
0xa0: {  	v3 =	vand.u32 $0x7, v3;
	v4 =	vand.u32 $0xFFFFFFE0, v47  }
0xa1: {  	v3 =	vor.u32 v3, v4  }
0xa2: {  	v4 =	vperm.xlane v3, v0;
	_ =	sdelay $0x1  }
0xa3: {  	v4 =	vadd.s32 v1, v4;
	_ =	sdelay $0x1  }
0xa4: {  	v3 =	vperm.xlane v3, v2  }
0xa5: {  	s0 =	rddreg [dreg:$0x19]  }
0xa6: {  	s16 =	rddreg [dreg:$0x1a];
	v3 =	vadd.s32 v1, v3  }
0xa7: {  	[tilespmem:s0], [sflag:$0x2] =	stream.indirect_vreg.gather [hbm4b:s1+s4], $0x80, v4, vm0, $0xb8;
	[tilespmem:$0x1C180] =	vst v63  }
0xa8: {  	s20 =	rddreg [dreg:$0x1b]  }
0xa9: {  	[tilespmem:s16], [sflag:$0x2] =	stream.indirect_vreg.gather [hbm4b:s5+s4], $0x80, v4, vm0, $0xb8;
	[tilespmem:$0x1C180] =	vst v63  }
0xaa: {  	s0 =	rddreg [dreg:$0x1c]  }
0xab: {  	[tilespmem:s20], [sflag:$0x2] =	stream.indirect_vreg.gather [hbm4b:s1+s4], $0x80, v3, vm0, $0xb8;
	[tilespmem:$0x1C180] =	vst v63  }
0xac: {  	s16 =	rddreg [dreg:$0x6]  }
0xad: {  	[tilespmem:s0], [sflag:$0x2] =	stream.indirect_vreg.gather [hbm4b:s5+s4], $0x80, v3, vm0, $0xb8;
	[tilespmem:$0x1C180] =	vst v63  }
0xae: {  	s20 =	rddreg [dreg:$0x1d]  }
0xaf: {  	[tilespmem:s20], [sflag:$0x9] =	stream.linear.gather [hbm4b:s16+s4], $0x80, $0x38;
	[tilespmem:$0x1C180] =	vst v63  }
0xb0: {  	_ =	swait.ge [sflag:s7], $0x80  }
0xb1: {  	[sflag:s7] =	ssyncset.done $0x0  }
0xb2: {  	[sflag:s7] =	ssyncadd.s32 $0xFFFFFF80  }
0xb3: {  	v3 =	vld [tilespmem:$0x100];
	_ =	sdelay $0x4  }
0xb4: {  	v48 =	vshll.u32 v3, $0x2  }
0xb5: {  	v3 =	vand.u32 $0x7, v3;
	v4 =	vand.u32 $0xFFFFFFE0, v48  }
0xb6: {  	v3 =	vor.u32 v3, v4  }
0xb7: {  	v4 =	vperm.xlane v3, v0;
	_ =	sdelay $0x1  }
0xb8: {  	v4 =	vadd.s32 v1, v4;
	_ =	sdelay $0x1  }
0xb9: {  	v3 =	vperm.xlane v3, v2;
	_ =	sdelay $0x1  }
0xba: {  	s20 =	rddreg [dreg:$0x1e];
	v3 =	vadd.s32 v1, v3  }
0xbb: {  	[tilespmem:s8], [sflag:$0x3] =	stream.indirect_vreg.gather [hbm4b:s1+s4], $0x80, v4, vm0, $0xb8;
	[tilespmem:$0x1C180] =	vst v63  }
0xbc: {  	s0 =	rddreg [dreg:$0x1f]  }
0xbd: {  	[tilespmem:s20], [sflag:$0x3] =	stream.indirect_vreg.gather [hbm4b:s5+s4], $0x80, v4, vm0, $0xb8;
	[tilespmem:$0x1C180] =	vst v63  }
0xbe: {  	s16 =	sld [smem:$0x7F0]  }
0xbf: {  	[tilespmem:s0], [sflag:$0x3] =	stream.indirect_vreg.gather [hbm4b:s1+s4], $0x80, v3, vm0, $0xb8;
	[tilespmem:$0x1C180] =	vst v63  }
0xc0: {  	_ = 	snop  }
0xc1: {  	[tilespmem:s16], [sflag:$0x3] =	stream.indirect_vreg.gather [hbm4b:s5+s4], $0x80, v3, vm0, $0xb8;
	[tilespmem:$0x1C180] =	vst v63  }
0xc2: {  	v3 =	vld [tilespmem:$0x110];
	_ =	sdelay $0x4  }
0xc3: {  	v49 =	vshll.u32 v3, $0x2  }
0xc4: {  	v3 =	vand.u32 $0x7, v3;
	v4 =	vand.u32 $0xFFFFFFE0, v49  }
0xc5: {  	v3 =	vor.u32 v3, v4  }
0xc6: {  	v4 =	vperm.xlane v3, v0;
	_ =	sdelay $0x1  }
0xc7: {  	v4 =	vadd.s32 v1, v4;
	_ =	sdelay $0x1  }
0xc8: {  	s19 =	sld [smem:$0x7F1];
	v3 =	vperm.xlane v3, v2;
	_ =	sdelay $0x1  }
0xc9: {  	s20 =	sld [smem:$0x7F2];
	v3 =	vadd.s32 v1, v3  }
0xca: {  	[tilespmem:s19], [sflag:$0x3] =	stream.indirect_vreg.gather [hbm4b:s1+s4], $0x80, v4, vm0, $0xb8;
	[tilespmem:$0x1C180] =	vst v63  }
0xcb: {  	s0 =	sld [smem:$0x7F3]  }
0xcc: {  	[tilespmem:s20], [sflag:$0x3] =	stream.indirect_vreg.gather [hbm4b:s5+s4], $0x80, v4, vm0, $0xb8;
	[tilespmem:$0x1C180] =	vst v63  }
0xcd: {  	s16 =	sld [smem:$0x7F4]  }
0xce: {  	[tilespmem:s0], [sflag:$0x3] =	stream.indirect_vreg.gather [hbm4b:s1+s4], $0x80, v3, vm0, $0xb8;
	[tilespmem:$0x1C180] =	vst v63  }
0xcf: {  	_ = 	snop  }
0xd0: {  	[tilespmem:s16], [sflag:$0x3] =	stream.indirect_vreg.gather [hbm4b:s5+s4], $0x80, v3, vm0, $0xb8;
	[tilespmem:$0x1C180] =	vst v63  }
0xd1: {  	v3 =	vld [tilespmem:$0x120];
	_ =	sdelay $0x4  }
0xd2: {  	v50 =	vshll.u32 v3, $0x2  }
0xd3: {  	v3 =	vand.u32 $0x7, v3;
	v4 =	vand.u32 $0xFFFFFFE0, v50  }
0xd4: {  	v3 =	vor.u32 v3, v4  }
0xd5: {  	v4 =	vperm.xlane v3, v0;
	_ =	sdelay $0x1  }
0xd6: {  	v4 =	vadd.s32 v1, v4;
	_ =	sdelay $0x1  }
0xd7: {  	s19 =	sld [smem:$0x7F5];
	v3 =	vperm.xlane v3, v2;
	_ =	sdelay $0x1  }
0xd8: {  	s20 =	sld [smem:$0x7F6];
	v3 =	vadd.s32 v1, v3  }
0xd9: {  	[tilespmem:s19], [sflag:$0x3] =	stream.indirect_vreg.gather [hbm4b:s1+s4], $0x80, v4, vm0, $0xb8;
	[tilespmem:$0x1C180] =	vst v63  }
0xda: {  	s0 =	sld [smem:$0x7F7]  }
0xdb: {  	[tilespmem:s20], [sflag:$0x3] =	stream.indirect_vreg.gather [hbm4b:s5+s4], $0x80, v4, vm0, $0xb8;
	[tilespmem:$0x1C180] =	vst v63  }
0xdc: {  	s16 =	sld [smem:$0x7F8]  }
0xdd: {  	[tilespmem:s0], [sflag:$0x3] =	stream.indirect_vreg.gather [hbm4b:s1+s4], $0x80, v3, vm0, $0xb8;
	[tilespmem:$0x1C180] =	vst v63  }
0xde: {  	_ = 	snop  }
0xdf: {  	[tilespmem:s16], [sflag:$0x3] =	stream.indirect_vreg.gather [hbm4b:s5+s4], $0x80, v3, vm0, $0xb8;
	[tilespmem:$0x1C180] =	vst v63  }
0xe0: {  	v3 =	vld [tilespmem:$0x130];
	_ =	sdelay $0x4  }
0xe1: {  	v51 =	vshll.u32 v3, $0x2  }
0xe2: {  	v3 =	vand.u32 $0x7, v3;
	v4 =	vand.u32 $0xFFFFFFE0, v51  }
0xe3: {  	v3 =	vor.u32 v3, v4  }
0xe4: {  	v4 =	vperm.xlane v3, v0;
	_ =	sdelay $0x1  }
0xe5: {  	v4 =	vadd.s32 v1, v4;
	_ =	sdelay $0x1  }
0xe6: {  	s20 =	sld [smem:$0x7F9];
	v3 =	vperm.xlane v3, v2;
	_ =	sdelay $0x1  }
0xe7: {  	s0 =	sld [smem:$0x7FA];
	v3 =	vadd.s32 v1, v3  }
0xe8: {  	[tilespmem:s20], [sflag:$0x3] =	stream.indirect_vreg.gather [hbm4b:s1+s4], $0x80, v4, vm0, $0xb8;
	[tilespmem:$0x1C180] =	vst v63  }
0xe9: {  	s16 =	sld [smem:$0x7FB]  }
0xea: {  	[tilespmem:s0], [sflag:$0x3] =	stream.indirect_vreg.gather [hbm4b:s5+s4], $0x80, v4, vm0, $0xb8;
	[tilespmem:$0x1C180] =	vst v63  }
0xeb: {  	s19 =	sld [smem:$0x7FC]  }
0xec: {  	[tilespmem:s16], [sflag:$0x3] =	stream.indirect_vreg.gather [hbm4b:s1+s4], $0x80, v3, vm0, $0xb8;
	[tilespmem:$0x1C180] =	vst v63  }
0xed: {  	s0 =	sld [smem:$0x7FD]  }
0xee: {  	[tilespmem:s19], [sflag:$0x3] =	stream.indirect_vreg.gather [hbm4b:s5+s4], $0x80, v3, vm0, $0xb8;
	[tilespmem:$0x1C180] =	vst v63  }
0xef: {  	s20 =	rddreg [dreg:$0x7]  }
0xf0: {  	[tilespmem:s0], [sflag:$0x9] =	stream.linear.gather [hbm4b:s20+s4], $0x80, $0x38;
	[tilespmem:$0x1C180] =	vst v63  }
0xf1: {  	_ =	swait.ge [sflag:s7], $0x80  }
0xf2: {  	[sflag:s7] =	ssyncset.done $0x0  }
0xf3: {  	[sflag:s7] =	ssyncadd.s32 $0xFFFFFF80  }
0xf4: {  	v3 =	vld [tilespmem:$0x80];
	_ =	sdelay $0x4  }
0xf5: {  	v52 =	vshll.u32 v3, $0x1  }
0xf6: {  	v3 =	vand.u32 $0x7, v3;
	v4 =	vand.u32 $0xFFFFFFF0, v52  }
0xf7: {  	v3 =	vor.u32 v3, v4  }
0xf8: {  	v4 =	vperm.xlane v3, v0;
	_ =	sdelay $0x1  }
0xf9: {  	v3 =	vperm.xlane v3, v2;
	v4 =	vadd.s32 v1, v4;
	_ =	sdelay $0x1  }
0xfa: {  	v3 =	vadd.s32 v1, v3;
	_ =	sdelay $0x1  }
0xfb: {  	s19 =	simm.s32 $0x18180  }
0xfc: {  	[tilespmem:s19], [sflag:$0x4] =	stream.indirect_vreg.gather [hbm4b:s2+s4], $0x80, v4, vm0, $0xb8;
	[tilespmem:$0x1C180] =	vst v63  }
0xfd: {  	s20 =	simm.s32 $0x18980  }
0xfe: {  	[tilespmem:s20], [sflag:$0x4] =	stream.indirect_vreg.gather [hbm4b:s2+s4], $0x80, v3, vm0, $0xb8;
	[tilespmem:$0x1C180] =	vst v63  }
0xff: {  	v3 =	vld [tilespmem:$0x90];
	_ =	sdelay $0x4  }
0x100: {  	v53 =	vshll.u32 v3, $0x1  }
0x101: {  	v3 =	vand.u32 $0x7, v3;
	v4 =	vand.u32 $0xFFFFFFF0, v53  }
0x102: {  	v3 =	vor.u32 v3, v4  }
0x103: {  	v4 =	vperm.xlane v3, v0;
	_ =	sdelay $0x1  }
0x104: {  	v3 =	vperm.xlane v3, v2;
	v4 =	vadd.s32 v1, v4;
	_ =	sdelay $0x1  }
0x105: {  	v3 =	vadd.s32 v1, v3;
	_ =	sdelay $0x1  }
0x106: {  	s0 =	simm.s32 $0x19180  }
0x107: {  	[tilespmem:s0], [sflag:$0x4] =	stream.indirect_vreg.gather [hbm4b:s2+s4], $0x80, v4, vm0, $0xb8;
	[tilespmem:$0x1C180] =	vst v63  }
0x108: {  	_ = 	snop  }
0x109: {  	[tilespmem:s3], [sflag:$0x4] =	stream.indirect_vreg.gather [hbm4b:s2+s4], $0x80, v3, vm0, $0xb8;
	[tilespmem:$0x1C180] =	vst v63  }
0x10a: {  	v3 =	vld [tilespmem:$0xA0];
	_ =	sdelay $0x4  }
0x10b: {  	v54 =	vshll.u32 v3, $0x1  }
0x10c: {  	v3 =	vand.u32 $0x7, v3;
	v4 =	vand.u32 $0xFFFFFFF0, v54  }
0x10d: {  	v3 =	vor.u32 v3, v4  }
0x10e: {  	v4 =	vperm.xlane v3, v0;
	_ =	sdelay $0x1  }
0x10f: {  	v3 =	vperm.xlane v3, v2;
	v4 =	vadd.s32 v1, v4;
	_ =	sdelay $0x1  }
0x110: {  	v3 =	vadd.s32 v1, v3;
	_ =	sdelay $0x2  }
0x111: {  	[tilespmem:s10], [sflag:$0x4] =	stream.indirect_vreg.gather [hbm4b:s2+s4], $0x80, v4, vm0, $0xb8;
	[tilespmem:$0x1C180] =	vst v63  }
0x112: {  	_ = 	snop  }
0x113: {  	[tilespmem:s9], [sflag:$0x4] =	stream.indirect_vreg.gather [hbm4b:s2+s4], $0x80, v3, vm0, $0xb8;
	[tilespmem:$0x1C180] =	vst v63  }
0x114: {  	v3 =	vld [tilespmem:$0xB0];
	_ =	sdelay $0x4  }
0x115: {  	v55 =	vshll.u32 v3, $0x1  }
0x116: {  	v3 =	vand.u32 $0x7, v3;
	v4 =	vand.u32 $0xFFFFFFF0, v55  }
0x117: {  	v3 =	vor.u32 v3, v4  }
0x118: {  	v4 =	vperm.xlane v3, v0;
	_ =	sdelay $0x1  }
0x119: {  	v3 =	vperm.xlane v3, v2;
	v4 =	vadd.s32 v1, v4;
	_ =	sdelay $0x1  }
0x11a: {  	v3 =	vadd.s32 v1, v3;
	_ =	sdelay $0x2  }
0x11b: {  	[tilespmem:s11], [sflag:$0x4] =	stream.indirect_vreg.gather [hbm4b:s2+s4], $0x80, v4, vm0, $0xb8;
	[tilespmem:$0x1C180] =	vst v63  }
0x11c: {  	_ = 	snop  }
0x11d: {  	[tilespmem:s15], [sflag:$0x4] =	stream.indirect_vreg.gather [hbm4b:s2+s4], $0x80, v3, vm0, $0xb8;
	[tilespmem:$0x1C180] =	vst v63  }
0x11e: {  	_ =	swait.ge [sflag:s21], $0x8000  }
0x11f: {  	[sflag:s21] =	ssyncset.done $0x0  }
0x120: {  	s16 =	rddreg [dreg:$0x8];
	[sflag:s21] =	ssyncadd.s32 $0xFFFF8000  }
0x121: {  	[hbm4b:s16+s4] =	stream.linear.scatter [tilespmem:s26], [sflag:$0x5], $0x8000, $0x38;
	[tilespmem:$0x1C180] =	vst v63  }
0x122: {  	s16 =	simm.s32 $0x2  }
0x123: {  	_ =	swait.ge [sflag:s16], $0x8000  }
0x124: {  	[sflag:s16] =	ssyncset.done $0x0  }
0x125: {  	s18 =	rddreg [dreg:$0x9];
	[sflag:s16] =	ssyncadd.s32 $0xFFFF8000  }
0x126: {  	[hbm4b:s18+s4] =	stream.linear.scatter [tilespmem:s17], [sflag:$0x6], $0x8000, $0x38;
	[tilespmem:$0x1C180] =	vst v63  }
0x127: {  	_ =	swait.ge [sflag:s12], $0x8000  }
0x128: {  	[sflag:s12] =	ssyncset.done $0x0  }
0x129: {  	[sflag:s12] =	ssyncadd.s32 $0xFFFF8000  }
0x12a: {  	v3 =	vld [tilespmem:$0x140];
	_ =	sdelay $0x4  }
0x12b: {  	v56 =	vshll.u32 v3, $0x2  }
0x12c: {  	v3 =	vand.u32 $0x7, v3;
	v4 =	vand.u32 $0xFFFFFFE0, v56  }
0x12d: {  	v3 =	vor.u32 v3, v4  }
0x12e: {  	v4 =	vperm.xlane v3, v0;
	_ =	sdelay $0x1  }
0x12f: {  	v4 =	vadd.s32 v1, v4;
	_ =	sdelay $0x1  }
0x130: {  	v3 =	vperm.xlane v3, v2;
	_ =	sdelay $0x1  }
0x131: {  	v3 =	vadd.s32 v1, v3  }
0x132: {  	[tilespmem:s26], [sflag:$0x1] =	stream.indirect_vreg.gather [hbm4b:s1+s4], $0x80, v4, vm0, $0xb8;
	[tilespmem:$0x1C180] =	vst v63  }
0x133: {  	s18 =	simm.s32 $0x980  }
0x134: {  	[tilespmem:s18], [sflag:$0x1] =	stream.indirect_vreg.gather [hbm4b:s5+s4], $0x80, v4, vm0, $0xb8;
	[tilespmem:$0x1C180] =	vst v63  }
0x135: {  	_ = 	snop  }
0x136: {  	[tilespmem:s22], [sflag:$0x1] =	stream.indirect_vreg.gather [hbm4b:s1+s4], $0x80, v3, vm0, $0xb8;
	[tilespmem:$0x1C180] =	vst v63  }
0x137: {  	_ = 	snop  }
0x138: {  	[tilespmem:s23], [sflag:$0x1] =	stream.indirect_vreg.gather [hbm4b:s5+s4], $0x80, v3, vm0, $0xb8;
	[tilespmem:$0x1C180] =	vst v63  }
0x139: {  	v3 =	vld [tilespmem:$0x150];
	_ =	sdelay $0x4  }
0x13a: {  	v57 =	vshll.u32 v3, $0x2  }
0x13b: {  	v3 =	vand.u32 $0x7, v3;
	v4 =	vand.u32 $0xFFFFFFE0, v57  }
0x13c: {  	v3 =	vor.u32 v3, v4  }
0x13d: {  	v4 =	vperm.xlane v3, v0;
	_ =	sdelay $0x1  }
0x13e: {  	v4 =	vadd.s32 v1, v4;
	_ =	sdelay $0x1  }
0x13f: {  	v3 =	vperm.xlane v3, v2;
	_ =	sdelay $0x1  }
0x140: {  	v3 =	vadd.s32 v1, v3  }
0x141: {  	[tilespmem:s24], [sflag:$0x1] =	stream.indirect_vreg.gather [hbm4b:s1+s4], $0x80, v4, vm0, $0xb8;
	[tilespmem:$0x1C180] =	vst v63  }
0x142: {  	_ = 	snop  }
0x143: {  	[tilespmem:s25], [sflag:$0x1] =	stream.indirect_vreg.gather [hbm4b:s5+s4], $0x80, v4, vm0, $0xb8;
	[tilespmem:$0x1C180] =	vst v63  }
0x144: {  	_ = 	snop  }
0x145: {  	[tilespmem:s28], [sflag:$0x1] =	stream.indirect_vreg.gather [hbm4b:s1+s4], $0x80, v3, vm0, $0xb8;
	[tilespmem:$0x1C180] =	vst v63  }
0x146: {  	_ = 	snop  }
0x147: {  	[tilespmem:s29], [sflag:$0x1] =	stream.indirect_vreg.gather [hbm4b:s5+s4], $0x80, v3, vm0, $0xb8;
	[tilespmem:$0x1C180] =	vst v63  }
0x148: {  	v3 =	vld [tilespmem:$0x160];
	_ =	sdelay $0x4  }
0x149: {  	v58 =	vshll.u32 v3, $0x2  }
0x14a: {  	v3 =	vand.u32 $0x7, v3;
	v4 =	vand.u32 $0xFFFFFFE0, v58  }
0x14b: {  	v3 =	vor.u32 v3, v4  }
0x14c: {  	v4 =	vperm.xlane v3, v0;
	_ =	sdelay $0x1  }
0x14d: {  	v4 =	vadd.s32 v1, v4;
	_ =	sdelay $0x1  }
0x14e: {  	v3 =	vperm.xlane v3, v2;
	_ =	sdelay $0x1  }
0x14f: {  	v3 =	vadd.s32 v1, v3  }
0x150: {  	[tilespmem:s30], [sflag:$0x1] =	stream.indirect_vreg.gather [hbm4b:s1+s4], $0x80, v4, vm0, $0xb8;
	[tilespmem:$0x1C180] =	vst v63  }
0x151: {  	_ = 	snop  }
0x152: {  	[tilespmem:s31], [sflag:$0x1] =	stream.indirect_vreg.gather [hbm4b:s5+s4], $0x80, v4, vm0, $0xb8;
	[tilespmem:$0x1C180] =	vst v63  }
0x153: {  	s18 =	simm.s32 $0x5180  }
0x154: {  	[tilespmem:s18], [sflag:$0x1] =	stream.indirect_vreg.gather [hbm4b:s1+s4], $0x80, v3, vm0, $0xb8;
	[tilespmem:$0x1C180] =	vst v63  }
0x155: {  	s18 =	simm.s32 $0x5980  }
0x156: {  	[tilespmem:s18], [sflag:$0x1] =	stream.indirect_vreg.gather [hbm4b:s5+s4], $0x80, v3, vm0, $0xb8;
	[tilespmem:$0x1C180] =	vst v63  }
0x157: {  	v3 =	vld [tilespmem:$0x170];
	_ =	sdelay $0x4  }
0x158: {  	v59 =	vshll.u32 v3, $0x2  }
0x159: {  	v3 =	vand.u32 $0x7, v3;
	v4 =	vand.u32 $0xFFFFFFE0, v59  }
0x15a: {  	v3 =	vor.u32 v3, v4  }
0x15b: {  	v4 =	vperm.xlane v3, v0;
	_ =	sdelay $0x1  }
0x15c: {  	v4 =	vadd.s32 v1, v4;
	_ =	sdelay $0x1  }
0x15d: {  	v3 =	vperm.xlane v3, v2;
	_ =	sdelay $0x1  }
0x15e: {  	s18 =	simm.s32 $0x6180;
	v3 =	vadd.s32 v1, v3  }
0x15f: {  	[tilespmem:s18], [sflag:$0x1] =	stream.indirect_vreg.gather [hbm4b:s1+s4], $0x80, v4, vm0, $0xb8;
	[tilespmem:$0x1C180] =	vst v63  }
0x160: {  	s18 =	simm.s32 $0x6980  }
0x161: {  	[tilespmem:s18], [sflag:$0x1] =	stream.indirect_vreg.gather [hbm4b:s5+s4], $0x80, v4, vm0, $0xb8;
	[tilespmem:$0x1C180] =	vst v63  }
0x162: {  	s18 =	simm.s32 $0x7180  }
0x163: {  	[tilespmem:s18], [sflag:$0x1] =	stream.indirect_vreg.gather [hbm4b:s1+s4], $0x80, v3, vm0, $0xb8;
	[tilespmem:$0x1C180] =	vst v63  }
0x164: {  	s18 =	simm.s32 $0x7980  }
0x165: {  	[tilespmem:s18], [sflag:$0x1] =	stream.indirect_vreg.gather [hbm4b:s5+s4], $0x80, v3, vm0, $0xb8;
	[tilespmem:$0x1C180] =	vst v63  }
0x166: {  	_ =	swait.ge [sflag:s13], $0x4000  }
0x167: {  	[sflag:s13] =	ssyncset.done $0x0  }
0x168: {  	s16 =	rddreg [dreg:$0xa];
	[sflag:s13] =	ssyncadd.s32 $0xFFFFC000  }
0x169: {  	[hbm4b:s16+s4] =	stream.linear.scatter [tilespmem:s19], [sflag:$0x8], $0x4000, $0x38;
	[tilespmem:$0x1C180] =	vst v63  }
0x16a: {  	_ =	swait.ge [sflag:s14], $0x4000  }
0x16b: {  	[sflag:s14] =	ssyncset.done $0x0  }
0x16c: {  	[sflag:s14] =	ssyncadd.s32 $0xFFFFC000  }
0x16d: {  	v3 =	vld [tilespmem:$0xC0];
	_ =	sdelay $0x4  }
0x16e: {  	v60 =	vshll.u32 v3, $0x1  }
0x16f: {  	v3 =	vand.u32 $0x7, v3;
	v4 =	vand.u32 $0xFFFFFFF0, v60  }
0x170: {  	v3 =	vor.u32 v3, v4  }
0x171: {  	v4 =	vperm.xlane v3, v0;
	_ =	sdelay $0x1  }
0x172: {  	v3 =	vperm.xlane v3, v2;
	v4 =	vadd.s32 v1, v4;
	_ =	sdelay $0x1  }
0x173: {  	v3 =	vadd.s32 v1, v3;
	_ =	sdelay $0x2  }
0x174: {  	[tilespmem:s19], [sflag:$0x4] =	stream.indirect_vreg.gather [hbm4b:s2+s4], $0x80, v4, vm0, $0xb8;
	[tilespmem:$0x1C180] =	vst v63  }
0x175: {  	_ = 	snop  }
0x176: {  	[tilespmem:s20], [sflag:$0x4] =	stream.indirect_vreg.gather [hbm4b:s2+s4], $0x80, v3, vm0, $0xb8;
	[tilespmem:$0x1C180] =	vst v63  }
0x177: {  	v3 =	vld [tilespmem:$0xD0];
	_ =	sdelay $0x4  }
0x178: {  	v61 =	vshll.u32 v3, $0x1  }
0x179: {  	v3 =	vand.u32 $0x7, v3;
	v4 =	vand.u32 $0xFFFFFFF0, v61  }
0x17a: {  	v3 =	vor.u32 v3, v4  }
0x17b: {  	v4 =	vperm.xlane v3, v0;
	_ =	sdelay $0x1  }
0x17c: {  	v3 =	vperm.xlane v3, v2;
	v4 =	vadd.s32 v1, v4;
	_ =	sdelay $0x1  }
0x17d: {  	v3 =	vadd.s32 v1, v3;
	_ =	sdelay $0x2  }
0x17e: {  	[tilespmem:s0], [sflag:$0x4] =	stream.indirect_vreg.gather [hbm4b:s2+s4], $0x80, v4, vm0, $0xb8;
	[tilespmem:$0x1C180] =	vst v63  }
0x17f: {  	_ = 	snop  }
0x180: {  	[tilespmem:s3], [sflag:$0x4] =	stream.indirect_vreg.gather [hbm4b:s2+s4], $0x80, v3, vm0, $0xb8;
	[tilespmem:$0x1C180] =	vst v63  }
0x181: {  	v3 =	vld [tilespmem:$0xE0];
	_ =	sdelay $0x4  }
0x182: {  	v62 =	vshll.u32 v3, $0x1  }
0x183: {  	v3 =	vand.u32 $0x7, v3;
	v4 =	vand.u32 $0xFFFFFFF0, v62  }
0x184: {  	v3 =	vor.u32 v3, v4  }
0x185: {  	v4 =	vperm.xlane v3, v0;
	_ =	sdelay $0x1  }
0x186: {  	v3 =	vperm.xlane v3, v2;
	v4 =	vadd.s32 v1, v4;
	_ =	sdelay $0x1  }
0x187: {  	v3 =	vadd.s32 v1, v3;
	_ =	sdelay $0x2  }
0x188: {  	[tilespmem:s10], [sflag:$0x4] =	stream.indirect_vreg.gather [hbm4b:s2+s4], $0x80, v4, vm0, $0xb8;
	[tilespmem:$0x1C180] =	vst v63  }
0x189: {  	_ = 	snop  }
0x18a: {  	[tilespmem:s9], [sflag:$0x4] =	stream.indirect_vreg.gather [hbm4b:s2+s4], $0x80, v3, vm0, $0xb8;
	[tilespmem:$0x1C180] =	vst v63  }
0x18b: {  	v3 =	vld [tilespmem:$0xF0];
	_ =	sdelay $0x4  }
0x18c: {  	v63 =	vshll.u32 v3, $0x1  }
0x18d: {  	v3 =	vand.u32 $0x7, v3;
	v4 =	vand.u32 $0xFFFFFFF0, v63  }
0x18e: {  	v3 =	vor.u32 v3, v4  }
0x18f: {  	v4 =	vperm.xlane v3, v0;
	_ =	sdelay $0x1  }
0x190: {  	v3 =	vperm.xlane v3, v2;
	v4 =	vadd.s32 v1, v4;
	_ =	sdelay $0x1  }
0x191: {  	v3 =	vadd.s32 v1, v3;
	_ =	sdelay $0x2  }
0x192: {  	[tilespmem:s11], [sflag:$0x4] =	stream.indirect_vreg.gather [hbm4b:s2+s4], $0x80, v4, vm0, $0xb8;
	[tilespmem:$0x1C180] =	vst v63  }
0x193: {  	s18 =	simm.s32 $0x3  }
0x194: {  	[tilespmem:s15], [sflag:$0x4] =	stream.indirect_vreg.gather [hbm4b:s2+s4], $0x80, v3, vm0, $0xb8;
	[tilespmem:$0x1C180] =	vst v63  }
0x195: {  	_ =	swait.ge [sflag:s18], $0x8000  }
0x196: {  	[sflag:s18] =	ssyncset.done $0x0  }
0x197: {  	s20 =	rddreg [dreg:$0xb];
	[sflag:s18] =	ssyncadd.s32 $0xFFFF8000  }
0x198: {  	[hbm4b:s20+s4] =	stream.linear.scatter [tilespmem:s8], [sflag:$0x7], $0x8000, $0x38;
	[tilespmem:$0x1C180] =	vst v63  }
0x199: {  	_ =	swait.ge [sflag:s21], $0x8000  }
0x19a: {  	[sflag:s21] =	ssyncset.done $0x0  }
0x19b: {  	s0 =	rddreg [dreg:$0xc];
	[sflag:s21] =	ssyncadd.s32 $0xFFFF8000  }
0x19c: {  	[hbm4b:s0+s4] =	stream.linear.scatter [tilespmem:s26], [sflag:$0x5], $0x8000, $0x38;
	[tilespmem:$0x1C180] =	vst v63  }
0x19d: {  	_ =	swait.ge [sflag:s13], $0x4000  }
0x19e: {  	[sflag:s13] =	ssyncset.done $0x0  }
0x19f: {  	s16 =	rddreg [dreg:$0xd];
	[sflag:s13] =	ssyncadd.s32 $0xFFFFC000  }
0x1a0: {  	[hbm4b:s16+s4] =	stream.linear.scatter [tilespmem:s19], [sflag:$0x8], $0x4000, $0x38;
	[tilespmem:$0x1C180] =	vst v63  }
0x1a1: {  	s19 =	simm.s32 $0x6  }
0x1a2: {  	_ =	swait.ge [sflag:s19], $0x8000  }
0x1a3: {  	[sflag:s19] =	ssyncset.done $0x0  }
0x1a4: {  	s20 =	simm.s32 $0x7;
	[sflag:s19] =	ssyncadd.s32 $0xFFFF8000  }
0x1a5: {  	_ =	swait.ge [sflag:s20], $0x8000  }
0x1a6: {  	[sflag:s20] =	ssyncset.done $0x0  }
0x1a7: {  	[sflag:s20] =	ssyncadd.s32 $0xFFFF8000  }
0x1a8: {  	p0 =	sne.s32 s6, $0x1;
	_ =	swait.ge [sflag:s12], $0x8000  }
.Ltmp0:
0x1a9: {  	[sflag:s12] =	ssyncset.done $0x0;
	(pc) =	sbr.rel @p0 .LBB2_1-.Ltmp0, $4  }
0x1aa: {  	[sflag:s12] =	ssyncadd.s32 $0xFFFF8000  }
0x1ab: {  	_ =	swait.ge [sflag:s14], $0x4000  }
0x1ac: {  	[sflag:s14] =	ssyncset.done $0x0  }
0x1ad: {  	s6 =	sadd.s32 $0xFFFFFFFF, s6;
	[sflag:s14] =	ssyncadd.s32 $0xFFFFC000  }
0x1ae: {  	_ =	sfence.sel $0x180000  }
0x1af: {  	[bflag:$0x0] =	sbarrier.arrive $0xFFFF  }
0x1b0: {  	_ =	strace $0x90000050  }
0x1b1: {  	s0 =	stileid.u32;
	[bflag:$0x2] =	sbarrier.arrive $0xFFFF  }
0x1b2: {  	p0 =	sne.s32 s0, $0x0;
	s0 =	rddreg [dreg:$0x4]  }
0x1b3: {  	s0 =	sadd.s32 @!p0 $0x100000, s0  }
0x1b4: {  	[sflag:s0] =	ssyncadd.tile.s32 @!p0 $0x1;
	_ =	shalt  }
.Lfunc_end2:
_tile_overlayer_lowered:
.L_overlay_start_2:
0x1b5: {  	(tag) =	ssettag $0x2  }
0x1b6: {  	s0 =	rddreg [dreg:$0x0];
	s2 =	stileid.u32  }
0x1b7: {  	s1 =	rddreg [dreg:$0x1];
	p0 =	sne.s32 s2, $0x0  }
0x1b8: {  	s3 =	rddreg [dreg:$0x2];
	[bflag:$0x3] =	sbarrier.arrive $0xFFFF;
	s2 =	simm.s32 @!p0 $0x1C09  }
0x1b9: {  	[timem:s3], [sflag:s2] =	dma.local @!p0 [hbm:s0], s1  }
0x1ba: {  	s0 =	simm.s32 @!p0 $0x9  }
0x1bb: {  	_ =	swait.ge @!p0 [sflag:s0], s1  }
0x1bc: {  	s1 =	ssub.s32 @!p0 $0x0, s1;
	[sflag:s0] =	ssyncset.done @!p0 $0x0  }
0x1bd: {  	[sflag:s0] =	ssyncadd.s32 @!p0 s1  }
0x1be: {  	[bflag:$0x3] =	sbarrier.arrive $0xFFFF  }
0x1bf: {  	_ =	shalt  }

// kernel: kernel.13.cloned.1.call-start
scs
__scs_entry_jumppad:
0x0: {  	(pc) =	sbr.rel $0x88, $3  }
0x1: {  	(tag) =	ssettag $0x0;
	lr =	simm.s32 $0x1  }
0x2: {  	[smem:$0x3F9E] =	sst lr;
	_ =	strace $0xD0000000  }
0x3: {  	_ = 	snop  }
0x4: {  	_ = 	snop  }
0x5: {  	_ = 	snop  }
0x6: {  	_ = 	snop  }
0x7: {  	_ = 	snop  }
__scs_overlays_trampoline_lowered:
0x8: {  	[smem:$0x3FAD] =	sst s0  }
0x9: {  	[smem:$0x3FAE] =	sst s1  }
0xa: {  	[smem:$0x3FAF] =	sst s2  }
0xb: {  	[smem:$0x3FB0] =	sst s3  }
0xc: {  	[smem:$0x3FB1] =	sst s4  }
0xd: {  	[smem:$0x3FB2] =	sst s5  }
0xe: {  	[smem:$0x3FB3] =	sst s6  }
0xf: {  	[smem:$0x3FB4] =	sst s7  }
0x10: {  	[smem:$0x3FB5] =	sst s8  }
0x11: {  	[smem:$0x3FB6] =	sst s9;
	s0 =	simm.s32 @!p0 $0x0  }
0x12: {  	s1 =	sld [smem:$0x3F9C];
	s0 =	simm.s32 @p0 $0x1  }
0x13: {  	[smem:$0x3FB7] =	sst s0;
	s0 =	simm.s32 @!p1 $0x0  }
0x14: {  	s2 =	sld [smem:$0x3F9B];
	s0 =	simm.s32 @p1 $0x1  }
0x15: {  	[smem:$0x3FB8] =	sst s0;
	s0 =	simm.s32 @!p2 $0x0  }
0x16: {  	s3 =	sld [smem:$0x3FDB];
	s0 =	simm.s32 @p2 $0x1  }
0x17: {  	s4 =	simm.s32 $0x1BF5;
	[smem:$0x3FBA] =	sst s0  }
0x18: {  	s0 =	sld [smem:$0x3F9D];
	_ =	swait.ge [sflag:s4], $0x0  }
0x19: {  	s7 =	sld [smem:$0x3F9E]  }
0x1a: {  	s8 =	sadd.s32 $0xFFFFE003, lr  }
0x1b: {  	s9 =	sadd.s32 $0xFFFFFEF7, lr;
	s5 =	simm.s32 $0xFFFFFFFF;
	p2 =	slt.u32 s8, $0xFFFFF086  }
0x1c: {  	p1 =	slt.u32 s9, $0xF7A;
	s5 =	simm.s32 @!p2 $0x0  }
0x1d: {  	s5 =	simm.s32 @p1 $0x1;
	p0 =	seq.s32 s7, s2  }
0x1e: {  	s7 =	smul.u32 @!p0 $0xF7A, s2;
	p2 =	seq.s32 @!p0 s5, $0x0  }
0x1f: {  	s9 =	smul.u32 $0xF7A, s1;
	s8 =	simm.s32 @!p0 $0x1BF5;
	p2 =	por !p2, p0  }
0x20: {  	[sflag:s8] =	ssyncset.s32 @!p0 $0xFFFFF086;
	s6 =	sadd.s32 @!p0 s3, s7;
	s7 =	simm.s32 @!p0 $0x108  }
0x21: {  	s3 =	sadd.s32 s3, s9;
	s6 =	sadd.s32 @!p0 $0x88, s6;
	s7 =	simm.s32 @p2 $0x1082  }
0x22: {  	[simem:s7], [sflag:s8] =	dma.local @!p0 [hbm:s6], $0xF7A  }
0x23: {  	s9 =	sor.u32 $0xD0000000, s2;
	s6 =	simm.s32 $0x108;
	_ =	swait.ge @!p0 [sflag:s8], $0x0  }
0x24: {  	s3 =	sadd.s32 $0x88, s3;
	s6 =	simm.s32 @!p1 $0x1082;
	[sflag:s4] =	ssyncset.s32 $0xFFFFF086  }
0x25: {  	[simem:s6], [sflag:s4] =	dma.local [hbm:s3], $0xF7A  }
0x26: {  	[smem:$0x3F9E] =	sst s1;
	(tag) =	ssettag s2;
	_ =	strace s9  }
0x27: {  	s1 =	sld [smem:$0x3FAE]  }
0x28: {  	s2 =	sld [smem:$0x3FAF]  }
0x29: {  	s4 =	sld [smem:$0x3FB1]  }
0x2a: {  	p0 =	seq.s32 s5, $0x0;
	s5 =	sld [smem:$0x3FB2]  }
0x2b: {  	s6 =	sld [smem:$0x3FB3]  }
0x2c: {  	s7 =	sld [smem:$0x3FB4]  }
0x2d: {  	s3 =	simm.s32 $0x108;
	s8 =	sld [smem:$0x3FB5]  }
0x2e: {  	s3 =	simm.s32 @!p0 $0x1082;
	s9 =	sld [smem:$0x3FB6]  }
0x2f: {  	lr =	sadd.s32 s0, s3;
	s0 =	sld [smem:$0x3FAD]  }
0x30: {  	s3 =	sld [smem:$0x3FB0]  }
0x31: {  	[smem:$0x3FB9] =	sst s10  }
0x32: {  	s10 =	sld [smem:$0x3FB7];
	_ =	sdelay $0x3  }
0x33: {  	p0 =	seq.s32 s10, $0x1;
	s10 =	sld [smem:$0x3FB9];
	_ =	sdelay $0x3  }
0x34: {  	[smem:$0x3FB9] =	sst s10  }
0x35: {  	s10 =	sld [smem:$0x3FB8];
	_ =	sdelay $0x3  }
0x36: {  	p1 =	seq.s32 s10, $0x1;
	s10 =	sld [smem:$0x3FB9];
	_ =	sdelay $0x3  }
0x37: {  	[smem:$0x3FB9] =	sst s10  }
0x38: {  	s10 =	sld [smem:$0x3FBA]  }
0x39: {  	_ = 	snop;
	(pc) =	sbr.ind lr, $3  }
0x3a: {  	_ = 	snop  }
0x3b: {  	_ = 	snop  }
0x3c: {  	p2 =	seq.s32 s10, $0x1;
	s10 =	sld [smem:$0x3FB9]  }
0x3d: {  	_ =	shalt  }
0x3e: {  	_ =	shalt  }
0x3f: {  	_ =	shalt  }
0x40: {  	_ =	shalt  }
0x41: {  	_ =	shalt  }
0x42: {  	_ =	shalt  }
0x43: {  	_ =	shalt  }
0x44: {  	_ =	shalt  }
0x45: {  	_ =	shalt  }
0x46: {  	_ =	shalt  }
0x47: {  	_ =	shalt  }
0x48: {  	_ =	shalt  }
0x49: {  	_ =	shalt  }
0x4a: {  	_ =	shalt  }
0x4b: {  	_ =	shalt  }
0x4c: {  	_ =	shalt  }
0x4d: {  	_ =	shalt  }
0x4e: {  	_ =	shalt  }
0x4f: {  	_ =	shalt  }
0x50: {  	_ =	shalt  }
0x51: {  	_ =	shalt  }
0x52: {  	_ =	shalt  }
0x53: {  	_ =	shalt  }
0x54: {  	_ =	shalt  }
0x55: {  	_ =	shalt  }
0x56: {  	_ =	shalt  }
0x57: {  	_ =	shalt  }
0x58: {  	_ =	shalt  }
0x59: {  	_ =	shalt  }
0x5a: {  	_ =	shalt  }
0x5b: {  	_ =	shalt  }
0x5c: {  	_ =	shalt  }
0x5d: {  	_ =	shalt  }
0x5e: {  	_ =	shalt  }
0x5f: {  	_ =	shalt  }
0x60: {  	_ =	shalt  }
0x61: {  	_ =	shalt  }
0x62: {  	_ =	shalt  }
0x63: {  	_ =	shalt  }
0x64: {  	_ =	shalt  }
0x65: {  	_ =	shalt  }
0x66: {  	_ =	shalt  }
0x67: {  	_ =	shalt  }
0x68: {  	_ =	shalt  }
0x69: {  	_ =	shalt  }
0x6a: {  	_ =	shalt  }
0x6b: {  	_ =	shalt  }
0x6c: {  	_ =	shalt  }
0x6d: {  	_ =	shalt  }
0x6e: {  	_ =	shalt  }
0x6f: {  	_ =	shalt  }
0x70: {  	_ =	shalt  }
0x71: {  	_ =	shalt  }
0x72: {  	_ =	shalt  }
0x73: {  	_ =	shalt  }
0x74: {  	_ =	shalt  }
0x75: {  	_ =	shalt  }
0x76: {  	_ =	shalt  }
0x77: {  	_ =	shalt  }
0x78: {  	_ =	shalt  }
0x79: {  	_ =	shalt  }
0x7a: {  	_ =	shalt  }
0x7b: {  	_ =	shalt  }
0x7c: {  	_ =	shalt  }
0x7d: {  	_ =	shalt  }
0x7e: {  	_ =	shalt  }
0x7f: {  	_ =	shalt  }
0x80: {  	_ =	shalt  }
0x81: {  	_ =	shalt  }
0x82: {  	_ =	shalt  }
0x83: {  	_ =	shalt  }
0x84: {  	_ =	shalt  }
0x85: {  	_ =	shalt  }
0x86: {  	_ =	shalt  }
0x87: {  	_ =	shalt  }
.Lfunc_end0:
.L_simem_size_0:
called_computation.1_lowered:
.L_overlay_start_0:
0x88: {  	s2 =	sld [smem:$0x3FD9]  }
0x89: {  	s3 =	sld [smem:$0x3FFE];
	_ =	sdelay $0x1  }
0x8a: {  	s1 =	srdreg.scid  }
0x8b: {  	s0 =	sand.u32 $0x1, s1  }
0x8c: {  	s17 =	sshll.u32 s0, $0xA;
	s2 =	sadd.s32 s3, s2  }
0x8d: {  	s2 =	sadd.s32 s2, s17  }
0x8e: {  	[smem:$0x3FC5] =	sst s2  }
0x8f: {  	_ = 	snop  }
0x90: {  	s4 =	sld [smem:$0x3FC9]  }
0x91: {  	s5 =	sld [smem:$0x3FC7]  }
0x92: {  	s18 =	sld [smem:$0x3FD0];
	(tm) =	ssettm $0x1  }
0x93: {  	s19 =	sld [smem:$0x3FFB];
	_ =	sdelay $0x3  }
0x94: {  	_ =	strace s19  }
0x95: {  	s2 =	sld [smem:$0x3FFC];
	_ =	sdelay $0x3  }
0x96: {  	_ =	strace s2  }
0x97: {  	s2 =	sld [smem:$0x3FFD];
	_ =	sdelay $0x3  }
0x98: {  	_ =	strace s2  }
0x99: {  	_ =	strace $0x8FFFFFFF  }
0x9a: {  	s20 =	sld [smem:$0x3FDB];
	_ =	sdelay $0x1  }
0x9b: {  	s6 =	simm.s32 $_scs_section_size  }
0x9c: {  	s7 =	simm.s32 $_size__tile_overlayer_lowered;
	s8 =	simm.s32 $_tile_overlayer_lowered  }
0x9d: {  	s9 =	simm.s32 $0x1BFF;
	s21 =	sshll.u32 s8, $0x1;
	s6 =	sadd.s32 s6, s20  }
0x9e: {  	s22 =	simm.s32 $0x0;
	s7 =	sshll.u32 s7, $0x1;
	s8 =	sadd.s32 s21, s6  }
0x9f: {  	[timem:s22], [sflag:s9] =	dma.local [hbm:s8], s7  }
0xa0: {  	_ =	swait.ge [sflag:s9], s7  }
0xa1: {  	s7 =	ssub.s32 $0x0, s7;
	[sflag:s9] =	ssyncset.done $0x0  }
0xa2: {  	[sflag:s9] =	ssyncadd.s32 s7;
	_ =	sdelay $0x1  }
0xa3: {  	s23 =	simm.s32 $0x1B8B  }
0xa4: {  	_ =	swait.ge [sflag:s23], $0x1  }
0xa5: {  	[sflag:s23] =	ssyncset.done $0x0  }
0xa6: {  	[sflag:s23] =	ssyncadd.s32 $0xFFFFFFFF  }
0xa7: {  	s7 =	sld [smem:$0x0]  }
0xa8: {  	s8 =	sand.u32 $0xFFFFFFFE, s1  }
0xa9: {  	p0 =	sne.s32 s1, s8  }
0xaa: {  	s8 =	sshll.u32 @p0 s8, $0xE  }
0xab: {  	s8 =	sadd.s32 @p0 $0x11B8D, s8;
	s9 =	sshll.u32 @p0 s7, $0x11  }
0xac: {  	s8 =	sor.u32 @p0 s9, s8  }
0xad: {  	[sflag:s8] =	ssyncadd.remote.s32 @p0 $0x1;
	_ =	sdelay $0x1  }
0xae: {  	s8 =	simm.s32 @p0 $0x1B8D  }
0xaf: {  	_ =	swait.eq @p0 [sflag:s8], $0x1  }
0xb0: {  	[sflag:s8] =	ssyncadd.s32 @p0 $0xFFFFFFFF  }
0xb1: {  	s9 =	sshll.u32 @!p0 s1, $0xE  }
0xb2: {  	s9 =	sor.u32 @!p0 $0x4000, s9;
	s8 =	simm.s32 @!p0 $0x1B8D  }
0xb3: {  	s7 =	sshll.u32 @!p0 s7, $0x11;
	s9 =	sadd.s32 @!p0 $0x11B8D, s9;
	_ =	swait.eq @!p0 [sflag:s8], $0x1  }
0xb4: {  	s7 =	sor.u32 @!p0 s7, s9;
	[sflag:s8] =	ssyncadd.s32 @!p0 $0xFFFFFFFF  }
0xb5: {  	s25 =	simm.s32 $0x1B8E;
	s24 =	sld [smem:$0x3FFE];
	[sflag:s7] =	ssyncadd.remote.s32 @!p0 $0x1  }
0xb6: {  	s26 =	simm.s32 $execute0_lowered;
	[smem:$0x3FD2] =	sst s25  }
0xb7: {  	s8 =	sshll.u32 s26, $0x1;
	_ =	strace $0x8000004C;
	[dreg:$0x1] =	wrdreg $0xFFFFFFFF  }
0xb8: {  	s28 =	simm.s32 $_size_execute0_lowered;
	s6 =	sadd.s32 s6, s8;
	[dreg:$0x0] =	wrdreg $0x0  }
0xb9: {  	s8 =	sshll.u32 s28, $0x1;
	[dreg:$0x2] =	wrdreg s6  }
0xba: {  	[dreg:$0x3] =	wrdreg s8  }
0xbb: {  	[dreg:$0x4] =	wrdreg $0xC0  }
0xbc: {  	_ =	task [dreg:s22], $0x5FFFF  }
0xbd: {  	[dreg:$0x1] =	wrdreg $0xFFFFFFFF  }
0xbe: {  	[dreg:$0x0] =	wrdreg $0x60  }
0xbf: {  	[dreg:$0x2] =	wrdreg s4  }
0xc0: {  	[dreg:$0x3] =	wrdreg s5  }
0xc1: {  	[dreg:$0x4] =	wrdreg s24  }
0xc2: {  	[dreg:$0x5] =	wrdreg s18  }
0xc3: {  	[dreg:$0x6] =	wrdreg $0xA  }
0xc4: {  	_ =	task.clear_ibuf [dreg:s22], $0x7FFFF;
	_ =	strace $0x9000004C  }
0xc5: {  	s29 =	simm.s32 $0xA;
	_ =	strace $0x8000004E  }
0xc6: {  	_ =	swait.ge [sflag:s29], $0x1  }
0xc7: {  	[sflag:s29] =	ssyncadd.s32 $0xFFFFFFFF  }
0xc8: {  	_ =	strace $0x9000004E  }
0xc9: {  	_ =	sfence  }
0xca: {  	s30 =	sld [smem:$0x0];
	_ =	sdelay $0x2  }
0xcb: {  	s31 =	sshll.u32 s1, $0xD;
	s1 =	sshrl.u32 s1, $0x2  }
0xcc: {  	s4 =	sand.u32 $0x4000, s31;
	s1 =	sadd.s32 s1, s30  }
0xcd: {  	s0 =	sor.u32 s4, s0;
	s1 =	sshll.u32 s1, $0x11  }
0xce: {  	s0 =	sor.u32 s1, s0  }
0xcf: {  	s0 =	sadd.s32 $0x8F2B, s0  }
0xd0: {  	[sflag:s0] =	ssyncadd.remote.s32 $0x1  }
0xd1: {  	_ =	sfence.sel $0xFFFF  }
0xd2: {  	[dreg:$0x0] =	wrdreg $0xFFFFFFFF;
	(pc) =	sbr.abs _section_cstart, $3  }
0xd3: {  	[dreg:$0x1] =	wrdreg $0xFFFFFFFF  }
0xd4: {  	_ =	task.clear_ibuf [dreg:s22], $0x2FFFF;
	_ =	strace $0x9FFFFFFF  }
0xd5: {  	(tm) =	ssettm $0x7FFFFFFF  }
tec
execute0_lowered:
.L_overlay_start_1:
0x0: {  	(tag) =	ssettag $0x1  }
0x1: {  	s0 =	srdreg.scid;
	s1 =	rddreg [dreg:$0x0]  }
0x2: {  	s3 =	stileid.u32;
	s2 =	rddreg [dreg:$0x1];
	s0 =	sand.u32 $0x1, s0  }
0x3: {  	s5 =	rddreg [dreg:$0x2];
	s3 =	sshll.u32 s3, $0x8;
	s4 =	sshll.u32 s0, $0x7  }
0x4: {  	s6 =	rddreg [dreg:$0x3];
	s3 =	sor.u32 s4, s3;
	s4 =	simm.s32 $0x0  }
0x5: {  	s15 =	simm.s32 $0x8980;
	[smem:$0x7FF] =	sst s4  }
0x6: {  	s16 =	simm.s32 $0x9180;
	_ =	strace $0x8000004D;
	[dreg:$0xe] =	wrdreg s15  }
0x7: {  	s17 =	simm.s32 $0x9980;
	[dreg:$0xf] =	wrdreg s16  }
0x8: {  	s18 =	simm.s32 $0xA180;
	s19 =	simm.s32 $0xA980;
	[dreg:$0x10] =	wrdreg s17  }
0x9: {  	s20 =	simm.s32 $0xB180;
	s21 =	simm.s32 $0xB980;
	[dreg:$0x11] =	wrdreg s18  }
0xa: {  	s22 =	sadd.s32 $0x144200, s5;
	s23 =	sadd.s32 $0x184200, s5;
	[dreg:$0x12] =	wrdreg s19  }
0xb: {  	s7 =	sshrl.u32 s3, $0x3;
	s25 =	sshll.u32 s3, $0x6;
	[dreg:$0x13] =	wrdreg s20  }
0xc: {  	s3 =	sshll.u32 s3, $0x5;
	s26 =	sadd.s32 s22, s25;
	[dreg:$0x14] =	wrdreg s21  }
0xd: {  	s3 =	sadd.s32 s23, s3;
	[dreg:$0x8] =	wrdreg s26  }
0xe: {  	s15 =	simm.s32 $0x12980;
	[dreg:$0xa] =	wrdreg s3  }
0xf: {  	s16 =	simm.s32 $0x13180;
	[smem:$0x7F2] =	sst s15  }
0x10: {  	s17 =	simm.s32 $0x13980;
	[smem:$0x7F3] =	sst s16  }
0x11: {  	s18 =	simm.s32 $0x14180;
	[smem:$0x7F4] =	sst s17  }
0x12: {  	s19 =	simm.s32 $0x14980;
	[smem:$0x7F5] =	sst s18  }
0x13: {  	s8 =	sor.u32 $0x200, s7;
	s20 =	simm.s32 $0x15180;
	[smem:$0x7F6] =	sst s19  }
0x14: {  	s7 =	sor.u32 $0x8, s7;
	s21 =	simm.s32 $0x15980;
	[smem:$0x7F7] =	sst s20  }
0x15: {  	s9 =	sadd.s32 s8, s5;
	s6 =	sadd.s32 s6, s8;
	[smem:$0x7F8] =	sst s21  }
0x16: {  	s11 =	sshll.u32 s7, $0x9;
	s26 =	simm.s32 $0xD980;
	[dreg:$0x6] =	wrdreg s6  }
0x17: {  	s13 =	sshll.u32 s7, $0x8;
	s7 =	simm.s32 $0xE980;
	[dreg:$0x18] =	wrdreg s26  }
0x18: {  	s10 =	sadd.s32 $0x3A00, s9;
	[dreg:$0x1a] =	wrdreg s7  }
0x19: {  	s24 =	sadd.s32 $0x3200, s9;
	[dreg:$0x5] =	wrdreg s10  }
0x1a: {  	s5 =	sadd.s32 $0x1A4200, s5;
	s8 =	sadd.s32 s22, s11;
	[dreg:$0x7] =	wrdreg s24  }
0x1b: {  	s9 =	sadd.s32 s5, s25;
	[dreg:$0x9] =	wrdreg s8  }
0x1c: {  	s28 =	simm.s32 $0x3180;
	s12 =	sadd.s32 s5, s11;
	[dreg:$0xb] =	wrdreg s9  }
0x1d: {  	s29 =	simm.s32 $0x3980;
	s14 =	sadd.s32 s23, s13;
	[dreg:$0xc] =	wrdreg s12  }
0x1e: {  	s30 =	simm.s32 $0x4180;
	s22 =	simm.s32 $0xC180;
	[dreg:$0xd] =	wrdreg s14  }
0x1f: {  	s31 =	simm.s32 $0x4980;
	s23 =	simm.s32 $0xC980;
	[dreg:$0x15] =	wrdreg s22  }
0x20: {  	s0 =	ssub.s32 $0x2, s0;
	s6 =	simm.s32 $0xE180;
	[dreg:$0x16] =	wrdreg s23  }
0x21: {  	s21 =	simm.s32 $0x1;
	s11 =	simm.s32 $0x10980;
	[dreg:$0x19] =	wrdreg s6  }
0x22: {  	s17 =	simm.s32 $0x8180;
	s13 =	simm.s32 $0x11980;
	[dreg:$0x1e] =	wrdreg s11  }
0x23: {  	s3 =	simm.s32 $0x19980;
	s26 =	simm.s32 $0x80;
	[smem:$0x7F0] =	sst s13  }
0x24: {  	s15 =	simm.s32 $0x1B980;
	s24 =	simm.s32 $0xD180;
	[smem:$0x7FD] =	sst s26  }
0x25: {  	s25 =	sshrl.u32 s0, $0x1;
	s8 =	simm.s32 $0xF180;
	[dreg:$0x17] =	wrdreg s24  }
0x26: {  	s5 =	sadd.s32 $0x100, s1;
	s9 =	simm.s32 $0xF980;
	[dreg:$0x1b] =	wrdreg s8  }
0x27: {  	s7 =	simm.s32 $0x9;
	s10 =	simm.s32 $0x100;
	[dreg:$0x1c] =	wrdreg s9  }
0x28: {  	s0 =	ssub.s32 s0, s25;
	s12 =	simm.s32 $0x11180;
	[dreg:$0x1d] =	wrdreg s10  }
0x29: {  	s14 =	simm.s32 $0x12180;
	s22 =	simm.s32 $0x16180;
	[dreg:$0x1f] =	wrdreg s12  }
0x2a: {  	s23 =	simm.s32 $0x16980;
	s25 =	simm.s32 $0x17980;
	[smem:$0x7F1] =	sst s14  }
0x2b: {  	s13 =	simm.s32 $0x4;
	s26 =	simm.s32 $0x180;
	[smem:$0x7F9] =	sst s22  }
0x2c: {  	s11 =	simm.s32 $0x1B180;
	s6 =	smax.u32 s0, $0x1;
	[smem:$0x7FA] =	sst s23  }
0x2d: {  	s24 =	simm.s32 $0x17180;
	[smem:$0x7FC] =	sst s25;
	s12 =	simm.s32 $0x5  }
0x2e: {  	v2 =	vlaneseq.u32;
	s14 =	simm.s32 $0x8;
	s22 =	simm.s32 $0x1180;
	s23 =	simm.s32 $0x1980  }
0x2f: {  	vm0 =	vmmov $0xffff;
	v1 =	vshrl.u32 v2, $0x3;
	s25 =	simm.s32 $0x2980;
	s8 =	simm.s32 $0x10180;
	s10 =	simm.s32 $0x1A180  }
0x30: {  	v0 =	vand.u32 $0x7, v2;
	v2 =	vor.u32 $0x8, v2;
	v1 =	vmul.u32 $0x8, v1;
	s9 =	simm.s32 $0x1A980;
	[smem:$0x7FB] =	sst s24;
	s24 =	simm.s32 $0x2180  }
.LBB2_1:
0x31: {  	s18 =	rddreg [dreg:$0x5]  }
0x32: {  	[tilespmem:s4], [sflag:$0x9] =	stream.linear.gather [hbm4b:s18+s4], $0x80, $0x38;
	[tilespmem:$0x1C180] =	vst v63  }
0x33: {  	_ =	swait.ge [sflag:s7], $0x80  }
0x34: {  	[sflag:s7] =	ssyncset.done $0x0  }
0x35: {  	[sflag:s7] =	ssyncadd.s32 $0xFFFFFF80  }
0x36: {  	v3 =	vld [tilespmem:$0x0];
	_ =	sdelay $0x4  }
0x37: {  	v4 =	vshll.u32 v3, $0x2  }
0x38: {  	v3 =	vand.u32 $0x7, v3;
	v4 =	vand.u32 $0xFFFFFFE0, v4  }
0x39: {  	v3 =	vor.u32 v3, v4  }
0x3a: {  	v4 =	vperm.xlane v3, v0;
	_ =	sdelay $0x1  }
0x3b: {  	v4 =	vadd.s32 v1, v4;
	_ =	sdelay $0x1  }
0x3c: {  	v3 =	vperm.xlane v3, v2;
	_ =	sdelay $0x1  }
0x3d: {  	v3 =	vadd.s32 v1, v3  }
0x3e: {  	[tilespmem:s26], [sflag:$0x1] =	stream.indirect_vreg.gather [hbm4b:s1+s4], $0x80, v4, vm0, $0xb8;
	[tilespmem:$0x1C180] =	vst v63  }
0x3f: {  	s0 =	simm.s32 $0x980  }
0x40: {  	[tilespmem:s0], [sflag:$0x1] =	stream.indirect_vreg.gather [hbm4b:s5+s4], $0x80, v4, vm0, $0xb8;
	[tilespmem:$0x1C180] =	vst v63  }
0x41: {  	_ = 	snop  }
0x42: {  	[tilespmem:s22], [sflag:$0x1] =	stream.indirect_vreg.gather [hbm4b:s1+s4], $0x80, v3, vm0, $0xb8;
	[tilespmem:$0x1C180] =	vst v63  }
0x43: {  	_ = 	snop  }
0x44: {  	[tilespmem:s23], [sflag:$0x1] =	stream.indirect_vreg.gather [hbm4b:s5+s4], $0x80, v3, vm0, $0xb8;
	[tilespmem:$0x1C180] =	vst v63  }
0x45: {  	v3 =	vld [tilespmem:$0x10];
	_ =	sdelay $0x4  }
0x46: {  	v41 =	vshll.u32 v3, $0x2  }
0x47: {  	v3 =	vand.u32 $0x7, v3;
	v4 =	vand.u32 $0xFFFFFFE0, v41  }
0x48: {  	v3 =	vor.u32 v3, v4  }
0x49: {  	v4 =	vperm.xlane v3, v0;
	_ =	sdelay $0x1  }
0x4a: {  	v4 =	vadd.s32 v1, v4;
	_ =	sdelay $0x1  }
0x4b: {  	v3 =	vperm.xlane v3, v2;
	_ =	sdelay $0x1  }
0x4c: {  	v3 =	vadd.s32 v1, v3  }
0x4d: {  	[tilespmem:s24], [sflag:$0x1] =	stream.indirect_vreg.gather [hbm4b:s1+s4], $0x80, v4, vm0, $0xb8;
	[tilespmem:$0x1C180] =	vst v63  }
0x4e: {  	_ = 	snop  }
0x4f: {  	[tilespmem:s25], [sflag:$0x1] =	stream.indirect_vreg.gather [hbm4b:s5+s4], $0x80, v4, vm0, $0xb8;
	[tilespmem:$0x1C180] =	vst v63  }
0x50: {  	_ = 	snop  }
0x51: {  	[tilespmem:s28], [sflag:$0x1] =	stream.indirect_vreg.gather [hbm4b:s1+s4], $0x80, v3, vm0, $0xb8;
	[tilespmem:$0x1C180] =	vst v63  }
0x52: {  	_ = 	snop  }
0x53: {  	[tilespmem:s29], [sflag:$0x1] =	stream.indirect_vreg.gather [hbm4b:s5+s4], $0x80, v3, vm0, $0xb8;
	[tilespmem:$0x1C180] =	vst v63  }
0x54: {  	v3 =	vld [tilespmem:$0x20];
	_ =	sdelay $0x4  }
0x55: {  	v42 =	vshll.u32 v3, $0x2  }
0x56: {  	v3 =	vand.u32 $0x7, v3;
	v4 =	vand.u32 $0xFFFFFFE0, v42  }
0x57: {  	v3 =	vor.u32 v3, v4  }
0x58: {  	v4 =	vperm.xlane v3, v0;
	_ =	sdelay $0x1  }
0x59: {  	v4 =	vadd.s32 v1, v4;
	_ =	sdelay $0x1  }
0x5a: {  	v3 =	vperm.xlane v3, v2;
	_ =	sdelay $0x1  }
0x5b: {  	v3 =	vadd.s32 v1, v3  }
0x5c: {  	[tilespmem:s30], [sflag:$0x1] =	stream.indirect_vreg.gather [hbm4b:s1+s4], $0x80, v4, vm0, $0xb8;
	[tilespmem:$0x1C180] =	vst v63  }
0x5d: {  	_ = 	snop  }
0x5e: {  	[tilespmem:s31], [sflag:$0x1] =	stream.indirect_vreg.gather [hbm4b:s5+s4], $0x80, v4, vm0, $0xb8;
	[tilespmem:$0x1C180] =	vst v63  }
0x5f: {  	s19 =	simm.s32 $0x5180  }
0x60: {  	[tilespmem:s19], [sflag:$0x1] =	stream.indirect_vreg.gather [hbm4b:s1+s4], $0x80, v3, vm0, $0xb8;
	[tilespmem:$0x1C180] =	vst v63  }
0x61: {  	s20 =	simm.s32 $0x5980  }
0x62: {  	[tilespmem:s20], [sflag:$0x1] =	stream.indirect_vreg.gather [hbm4b:s5+s4], $0x80, v3, vm0, $0xb8;
	[tilespmem:$0x1C180] =	vst v63  }
0x63: {  	v3 =	vld [tilespmem:$0x30];
	_ =	sdelay $0x4  }
0x64: {  	v43 =	vshll.u32 v3, $0x2  }
0x65: {  	v3 =	vand.u32 $0x7, v3;
	v4 =	vand.u32 $0xFFFFFFE0, v43  }
0x66: {  	v3 =	vor.u32 v3, v4  }
0x67: {  	v4 =	vperm.xlane v3, v0;
	_ =	sdelay $0x1  }
0x68: {  	v4 =	vadd.s32 v1, v4;
	_ =	sdelay $0x1  }
0x69: {  	v3 =	vperm.xlane v3, v2;
	_ =	sdelay $0x1  }
0x6a: {  	s16 =	simm.s32 $0x6180;
	v3 =	vadd.s32 v1, v3  }
0x6b: {  	[tilespmem:s16], [sflag:$0x1] =	stream.indirect_vreg.gather [hbm4b:s1+s4], $0x80, v4, vm0, $0xb8;
	[tilespmem:$0x1C180] =	vst v63  }
0x6c: {  	s18 =	simm.s32 $0x6980  }
0x6d: {  	[tilespmem:s18], [sflag:$0x1] =	stream.indirect_vreg.gather [hbm4b:s5+s4], $0x80, v4, vm0, $0xb8;
	[tilespmem:$0x1C180] =	vst v63  }
0x6e: {  	s19 =	simm.s32 $0x7180  }
0x6f: {  	[tilespmem:s19], [sflag:$0x1] =	stream.indirect_vreg.gather [hbm4b:s1+s4], $0x80, v3, vm0, $0xb8;
	[tilespmem:$0x1C180] =	vst v63  }
0x70: {  	s20 =	simm.s32 $0x7980  }
0x71: {  	[tilespmem:s20], [sflag:$0x1] =	stream.indirect_vreg.gather [hbm4b:s5+s4], $0x80, v3, vm0, $0xb8;
	[tilespmem:$0x1C180] =	vst v63  }
0x72: {  	v3 =	vld [tilespmem:$0x40];
	_ =	sdelay $0x4  }
0x73: {  	v44 =	vshll.u32 v3, $0x2  }
0x74: {  	v3 =	vand.u32 $0x7, v3;
	v4 =	vand.u32 $0xFFFFFFE0, v44  }
0x75: {  	v3 =	vor.u32 v3, v4  }
0x76: {  	v4 =	vperm.xlane v3, v0;
	_ =	sdelay $0x1  }
0x77: {  	v4 =	vadd.s32 v1, v4;
	_ =	sdelay $0x1  }
0x78: {  	v3 =	vperm.xlane v3, v2;
	_ =	sdelay $0x1  }
0x79: {  	v3 =	vadd.s32 v1, v3  }
0x7a: {  	[tilespmem:s17], [sflag:$0x2] =	stream.indirect_vreg.gather [hbm4b:s1+s4], $0x80, v4, vm0, $0xb8;
	[tilespmem:$0x1C180] =	vst v63  }
0x7b: {  	s0 =	rddreg [dreg:$0xe]  }
0x7c: {  	[tilespmem:s0], [sflag:$0x2] =	stream.indirect_vreg.gather [hbm4b:s5+s4], $0x80, v4, vm0, $0xb8;
	[tilespmem:$0x1C180] =	vst v63  }
0x7d: {  	s19 =	rddreg [dreg:$0xf]  }
0x7e: {  	[tilespmem:s19], [sflag:$0x2] =	stream.indirect_vreg.gather [hbm4b:s1+s4], $0x80, v3, vm0, $0xb8;
	[tilespmem:$0x1C180] =	vst v63  }
0x7f: {  	s16 =	rddreg [dreg:$0x10]  }
0x80: {  	[tilespmem:s16], [sflag:$0x2] =	stream.indirect_vreg.gather [hbm4b:s5+s4], $0x80, v3, vm0, $0xb8;
	[tilespmem:$0x1C180] =	vst v63  }
0x81: {  	v3 =	vld [tilespmem:$0x50];
	_ =	sdelay $0x4  }
0x82: {  	v45 =	vshll.u32 v3, $0x2  }
0x83: {  	v3 =	vand.u32 $0x7, v3;
	v4 =	vand.u32 $0xFFFFFFE0, v45  }
0x84: {  	v3 =	vor.u32 v3, v4  }
0x85: {  	v4 =	vperm.xlane v3, v0;
	_ =	sdelay $0x1  }
0x86: {  	v4 =	vadd.s32 v1, v4;
	_ =	sdelay $0x1  }
0x87: {  	v3 =	vperm.xlane v3, v2;
	_ =	sdelay $0x1  }
0x88: {  	s19 =	rddreg [dreg:$0x11];
	v3 =	vadd.s32 v1, v3  }
0x89: {  	[tilespmem:s19], [sflag:$0x2] =	stream.indirect_vreg.gather [hbm4b:s1+s4], $0x80, v4, vm0, $0xb8;
	[tilespmem:$0x1C180] =	vst v63  }
0x8a: {  	s20 =	rddreg [dreg:$0x12]  }
0x8b: {  	[tilespmem:s20], [sflag:$0x2] =	stream.indirect_vreg.gather [hbm4b:s5+s4], $0x80, v4, vm0, $0xb8;
	[tilespmem:$0x1C180] =	vst v63  }
0x8c: {  	s0 =	rddreg [dreg:$0x13]  }
0x8d: {  	[tilespmem:s0], [sflag:$0x2] =	stream.indirect_vreg.gather [hbm4b:s1+s4], $0x80, v3, vm0, $0xb8;
	[tilespmem:$0x1C180] =	vst v63  }
0x8e: {  	s16 =	rddreg [dreg:$0x14]  }
0x8f: {  	[tilespmem:s16], [sflag:$0x2] =	stream.indirect_vreg.gather [hbm4b:s5+s4], $0x80, v3, vm0, $0xb8;
	[tilespmem:$0x1C180] =	vst v63  }
0x90: {  	v3 =	vld [tilespmem:$0x60];
	_ =	sdelay $0x4  }
0x91: {  	v46 =	vshll.u32 v3, $0x2  }
0x92: {  	v3 =	vand.u32 $0x7, v3;
	v4 =	vand.u32 $0xFFFFFFE0, v46  }
0x93: {  	v3 =	vor.u32 v3, v4  }
0x94: {  	v4 =	vperm.xlane v3, v0;
	_ =	sdelay $0x1  }
0x95: {  	v4 =	vadd.s32 v1, v4;
	_ =	sdelay $0x1  }
0x96: {  	v3 =	vperm.xlane v3, v2;
	_ =	sdelay $0x1  }
0x97: {  	s20 =	rddreg [dreg:$0x15];
	v3 =	vadd.s32 v1, v3  }
0x98: {  	[tilespmem:s20], [sflag:$0x2] =	stream.indirect_vreg.gather [hbm4b:s1+s4], $0x80, v4, vm0, $0xb8;
	[tilespmem:$0x1C180] =	vst v63  }
0x99: {  	s0 =	rddreg [dreg:$0x16]  }
0x9a: {  	[tilespmem:s0], [sflag:$0x2] =	stream.indirect_vreg.gather [hbm4b:s5+s4], $0x80, v4, vm0, $0xb8;
	[tilespmem:$0x1C180] =	vst v63  }
0x9b: {  	s16 =	rddreg [dreg:$0x17]  }
0x9c: {  	[tilespmem:s16], [sflag:$0x2] =	stream.indirect_vreg.gather [hbm4b:s1+s4], $0x80, v3, vm0, $0xb8;
	[tilespmem:$0x1C180] =	vst v63  }
0x9d: {  	s20 =	rddreg [dreg:$0x18]  }
0x9e: {  	[tilespmem:s20], [sflag:$0x2] =	stream.indirect_vreg.gather [hbm4b:s5+s4], $0x80, v3, vm0, $0xb8;
	[tilespmem:$0x1C180] =	vst v63  }
0x9f: {  	v3 =	vld [tilespmem:$0x70];
	_ =	sdelay $0x4  }
0xa0: {  	v47 =	vshll.u32 v3, $0x2  }
0xa1: {  	v3 =	vand.u32 $0x7, v3;
	v4 =	vand.u32 $0xFFFFFFE0, v47  }
0xa2: {  	v3 =	vor.u32 v3, v4  }
0xa3: {  	v4 =	vperm.xlane v3, v0;
	_ =	sdelay $0x1  }
0xa4: {  	v4 =	vadd.s32 v1, v4;
	_ =	sdelay $0x1  }
0xa5: {  	v3 =	vperm.xlane v3, v2  }
0xa6: {  	s0 =	rddreg [dreg:$0x19]  }
0xa7: {  	s16 =	rddreg [dreg:$0x1a];
	v3 =	vadd.s32 v1, v3  }
0xa8: {  	[tilespmem:s0], [sflag:$0x2] =	stream.indirect_vreg.gather [hbm4b:s1+s4], $0x80, v4, vm0, $0xb8;
	[tilespmem:$0x1C180] =	vst v63  }
0xa9: {  	s20 =	rddreg [dreg:$0x1b]  }
0xaa: {  	[tilespmem:s16], [sflag:$0x2] =	stream.indirect_vreg.gather [hbm4b:s5+s4], $0x80, v4, vm0, $0xb8;
	[tilespmem:$0x1C180] =	vst v63  }
0xab: {  	s0 =	rddreg [dreg:$0x1c]  }
0xac: {  	[tilespmem:s20], [sflag:$0x2] =	stream.indirect_vreg.gather [hbm4b:s1+s4], $0x80, v3, vm0, $0xb8;
	[tilespmem:$0x1C180] =	vst v63  }
0xad: {  	s16 =	rddreg [dreg:$0x6]  }
0xae: {  	[tilespmem:s0], [sflag:$0x2] =	stream.indirect_vreg.gather [hbm4b:s5+s4], $0x80, v3, vm0, $0xb8;
	[tilespmem:$0x1C180] =	vst v63  }
0xaf: {  	s20 =	rddreg [dreg:$0x1d]  }
0xb0: {  	[tilespmem:s20], [sflag:$0x9] =	stream.linear.gather [hbm4b:s16+s4], $0x80, $0x38;
	[tilespmem:$0x1C180] =	vst v63  }
0xb1: {  	_ =	swait.ge [sflag:s7], $0x80  }
0xb2: {  	[sflag:s7] =	ssyncset.done $0x0  }
0xb3: {  	[sflag:s7] =	ssyncadd.s32 $0xFFFFFF80  }
0xb4: {  	v3 =	vld [tilespmem:$0x100];
	_ =	sdelay $0x4  }
0xb5: {  	v48 =	vshll.u32 v3, $0x2  }
0xb6: {  	v3 =	vand.u32 $0x7, v3;
	v4 =	vand.u32 $0xFFFFFFE0, v48  }
0xb7: {  	v3 =	vor.u32 v3, v4  }
0xb8: {  	v4 =	vperm.xlane v3, v0;
	_ =	sdelay $0x1  }
0xb9: {  	v4 =	vadd.s32 v1, v4;
	_ =	sdelay $0x1  }
0xba: {  	v3 =	vperm.xlane v3, v2;
	_ =	sdelay $0x1  }
0xbb: {  	s20 =	rddreg [dreg:$0x1e];
	v3 =	vadd.s32 v1, v3  }
0xbc: {  	[tilespmem:s8], [sflag:$0x3] =	stream.indirect_vreg.gather [hbm4b:s1+s4], $0x80, v4, vm0, $0xb8;
	[tilespmem:$0x1C180] =	vst v63  }
0xbd: {  	s0 =	rddreg [dreg:$0x1f]  }
0xbe: {  	[tilespmem:s20], [sflag:$0x3] =	stream.indirect_vreg.gather [hbm4b:s5+s4], $0x80, v4, vm0, $0xb8;
	[tilespmem:$0x1C180] =	vst v63  }
0xbf: {  	s16 =	sld [smem:$0x7F0]  }
0xc0: {  	[tilespmem:s0], [sflag:$0x3] =	stream.indirect_vreg.gather [hbm4b:s1+s4], $0x80, v3, vm0, $0xb8;
	[tilespmem:$0x1C180] =	vst v63  }
0xc1: {  	_ = 	snop  }
0xc2: {  	[tilespmem:s16], [sflag:$0x3] =	stream.indirect_vreg.gather [hbm4b:s5+s4], $0x80, v3, vm0, $0xb8;
	[tilespmem:$0x1C180] =	vst v63  }
0xc3: {  	v3 =	vld [tilespmem:$0x110];
	_ =	sdelay $0x4  }
0xc4: {  	v49 =	vshll.u32 v3, $0x2  }
0xc5: {  	v3 =	vand.u32 $0x7, v3;
	v4 =	vand.u32 $0xFFFFFFE0, v49  }
0xc6: {  	v3 =	vor.u32 v3, v4  }
0xc7: {  	v4 =	vperm.xlane v3, v0;
	_ =	sdelay $0x1  }
0xc8: {  	v4 =	vadd.s32 v1, v4;
	_ =	sdelay $0x1  }
0xc9: {  	s19 =	sld [smem:$0x7F1];
	v3 =	vperm.xlane v3, v2;
	_ =	sdelay $0x1  }
0xca: {  	s20 =	sld [smem:$0x7F2];
	v3 =	vadd.s32 v1, v3  }
0xcb: {  	[tilespmem:s19], [sflag:$0x3] =	stream.indirect_vreg.gather [hbm4b:s1+s4], $0x80, v4, vm0, $0xb8;
	[tilespmem:$0x1C180] =	vst v63  }
0xcc: {  	s0 =	sld [smem:$0x7F3]  }
0xcd: {  	[tilespmem:s20], [sflag:$0x3] =	stream.indirect_vreg.gather [hbm4b:s5+s4], $0x80, v4, vm0, $0xb8;
	[tilespmem:$0x1C180] =	vst v63  }
0xce: {  	s16 =	sld [smem:$0x7F4]  }
0xcf: {  	[tilespmem:s0], [sflag:$0x3] =	stream.indirect_vreg.gather [hbm4b:s1+s4], $0x80, v3, vm0, $0xb8;
	[tilespmem:$0x1C180] =	vst v63  }
0xd0: {  	_ = 	snop  }
0xd1: {  	[tilespmem:s16], [sflag:$0x3] =	stream.indirect_vreg.gather [hbm4b:s5+s4], $0x80, v3, vm0, $0xb8;
	[tilespmem:$0x1C180] =	vst v63  }
0xd2: {  	v3 =	vld [tilespmem:$0x120];
	_ =	sdelay $0x4  }
0xd3: {  	v50 =	vshll.u32 v3, $0x2  }
0xd4: {  	v3 =	vand.u32 $0x7, v3;
	v4 =	vand.u32 $0xFFFFFFE0, v50  }
0xd5: {  	v3 =	vor.u32 v3, v4  }
0xd6: {  	v4 =	vperm.xlane v3, v0;
	_ =	sdelay $0x1  }
0xd7: {  	v4 =	vadd.s32 v1, v4;
	_ =	sdelay $0x1  }
0xd8: {  	s19 =	sld [smem:$0x7F5];
	v3 =	vperm.xlane v3, v2;
	_ =	sdelay $0x1  }
0xd9: {  	s20 =	sld [smem:$0x7F6];
	v3 =	vadd.s32 v1, v3  }
0xda: {  	[tilespmem:s19], [sflag:$0x3] =	stream.indirect_vreg.gather [hbm4b:s1+s4], $0x80, v4, vm0, $0xb8;
	[tilespmem:$0x1C180] =	vst v63  }
0xdb: {  	s0 =	sld [smem:$0x7F7]  }
0xdc: {  	[tilespmem:s20], [sflag:$0x3] =	stream.indirect_vreg.gather [hbm4b:s5+s4], $0x80, v4, vm0, $0xb8;
	[tilespmem:$0x1C180] =	vst v63  }
0xdd: {  	s16 =	sld [smem:$0x7F8]  }
0xde: {  	[tilespmem:s0], [sflag:$0x3] =	stream.indirect_vreg.gather [hbm4b:s1+s4], $0x80, v3, vm0, $0xb8;
	[tilespmem:$0x1C180] =	vst v63  }
0xdf: {  	_ = 	snop  }
0xe0: {  	[tilespmem:s16], [sflag:$0x3] =	stream.indirect_vreg.gather [hbm4b:s5+s4], $0x80, v3, vm0, $0xb8;
	[tilespmem:$0x1C180] =	vst v63  }
0xe1: {  	v3 =	vld [tilespmem:$0x130];
	_ =	sdelay $0x4  }
0xe2: {  	v51 =	vshll.u32 v3, $0x2  }
0xe3: {  	v3 =	vand.u32 $0x7, v3;
	v4 =	vand.u32 $0xFFFFFFE0, v51  }
0xe4: {  	v3 =	vor.u32 v3, v4  }
0xe5: {  	v4 =	vperm.xlane v3, v0;
	_ =	sdelay $0x1  }
0xe6: {  	v4 =	vadd.s32 v1, v4;
	_ =	sdelay $0x1  }
0xe7: {  	s20 =	sld [smem:$0x7F9];
	v3 =	vperm.xlane v3, v2;
	_ =	sdelay $0x1  }
0xe8: {  	s0 =	sld [smem:$0x7FA];
	v3 =	vadd.s32 v1, v3  }
0xe9: {  	[tilespmem:s20], [sflag:$0x3] =	stream.indirect_vreg.gather [hbm4b:s1+s4], $0x80, v4, vm0, $0xb8;
	[tilespmem:$0x1C180] =	vst v63  }
0xea: {  	s16 =	sld [smem:$0x7FB]  }
0xeb: {  	[tilespmem:s0], [sflag:$0x3] =	stream.indirect_vreg.gather [hbm4b:s5+s4], $0x80, v4, vm0, $0xb8;
	[tilespmem:$0x1C180] =	vst v63  }
0xec: {  	s19 =	sld [smem:$0x7FC]  }
0xed: {  	[tilespmem:s16], [sflag:$0x3] =	stream.indirect_vreg.gather [hbm4b:s1+s4], $0x80, v3, vm0, $0xb8;
	[tilespmem:$0x1C180] =	vst v63  }
0xee: {  	s0 =	sld [smem:$0x7FD]  }
0xef: {  	[tilespmem:s19], [sflag:$0x3] =	stream.indirect_vreg.gather [hbm4b:s5+s4], $0x80, v3, vm0, $0xb8;
	[tilespmem:$0x1C180] =	vst v63  }
0xf0: {  	s20 =	rddreg [dreg:$0x7]  }
0xf1: {  	[tilespmem:s0], [sflag:$0x9] =	stream.linear.gather [hbm4b:s20+s4], $0x80, $0x38;
	[tilespmem:$0x1C180] =	vst v63  }
0xf2: {  	_ =	swait.ge [sflag:s7], $0x80  }
0xf3: {  	[sflag:s7] =	ssyncset.done $0x0  }
0xf4: {  	[sflag:s7] =	ssyncadd.s32 $0xFFFFFF80  }
0xf5: {  	v3 =	vld [tilespmem:$0x80];
	_ =	sdelay $0x4  }
0xf6: {  	v52 =	vshll.u32 v3, $0x1  }
0xf7: {  	v3 =	vand.u32 $0x7, v3;
	v4 =	vand.u32 $0xFFFFFFF0, v52  }
0xf8: {  	v3 =	vor.u32 v3, v4  }
0xf9: {  	v4 =	vperm.xlane v3, v0;
	_ =	sdelay $0x1  }
0xfa: {  	v3 =	vperm.xlane v3, v2;
	v4 =	vadd.s32 v1, v4;
	_ =	sdelay $0x1  }
0xfb: {  	v3 =	vadd.s32 v1, v3;
	_ =	sdelay $0x1  }
0xfc: {  	s19 =	simm.s32 $0x18180  }
0xfd: {  	[tilespmem:s19], [sflag:$0x4] =	stream.indirect_vreg.gather [hbm4b:s2+s4], $0x80, v4, vm0, $0xb8;
	[tilespmem:$0x1C180] =	vst v63  }
0xfe: {  	s20 =	simm.s32 $0x18980  }
0xff: {  	[tilespmem:s20], [sflag:$0x4] =	stream.indirect_vreg.gather [hbm4b:s2+s4], $0x80, v3, vm0, $0xb8;
	[tilespmem:$0x1C180] =	vst v63  }
0x100: {  	v3 =	vld [tilespmem:$0x90];
	_ =	sdelay $0x4  }
0x101: {  	v53 =	vshll.u32 v3, $0x1  }
0x102: {  	v3 =	vand.u32 $0x7, v3;
	v4 =	vand.u32 $0xFFFFFFF0, v53  }
0x103: {  	v3 =	vor.u32 v3, v4  }
0x104: {  	v4 =	vperm.xlane v3, v0;
	_ =	sdelay $0x1  }
0x105: {  	v3 =	vperm.xlane v3, v2;
	v4 =	vadd.s32 v1, v4;
	_ =	sdelay $0x1  }
0x106: {  	v3 =	vadd.s32 v1, v3;
	_ =	sdelay $0x1  }
0x107: {  	s0 =	simm.s32 $0x19180  }
0x108: {  	[tilespmem:s0], [sflag:$0x4] =	stream.indirect_vreg.gather [hbm4b:s2+s4], $0x80, v4, vm0, $0xb8;
	[tilespmem:$0x1C180] =	vst v63  }
0x109: {  	_ = 	snop  }
0x10a: {  	[tilespmem:s3], [sflag:$0x4] =	stream.indirect_vreg.gather [hbm4b:s2+s4], $0x80, v3, vm0, $0xb8;
	[tilespmem:$0x1C180] =	vst v63  }
0x10b: {  	v3 =	vld [tilespmem:$0xA0];
	_ =	sdelay $0x4  }
0x10c: {  	v54 =	vshll.u32 v3, $0x1  }
0x10d: {  	v3 =	vand.u32 $0x7, v3;
	v4 =	vand.u32 $0xFFFFFFF0, v54  }
0x10e: {  	v3 =	vor.u32 v3, v4  }
0x10f: {  	v4 =	vperm.xlane v3, v0;
	_ =	sdelay $0x1  }
0x110: {  	v3 =	vperm.xlane v3, v2;
	v4 =	vadd.s32 v1, v4;
	_ =	sdelay $0x1  }
0x111: {  	v3 =	vadd.s32 v1, v3;
	_ =	sdelay $0x2  }
0x112: {  	[tilespmem:s10], [sflag:$0x4] =	stream.indirect_vreg.gather [hbm4b:s2+s4], $0x80, v4, vm0, $0xb8;
	[tilespmem:$0x1C180] =	vst v63  }
0x113: {  	_ = 	snop  }
0x114: {  	[tilespmem:s9], [sflag:$0x4] =	stream.indirect_vreg.gather [hbm4b:s2+s4], $0x80, v3, vm0, $0xb8;
	[tilespmem:$0x1C180] =	vst v63  }
0x115: {  	v3 =	vld [tilespmem:$0xB0];
	_ =	sdelay $0x4  }
0x116: {  	v55 =	vshll.u32 v3, $0x1  }
0x117: {  	v3 =	vand.u32 $0x7, v3;
	v4 =	vand.u32 $0xFFFFFFF0, v55  }
0x118: {  	v3 =	vor.u32 v3, v4  }
0x119: {  	v4 =	vperm.xlane v3, v0;
	_ =	sdelay $0x1  }
0x11a: {  	v3 =	vperm.xlane v3, v2;
	v4 =	vadd.s32 v1, v4;
	_ =	sdelay $0x1  }
0x11b: {  	v3 =	vadd.s32 v1, v3;
	_ =	sdelay $0x2  }
0x11c: {  	[tilespmem:s11], [sflag:$0x4] =	stream.indirect_vreg.gather [hbm4b:s2+s4], $0x80, v4, vm0, $0xb8;
	[tilespmem:$0x1C180] =	vst v63  }
0x11d: {  	_ = 	snop  }
0x11e: {  	[tilespmem:s15], [sflag:$0x4] =	stream.indirect_vreg.gather [hbm4b:s2+s4], $0x80, v3, vm0, $0xb8;
	[tilespmem:$0x1C180] =	vst v63  }
0x11f: {  	_ =	swait.ge [sflag:s21], $0x8000  }
0x120: {  	[sflag:s21] =	ssyncset.done $0x0  }
0x121: {  	s16 =	rddreg [dreg:$0x8];
	[sflag:s21] =	ssyncadd.s32 $0xFFFF8000  }
0x122: {  	[hbm4b:s16+s4] =	stream.linear.scatter [tilespmem:s26], [sflag:$0x5], $0x8000, $0x38;
	[tilespmem:$0x1C180] =	vst v63  }
0x123: {  	s16 =	simm.s32 $0x2  }
0x124: {  	_ =	swait.ge [sflag:s16], $0x8000  }
0x125: {  	[sflag:s16] =	ssyncset.done $0x0  }
0x126: {  	s18 =	rddreg [dreg:$0x9];
	[sflag:s16] =	ssyncadd.s32 $0xFFFF8000  }
0x127: {  	[hbm4b:s18+s4] =	stream.linear.scatter [tilespmem:s17], [sflag:$0x6], $0x8000, $0x38;
	[tilespmem:$0x1C180] =	vst v63  }
0x128: {  	_ =	swait.ge [sflag:s12], $0x8000  }
0x129: {  	[sflag:s12] =	ssyncset.done $0x0  }
0x12a: {  	[sflag:s12] =	ssyncadd.s32 $0xFFFF8000  }
0x12b: {  	v3 =	vld [tilespmem:$0x140];
	_ =	sdelay $0x4  }
0x12c: {  	v56 =	vshll.u32 v3, $0x2  }
0x12d: {  	v3 =	vand.u32 $0x7, v3;
	v4 =	vand.u32 $0xFFFFFFE0, v56  }
0x12e: {  	v3 =	vor.u32 v3, v4  }
0x12f: {  	v4 =	vperm.xlane v3, v0;
	_ =	sdelay $0x1  }
0x130: {  	v4 =	vadd.s32 v1, v4;
	_ =	sdelay $0x1  }
0x131: {  	v3 =	vperm.xlane v3, v2;
	_ =	sdelay $0x1  }
0x132: {  	v3 =	vadd.s32 v1, v3  }
0x133: {  	[tilespmem:s26], [sflag:$0x1] =	stream.indirect_vreg.gather [hbm4b:s1+s4], $0x80, v4, vm0, $0xb8;
	[tilespmem:$0x1C180] =	vst v63  }
0x134: {  	s18 =	simm.s32 $0x980  }
0x135: {  	[tilespmem:s18], [sflag:$0x1] =	stream.indirect_vreg.gather [hbm4b:s5+s4], $0x80, v4, vm0, $0xb8;
	[tilespmem:$0x1C180] =	vst v63  }
0x136: {  	_ = 	snop  }
0x137: {  	[tilespmem:s22], [sflag:$0x1] =	stream.indirect_vreg.gather [hbm4b:s1+s4], $0x80, v3, vm0, $0xb8;
	[tilespmem:$0x1C180] =	vst v63  }
0x138: {  	_ = 	snop  }
0x139: {  	[tilespmem:s23], [sflag:$0x1] =	stream.indirect_vreg.gather [hbm4b:s5+s4], $0x80, v3, vm0, $0xb8;
	[tilespmem:$0x1C180] =	vst v63  }
0x13a: {  	v3 =	vld [tilespmem:$0x150];
	_ =	sdelay $0x4  }
0x13b: {  	v57 =	vshll.u32 v3, $0x2  }
0x13c: {  	v3 =	vand.u32 $0x7, v3;
	v4 =	vand.u32 $0xFFFFFFE0, v57  }
0x13d: {  	v3 =	vor.u32 v3, v4  }
0x13e: {  	v4 =	vperm.xlane v3, v0;
	_ =	sdelay $0x1  }
0x13f: {  	v4 =	vadd.s32 v1, v4;
	_ =	sdelay $0x1  }
0x140: {  	v3 =	vperm.xlane v3, v2;
	_ =	sdelay $0x1  }
0x141: {  	v3 =	vadd.s32 v1, v3  }
0x142: {  	[tilespmem:s24], [sflag:$0x1] =	stream.indirect_vreg.gather [hbm4b:s1+s4], $0x80, v4, vm0, $0xb8;
	[tilespmem:$0x1C180] =	vst v63  }
0x143: {  	_ = 	snop  }
0x144: {  	[tilespmem:s25], [sflag:$0x1] =	stream.indirect_vreg.gather [hbm4b:s5+s4], $0x80, v4, vm0, $0xb8;
	[tilespmem:$0x1C180] =	vst v63  }
0x145: {  	_ = 	snop  }
0x146: {  	[tilespmem:s28], [sflag:$0x1] =	stream.indirect_vreg.gather [hbm4b:s1+s4], $0x80, v3, vm0, $0xb8;
	[tilespmem:$0x1C180] =	vst v63  }
0x147: {  	_ = 	snop  }
0x148: {  	[tilespmem:s29], [sflag:$0x1] =	stream.indirect_vreg.gather [hbm4b:s5+s4], $0x80, v3, vm0, $0xb8;
	[tilespmem:$0x1C180] =	vst v63  }
0x149: {  	v3 =	vld [tilespmem:$0x160];
	_ =	sdelay $0x4  }
0x14a: {  	v58 =	vshll.u32 v3, $0x2  }
0x14b: {  	v3 =	vand.u32 $0x7, v3;
	v4 =	vand.u32 $0xFFFFFFE0, v58  }
0x14c: {  	v3 =	vor.u32 v3, v4  }
0x14d: {  	v4 =	vperm.xlane v3, v0;
	_ =	sdelay $0x1  }
0x14e: {  	v4 =	vadd.s32 v1, v4;
	_ =	sdelay $0x1  }
0x14f: {  	v3 =	vperm.xlane v3, v2;
	_ =	sdelay $0x1  }
0x150: {  	v3 =	vadd.s32 v1, v3  }
0x151: {  	[tilespmem:s30], [sflag:$0x1] =	stream.indirect_vreg.gather [hbm4b:s1+s4], $0x80, v4, vm0, $0xb8;
	[tilespmem:$0x1C180] =	vst v63  }
0x152: {  	_ = 	snop  }
0x153: {  	[tilespmem:s31], [sflag:$0x1] =	stream.indirect_vreg.gather [hbm4b:s5+s4], $0x80, v4, vm0, $0xb8;
	[tilespmem:$0x1C180] =	vst v63  }
0x154: {  	s18 =	simm.s32 $0x5180  }
0x155: {  	[tilespmem:s18], [sflag:$0x1] =	stream.indirect_vreg.gather [hbm4b:s1+s4], $0x80, v3, vm0, $0xb8;
	[tilespmem:$0x1C180] =	vst v63  }
0x156: {  	s18 =	simm.s32 $0x5980  }
0x157: {  	[tilespmem:s18], [sflag:$0x1] =	stream.indirect_vreg.gather [hbm4b:s5+s4], $0x80, v3, vm0, $0xb8;
	[tilespmem:$0x1C180] =	vst v63  }
0x158: {  	v3 =	vld [tilespmem:$0x170];
	_ =	sdelay $0x4  }
0x159: {  	v59 =	vshll.u32 v3, $0x2  }
0x15a: {  	v3 =	vand.u32 $0x7, v3;
	v4 =	vand.u32 $0xFFFFFFE0, v59  }
0x15b: {  	v3 =	vor.u32 v3, v4  }
0x15c: {  	v4 =	vperm.xlane v3, v0;
	_ =	sdelay $0x1  }
0x15d: {  	v4 =	vadd.s32 v1, v4;
	_ =	sdelay $0x1  }
0x15e: {  	v3 =	vperm.xlane v3, v2;
	_ =	sdelay $0x1  }
0x15f: {  	s18 =	simm.s32 $0x6180;
	v3 =	vadd.s32 v1, v3  }
0x160: {  	[tilespmem:s18], [sflag:$0x1] =	stream.indirect_vreg.gather [hbm4b:s1+s4], $0x80, v4, vm0, $0xb8;
	[tilespmem:$0x1C180] =	vst v63  }
0x161: {  	s18 =	simm.s32 $0x6980  }
0x162: {  	[tilespmem:s18], [sflag:$0x1] =	stream.indirect_vreg.gather [hbm4b:s5+s4], $0x80, v4, vm0, $0xb8;
	[tilespmem:$0x1C180] =	vst v63  }
0x163: {  	s18 =	simm.s32 $0x7180  }
0x164: {  	[tilespmem:s18], [sflag:$0x1] =	stream.indirect_vreg.gather [hbm4b:s1+s4], $0x80, v3, vm0, $0xb8;
	[tilespmem:$0x1C180] =	vst v63  }
0x165: {  	s18 =	simm.s32 $0x7980  }
0x166: {  	[tilespmem:s18], [sflag:$0x1] =	stream.indirect_vreg.gather [hbm4b:s5+s4], $0x80, v3, vm0, $0xb8;
	[tilespmem:$0x1C180] =	vst v63  }
0x167: {  	_ =	swait.ge [sflag:s13], $0x4000  }
0x168: {  	[sflag:s13] =	ssyncset.done $0x0  }
0x169: {  	s16 =	rddreg [dreg:$0xa];
	[sflag:s13] =	ssyncadd.s32 $0xFFFFC000  }
0x16a: {  	[hbm4b:s16+s4] =	stream.linear.scatter [tilespmem:s19], [sflag:$0x8], $0x4000, $0x38;
	[tilespmem:$0x1C180] =	vst v63  }
0x16b: {  	_ =	swait.ge [sflag:s14], $0x4000  }
0x16c: {  	[sflag:s14] =	ssyncset.done $0x0  }
0x16d: {  	[sflag:s14] =	ssyncadd.s32 $0xFFFFC000  }
0x16e: {  	v3 =	vld [tilespmem:$0xC0];
	_ =	sdelay $0x4  }
0x16f: {  	v60 =	vshll.u32 v3, $0x1  }
0x170: {  	v3 =	vand.u32 $0x7, v3;
	v4 =	vand.u32 $0xFFFFFFF0, v60  }
0x171: {  	v3 =	vor.u32 v3, v4  }
0x172: {  	v4 =	vperm.xlane v3, v0;
	_ =	sdelay $0x1  }
0x173: {  	v3 =	vperm.xlane v3, v2;
	v4 =	vadd.s32 v1, v4;
	_ =	sdelay $0x1  }
0x174: {  	v3 =	vadd.s32 v1, v3;
	_ =	sdelay $0x2  }
0x175: {  	[tilespmem:s19], [sflag:$0x4] =	stream.indirect_vreg.gather [hbm4b:s2+s4], $0x80, v4, vm0, $0xb8;
	[tilespmem:$0x1C180] =	vst v63  }
0x176: {  	_ = 	snop  }
0x177: {  	[tilespmem:s20], [sflag:$0x4] =	stream.indirect_vreg.gather [hbm4b:s2+s4], $0x80, v3, vm0, $0xb8;
	[tilespmem:$0x1C180] =	vst v63  }
0x178: {  	v3 =	vld [tilespmem:$0xD0];
	_ =	sdelay $0x4  }
0x179: {  	v61 =	vshll.u32 v3, $0x1  }
0x17a: {  	v3 =	vand.u32 $0x7, v3;
	v4 =	vand.u32 $0xFFFFFFF0, v61  }
0x17b: {  	v3 =	vor.u32 v3, v4  }
0x17c: {  	v4 =	vperm.xlane v3, v0;
	_ =	sdelay $0x1  }
0x17d: {  	v3 =	vperm.xlane v3, v2;
	v4 =	vadd.s32 v1, v4;
	_ =	sdelay $0x1  }
0x17e: {  	v3 =	vadd.s32 v1, v3;
	_ =	sdelay $0x2  }
0x17f: {  	[tilespmem:s0], [sflag:$0x4] =	stream.indirect_vreg.gather [hbm4b:s2+s4], $0x80, v4, vm0, $0xb8;
	[tilespmem:$0x1C180] =	vst v63  }
0x180: {  	_ = 	snop  }
0x181: {  	[tilespmem:s3], [sflag:$0x4] =	stream.indirect_vreg.gather [hbm4b:s2+s4], $0x80, v3, vm0, $0xb8;
	[tilespmem:$0x1C180] =	vst v63  }
0x182: {  	v3 =	vld [tilespmem:$0xE0];
	_ =	sdelay $0x4  }
0x183: {  	v62 =	vshll.u32 v3, $0x1  }
0x184: {  	v3 =	vand.u32 $0x7, v3;
	v4 =	vand.u32 $0xFFFFFFF0, v62  }
0x185: {  	v3 =	vor.u32 v3, v4  }
0x186: {  	v4 =	vperm.xlane v3, v0;
	_ =	sdelay $0x1  }
0x187: {  	v3 =	vperm.xlane v3, v2;
	v4 =	vadd.s32 v1, v4;
	_ =	sdelay $0x1  }
0x188: {  	v3 =	vadd.s32 v1, v3;
	_ =	sdelay $0x2  }
0x189: {  	[tilespmem:s10], [sflag:$0x4] =	stream.indirect_vreg.gather [hbm4b:s2+s4], $0x80, v4, vm0, $0xb8;
	[tilespmem:$0x1C180] =	vst v63  }
0x18a: {  	_ = 	snop  }
0x18b: {  	[tilespmem:s9], [sflag:$0x4] =	stream.indirect_vreg.gather [hbm4b:s2+s4], $0x80, v3, vm0, $0xb8;
	[tilespmem:$0x1C180] =	vst v63  }
0x18c: {  	v3 =	vld [tilespmem:$0xF0];
	_ =	sdelay $0x4  }
0x18d: {  	v63 =	vshll.u32 v3, $0x1  }
0x18e: {  	v3 =	vand.u32 $0x7, v3;
	v4 =	vand.u32 $0xFFFFFFF0, v63  }
0x18f: {  	v3 =	vor.u32 v3, v4  }
0x190: {  	v4 =	vperm.xlane v3, v0;
	_ =	sdelay $0x1  }
0x191: {  	v3 =	vperm.xlane v3, v2;
	v4 =	vadd.s32 v1, v4;
	_ =	sdelay $0x1  }
0x192: {  	v3 =	vadd.s32 v1, v3;
	_ =	sdelay $0x2  }
0x193: {  	[tilespmem:s11], [sflag:$0x4] =	stream.indirect_vreg.gather [hbm4b:s2+s4], $0x80, v4, vm0, $0xb8;
	[tilespmem:$0x1C180] =	vst v63  }
0x194: {  	s18 =	simm.s32 $0x3  }
0x195: {  	[tilespmem:s15], [sflag:$0x4] =	stream.indirect_vreg.gather [hbm4b:s2+s4], $0x80, v3, vm0, $0xb8;
	[tilespmem:$0x1C180] =	vst v63  }
0x196: {  	_ =	swait.ge [sflag:s18], $0x8000  }
0x197: {  	[sflag:s18] =	ssyncset.done $0x0  }
0x198: {  	s20 =	rddreg [dreg:$0xb];
	[sflag:s18] =	ssyncadd.s32 $0xFFFF8000  }
0x199: {  	[hbm4b:s20+s4] =	stream.linear.scatter [tilespmem:s8], [sflag:$0x7], $0x8000, $0x38;
	[tilespmem:$0x1C180] =	vst v63  }
0x19a: {  	_ =	swait.ge [sflag:s21], $0x8000  }
0x19b: {  	[sflag:s21] =	ssyncset.done $0x0  }
0x19c: {  	s0 =	rddreg [dreg:$0xc];
	[sflag:s21] =	ssyncadd.s32 $0xFFFF8000  }
0x19d: {  	[hbm4b:s0+s4] =	stream.linear.scatter [tilespmem:s26], [sflag:$0x5], $0x8000, $0x38;
	[tilespmem:$0x1C180] =	vst v63  }
0x19e: {  	_ =	swait.ge [sflag:s13], $0x4000  }
0x19f: {  	[sflag:s13] =	ssyncset.done $0x0  }
0x1a0: {  	s16 =	rddreg [dreg:$0xd];
	[sflag:s13] =	ssyncadd.s32 $0xFFFFC000  }
0x1a1: {  	[hbm4b:s16+s4] =	stream.linear.scatter [tilespmem:s19], [sflag:$0x8], $0x4000, $0x38;
	[tilespmem:$0x1C180] =	vst v63  }
0x1a2: {  	s19 =	simm.s32 $0x6  }
0x1a3: {  	_ =	swait.ge [sflag:s19], $0x8000  }
0x1a4: {  	[sflag:s19] =	ssyncset.done $0x0  }
0x1a5: {  	s20 =	simm.s32 $0x7;
	[sflag:s19] =	ssyncadd.s32 $0xFFFF8000  }
0x1a6: {  	_ =	swait.ge [sflag:s20], $0x8000  }
0x1a7: {  	[sflag:s20] =	ssyncset.done $0x0  }
0x1a8: {  	[sflag:s20] =	ssyncadd.s32 $0xFFFF8000  }
0x1a9: {  	p0 =	sne.s32 s6, $0x1;
	_ =	swait.ge [sflag:s12], $0x8000  }
.Ltmp0:
0x1aa: {  	[sflag:s12] =	ssyncset.done $0x0;
	(pc) =	sbr.rel @p0 .LBB2_1-.Ltmp0, $4  }
0x1ab: {  	[sflag:s12] =	ssyncadd.s32 $0xFFFF8000  }
0x1ac: {  	_ =	swait.ge [sflag:s14], $0x4000  }
0x1ad: {  	[sflag:s14] =	ssyncset.done $0x0  }
0x1ae: {  	s6 =	sadd.s32 $0xFFFFFFFF, s6;
	[sflag:s14] =	ssyncadd.s32 $0xFFFFC000  }
0x1af: {  	_ =	sfence.sel $0x180000  }
0x1b0: {  	[bflag:$0x0] =	sbarrier.arrive $0xFFFF  }
0x1b1: {  	_ =	strace $0x9000004D  }
0x1b2: {  	s0 =	stileid.u32;
	[bflag:$0x2] =	sbarrier.arrive $0xFFFF  }
0x1b3: {  	p0 =	sne.s32 s0, $0x0;
	s0 =	rddreg [dreg:$0x4]  }
0x1b4: {  	s0 =	sadd.s32 @!p0 $0x100000, s0  }
0x1b5: {  	[sflag:s0] =	ssyncadd.tile.s32 @!p0 $0x1;
	_ =	shalt  }
.Lfunc_end2:
_tile_overlayer_lowered:
.L_overlay_start_2:
0x1b6: {  	(tag) =	ssettag $0x2  }
0x1b7: {  	s0 =	rddreg [dreg:$0x0];
	s2 =	stileid.u32  }
0x1b8: {  	s1 =	rddreg [dreg:$0x1];
	p0 =	sne.s32 s2, $0x0  }
0x1b9: {  	s3 =	rddreg [dreg:$0x2];
	[bflag:$0x3] =	sbarrier.arrive $0xFFFF;
	s2 =	simm.s32 @!p0 $0x1C09  }
0x1ba: {  	[timem:s3], [sflag:s2] =	dma.local @!p0 [hbm:s0], s1  }
0x1bb: {  	s0 =	simm.s32 @!p0 $0x9  }
0x1bc: {  	_ =	swait.ge @!p0 [sflag:s0], s1  }
0x1bd: {  	s1 =	ssub.s32 @!p0 $0x0, s1;
	[sflag:s0] =	ssyncset.done @!p0 $0x0  }
0x1be: {  	[sflag:s0] =	ssyncadd.s32 @!p0 s1  }
0x1bf: {  	[bflag:$0x3] =	sbarrier.arrive $0xFFFF  }
0x1c0: {  	_ =	shalt  }

// kernel: kernel.16.cloned.1.call-start
scs
__scs_entry_jumppad:
0x0: {  	(pc) =	sbr.rel $0x88, $3  }
0x1: {  	(tag) =	ssettag $0x0;
	lr =	simm.s32 $0x1  }
0x2: {  	[smem:$0x3F9E] =	sst lr;
	_ =	strace $0xD0000000  }
0x3: {  	_ = 	snop  }
0x4: {  	_ = 	snop  }
0x5: {  	_ = 	snop  }
0x6: {  	_ = 	snop  }
0x7: {  	_ = 	snop  }
__scs_overlays_trampoline_lowered:
0x8: {  	[smem:$0x3FAD] =	sst s0  }
0x9: {  	[smem:$0x3FAE] =	sst s1  }
0xa: {  	[smem:$0x3FAF] =	sst s2  }
0xb: {  	[smem:$0x3FB0] =	sst s3  }
0xc: {  	[smem:$0x3FB1] =	sst s4  }
0xd: {  	[smem:$0x3FB2] =	sst s5  }
0xe: {  	[smem:$0x3FB3] =	sst s6  }
0xf: {  	[smem:$0x3FB4] =	sst s7  }
0x10: {  	[smem:$0x3FB5] =	sst s8  }
0x11: {  	[smem:$0x3FB6] =	sst s9;
	s0 =	simm.s32 @!p0 $0x0  }
0x12: {  	s1 =	sld [smem:$0x3F9C];
	s0 =	simm.s32 @p0 $0x1  }
0x13: {  	[smem:$0x3FB7] =	sst s0;
	s0 =	simm.s32 @!p1 $0x0  }
0x14: {  	s2 =	sld [smem:$0x3F9B];
	s0 =	simm.s32 @p1 $0x1  }
0x15: {  	[smem:$0x3FB8] =	sst s0;
	s0 =	simm.s32 @!p2 $0x0  }
0x16: {  	s3 =	sld [smem:$0x3FDB];
	s0 =	simm.s32 @p2 $0x1  }
0x17: {  	s4 =	simm.s32 $0x1BF5;
	[smem:$0x3FBA] =	sst s0  }
0x18: {  	s0 =	sld [smem:$0x3F9D];
	_ =	swait.ge [sflag:s4], $0x0  }
0x19: {  	s7 =	sld [smem:$0x3F9E]  }
0x1a: {  	s8 =	sadd.s32 $0xFFFFE003, lr  }
0x1b: {  	s9 =	sadd.s32 $0xFFFFFEF7, lr;
	s5 =	simm.s32 $0xFFFFFFFF;
	p2 =	slt.u32 s8, $0xFFFFF086  }
0x1c: {  	p1 =	slt.u32 s9, $0xF7A;
	s5 =	simm.s32 @!p2 $0x0  }
0x1d: {  	s5 =	simm.s32 @p1 $0x1;
	p0 =	seq.s32 s7, s2  }
0x1e: {  	s7 =	smul.u32 @!p0 $0xF7A, s2;
	p2 =	seq.s32 @!p0 s5, $0x0  }
0x1f: {  	s9 =	smul.u32 $0xF7A, s1;
	s8 =	simm.s32 @!p0 $0x1BF5;
	p2 =	por !p2, p0  }
0x20: {  	[sflag:s8] =	ssyncset.s32 @!p0 $0xFFFFF086;
	s6 =	sadd.s32 @!p0 s3, s7;
	s7 =	simm.s32 @!p0 $0x108  }
0x21: {  	s3 =	sadd.s32 s3, s9;
	s6 =	sadd.s32 @!p0 $0x88, s6;
	s7 =	simm.s32 @p2 $0x1082  }
0x22: {  	[simem:s7], [sflag:s8] =	dma.local @!p0 [hbm:s6], $0xF7A  }
0x23: {  	s9 =	sor.u32 $0xD0000000, s2;
	s6 =	simm.s32 $0x108;
	_ =	swait.ge @!p0 [sflag:s8], $0x0  }
0x24: {  	s3 =	sadd.s32 $0x88, s3;
	s6 =	simm.s32 @!p1 $0x1082;
	[sflag:s4] =	ssyncset.s32 $0xFFFFF086  }
0x25: {  	[simem:s6], [sflag:s4] =	dma.local [hbm:s3], $0xF7A  }
0x26: {  	[smem:$0x3F9E] =	sst s1;
	(tag) =	ssettag s2;
	_ =	strace s9  }
0x27: {  	s1 =	sld [smem:$0x3FAE]  }
0x28: {  	s2 =	sld [smem:$0x3FAF]  }
0x29: {  	s4 =	sld [smem:$0x3FB1]  }
0x2a: {  	p0 =	seq.s32 s5, $0x0;
	s5 =	sld [smem:$0x3FB2]  }
0x2b: {  	s6 =	sld [smem:$0x3FB3]  }
0x2c: {  	s7 =	sld [smem:$0x3FB4]  }
0x2d: {  	s3 =	simm.s32 $0x108;
	s8 =	sld [smem:$0x3FB5]  }
0x2e: {  	s3 =	simm.s32 @!p0 $0x1082;
	s9 =	sld [smem:$0x3FB6]  }
0x2f: {  	lr =	sadd.s32 s0, s3;
	s0 =	sld [smem:$0x3FAD]  }
0x30: {  	s3 =	sld [smem:$0x3FB0]  }
0x31: {  	[smem:$0x3FB9] =	sst s10  }
0x32: {  	s10 =	sld [smem:$0x3FB7];
	_ =	sdelay $0x3  }
0x33: {  	p0 =	seq.s32 s10, $0x1;
	s10 =	sld [smem:$0x3FB9];
	_ =	sdelay $0x3  }
0x34: {  	[smem:$0x3FB9] =	sst s10  }
0x35: {  	s10 =	sld [smem:$0x3FB8];
	_ =	sdelay $0x3  }
0x36: {  	p1 =	seq.s32 s10, $0x1;
	s10 =	sld [smem:$0x3FB9];
	_ =	sdelay $0x3  }
0x37: {  	[smem:$0x3FB9] =	sst s10  }
0x38: {  	s10 =	sld [smem:$0x3FBA]  }
0x39: {  	_ = 	snop;
	(pc) =	sbr.ind lr, $3  }
0x3a: {  	_ = 	snop  }
0x3b: {  	_ = 	snop  }
0x3c: {  	p2 =	seq.s32 s10, $0x1;
	s10 =	sld [smem:$0x3FB9]  }
0x3d: {  	_ =	shalt  }
0x3e: {  	_ =	shalt  }
0x3f: {  	_ =	shalt  }
0x40: {  	_ =	shalt  }
0x41: {  	_ =	shalt  }
0x42: {  	_ =	shalt  }
0x43: {  	_ =	shalt  }
0x44: {  	_ =	shalt  }
0x45: {  	_ =	shalt  }
0x46: {  	_ =	shalt  }
0x47: {  	_ =	shalt  }
0x48: {  	_ =	shalt  }
0x49: {  	_ =	shalt  }
0x4a: {  	_ =	shalt  }
0x4b: {  	_ =	shalt  }
0x4c: {  	_ =	shalt  }
0x4d: {  	_ =	shalt  }
0x4e: {  	_ =	shalt  }
0x4f: {  	_ =	shalt  }
0x50: {  	_ =	shalt  }
0x51: {  	_ =	shalt  }
0x52: {  	_ =	shalt  }
0x53: {  	_ =	shalt  }
0x54: {  	_ =	shalt  }
0x55: {  	_ =	shalt  }
0x56: {  	_ =	shalt  }
0x57: {  	_ =	shalt  }
0x58: {  	_ =	shalt  }
0x59: {  	_ =	shalt  }
0x5a: {  	_ =	shalt  }
0x5b: {  	_ =	shalt  }
0x5c: {  	_ =	shalt  }
0x5d: {  	_ =	shalt  }
0x5e: {  	_ =	shalt  }
0x5f: {  	_ =	shalt  }
0x60: {  	_ =	shalt  }
0x61: {  	_ =	shalt  }
0x62: {  	_ =	shalt  }
0x63: {  	_ =	shalt  }
0x64: {  	_ =	shalt  }
0x65: {  	_ =	shalt  }
0x66: {  	_ =	shalt  }
0x67: {  	_ =	shalt  }
0x68: {  	_ =	shalt  }
0x69: {  	_ =	shalt  }
0x6a: {  	_ =	shalt  }
0x6b: {  	_ =	shalt  }
0x6c: {  	_ =	shalt  }
0x6d: {  	_ =	shalt  }
0x6e: {  	_ =	shalt  }
0x6f: {  	_ =	shalt  }
0x70: {  	_ =	shalt  }
0x71: {  	_ =	shalt  }
0x72: {  	_ =	shalt  }
0x73: {  	_ =	shalt  }
0x74: {  	_ =	shalt  }
0x75: {  	_ =	shalt  }
0x76: {  	_ =	shalt  }
0x77: {  	_ =	shalt  }
0x78: {  	_ =	shalt  }
0x79: {  	_ =	shalt  }
0x7a: {  	_ =	shalt  }
0x7b: {  	_ =	shalt  }
0x7c: {  	_ =	shalt  }
0x7d: {  	_ =	shalt  }
0x7e: {  	_ =	shalt  }
0x7f: {  	_ =	shalt  }
0x80: {  	_ =	shalt  }
0x81: {  	_ =	shalt  }
0x82: {  	_ =	shalt  }
0x83: {  	_ =	shalt  }
0x84: {  	_ =	shalt  }
0x85: {  	_ =	shalt  }
0x86: {  	_ =	shalt  }
0x87: {  	_ =	shalt  }
.Lfunc_end0:
.L_simem_size_0:
called_computation.2_lowered:
.L_overlay_start_0:
0x88: {  	s2 =	sld [smem:$0x3FD9]  }
0x89: {  	s3 =	sld [smem:$0x3FFE];
	_ =	sdelay $0x1  }
0x8a: {  	s1 =	srdreg.scid  }
0x8b: {  	s0 =	sand.u32 $0x1, s1  }
0x8c: {  	s17 =	sshll.u32 s0, $0xA;
	s2 =	sadd.s32 s3, s2  }
0x8d: {  	s2 =	sadd.s32 s2, s17  }
0x8e: {  	[smem:$0x3FC5] =	sst s2  }
0x8f: {  	_ = 	snop  }
0x90: {  	s4 =	sld [smem:$0x3FC9]  }
0x91: {  	s5 =	sld [smem:$0x3FC7]  }
0x92: {  	s18 =	sld [smem:$0x3FD0];
	(tm) =	ssettm $0x1  }
0x93: {  	s19 =	sld [smem:$0x3FFB];
	_ =	sdelay $0x3  }
0x94: {  	_ =	strace s19  }
0x95: {  	s2 =	sld [smem:$0x3FFC];
	_ =	sdelay $0x3  }
0x96: {  	_ =	strace s2  }
0x97: {  	s2 =	sld [smem:$0x3FFD];
	_ =	sdelay $0x3  }
0x98: {  	_ =	strace s2  }
0x99: {  	_ =	strace $0x8FFFFFFF  }
0x9a: {  	s20 =	sld [smem:$0x3FDB];
	_ =	sdelay $0x1  }
0x9b: {  	s6 =	simm.s32 $_scs_section_size  }
0x9c: {  	s7 =	simm.s32 $_size__tile_overlayer_lowered;
	s8 =	simm.s32 $_tile_overlayer_lowered  }
0x9d: {  	s9 =	simm.s32 $0x1BFF;
	s21 =	sshll.u32 s8, $0x1;
	s6 =	sadd.s32 s6, s20  }
0x9e: {  	s22 =	simm.s32 $0x0;
	s7 =	sshll.u32 s7, $0x1;
	s8 =	sadd.s32 s21, s6  }
0x9f: {  	[timem:s22], [sflag:s9] =	dma.local [hbm:s8], s7  }
0xa0: {  	_ =	swait.ge [sflag:s9], s7  }
0xa1: {  	s7 =	ssub.s32 $0x0, s7;
	[sflag:s9] =	ssyncset.done $0x0  }
0xa2: {  	[sflag:s9] =	ssyncadd.s32 s7;
	_ =	sdelay $0x1  }
0xa3: {  	s23 =	simm.s32 $0x1B8B  }
0xa4: {  	_ =	swait.ge [sflag:s23], $0x1  }
0xa5: {  	[sflag:s23] =	ssyncset.done $0x0  }
0xa6: {  	[sflag:s23] =	ssyncadd.s32 $0xFFFFFFFF  }
0xa7: {  	s7 =	sld [smem:$0x0]  }
0xa8: {  	s8 =	sand.u32 $0xFFFFFFFE, s1  }
0xa9: {  	p0 =	sne.s32 s1, s8  }
0xaa: {  	s8 =	sshll.u32 @p0 s8, $0xE  }
0xab: {  	s8 =	sadd.s32 @p0 $0x11B8D, s8;
	s9 =	sshll.u32 @p0 s7, $0x11  }
0xac: {  	s8 =	sor.u32 @p0 s9, s8  }
0xad: {  	[sflag:s8] =	ssyncadd.remote.s32 @p0 $0x1;
	_ =	sdelay $0x1  }
0xae: {  	s8 =	simm.s32 @p0 $0x1B8D  }
0xaf: {  	_ =	swait.eq @p0 [sflag:s8], $0x1  }
0xb0: {  	[sflag:s8] =	ssyncadd.s32 @p0 $0xFFFFFFFF  }
0xb1: {  	s9 =	sshll.u32 @!p0 s1, $0xE  }
0xb2: {  	s9 =	sor.u32 @!p0 $0x4000, s9;
	s8 =	simm.s32 @!p0 $0x1B8D  }
0xb3: {  	s7 =	sshll.u32 @!p0 s7, $0x11;
	s9 =	sadd.s32 @!p0 $0x11B8D, s9;
	_ =	swait.eq @!p0 [sflag:s8], $0x1  }
0xb4: {  	s7 =	sor.u32 @!p0 s7, s9;
	[sflag:s8] =	ssyncadd.s32 @!p0 $0xFFFFFFFF  }
0xb5: {  	s25 =	simm.s32 $0x1B8E;
	s24 =	sld [smem:$0x3FFE];
	[sflag:s7] =	ssyncadd.remote.s32 @!p0 $0x1  }
0xb6: {  	s26 =	simm.s32 $execute0_lowered;
	[smem:$0x3FD2] =	sst s25  }
0xb7: {  	s8 =	sshll.u32 s26, $0x1;
	_ =	strace $0x80000049;
	[dreg:$0x1] =	wrdreg $0xFFFFFFFF  }
0xb8: {  	s28 =	simm.s32 $_size_execute0_lowered;
	s6 =	sadd.s32 s6, s8;
	[dreg:$0x0] =	wrdreg $0x0  }
0xb9: {  	s8 =	sshll.u32 s28, $0x1;
	[dreg:$0x2] =	wrdreg s6  }
0xba: {  	[dreg:$0x3] =	wrdreg s8  }
0xbb: {  	[dreg:$0x4] =	wrdreg $0xC0  }
0xbc: {  	_ =	task [dreg:s22], $0x5FFFF  }
0xbd: {  	[dreg:$0x1] =	wrdreg $0xFFFFFFFF  }
0xbe: {  	[dreg:$0x0] =	wrdreg $0x60  }
0xbf: {  	[dreg:$0x2] =	wrdreg s4  }
0xc0: {  	[dreg:$0x3] =	wrdreg s5  }
0xc1: {  	[dreg:$0x4] =	wrdreg s24  }
0xc2: {  	[dreg:$0x5] =	wrdreg s18  }
0xc3: {  	[dreg:$0x6] =	wrdreg $0xB  }
0xc4: {  	_ =	task.clear_ibuf [dreg:s22], $0x7FFFF;
	_ =	strace $0x90000049  }
0xc5: {  	s29 =	simm.s32 $0xB;
	_ =	strace $0x8000004B  }
0xc6: {  	_ =	swait.ge [sflag:s29], $0x1  }
0xc7: {  	[sflag:s29] =	ssyncadd.s32 $0xFFFFFFFF  }
0xc8: {  	_ =	strace $0x9000004B  }
0xc9: {  	_ =	sfence  }
0xca: {  	s30 =	sld [smem:$0x0];
	_ =	sdelay $0x2  }
0xcb: {  	s31 =	sshll.u32 s1, $0xD;
	s1 =	sshrl.u32 s1, $0x2  }
0xcc: {  	s4 =	sand.u32 $0x4000, s31;
	s1 =	sadd.s32 s1, s30  }
0xcd: {  	s0 =	sor.u32 s4, s0;
	s1 =	sshll.u32 s1, $0x11  }
0xce: {  	s0 =	sor.u32 s1, s0  }
0xcf: {  	s0 =	sadd.s32 $0x8F2B, s0  }
0xd0: {  	[sflag:s0] =	ssyncadd.remote.s32 $0x1  }
0xd1: {  	_ =	sfence.sel $0xFFFF  }
0xd2: {  	[dreg:$0x0] =	wrdreg $0xFFFFFFFF;
	(pc) =	sbr.abs _section_cstart, $3  }
0xd3: {  	[dreg:$0x1] =	wrdreg $0xFFFFFFFF  }
0xd4: {  	_ =	task.clear_ibuf [dreg:s22], $0x2FFFF;
	_ =	strace $0x9FFFFFFF  }
0xd5: {  	(tm) =	ssettm $0x7FFFFFFF  }
tec
execute0_lowered:
.L_overlay_start_1:
0x0: {  	(tag) =	ssettag $0x1  }
0x1: {  	s0 =	srdreg.scid;
	s1 =	rddreg [dreg:$0x0]  }
0x2: {  	s3 =	stileid.u32;
	s2 =	rddreg [dreg:$0x1];
	s0 =	sand.u32 $0x1, s0  }
0x3: {  	s5 =	rddreg [dreg:$0x2];
	s3 =	sshll.u32 s3, $0x8;
	s4 =	sshll.u32 s0, $0x7  }
0x4: {  	s6 =	rddreg [dreg:$0x3];
	s3 =	sor.u32 s4, s3;
	s4 =	simm.s32 $0x0  }
0x5: {  	s15 =	simm.s32 $0x8980;
	[smem:$0x7FF] =	sst s4  }
0x6: {  	s16 =	simm.s32 $0x9180;
	_ =	strace $0x8000004A;
	[dreg:$0xe] =	wrdreg s15  }
0x7: {  	s17 =	simm.s32 $0x9980;
	[dreg:$0xf] =	wrdreg s16  }
0x8: {  	s18 =	simm.s32 $0xA180;
	s19 =	simm.s32 $0xA980;
	[dreg:$0x10] =	wrdreg s17  }
0x9: {  	s20 =	simm.s32 $0xB180;
	s21 =	simm.s32 $0xB980;
	[dreg:$0x11] =	wrdreg s18  }
0xa: {  	s22 =	sadd.s32 $0xA4200, s5;
	s23 =	sadd.s32 $0xE4200, s5;
	[dreg:$0x12] =	wrdreg s19  }
0xb: {  	s7 =	sshrl.u32 s3, $0x3;
	s25 =	sshll.u32 s3, $0x6;
	[dreg:$0x13] =	wrdreg s20  }
0xc: {  	s3 =	sshll.u32 s3, $0x5;
	s26 =	sadd.s32 s22, s25;
	[dreg:$0x14] =	wrdreg s21  }
0xd: {  	s3 =	sadd.s32 s23, s3;
	[dreg:$0x8] =	wrdreg s26  }
0xe: {  	s15 =	simm.s32 $0x12980;
	[dreg:$0xa] =	wrdreg s3  }
0xf: {  	s16 =	simm.s32 $0x13180;
	[smem:$0x7F2] =	sst s15  }
0x10: {  	s17 =	simm.s32 $0x13980;
	[smem:$0x7F3] =	sst s16  }
0x11: {  	s18 =	simm.s32 $0x14180;
	[smem:$0x7F4] =	sst s17  }
0x12: {  	s19 =	simm.s32 $0x14980;
	[smem:$0x7F5] =	sst s18  }
0x13: {  	s8 =	sor.u32 $0x400, s7;
	s20 =	simm.s32 $0x15180;
	[smem:$0x7F6] =	sst s19  }
0x14: {  	s7 =	sor.u32 $0x8, s7;
	s21 =	simm.s32 $0x15980;
	[smem:$0x7F7] =	sst s20  }
0x15: {  	s9 =	sadd.s32 s8, s5;
	s6 =	sadd.s32 s6, s8;
	[smem:$0x7F8] =	sst s21  }
0x16: {  	s11 =	sshll.u32 s7, $0x9;
	s26 =	simm.s32 $0xD980;
	[dreg:$0x6] =	wrdreg s6  }
0x17: {  	s13 =	sshll.u32 s7, $0x8;
	s7 =	simm.s32 $0xE980;
	[dreg:$0x18] =	wrdreg s26  }
0x18: {  	s10 =	sadd.s32 $0x3A00, s9;
	[dreg:$0x1a] =	wrdreg s7  }
0x19: {  	s24 =	sadd.s32 $0x3200, s9;
	[dreg:$0x5] =	wrdreg s10  }
0x1a: {  	s5 =	sadd.s32 $0x104200, s5;
	s8 =	sadd.s32 s22, s11;
	[dreg:$0x7] =	wrdreg s24  }
0x1b: {  	s9 =	sadd.s32 s5, s25;
	[dreg:$0x9] =	wrdreg s8  }
0x1c: {  	s28 =	simm.s32 $0x3180;
	s12 =	sadd.s32 s5, s11;
	[dreg:$0xb] =	wrdreg s9  }
0x1d: {  	s29 =	simm.s32 $0x3980;
	s14 =	sadd.s32 s23, s13;
	[dreg:$0xc] =	wrdreg s12  }
0x1e: {  	s30 =	simm.s32 $0x4180;
	s22 =	simm.s32 $0xC180;
	[dreg:$0xd] =	wrdreg s14  }
0x1f: {  	s31 =	simm.s32 $0x4980;
	s23 =	simm.s32 $0xC980;
	[dreg:$0x15] =	wrdreg s22  }
0x20: {  	s0 =	ssub.s32 $0x2, s0;
	s6 =	simm.s32 $0xE180;
	[dreg:$0x16] =	wrdreg s23  }
0x21: {  	s21 =	simm.s32 $0x1;
	s11 =	simm.s32 $0x10980;
	[dreg:$0x19] =	wrdreg s6  }
0x22: {  	s17 =	simm.s32 $0x8180;
	s13 =	simm.s32 $0x11980;
	[dreg:$0x1e] =	wrdreg s11  }
0x23: {  	s3 =	simm.s32 $0x19980;
	s26 =	simm.s32 $0x80;
	[smem:$0x7F0] =	sst s13  }
0x24: {  	s15 =	simm.s32 $0x1B980;
	s24 =	simm.s32 $0xD180;
	[smem:$0x7FD] =	sst s26  }
0x25: {  	s25 =	sshrl.u32 s0, $0x1;
	s8 =	simm.s32 $0xF180;
	[dreg:$0x17] =	wrdreg s24  }
0x26: {  	s5 =	sadd.s32 $0x100, s1;
	s9 =	simm.s32 $0xF980;
	[dreg:$0x1b] =	wrdreg s8  }
0x27: {  	s7 =	simm.s32 $0x9;
	s10 =	simm.s32 $0x100;
	[dreg:$0x1c] =	wrdreg s9  }
0x28: {  	s0 =	ssub.s32 s0, s25;
	s12 =	simm.s32 $0x11180;
	[dreg:$0x1d] =	wrdreg s10  }
0x29: {  	s14 =	simm.s32 $0x12180;
	s22 =	simm.s32 $0x16180;
	[dreg:$0x1f] =	wrdreg s12  }
0x2a: {  	s23 =	simm.s32 $0x16980;
	s25 =	simm.s32 $0x17980;
	[smem:$0x7F1] =	sst s14  }
0x2b: {  	s13 =	simm.s32 $0x4;
	s26 =	simm.s32 $0x180;
	[smem:$0x7F9] =	sst s22  }
0x2c: {  	s11 =	simm.s32 $0x1B180;
	s6 =	smax.u32 s0, $0x1;
	[smem:$0x7FA] =	sst s23  }
0x2d: {  	s24 =	simm.s32 $0x17180;
	[smem:$0x7FC] =	sst s25;
	s12 =	simm.s32 $0x5  }
0x2e: {  	v2 =	vlaneseq.u32;
	s14 =	simm.s32 $0x8;
	s22 =	simm.s32 $0x1180;
	s23 =	simm.s32 $0x1980  }
0x2f: {  	vm0 =	vmmov $0xffff;
	v1 =	vshrl.u32 v2, $0x3;
	s25 =	simm.s32 $0x2980;
	s8 =	simm.s32 $0x10180;
	s10 =	simm.s32 $0x1A180  }
0x30: {  	v0 =	vand.u32 $0x7, v2;
	v2 =	vor.u32 $0x8, v2;
	v1 =	vmul.u32 $0x8, v1;
	s9 =	simm.s32 $0x1A980;
	[smem:$0x7FB] =	sst s24;
	s24 =	simm.s32 $0x2180  }
.LBB2_1:
0x31: {  	s18 =	rddreg [dreg:$0x5]  }
0x32: {  	[tilespmem:s4], [sflag:$0x9] =	stream.linear.gather [hbm4b:s18+s4], $0x80, $0x38;
	[tilespmem:$0x1C180] =	vst v63  }
0x33: {  	_ =	swait.ge [sflag:s7], $0x80  }
0x34: {  	[sflag:s7] =	ssyncset.done $0x0  }
0x35: {  	[sflag:s7] =	ssyncadd.s32 $0xFFFFFF80  }
0x36: {  	v3 =	vld [tilespmem:$0x0];
	_ =	sdelay $0x4  }
0x37: {  	v4 =	vshll.u32 v3, $0x2  }
0x38: {  	v3 =	vand.u32 $0x7, v3;
	v4 =	vand.u32 $0xFFFFFFE0, v4  }
0x39: {  	v3 =	vor.u32 v3, v4  }
0x3a: {  	v4 =	vperm.xlane v3, v0;
	_ =	sdelay $0x1  }
0x3b: {  	v4 =	vadd.s32 v1, v4;
	_ =	sdelay $0x1  }
0x3c: {  	v3 =	vperm.xlane v3, v2;
	_ =	sdelay $0x1  }
0x3d: {  	v3 =	vadd.s32 v1, v3  }
0x3e: {  	[tilespmem:s26], [sflag:$0x1] =	stream.indirect_vreg.gather [hbm4b:s1+s4], $0x80, v4, vm0, $0xb8;
	[tilespmem:$0x1C180] =	vst v63  }
0x3f: {  	s0 =	simm.s32 $0x980  }
0x40: {  	[tilespmem:s0], [sflag:$0x1] =	stream.indirect_vreg.gather [hbm4b:s5+s4], $0x80, v4, vm0, $0xb8;
	[tilespmem:$0x1C180] =	vst v63  }
0x41: {  	_ = 	snop  }
0x42: {  	[tilespmem:s22], [sflag:$0x1] =	stream.indirect_vreg.gather [hbm4b:s1+s4], $0x80, v3, vm0, $0xb8;
	[tilespmem:$0x1C180] =	vst v63  }
0x43: {  	_ = 	snop  }
0x44: {  	[tilespmem:s23], [sflag:$0x1] =	stream.indirect_vreg.gather [hbm4b:s5+s4], $0x80, v3, vm0, $0xb8;
	[tilespmem:$0x1C180] =	vst v63  }
0x45: {  	v3 =	vld [tilespmem:$0x10];
	_ =	sdelay $0x4  }
0x46: {  	v41 =	vshll.u32 v3, $0x2  }
0x47: {  	v3 =	vand.u32 $0x7, v3;
	v4 =	vand.u32 $0xFFFFFFE0, v41  }
0x48: {  	v3 =	vor.u32 v3, v4  }
0x49: {  	v4 =	vperm.xlane v3, v0;
	_ =	sdelay $0x1  }
0x4a: {  	v4 =	vadd.s32 v1, v4;
	_ =	sdelay $0x1  }
0x4b: {  	v3 =	vperm.xlane v3, v2;
	_ =	sdelay $0x1  }
0x4c: {  	v3 =	vadd.s32 v1, v3  }
0x4d: {  	[tilespmem:s24], [sflag:$0x1] =	stream.indirect_vreg.gather [hbm4b:s1+s4], $0x80, v4, vm0, $0xb8;
	[tilespmem:$0x1C180] =	vst v63  }
0x4e: {  	_ = 	snop  }
0x4f: {  	[tilespmem:s25], [sflag:$0x1] =	stream.indirect_vreg.gather [hbm4b:s5+s4], $0x80, v4, vm0, $0xb8;
	[tilespmem:$0x1C180] =	vst v63  }
0x50: {  	_ = 	snop  }
0x51: {  	[tilespmem:s28], [sflag:$0x1] =	stream.indirect_vreg.gather [hbm4b:s1+s4], $0x80, v3, vm0, $0xb8;
	[tilespmem:$0x1C180] =	vst v63  }
0x52: {  	_ = 	snop  }
0x53: {  	[tilespmem:s29], [sflag:$0x1] =	stream.indirect_vreg.gather [hbm4b:s5+s4], $0x80, v3, vm0, $0xb8;
	[tilespmem:$0x1C180] =	vst v63  }
0x54: {  	v3 =	vld [tilespmem:$0x20];
	_ =	sdelay $0x4  }
0x55: {  	v42 =	vshll.u32 v3, $0x2  }
0x56: {  	v3 =	vand.u32 $0x7, v3;
	v4 =	vand.u32 $0xFFFFFFE0, v42  }
0x57: {  	v3 =	vor.u32 v3, v4  }
0x58: {  	v4 =	vperm.xlane v3, v0;
	_ =	sdelay $0x1  }
0x59: {  	v4 =	vadd.s32 v1, v4;
	_ =	sdelay $0x1  }
0x5a: {  	v3 =	vperm.xlane v3, v2;
	_ =	sdelay $0x1  }
0x5b: {  	v3 =	vadd.s32 v1, v3  }
0x5c: {  	[tilespmem:s30], [sflag:$0x1] =	stream.indirect_vreg.gather [hbm4b:s1+s4], $0x80, v4, vm0, $0xb8;
	[tilespmem:$0x1C180] =	vst v63  }
0x5d: {  	_ = 	snop  }
0x5e: {  	[tilespmem:s31], [sflag:$0x1] =	stream.indirect_vreg.gather [hbm4b:s5+s4], $0x80, v4, vm0, $0xb8;
	[tilespmem:$0x1C180] =	vst v63  }
0x5f: {  	s19 =	simm.s32 $0x5180  }
0x60: {  	[tilespmem:s19], [sflag:$0x1] =	stream.indirect_vreg.gather [hbm4b:s1+s4], $0x80, v3, vm0, $0xb8;
	[tilespmem:$0x1C180] =	vst v63  }
0x61: {  	s20 =	simm.s32 $0x5980  }
0x62: {  	[tilespmem:s20], [sflag:$0x1] =	stream.indirect_vreg.gather [hbm4b:s5+s4], $0x80, v3, vm0, $0xb8;
	[tilespmem:$0x1C180] =	vst v63  }
0x63: {  	v3 =	vld [tilespmem:$0x30];
	_ =	sdelay $0x4  }
0x64: {  	v43 =	vshll.u32 v3, $0x2  }
0x65: {  	v3 =	vand.u32 $0x7, v3;
	v4 =	vand.u32 $0xFFFFFFE0, v43  }
0x66: {  	v3 =	vor.u32 v3, v4  }
0x67: {  	v4 =	vperm.xlane v3, v0;
	_ =	sdelay $0x1  }
0x68: {  	v4 =	vadd.s32 v1, v4;
	_ =	sdelay $0x1  }
0x69: {  	v3 =	vperm.xlane v3, v2;
	_ =	sdelay $0x1  }
0x6a: {  	s16 =	simm.s32 $0x6180;
	v3 =	vadd.s32 v1, v3  }
0x6b: {  	[tilespmem:s16], [sflag:$0x1] =	stream.indirect_vreg.gather [hbm4b:s1+s4], $0x80, v4, vm0, $0xb8;
	[tilespmem:$0x1C180] =	vst v63  }
0x6c: {  	s18 =	simm.s32 $0x6980  }
0x6d: {  	[tilespmem:s18], [sflag:$0x1] =	stream.indirect_vreg.gather [hbm4b:s5+s4], $0x80, v4, vm0, $0xb8;
	[tilespmem:$0x1C180] =	vst v63  }
0x6e: {  	s19 =	simm.s32 $0x7180  }
0x6f: {  	[tilespmem:s19], [sflag:$0x1] =	stream.indirect_vreg.gather [hbm4b:s1+s4], $0x80, v3, vm0, $0xb8;
	[tilespmem:$0x1C180] =	vst v63  }
0x70: {  	s20 =	simm.s32 $0x7980  }
0x71: {  	[tilespmem:s20], [sflag:$0x1] =	stream.indirect_vreg.gather [hbm4b:s5+s4], $0x80, v3, vm0, $0xb8;
	[tilespmem:$0x1C180] =	vst v63  }
0x72: {  	v3 =	vld [tilespmem:$0x40];
	_ =	sdelay $0x4  }
0x73: {  	v44 =	vshll.u32 v3, $0x2  }
0x74: {  	v3 =	vand.u32 $0x7, v3;
	v4 =	vand.u32 $0xFFFFFFE0, v44  }
0x75: {  	v3 =	vor.u32 v3, v4  }
0x76: {  	v4 =	vperm.xlane v3, v0;
	_ =	sdelay $0x1  }
0x77: {  	v4 =	vadd.s32 v1, v4;
	_ =	sdelay $0x1  }
0x78: {  	v3 =	vperm.xlane v3, v2;
	_ =	sdelay $0x1  }
0x79: {  	v3 =	vadd.s32 v1, v3  }
0x7a: {  	[tilespmem:s17], [sflag:$0x2] =	stream.indirect_vreg.gather [hbm4b:s1+s4], $0x80, v4, vm0, $0xb8;
	[tilespmem:$0x1C180] =	vst v63  }
0x7b: {  	s0 =	rddreg [dreg:$0xe]  }
0x7c: {  	[tilespmem:s0], [sflag:$0x2] =	stream.indirect_vreg.gather [hbm4b:s5+s4], $0x80, v4, vm0, $0xb8;
	[tilespmem:$0x1C180] =	vst v63  }
0x7d: {  	s19 =	rddreg [dreg:$0xf]  }
0x7e: {  	[tilespmem:s19], [sflag:$0x2] =	stream.indirect_vreg.gather [hbm4b:s1+s4], $0x80, v3, vm0, $0xb8;
	[tilespmem:$0x1C180] =	vst v63  }
0x7f: {  	s16 =	rddreg [dreg:$0x10]  }
0x80: {  	[tilespmem:s16], [sflag:$0x2] =	stream.indirect_vreg.gather [hbm4b:s5+s4], $0x80, v3, vm0, $0xb8;
	[tilespmem:$0x1C180] =	vst v63  }
0x81: {  	v3 =	vld [tilespmem:$0x50];
	_ =	sdelay $0x4  }
0x82: {  	v45 =	vshll.u32 v3, $0x2  }
0x83: {  	v3 =	vand.u32 $0x7, v3;
	v4 =	vand.u32 $0xFFFFFFE0, v45  }
0x84: {  	v3 =	vor.u32 v3, v4  }
0x85: {  	v4 =	vperm.xlane v3, v0;
	_ =	sdelay $0x1  }
0x86: {  	v4 =	vadd.s32 v1, v4;
	_ =	sdelay $0x1  }
0x87: {  	v3 =	vperm.xlane v3, v2;
	_ =	sdelay $0x1  }
0x88: {  	s19 =	rddreg [dreg:$0x11];
	v3 =	vadd.s32 v1, v3  }
0x89: {  	[tilespmem:s19], [sflag:$0x2] =	stream.indirect_vreg.gather [hbm4b:s1+s4], $0x80, v4, vm0, $0xb8;
	[tilespmem:$0x1C180] =	vst v63  }
0x8a: {  	s20 =	rddreg [dreg:$0x12]  }
0x8b: {  	[tilespmem:s20], [sflag:$0x2] =	stream.indirect_vreg.gather [hbm4b:s5+s4], $0x80, v4, vm0, $0xb8;
	[tilespmem:$0x1C180] =	vst v63  }
0x8c: {  	s0 =	rddreg [dreg:$0x13]  }
0x8d: {  	[tilespmem:s0], [sflag:$0x2] =	stream.indirect_vreg.gather [hbm4b:s1+s4], $0x80, v3, vm0, $0xb8;
	[tilespmem:$0x1C180] =	vst v63  }
0x8e: {  	s16 =	rddreg [dreg:$0x14]  }
0x8f: {  	[tilespmem:s16], [sflag:$0x2] =	stream.indirect_vreg.gather [hbm4b:s5+s4], $0x80, v3, vm0, $0xb8;
	[tilespmem:$0x1C180] =	vst v63  }
0x90: {  	v3 =	vld [tilespmem:$0x60];
	_ =	sdelay $0x4  }
0x91: {  	v46 =	vshll.u32 v3, $0x2  }
0x92: {  	v3 =	vand.u32 $0x7, v3;
	v4 =	vand.u32 $0xFFFFFFE0, v46  }
0x93: {  	v3 =	vor.u32 v3, v4  }
0x94: {  	v4 =	vperm.xlane v3, v0;
	_ =	sdelay $0x1  }
0x95: {  	v4 =	vadd.s32 v1, v4;
	_ =	sdelay $0x1  }
0x96: {  	v3 =	vperm.xlane v3, v2;
	_ =	sdelay $0x1  }
0x97: {  	s20 =	rddreg [dreg:$0x15];
	v3 =	vadd.s32 v1, v3  }
0x98: {  	[tilespmem:s20], [sflag:$0x2] =	stream.indirect_vreg.gather [hbm4b:s1+s4], $0x80, v4, vm0, $0xb8;
	[tilespmem:$0x1C180] =	vst v63  }
0x99: {  	s0 =	rddreg [dreg:$0x16]  }
0x9a: {  	[tilespmem:s0], [sflag:$0x2] =	stream.indirect_vreg.gather [hbm4b:s5+s4], $0x80, v4, vm0, $0xb8;
	[tilespmem:$0x1C180] =	vst v63  }
0x9b: {  	s16 =	rddreg [dreg:$0x17]  }
0x9c: {  	[tilespmem:s16], [sflag:$0x2] =	stream.indirect_vreg.gather [hbm4b:s1+s4], $0x80, v3, vm0, $0xb8;
	[tilespmem:$0x1C180] =	vst v63  }
0x9d: {  	s20 =	rddreg [dreg:$0x18]  }
0x9e: {  	[tilespmem:s20], [sflag:$0x2] =	stream.indirect_vreg.gather [hbm4b:s5+s4], $0x80, v3, vm0, $0xb8;
	[tilespmem:$0x1C180] =	vst v63  }
0x9f: {  	v3 =	vld [tilespmem:$0x70];
	_ =	sdelay $0x4  }
0xa0: {  	v47 =	vshll.u32 v3, $0x2  }
0xa1: {  	v3 =	vand.u32 $0x7, v3;
	v4 =	vand.u32 $0xFFFFFFE0, v47  }
0xa2: {  	v3 =	vor.u32 v3, v4  }
0xa3: {  	v4 =	vperm.xlane v3, v0;
	_ =	sdelay $0x1  }
0xa4: {  	v4 =	vadd.s32 v1, v4;
	_ =	sdelay $0x1  }
0xa5: {  	v3 =	vperm.xlane v3, v2  }
0xa6: {  	s0 =	rddreg [dreg:$0x19]  }
0xa7: {  	s16 =	rddreg [dreg:$0x1a];
	v3 =	vadd.s32 v1, v3  }
0xa8: {  	[tilespmem:s0], [sflag:$0x2] =	stream.indirect_vreg.gather [hbm4b:s1+s4], $0x80, v4, vm0, $0xb8;
	[tilespmem:$0x1C180] =	vst v63  }
0xa9: {  	s20 =	rddreg [dreg:$0x1b]  }
0xaa: {  	[tilespmem:s16], [sflag:$0x2] =	stream.indirect_vreg.gather [hbm4b:s5+s4], $0x80, v4, vm0, $0xb8;
	[tilespmem:$0x1C180] =	vst v63  }
0xab: {  	s0 =	rddreg [dreg:$0x1c]  }
0xac: {  	[tilespmem:s20], [sflag:$0x2] =	stream.indirect_vreg.gather [hbm4b:s1+s4], $0x80, v3, vm0, $0xb8;
	[tilespmem:$0x1C180] =	vst v63  }
0xad: {  	s16 =	rddreg [dreg:$0x6]  }
0xae: {  	[tilespmem:s0], [sflag:$0x2] =	stream.indirect_vreg.gather [hbm4b:s5+s4], $0x80, v3, vm0, $0xb8;
	[tilespmem:$0x1C180] =	vst v63  }
0xaf: {  	s20 =	rddreg [dreg:$0x1d]  }
0xb0: {  	[tilespmem:s20], [sflag:$0x9] =	stream.linear.gather [hbm4b:s16+s4], $0x80, $0x38;
	[tilespmem:$0x1C180] =	vst v63  }
0xb1: {  	_ =	swait.ge [sflag:s7], $0x80  }
0xb2: {  	[sflag:s7] =	ssyncset.done $0x0  }
0xb3: {  	[sflag:s7] =	ssyncadd.s32 $0xFFFFFF80  }
0xb4: {  	v3 =	vld [tilespmem:$0x100];
	_ =	sdelay $0x4  }
0xb5: {  	v48 =	vshll.u32 v3, $0x2  }
0xb6: {  	v3 =	vand.u32 $0x7, v3;
	v4 =	vand.u32 $0xFFFFFFE0, v48  }
0xb7: {  	v3 =	vor.u32 v3, v4  }
0xb8: {  	v4 =	vperm.xlane v3, v0;
	_ =	sdelay $0x1  }
0xb9: {  	v4 =	vadd.s32 v1, v4;
	_ =	sdelay $0x1  }
0xba: {  	v3 =	vperm.xlane v3, v2;
	_ =	sdelay $0x1  }
0xbb: {  	s20 =	rddreg [dreg:$0x1e];
	v3 =	vadd.s32 v1, v3  }
0xbc: {  	[tilespmem:s8], [sflag:$0x3] =	stream.indirect_vreg.gather [hbm4b:s1+s4], $0x80, v4, vm0, $0xb8;
	[tilespmem:$0x1C180] =	vst v63  }
0xbd: {  	s0 =	rddreg [dreg:$0x1f]  }
0xbe: {  	[tilespmem:s20], [sflag:$0x3] =	stream.indirect_vreg.gather [hbm4b:s5+s4], $0x80, v4, vm0, $0xb8;
	[tilespmem:$0x1C180] =	vst v63  }
0xbf: {  	s16 =	sld [smem:$0x7F0]  }
0xc0: {  	[tilespmem:s0], [sflag:$0x3] =	stream.indirect_vreg.gather [hbm4b:s1+s4], $0x80, v3, vm0, $0xb8;
	[tilespmem:$0x1C180] =	vst v63  }
0xc1: {  	_ = 	snop  }
0xc2: {  	[tilespmem:s16], [sflag:$0x3] =	stream.indirect_vreg.gather [hbm4b:s5+s4], $0x80, v3, vm0, $0xb8;
	[tilespmem:$0x1C180] =	vst v63  }
0xc3: {  	v3 =	vld [tilespmem:$0x110];
	_ =	sdelay $0x4  }
0xc4: {  	v49 =	vshll.u32 v3, $0x2  }
0xc5: {  	v3 =	vand.u32 $0x7, v3;
	v4 =	vand.u32 $0xFFFFFFE0, v49  }
0xc6: {  	v3 =	vor.u32 v3, v4  }
0xc7: {  	v4 =	vperm.xlane v3, v0;
	_ =	sdelay $0x1  }
0xc8: {  	v4 =	vadd.s32 v1, v4;
	_ =	sdelay $0x1  }
0xc9: {  	s19 =	sld [smem:$0x7F1];
	v3 =	vperm.xlane v3, v2;
	_ =	sdelay $0x1  }
0xca: {  	s20 =	sld [smem:$0x7F2];
	v3 =	vadd.s32 v1, v3  }
0xcb: {  	[tilespmem:s19], [sflag:$0x3] =	stream.indirect_vreg.gather [hbm4b:s1+s4], $0x80, v4, vm0, $0xb8;
	[tilespmem:$0x1C180] =	vst v63  }
0xcc: {  	s0 =	sld [smem:$0x7F3]  }
0xcd: {  	[tilespmem:s20], [sflag:$0x3] =	stream.indirect_vreg.gather [hbm4b:s5+s4], $0x80, v4, vm0, $0xb8;
	[tilespmem:$0x1C180] =	vst v63  }
0xce: {  	s16 =	sld [smem:$0x7F4]  }
0xcf: {  	[tilespmem:s0], [sflag:$0x3] =	stream.indirect_vreg.gather [hbm4b:s1+s4], $0x80, v3, vm0, $0xb8;
	[tilespmem:$0x1C180] =	vst v63  }
0xd0: {  	_ = 	snop  }
0xd1: {  	[tilespmem:s16], [sflag:$0x3] =	stream.indirect_vreg.gather [hbm4b:s5+s4], $0x80, v3, vm0, $0xb8;
	[tilespmem:$0x1C180] =	vst v63  }
0xd2: {  	v3 =	vld [tilespmem:$0x120];
	_ =	sdelay $0x4  }
0xd3: {  	v50 =	vshll.u32 v3, $0x2  }
0xd4: {  	v3 =	vand.u32 $0x7, v3;
	v4 =	vand.u32 $0xFFFFFFE0, v50  }
0xd5: {  	v3 =	vor.u32 v3, v4  }
0xd6: {  	v4 =	vperm.xlane v3, v0;
	_ =	sdelay $0x1  }
0xd7: {  	v4 =	vadd.s32 v1, v4;
	_ =	sdelay $0x1  }
0xd8: {  	s19 =	sld [smem:$0x7F5];
	v3 =	vperm.xlane v3, v2;
	_ =	sdelay $0x1  }
0xd9: {  	s20 =	sld [smem:$0x7F6];
	v3 =	vadd.s32 v1, v3  }
0xda: {  	[tilespmem:s19], [sflag:$0x3] =	stream.indirect_vreg.gather [hbm4b:s1+s4], $0x80, v4, vm0, $0xb8;
	[tilespmem:$0x1C180] =	vst v63  }
0xdb: {  	s0 =	sld [smem:$0x7F7]  }
0xdc: {  	[tilespmem:s20], [sflag:$0x3] =	stream.indirect_vreg.gather [hbm4b:s5+s4], $0x80, v4, vm0, $0xb8;
	[tilespmem:$0x1C180] =	vst v63  }
0xdd: {  	s16 =	sld [smem:$0x7F8]  }
0xde: {  	[tilespmem:s0], [sflag:$0x3] =	stream.indirect_vreg.gather [hbm4b:s1+s4], $0x80, v3, vm0, $0xb8;
	[tilespmem:$0x1C180] =	vst v63  }
0xdf: {  	_ = 	snop  }
0xe0: {  	[tilespmem:s16], [sflag:$0x3] =	stream.indirect_vreg.gather [hbm4b:s5+s4], $0x80, v3, vm0, $0xb8;
	[tilespmem:$0x1C180] =	vst v63  }
0xe1: {  	v3 =	vld [tilespmem:$0x130];
	_ =	sdelay $0x4  }
0xe2: {  	v51 =	vshll.u32 v3, $0x2  }
0xe3: {  	v3 =	vand.u32 $0x7, v3;
	v4 =	vand.u32 $0xFFFFFFE0, v51  }
0xe4: {  	v3 =	vor.u32 v3, v4  }
0xe5: {  	v4 =	vperm.xlane v3, v0;
	_ =	sdelay $0x1  }
0xe6: {  	v4 =	vadd.s32 v1, v4;
	_ =	sdelay $0x1  }
0xe7: {  	s20 =	sld [smem:$0x7F9];
	v3 =	vperm.xlane v3, v2;
	_ =	sdelay $0x1  }
0xe8: {  	s0 =	sld [smem:$0x7FA];
	v3 =	vadd.s32 v1, v3  }
0xe9: {  	[tilespmem:s20], [sflag:$0x3] =	stream.indirect_vreg.gather [hbm4b:s1+s4], $0x80, v4, vm0, $0xb8;
	[tilespmem:$0x1C180] =	vst v63  }
0xea: {  	s16 =	sld [smem:$0x7FB]  }
0xeb: {  	[tilespmem:s0], [sflag:$0x3] =	stream.indirect_vreg.gather [hbm4b:s5+s4], $0x80, v4, vm0, $0xb8;
	[tilespmem:$0x1C180] =	vst v63  }
0xec: {  	s19 =	sld [smem:$0x7FC]  }
0xed: {  	[tilespmem:s16], [sflag:$0x3] =	stream.indirect_vreg.gather [hbm4b:s1+s4], $0x80, v3, vm0, $0xb8;
	[tilespmem:$0x1C180] =	vst v63  }
0xee: {  	s0 =	sld [smem:$0x7FD]  }
0xef: {  	[tilespmem:s19], [sflag:$0x3] =	stream.indirect_vreg.gather [hbm4b:s5+s4], $0x80, v3, vm0, $0xb8;
	[tilespmem:$0x1C180] =	vst v63  }
0xf0: {  	s20 =	rddreg [dreg:$0x7]  }
0xf1: {  	[tilespmem:s0], [sflag:$0x9] =	stream.linear.gather [hbm4b:s20+s4], $0x80, $0x38;
	[tilespmem:$0x1C180] =	vst v63  }
0xf2: {  	_ =	swait.ge [sflag:s7], $0x80  }
0xf3: {  	[sflag:s7] =	ssyncset.done $0x0  }
0xf4: {  	[sflag:s7] =	ssyncadd.s32 $0xFFFFFF80  }
0xf5: {  	v3 =	vld [tilespmem:$0x80];
	_ =	sdelay $0x4  }
0xf6: {  	v52 =	vshll.u32 v3, $0x1  }
0xf7: {  	v3 =	vand.u32 $0x7, v3;
	v4 =	vand.u32 $0xFFFFFFF0, v52  }
0xf8: {  	v3 =	vor.u32 v3, v4  }
0xf9: {  	v4 =	vperm.xlane v3, v0;
	_ =	sdelay $0x1  }
0xfa: {  	v3 =	vperm.xlane v3, v2;
	v4 =	vadd.s32 v1, v4;
	_ =	sdelay $0x1  }
0xfb: {  	v3 =	vadd.s32 v1, v3;
	_ =	sdelay $0x1  }
0xfc: {  	s19 =	simm.s32 $0x18180  }
0xfd: {  	[tilespmem:s19], [sflag:$0x4] =	stream.indirect_vreg.gather [hbm4b:s2+s4], $0x80, v4, vm0, $0xb8;
	[tilespmem:$0x1C180] =	vst v63  }
0xfe: {  	s20 =	simm.s32 $0x18980  }
0xff: {  	[tilespmem:s20], [sflag:$0x4] =	stream.indirect_vreg.gather [hbm4b:s2+s4], $0x80, v3, vm0, $0xb8;
	[tilespmem:$0x1C180] =	vst v63  }
0x100: {  	v3 =	vld [tilespmem:$0x90];
	_ =	sdelay $0x4  }
0x101: {  	v53 =	vshll.u32 v3, $0x1  }
0x102: {  	v3 =	vand.u32 $0x7, v3;
	v4 =	vand.u32 $0xFFFFFFF0, v53  }
0x103: {  	v3 =	vor.u32 v3, v4  }
0x104: {  	v4 =	vperm.xlane v3, v0;
	_ =	sdelay $0x1  }
0x105: {  	v3 =	vperm.xlane v3, v2;
	v4 =	vadd.s32 v1, v4;
	_ =	sdelay $0x1  }
0x106: {  	v3 =	vadd.s32 v1, v3;
	_ =	sdelay $0x1  }
0x107: {  	s0 =	simm.s32 $0x19180  }
0x108: {  	[tilespmem:s0], [sflag:$0x4] =	stream.indirect_vreg.gather [hbm4b:s2+s4], $0x80, v4, vm0, $0xb8;
	[tilespmem:$0x1C180] =	vst v63  }
0x109: {  	_ = 	snop  }
0x10a: {  	[tilespmem:s3], [sflag:$0x4] =	stream.indirect_vreg.gather [hbm4b:s2+s4], $0x80, v3, vm0, $0xb8;
	[tilespmem:$0x1C180] =	vst v63  }
0x10b: {  	v3 =	vld [tilespmem:$0xA0];
	_ =	sdelay $0x4  }
0x10c: {  	v54 =	vshll.u32 v3, $0x1  }
0x10d: {  	v3 =	vand.u32 $0x7, v3;
	v4 =	vand.u32 $0xFFFFFFF0, v54  }
0x10e: {  	v3 =	vor.u32 v3, v4  }
0x10f: {  	v4 =	vperm.xlane v3, v0;
	_ =	sdelay $0x1  }
0x110: {  	v3 =	vperm.xlane v3, v2;
	v4 =	vadd.s32 v1, v4;
	_ =	sdelay $0x1  }
0x111: {  	v3 =	vadd.s32 v1, v3;
	_ =	sdelay $0x2  }
0x112: {  	[tilespmem:s10], [sflag:$0x4] =	stream.indirect_vreg.gather [hbm4b:s2+s4], $0x80, v4, vm0, $0xb8;
	[tilespmem:$0x1C180] =	vst v63  }
0x113: {  	_ = 	snop  }
0x114: {  	[tilespmem:s9], [sflag:$0x4] =	stream.indirect_vreg.gather [hbm4b:s2+s4], $0x80, v3, vm0, $0xb8;
	[tilespmem:$0x1C180] =	vst v63  }
0x115: {  	v3 =	vld [tilespmem:$0xB0];
	_ =	sdelay $0x4  }
0x116: {  	v55 =	vshll.u32 v3, $0x1  }
0x117: {  	v3 =	vand.u32 $0x7, v3;
	v4 =	vand.u32 $0xFFFFFFF0, v55  }
0x118: {  	v3 =	vor.u32 v3, v4  }
0x119: {  	v4 =	vperm.xlane v3, v0;
	_ =	sdelay $0x1  }
0x11a: {  	v3 =	vperm.xlane v3, v2;
	v4 =	vadd.s32 v1, v4;
	_ =	sdelay $0x1  }
0x11b: {  	v3 =	vadd.s32 v1, v3;
	_ =	sdelay $0x2  }
0x11c: {  	[tilespmem:s11], [sflag:$0x4] =	stream.indirect_vreg.gather [hbm4b:s2+s4], $0x80, v4, vm0, $0xb8;
	[tilespmem:$0x1C180] =	vst v63  }
0x11d: {  	_ = 	snop  }
0x11e: {  	[tilespmem:s15], [sflag:$0x4] =	stream.indirect_vreg.gather [hbm4b:s2+s4], $0x80, v3, vm0, $0xb8;
	[tilespmem:$0x1C180] =	vst v63  }
0x11f: {  	_ =	swait.ge [sflag:s21], $0x8000  }
0x120: {  	[sflag:s21] =	ssyncset.done $0x0  }
0x121: {  	s16 =	rddreg [dreg:$0x8];
	[sflag:s21] =	ssyncadd.s32 $0xFFFF8000  }
0x122: {  	[hbm4b:s16+s4] =	stream.linear.scatter [tilespmem:s26], [sflag:$0x5], $0x8000, $0x38;
	[tilespmem:$0x1C180] =	vst v63  }
0x123: {  	s16 =	simm.s32 $0x2  }
0x124: {  	_ =	swait.ge [sflag:s16], $0x8000  }
0x125: {  	[sflag:s16] =	ssyncset.done $0x0  }
0x126: {  	s18 =	rddreg [dreg:$0x9];
	[sflag:s16] =	ssyncadd.s32 $0xFFFF8000  }
0x127: {  	[hbm4b:s18+s4] =	stream.linear.scatter [tilespmem:s17], [sflag:$0x6], $0x8000, $0x38;
	[tilespmem:$0x1C180] =	vst v63  }
0x128: {  	_ =	swait.ge [sflag:s12], $0x8000  }
0x129: {  	[sflag:s12] =	ssyncset.done $0x0  }
0x12a: {  	[sflag:s12] =	ssyncadd.s32 $0xFFFF8000  }
0x12b: {  	v3 =	vld [tilespmem:$0x140];
	_ =	sdelay $0x4  }
0x12c: {  	v56 =	vshll.u32 v3, $0x2  }
0x12d: {  	v3 =	vand.u32 $0x7, v3;
	v4 =	vand.u32 $0xFFFFFFE0, v56  }
0x12e: {  	v3 =	vor.u32 v3, v4  }
0x12f: {  	v4 =	vperm.xlane v3, v0;
	_ =	sdelay $0x1  }
0x130: {  	v4 =	vadd.s32 v1, v4;
	_ =	sdelay $0x1  }
0x131: {  	v3 =	vperm.xlane v3, v2;
	_ =	sdelay $0x1  }
0x132: {  	v3 =	vadd.s32 v1, v3  }
0x133: {  	[tilespmem:s26], [sflag:$0x1] =	stream.indirect_vreg.gather [hbm4b:s1+s4], $0x80, v4, vm0, $0xb8;
	[tilespmem:$0x1C180] =	vst v63  }
0x134: {  	s18 =	simm.s32 $0x980  }
0x135: {  	[tilespmem:s18], [sflag:$0x1] =	stream.indirect_vreg.gather [hbm4b:s5+s4], $0x80, v4, vm0, $0xb8;
	[tilespmem:$0x1C180] =	vst v63  }
0x136: {  	_ = 	snop  }
0x137: {  	[tilespmem:s22], [sflag:$0x1] =	stream.indirect_vreg.gather [hbm4b:s1+s4], $0x80, v3, vm0, $0xb8;
	[tilespmem:$0x1C180] =	vst v63  }
0x138: {  	_ = 	snop  }
0x139: {  	[tilespmem:s23], [sflag:$0x1] =	stream.indirect_vreg.gather [hbm4b:s5+s4], $0x80, v3, vm0, $0xb8;
	[tilespmem:$0x1C180] =	vst v63  }
0x13a: {  	v3 =	vld [tilespmem:$0x150];
	_ =	sdelay $0x4  }
0x13b: {  	v57 =	vshll.u32 v3, $0x2  }
0x13c: {  	v3 =	vand.u32 $0x7, v3;
	v4 =	vand.u32 $0xFFFFFFE0, v57  }
0x13d: {  	v3 =	vor.u32 v3, v4  }
0x13e: {  	v4 =	vperm.xlane v3, v0;
	_ =	sdelay $0x1  }
0x13f: {  	v4 =	vadd.s32 v1, v4;
	_ =	sdelay $0x1  }
0x140: {  	v3 =	vperm.xlane v3, v2;
	_ =	sdelay $0x1  }
0x141: {  	v3 =	vadd.s32 v1, v3  }
0x142: {  	[tilespmem:s24], [sflag:$0x1] =	stream.indirect_vreg.gather [hbm4b:s1+s4], $0x80, v4, vm0, $0xb8;
	[tilespmem:$0x1C180] =	vst v63  }
0x143: {  	_ = 	snop  }
0x144: {  	[tilespmem:s25], [sflag:$0x1] =	stream.indirect_vreg.gather [hbm4b:s5+s4], $0x80, v4, vm0, $0xb8;
	[tilespmem:$0x1C180] =	vst v63  }
0x145: {  	_ = 	snop  }
0x146: {  	[tilespmem:s28], [sflag:$0x1] =	stream.indirect_vreg.gather [hbm4b:s1+s4], $0x80, v3, vm0, $0xb8;
	[tilespmem:$0x1C180] =	vst v63  }
0x147: {  	_ = 	snop  }
0x148: {  	[tilespmem:s29], [sflag:$0x1] =	stream.indirect_vreg.gather [hbm4b:s5+s4], $0x80, v3, vm0, $0xb8;
	[tilespmem:$0x1C180] =	vst v63  }
0x149: {  	v3 =	vld [tilespmem:$0x160];
	_ =	sdelay $0x4  }
0x14a: {  	v58 =	vshll.u32 v3, $0x2  }
0x14b: {  	v3 =	vand.u32 $0x7, v3;
	v4 =	vand.u32 $0xFFFFFFE0, v58  }
0x14c: {  	v3 =	vor.u32 v3, v4  }
0x14d: {  	v4 =	vperm.xlane v3, v0;
	_ =	sdelay $0x1  }
0x14e: {  	v4 =	vadd.s32 v1, v4;
	_ =	sdelay $0x1  }
0x14f: {  	v3 =	vperm.xlane v3, v2;
	_ =	sdelay $0x1  }
0x150: {  	v3 =	vadd.s32 v1, v3  }
0x151: {  	[tilespmem:s30], [sflag:$0x1] =	stream.indirect_vreg.gather [hbm4b:s1+s4], $0x80, v4, vm0, $0xb8;
	[tilespmem:$0x1C180] =	vst v63  }
0x152: {  	_ = 	snop  }
0x153: {  	[tilespmem:s31], [sflag:$0x1] =	stream.indirect_vreg.gather [hbm4b:s5+s4], $0x80, v4, vm0, $0xb8;
	[tilespmem:$0x1C180] =	vst v63  }
0x154: {  	s18 =	simm.s32 $0x5180  }
0x155: {  	[tilespmem:s18], [sflag:$0x1] =	stream.indirect_vreg.gather [hbm4b:s1+s4], $0x80, v3, vm0, $0xb8;
	[tilespmem:$0x1C180] =	vst v63  }
0x156: {  	s18 =	simm.s32 $0x5980  }
0x157: {  	[tilespmem:s18], [sflag:$0x1] =	stream.indirect_vreg.gather [hbm4b:s5+s4], $0x80, v3, vm0, $0xb8;
	[tilespmem:$0x1C180] =	vst v63  }
0x158: {  	v3 =	vld [tilespmem:$0x170];
	_ =	sdelay $0x4  }
0x159: {  	v59 =	vshll.u32 v3, $0x2  }
0x15a: {  	v3 =	vand.u32 $0x7, v3;
	v4 =	vand.u32 $0xFFFFFFE0, v59  }
0x15b: {  	v3 =	vor.u32 v3, v4  }
0x15c: {  	v4 =	vperm.xlane v3, v0;
	_ =	sdelay $0x1  }
0x15d: {  	v4 =	vadd.s32 v1, v4;
	_ =	sdelay $0x1  }
0x15e: {  	v3 =	vperm.xlane v3, v2;
	_ =	sdelay $0x1  }
0x15f: {  	s18 =	simm.s32 $0x6180;
	v3 =	vadd.s32 v1, v3  }
0x160: {  	[tilespmem:s18], [sflag:$0x1] =	stream.indirect_vreg.gather [hbm4b:s1+s4], $0x80, v4, vm0, $0xb8;
	[tilespmem:$0x1C180] =	vst v63  }
0x161: {  	s18 =	simm.s32 $0x6980  }
0x162: {  	[tilespmem:s18], [sflag:$0x1] =	stream.indirect_vreg.gather [hbm4b:s5+s4], $0x80, v4, vm0, $0xb8;
	[tilespmem:$0x1C180] =	vst v63  }
0x163: {  	s18 =	simm.s32 $0x7180  }
0x164: {  	[tilespmem:s18], [sflag:$0x1] =	stream.indirect_vreg.gather [hbm4b:s1+s4], $0x80, v3, vm0, $0xb8;
	[tilespmem:$0x1C180] =	vst v63  }
0x165: {  	s18 =	simm.s32 $0x7980  }
0x166: {  	[tilespmem:s18], [sflag:$0x1] =	stream.indirect_vreg.gather [hbm4b:s5+s4], $0x80, v3, vm0, $0xb8;
	[tilespmem:$0x1C180] =	vst v63  }
0x167: {  	_ =	swait.ge [sflag:s13], $0x4000  }
0x168: {  	[sflag:s13] =	ssyncset.done $0x0  }
0x169: {  	s16 =	rddreg [dreg:$0xa];
	[sflag:s13] =	ssyncadd.s32 $0xFFFFC000  }
0x16a: {  	[hbm4b:s16+s4] =	stream.linear.scatter [tilespmem:s19], [sflag:$0x8], $0x4000, $0x38;
	[tilespmem:$0x1C180] =	vst v63  }
0x16b: {  	_ =	swait.ge [sflag:s14], $0x4000  }
0x16c: {  	[sflag:s14] =	ssyncset.done $0x0  }
0x16d: {  	[sflag:s14] =	ssyncadd.s32 $0xFFFFC000  }
0x16e: {  	v3 =	vld [tilespmem:$0xC0];
	_ =	sdelay $0x4  }
0x16f: {  	v60 =	vshll.u32 v3, $0x1  }
0x170: {  	v3 =	vand.u32 $0x7, v3;
	v4 =	vand.u32 $0xFFFFFFF0, v60  }
0x171: {  	v3 =	vor.u32 v3, v4  }
0x172: {  	v4 =	vperm.xlane v3, v0;
	_ =	sdelay $0x1  }
0x173: {  	v3 =	vperm.xlane v3, v2;
	v4 =	vadd.s32 v1, v4;
	_ =	sdelay $0x1  }
0x174: {  	v3 =	vadd.s32 v1, v3;
	_ =	sdelay $0x2  }
0x175: {  	[tilespmem:s19], [sflag:$0x4] =	stream.indirect_vreg.gather [hbm4b:s2+s4], $0x80, v4, vm0, $0xb8;
	[tilespmem:$0x1C180] =	vst v63  }
0x176: {  	_ = 	snop  }
0x177: {  	[tilespmem:s20], [sflag:$0x4] =	stream.indirect_vreg.gather [hbm4b:s2+s4], $0x80, v3, vm0, $0xb8;
	[tilespmem:$0x1C180] =	vst v63  }
0x178: {  	v3 =	vld [tilespmem:$0xD0];
	_ =	sdelay $0x4  }
0x179: {  	v61 =	vshll.u32 v3, $0x1  }
0x17a: {  	v3 =	vand.u32 $0x7, v3;
	v4 =	vand.u32 $0xFFFFFFF0, v61  }
0x17b: {  	v3 =	vor.u32 v3, v4  }
0x17c: {  	v4 =	vperm.xlane v3, v0;
	_ =	sdelay $0x1  }
0x17d: {  	v3 =	vperm.xlane v3, v2;
	v4 =	vadd.s32 v1, v4;
	_ =	sdelay $0x1  }
0x17e: {  	v3 =	vadd.s32 v1, v3;
	_ =	sdelay $0x2  }
0x17f: {  	[tilespmem:s0], [sflag:$0x4] =	stream.indirect_vreg.gather [hbm4b:s2+s4], $0x80, v4, vm0, $0xb8;
	[tilespmem:$0x1C180] =	vst v63  }
0x180: {  	_ = 	snop  }
0x181: {  	[tilespmem:s3], [sflag:$0x4] =	stream.indirect_vreg.gather [hbm4b:s2+s4], $0x80, v3, vm0, $0xb8;
	[tilespmem:$0x1C180] =	vst v63  }
0x182: {  	v3 =	vld [tilespmem:$0xE0];
	_ =	sdelay $0x4  }
0x183: {  	v62 =	vshll.u32 v3, $0x1  }
0x184: {  	v3 =	vand.u32 $0x7, v3;
	v4 =	vand.u32 $0xFFFFFFF0, v62  }
0x185: {  	v3 =	vor.u32 v3, v4  }
0x186: {  	v4 =	vperm.xlane v3, v0;
	_ =	sdelay $0x1  }
0x187: {  	v3 =	vperm.xlane v3, v2;
	v4 =	vadd.s32 v1, v4;
	_ =	sdelay $0x1  }
0x188: {  	v3 =	vadd.s32 v1, v3;
	_ =	sdelay $0x2  }
0x189: {  	[tilespmem:s10], [sflag:$0x4] =	stream.indirect_vreg.gather [hbm4b:s2+s4], $0x80, v4, vm0, $0xb8;
	[tilespmem:$0x1C180] =	vst v63  }
0x18a: {  	_ = 	snop  }
0x18b: {  	[tilespmem:s9], [sflag:$0x4] =	stream.indirect_vreg.gather [hbm4b:s2+s4], $0x80, v3, vm0, $0xb8;
	[tilespmem:$0x1C180] =	vst v63  }
0x18c: {  	v3 =	vld [tilespmem:$0xF0];
	_ =	sdelay $0x4  }
0x18d: {  	v63 =	vshll.u32 v3, $0x1  }
0x18e: {  	v3 =	vand.u32 $0x7, v3;
	v4 =	vand.u32 $0xFFFFFFF0, v63  }
0x18f: {  	v3 =	vor.u32 v3, v4  }
0x190: {  	v4 =	vperm.xlane v3, v0;
	_ =	sdelay $0x1  }
0x191: {  	v3 =	vperm.xlane v3, v2;
	v4 =	vadd.s32 v1, v4;
	_ =	sdelay $0x1  }
0x192: {  	v3 =	vadd.s32 v1, v3;
	_ =	sdelay $0x2  }
0x193: {  	[tilespmem:s11], [sflag:$0x4] =	stream.indirect_vreg.gather [hbm4b:s2+s4], $0x80, v4, vm0, $0xb8;
	[tilespmem:$0x1C180] =	vst v63  }
0x194: {  	s18 =	simm.s32 $0x3  }
0x195: {  	[tilespmem:s15], [sflag:$0x4] =	stream.indirect_vreg.gather [hbm4b:s2+s4], $0x80, v3, vm0, $0xb8;
	[tilespmem:$0x1C180] =	vst v63  }
0x196: {  	_ =	swait.ge [sflag:s18], $0x8000  }
0x197: {  	[sflag:s18] =	ssyncset.done $0x0  }
0x198: {  	s20 =	rddreg [dreg:$0xb];
	[sflag:s18] =	ssyncadd.s32 $0xFFFF8000  }
0x199: {  	[hbm4b:s20+s4] =	stream.linear.scatter [tilespmem:s8], [sflag:$0x7], $0x8000, $0x38;
	[tilespmem:$0x1C180] =	vst v63  }
0x19a: {  	_ =	swait.ge [sflag:s21], $0x8000  }
0x19b: {  	[sflag:s21] =	ssyncset.done $0x0  }
0x19c: {  	s0 =	rddreg [dreg:$0xc];
	[sflag:s21] =	ssyncadd.s32 $0xFFFF8000  }
0x19d: {  	[hbm4b:s0+s4] =	stream.linear.scatter [tilespmem:s26], [sflag:$0x5], $0x8000, $0x38;
	[tilespmem:$0x1C180] =	vst v63  }
0x19e: {  	_ =	swait.ge [sflag:s13], $0x4000  }
0x19f: {  	[sflag:s13] =	ssyncset.done $0x0  }
0x1a0: {  	s16 =	rddreg [dreg:$0xd];
	[sflag:s13] =	ssyncadd.s32 $0xFFFFC000  }
0x1a1: {  	[hbm4b:s16+s4] =	stream.linear.scatter [tilespmem:s19], [sflag:$0x8], $0x4000, $0x38;
	[tilespmem:$0x1C180] =	vst v63  }
0x1a2: {  	s19 =	simm.s32 $0x6  }
0x1a3: {  	_ =	swait.ge [sflag:s19], $0x8000  }
0x1a4: {  	[sflag:s19] =	ssyncset.done $0x0  }
0x1a5: {  	s20 =	simm.s32 $0x7;
	[sflag:s19] =	ssyncadd.s32 $0xFFFF8000  }
0x1a6: {  	_ =	swait.ge [sflag:s20], $0x8000  }
0x1a7: {  	[sflag:s20] =	ssyncset.done $0x0  }
0x1a8: {  	[sflag:s20] =	ssyncadd.s32 $0xFFFF8000  }
0x1a9: {  	p0 =	sne.s32 s6, $0x1;
	_ =	swait.ge [sflag:s12], $0x8000  }
.Ltmp0:
0x1aa: {  	[sflag:s12] =	ssyncset.done $0x0;
	(pc) =	sbr.rel @p0 .LBB2_1-.Ltmp0, $4  }
0x1ab: {  	[sflag:s12] =	ssyncadd.s32 $0xFFFF8000  }
0x1ac: {  	_ =	swait.ge [sflag:s14], $0x4000  }
0x1ad: {  	[sflag:s14] =	ssyncset.done $0x0  }
0x1ae: {  	s6 =	sadd.s32 $0xFFFFFFFF, s6;
	[sflag:s14] =	ssyncadd.s32 $0xFFFFC000  }
0x1af: {  	_ =	sfence.sel $0x180000  }
0x1b0: {  	[bflag:$0x0] =	sbarrier.arrive $0xFFFF  }
0x1b1: {  	_ =	strace $0x9000004A  }
0x1b2: {  	s0 =	stileid.u32;
	[bflag:$0x2] =	sbarrier.arrive $0xFFFF  }
0x1b3: {  	p0 =	sne.s32 s0, $0x0;
	s0 =	rddreg [dreg:$0x4]  }
0x1b4: {  	s0 =	sadd.s32 @!p0 $0x100000, s0  }
0x1b5: {  	[sflag:s0] =	ssyncadd.tile.s32 @!p0 $0x1;
	_ =	shalt  }
.Lfunc_end2:
_tile_overlayer_lowered:
.L_overlay_start_2:
0x1b6: {  	(tag) =	ssettag $0x2  }
0x1b7: {  	s0 =	rddreg [dreg:$0x0];
	s2 =	stileid.u32  }
0x1b8: {  	s1 =	rddreg [dreg:$0x1];
	p0 =	sne.s32 s2, $0x0  }
0x1b9: {  	s3 =	rddreg [dreg:$0x2];
	[bflag:$0x3] =	sbarrier.arrive $0xFFFF;
	s2 =	simm.s32 @!p0 $0x1C09  }
0x1ba: {  	[timem:s3], [sflag:s2] =	dma.local @!p0 [hbm:s0], s1  }
0x1bb: {  	s0 =	simm.s32 @!p0 $0x9  }
0x1bc: {  	_ =	swait.ge @!p0 [sflag:s0], s1  }
0x1bd: {  	s1 =	ssub.s32 @!p0 $0x0, s1;
	[sflag:s0] =	ssyncset.done @!p0 $0x0  }
0x1be: {  	[sflag:s0] =	ssyncadd.s32 @!p0 s1  }
0x1bf: {  	[bflag:$0x3] =	sbarrier.arrive $0xFFFF  }
0x1c0: {  	_ =	shalt  }

// kernel: kernel.19.cloned.1.call-start
scs
__scs_entry_jumppad:
0x0: {  	(pc) =	sbr.rel $0x88, $3  }
0x1: {  	(tag) =	ssettag $0x0;
	lr =	simm.s32 $0x1  }
0x2: {  	[smem:$0x3F9E] =	sst lr;
	_ =	strace $0xD0000000  }
0x3: {  	_ = 	snop  }
0x4: {  	_ = 	snop  }
0x5: {  	_ = 	snop  }
0x6: {  	_ = 	snop  }
0x7: {  	_ = 	snop  }
__scs_overlays_trampoline_lowered:
0x8: {  	[smem:$0x3FAD] =	sst s0  }
0x9: {  	[smem:$0x3FAE] =	sst s1  }
0xa: {  	[smem:$0x3FAF] =	sst s2  }
0xb: {  	[smem:$0x3FB0] =	sst s3  }
0xc: {  	[smem:$0x3FB1] =	sst s4  }
0xd: {  	[smem:$0x3FB2] =	sst s5  }
0xe: {  	[smem:$0x3FB3] =	sst s6  }
0xf: {  	[smem:$0x3FB4] =	sst s7  }
0x10: {  	[smem:$0x3FB5] =	sst s8  }
0x11: {  	[smem:$0x3FB6] =	sst s9;
	s0 =	simm.s32 @!p0 $0x0  }
0x12: {  	s1 =	sld [smem:$0x3F9C];
	s0 =	simm.s32 @p0 $0x1  }
0x13: {  	[smem:$0x3FB7] =	sst s0;
	s0 =	simm.s32 @!p1 $0x0  }
0x14: {  	s2 =	sld [smem:$0x3F9B];
	s0 =	simm.s32 @p1 $0x1  }
0x15: {  	[smem:$0x3FB8] =	sst s0;
	s0 =	simm.s32 @!p2 $0x0  }
0x16: {  	s3 =	sld [smem:$0x3FDB];
	s0 =	simm.s32 @p2 $0x1  }
0x17: {  	s4 =	simm.s32 $0x1BF5;
	[smem:$0x3FBA] =	sst s0  }
0x18: {  	s0 =	sld [smem:$0x3F9D];
	_ =	swait.ge [sflag:s4], $0x0  }
0x19: {  	s7 =	sld [smem:$0x3F9E]  }
0x1a: {  	s8 =	sadd.s32 $0xFFFFE003, lr  }
0x1b: {  	s9 =	sadd.s32 $0xFFFFFEF7, lr;
	s5 =	simm.s32 $0xFFFFFFFF;
	p2 =	slt.u32 s8, $0xFFFFF086  }
0x1c: {  	p1 =	slt.u32 s9, $0xF7A;
	s5 =	simm.s32 @!p2 $0x0  }
0x1d: {  	s5 =	simm.s32 @p1 $0x1;
	p0 =	seq.s32 s7, s2  }
0x1e: {  	s7 =	smul.u32 @!p0 $0xF7A, s2;
	p2 =	seq.s32 @!p0 s5, $0x0  }
0x1f: {  	s9 =	smul.u32 $0xF7A, s1;
	s8 =	simm.s32 @!p0 $0x1BF5;
	p2 =	por !p2, p0  }
0x20: {  	[sflag:s8] =	ssyncset.s32 @!p0 $0xFFFFF086;
	s6 =	sadd.s32 @!p0 s3, s7;
	s7 =	simm.s32 @!p0 $0x108  }
0x21: {  	s3 =	sadd.s32 s3, s9;
	s6 =	sadd.s32 @!p0 $0x88, s6;
	s7 =	simm.s32 @p2 $0x1082  }
0x22: {  	[simem:s7], [sflag:s8] =	dma.local @!p0 [hbm:s6], $0xF7A  }
0x23: {  	s9 =	sor.u32 $0xD0000000, s2;
	s6 =	simm.s32 $0x108;
	_ =	swait.ge @!p0 [sflag:s8], $0x0  }
0x24: {  	s3 =	sadd.s32 $0x88, s3;
	s6 =	simm.s32 @!p1 $0x1082;
	[sflag:s4] =	ssyncset.s32 $0xFFFFF086  }
0x25: {  	[simem:s6], [sflag:s4] =	dma.local [hbm:s3], $0xF7A  }
0x26: {  	[smem:$0x3F9E] =	sst s1;
	(tag) =	ssettag s2;
	_ =	strace s9  }
0x27: {  	s1 =	sld [smem:$0x3FAE]  }
0x28: {  	s2 =	sld [smem:$0x3FAF]  }
0x29: {  	s4 =	sld [smem:$0x3FB1]  }
0x2a: {  	p0 =	seq.s32 s5, $0x0;
	s5 =	sld [smem:$0x3FB2]  }
0x2b: {  	s6 =	sld [smem:$0x3FB3]  }
0x2c: {  	s7 =	sld [smem:$0x3FB4]  }
0x2d: {  	s3 =	simm.s32 $0x108;
	s8 =	sld [smem:$0x3FB5]  }
0x2e: {  	s3 =	simm.s32 @!p0 $0x1082;
	s9 =	sld [smem:$0x3FB6]  }
0x2f: {  	lr =	sadd.s32 s0, s3;
	s0 =	sld [smem:$0x3FAD]  }
0x30: {  	s3 =	sld [smem:$0x3FB0]  }
0x31: {  	[smem:$0x3FB9] =	sst s10  }
0x32: {  	s10 =	sld [smem:$0x3FB7];
	_ =	sdelay $0x3  }
0x33: {  	p0 =	seq.s32 s10, $0x1;
	s10 =	sld [smem:$0x3FB9];
	_ =	sdelay $0x3  }
0x34: {  	[smem:$0x3FB9] =	sst s10  }
0x35: {  	s10 =	sld [smem:$0x3FB8];
	_ =	sdelay $0x3  }
0x36: {  	p1 =	seq.s32 s10, $0x1;
	s10 =	sld [smem:$0x3FB9];
	_ =	sdelay $0x3  }
0x37: {  	[smem:$0x3FB9] =	sst s10  }
0x38: {  	s10 =	sld [smem:$0x3FBA]  }
0x39: {  	_ = 	snop;
	(pc) =	sbr.ind lr, $3  }
0x3a: {  	_ = 	snop  }
0x3b: {  	_ = 	snop  }
0x3c: {  	p2 =	seq.s32 s10, $0x1;
	s10 =	sld [smem:$0x3FB9]  }
0x3d: {  	_ =	shalt  }
0x3e: {  	_ =	shalt  }
0x3f: {  	_ =	shalt  }
0x40: {  	_ =	shalt  }
0x41: {  	_ =	shalt  }
0x42: {  	_ =	shalt  }
0x43: {  	_ =	shalt  }
0x44: {  	_ =	shalt  }
0x45: {  	_ =	shalt  }
0x46: {  	_ =	shalt  }
0x47: {  	_ =	shalt  }
0x48: {  	_ =	shalt  }
0x49: {  	_ =	shalt  }
0x4a: {  	_ =	shalt  }
0x4b: {  	_ =	shalt  }
0x4c: {  	_ =	shalt  }
0x4d: {  	_ =	shalt  }
0x4e: {  	_ =	shalt  }
0x4f: {  	_ =	shalt  }
0x50: {  	_ =	shalt  }
0x51: {  	_ =	shalt  }
0x52: {  	_ =	shalt  }
0x53: {  	_ =	shalt  }
0x54: {  	_ =	shalt  }
0x55: {  	_ =	shalt  }
0x56: {  	_ =	shalt  }
0x57: {  	_ =	shalt  }
0x58: {  	_ =	shalt  }
0x59: {  	_ =	shalt  }
0x5a: {  	_ =	shalt  }
0x5b: {  	_ =	shalt  }
0x5c: {  	_ =	shalt  }
0x5d: {  	_ =	shalt  }
0x5e: {  	_ =	shalt  }
0x5f: {  	_ =	shalt  }
0x60: {  	_ =	shalt  }
0x61: {  	_ =	shalt  }
0x62: {  	_ =	shalt  }
0x63: {  	_ =	shalt  }
0x64: {  	_ =	shalt  }
0x65: {  	_ =	shalt  }
0x66: {  	_ =	shalt  }
0x67: {  	_ =	shalt  }
0x68: {  	_ =	shalt  }
0x69: {  	_ =	shalt  }
0x6a: {  	_ =	shalt  }
0x6b: {  	_ =	shalt  }
0x6c: {  	_ =	shalt  }
0x6d: {  	_ =	shalt  }
0x6e: {  	_ =	shalt  }
0x6f: {  	_ =	shalt  }
0x70: {  	_ =	shalt  }
0x71: {  	_ =	shalt  }
0x72: {  	_ =	shalt  }
0x73: {  	_ =	shalt  }
0x74: {  	_ =	shalt  }
0x75: {  	_ =	shalt  }
0x76: {  	_ =	shalt  }
0x77: {  	_ =	shalt  }
0x78: {  	_ =	shalt  }
0x79: {  	_ =	shalt  }
0x7a: {  	_ =	shalt  }
0x7b: {  	_ =	shalt  }
0x7c: {  	_ =	shalt  }
0x7d: {  	_ =	shalt  }
0x7e: {  	_ =	shalt  }
0x7f: {  	_ =	shalt  }
0x80: {  	_ =	shalt  }
0x81: {  	_ =	shalt  }
0x82: {  	_ =	shalt  }
0x83: {  	_ =	shalt  }
0x84: {  	_ =	shalt  }
0x85: {  	_ =	shalt  }
0x86: {  	_ =	shalt  }
0x87: {  	_ =	shalt  }
.Lfunc_end0:
.L_simem_size_0:
called_computation.3_lowered:
.L_overlay_start_0:
0x88: {  	s2 =	sld [smem:$0x3FD9]  }
0x89: {  	s3 =	sld [smem:$0x3FFE];
	_ =	sdelay $0x1  }
0x8a: {  	s1 =	srdreg.scid  }
0x8b: {  	s0 =	sand.u32 $0x1, s1  }
0x8c: {  	s17 =	sshll.u32 s0, $0xA;
	s2 =	sadd.s32 s3, s2  }
0x8d: {  	s2 =	sadd.s32 s2, s17  }
0x8e: {  	[smem:$0x3FC5] =	sst s2  }
0x8f: {  	_ = 	snop  }
0x90: {  	s2 =	sld [smem:$0x3FC9]  }
0x91: {  	s18 =	sld [smem:$0x3FC7]  }
0x92: {  	s4 =	sld [smem:$0x3FD0];
	(tm) =	ssettm $0x1  }
0x93: {  	s5 =	sld [smem:$0x3FFB];
	_ =	sdelay $0x3  }
0x94: {  	_ =	strace s5  }
0x95: {  	s5 =	sld [smem:$0x3FFC];
	_ =	sdelay $0x3  }
0x96: {  	_ =	strace s5  }
0x97: {  	s5 =	sld [smem:$0x3FFD];
	_ =	sdelay $0x3  }
0x98: {  	_ =	strace s5  }
0x99: {  	_ =	strace $0x8FFFFFFF  }
0x9a: {  	s19 =	sld [smem:$0x3FDB];
	_ =	sdelay $0x1  }
0x9b: {  	s6 =	simm.s32 $_scs_section_size  }
0x9c: {  	s7 =	simm.s32 $_size__tile_overlayer_lowered;
	s8 =	simm.s32 $_tile_overlayer_lowered  }
0x9d: {  	s22 =	simm.s32 $0x1BFF;
	s21 =	sshll.u32 s8, $0x1;
	s5 =	sadd.s32 s6, s19  }
0x9e: {  	s9 =	simm.s32 $0x0;
	s20 =	sshll.u32 s7, $0x1;
	s7 =	sadd.s32 s21, s5  }
0x9f: {  	[timem:s9], [sflag:s22] =	dma.local [hbm:s7], s20  }
0xa0: {  	_ =	swait.ge [sflag:s22], s20  }
0xa1: {  	s6 =	ssub.s32 $0x0, s20;
	[sflag:s22] =	ssyncset.done $0x0  }
0xa2: {  	[sflag:s22] =	ssyncadd.s32 s6;
	_ =	sdelay $0x1  }
0xa3: {  	s23 =	simm.s32 $0x1B8B  }
0xa4: {  	_ =	swait.ge [sflag:s23], $0x1  }
0xa5: {  	[sflag:s23] =	ssyncset.done $0x0  }
0xa6: {  	s25 =	simm.s32 $0x1B8E;
	s24 =	sld [smem:$0x3FFE];
	[sflag:s23] =	ssyncadd.s32 $0xFFFFFFFF  }
0xa7: {  	s26 =	simm.s32 $execute0_lowered;
	[smem:$0x3FD2] =	sst s25  }
0xa8: {  	s7 =	sshll.u32 s26, $0x1;
	_ =	strace $0x80000046;
	[dreg:$0x1] =	wrdreg $0xFFFFFFFF  }
0xa9: {  	s28 =	simm.s32 $_size_execute0_lowered;
	s5 =	sadd.s32 s5, s7;
	[dreg:$0x0] =	wrdreg $0x0  }
0xaa: {  	s7 =	sshll.u32 s28, $0x1;
	[dreg:$0x2] =	wrdreg s5  }
0xab: {  	[dreg:$0x3] =	wrdreg s7  }
0xac: {  	[dreg:$0x4] =	wrdreg $0xC0  }
0xad: {  	_ =	task [dreg:s9], $0x5FFFF  }
0xae: {  	[dreg:$0x1] =	wrdreg $0xFFFFFFFF  }
0xaf: {  	[dreg:$0x0] =	wrdreg $0x60  }
0xb0: {  	[dreg:$0x2] =	wrdreg s2  }
0xb1: {  	[dreg:$0x3] =	wrdreg s18  }
0xb2: {  	[dreg:$0x4] =	wrdreg s24  }
0xb3: {  	[dreg:$0x5] =	wrdreg s4  }
0xb4: {  	[dreg:$0x6] =	wrdreg $0xC  }
0xb5: {  	_ =	task.clear_ibuf [dreg:s9], $0x7FFFF;
	_ =	strace $0x90000046  }
0xb6: {  	s29 =	simm.s32 $0xC;
	_ =	strace $0x80000048  }
0xb7: {  	_ =	swait.ge [sflag:s29], $0x1  }
0xb8: {  	[sflag:s29] =	ssyncadd.s32 $0xFFFFFFFF  }
0xb9: {  	_ =	strace $0x90000048  }
0xba: {  	_ =	sfence  }
0xbb: {  	s30 =	sld [smem:$0x0];
	_ =	sdelay $0x2  }
0xbc: {  	s31 =	sshll.u32 s1, $0xD;
	s1 =	sshrl.u32 s1, $0x2  }
0xbd: {  	s3 =	sand.u32 $0x4000, s31;
	s1 =	sadd.s32 s1, s30  }
0xbe: {  	s0 =	sor.u32 s3, s0;
	s1 =	sshll.u32 s1, $0x11  }
0xbf: {  	s0 =	sor.u32 s1, s0  }
0xc0: {  	s0 =	sadd.s32 $0x8F2B, s0  }
0xc1: {  	[sflag:s0] =	ssyncadd.remote.s32 $0x1  }
0xc2: {  	_ =	sfence.sel $0xFFFF  }
0xc3: {  	[dreg:$0x0] =	wrdreg $0xFFFFFFFF;
	(pc) =	sbr.abs _section_cstart, $3  }
0xc4: {  	[dreg:$0x1] =	wrdreg $0xFFFFFFFF  }
0xc5: {  	_ =	task.clear_ibuf [dreg:s9], $0x2FFFF;
	_ =	strace $0x9FFFFFFF  }
0xc6: {  	(tm) =	ssettm $0x7FFFFFFF  }
0xc7: {  	_ =	shalt  }
tec
execute0_lowered:
.L_overlay_start_1:
0x0: {  	(tag) =	ssettag $0x1  }
0x1: {  	s0 =	srdreg.scid;
	s1 =	rddreg [dreg:$0x0]  }
0x2: {  	s3 =	stileid.u32;
	s2 =	rddreg [dreg:$0x1];
	s0 =	sand.u32 $0x1, s0  }
0x3: {  	s5 =	rddreg [dreg:$0x2];
	s3 =	sshll.u32 s3, $0x8;
	s4 =	sshll.u32 s0, $0x7  }
0x4: {  	s6 =	rddreg [dreg:$0x3];
	s3 =	sor.u32 s4, s3;
	s4 =	simm.s32 $0x0  }
0x5: {  	s15 =	simm.s32 $0x8980;
	[smem:$0x7FF] =	sst s4  }
0x6: {  	s16 =	simm.s32 $0x9180;
	_ =	strace $0x80000047;
	[dreg:$0xe] =	wrdreg s15  }
0x7: {  	s17 =	simm.s32 $0x9980;
	[dreg:$0xf] =	wrdreg s16  }
0x8: {  	s18 =	simm.s32 $0xA180;
	s19 =	simm.s32 $0xA980;
	[dreg:$0x10] =	wrdreg s17  }
0x9: {  	s20 =	simm.s32 $0xB180;
	s21 =	simm.s32 $0xB980;
	[dreg:$0x11] =	wrdreg s18  }
0xa: {  	s22 =	sadd.s32 $0x4200, s5;
	s23 =	sadd.s32 $0x44200, s5;
	[dreg:$0x12] =	wrdreg s19  }
0xb: {  	s7 =	sshrl.u32 s3, $0x3;
	s25 =	sshll.u32 s3, $0x6;
	[dreg:$0x13] =	wrdreg s20  }
0xc: {  	s3 =	sshll.u32 s3, $0x5;
	s26 =	sadd.s32 s22, s25;
	[dreg:$0x14] =	wrdreg s21  }
0xd: {  	s3 =	sadd.s32 s23, s3;
	[dreg:$0x8] =	wrdreg s26  }
0xe: {  	s15 =	simm.s32 $0x12980;
	[dreg:$0xa] =	wrdreg s3  }
0xf: {  	s16 =	simm.s32 $0x13180;
	[smem:$0x7F2] =	sst s15  }
0x10: {  	s17 =	simm.s32 $0x13980;
	[smem:$0x7F3] =	sst s16  }
0x11: {  	s18 =	simm.s32 $0x14180;
	[smem:$0x7F4] =	sst s17  }
0x12: {  	s19 =	simm.s32 $0x14980;
	[smem:$0x7F5] =	sst s18  }
0x13: {  	s8 =	sor.u32 $0x600, s7;
	s20 =	simm.s32 $0x15180;
	[smem:$0x7F6] =	sst s19  }
0x14: {  	s7 =	sor.u32 $0x8, s7;
	s21 =	simm.s32 $0x15980;
	[smem:$0x7F7] =	sst s20  }
0x15: {  	s9 =	sadd.s32 s8, s5;
	s6 =	sadd.s32 s6, s8;
	[smem:$0x7F8] =	sst s21  }
0x16: {  	s11 =	sshll.u32 s7, $0x9;
	s26 =	simm.s32 $0xD980;
	[dreg:$0x6] =	wrdreg s6  }
0x17: {  	s13 =	sshll.u32 s7, $0x8;
	s7 =	simm.s32 $0xE980;
	[dreg:$0x18] =	wrdreg s26  }
0x18: {  	s10 =	sadd.s32 $0x3A00, s9;
	[dreg:$0x1a] =	wrdreg s7  }
0x19: {  	s24 =	sadd.s32 $0x3200, s9;
	[dreg:$0x5] =	wrdreg s10  }
0x1a: {  	s5 =	sadd.s32 $0x64200, s5;
	s8 =	sadd.s32 s22, s11;
	[dreg:$0x7] =	wrdreg s24  }
0x1b: {  	s9 =	sadd.s32 s5, s25;
	[dreg:$0x9] =	wrdreg s8  }
0x1c: {  	s28 =	simm.s32 $0x3180;
	s12 =	sadd.s32 s5, s11;
	[dreg:$0xb] =	wrdreg s9  }
0x1d: {  	s29 =	simm.s32 $0x3980;
	s14 =	sadd.s32 s23, s13;
	[dreg:$0xc] =	wrdreg s12  }
0x1e: {  	s30 =	simm.s32 $0x4180;
	s22 =	simm.s32 $0xC180;
	[dreg:$0xd] =	wrdreg s14  }
0x1f: {  	s31 =	simm.s32 $0x4980;
	s23 =	simm.s32 $0xC980;
	[dreg:$0x15] =	wrdreg s22  }
0x20: {  	s0 =	ssub.s32 $0x2, s0;
	s6 =	simm.s32 $0xE180;
	[dreg:$0x16] =	wrdreg s23  }
0x21: {  	s21 =	simm.s32 $0x1;
	s11 =	simm.s32 $0x10980;
	[dreg:$0x19] =	wrdreg s6  }
0x22: {  	s17 =	simm.s32 $0x8180;
	s13 =	simm.s32 $0x11980;
	[dreg:$0x1e] =	wrdreg s11  }
0x23: {  	s3 =	simm.s32 $0x19980;
	s26 =	simm.s32 $0x80;
	[smem:$0x7F0] =	sst s13  }
0x24: {  	s15 =	simm.s32 $0x1B980;
	s24 =	simm.s32 $0xD180;
	[smem:$0x7FD] =	sst s26  }
0x25: {  	s25 =	sshrl.u32 s0, $0x1;
	s8 =	simm.s32 $0xF180;
	[dreg:$0x17] =	wrdreg s24  }
0x26: {  	s5 =	sadd.s32 $0x100, s1;
	s9 =	simm.s32 $0xF980;
	[dreg:$0x1b] =	wrdreg s8  }
0x27: {  	s7 =	simm.s32 $0x9;
	s10 =	simm.s32 $0x100;
	[dreg:$0x1c] =	wrdreg s9  }
0x28: {  	s0 =	ssub.s32 s0, s25;
	s12 =	simm.s32 $0x11180;
	[dreg:$0x1d] =	wrdreg s10  }
0x29: {  	s14 =	simm.s32 $0x12180;
	s22 =	simm.s32 $0x16180;
	[dreg:$0x1f] =	wrdreg s12  }
0x2a: {  	s23 =	simm.s32 $0x16980;
	s25 =	simm.s32 $0x17980;
	[smem:$0x7F1] =	sst s14  }
0x2b: {  	s13 =	simm.s32 $0x4;
	s26 =	simm.s32 $0x180;
	[smem:$0x7F9] =	sst s22  }
0x2c: {  	s11 =	simm.s32 $0x1B180;
	s6 =	smax.u32 s0, $0x1;
	[smem:$0x7FA] =	sst s23  }
0x2d: {  	s24 =	simm.s32 $0x17180;
	[smem:$0x7FC] =	sst s25;
	s12 =	simm.s32 $0x5  }
0x2e: {  	v2 =	vlaneseq.u32;
	s14 =	simm.s32 $0x8;
	s22 =	simm.s32 $0x1180;
	s23 =	simm.s32 $0x1980  }
0x2f: {  	vm0 =	vmmov $0xffff;
	v1 =	vshrl.u32 v2, $0x3;
	s25 =	simm.s32 $0x2980;
	s8 =	simm.s32 $0x10180;
	s10 =	simm.s32 $0x1A180  }
0x30: {  	v0 =	vand.u32 $0x7, v2;
	v2 =	vor.u32 $0x8, v2;
	v1 =	vmul.u32 $0x8, v1;
	s9 =	simm.s32 $0x1A980;
	[smem:$0x7FB] =	sst s24;
	s24 =	simm.s32 $0x2180  }
.LBB2_1:
0x31: {  	s18 =	rddreg [dreg:$0x5]  }
0x32: {  	[tilespmem:s4], [sflag:$0x9] =	stream.linear.gather [hbm4b:s18+s4], $0x80, $0x38;
	[tilespmem:$0x1C180] =	vst v63  }
0x33: {  	_ =	swait.ge [sflag:s7], $0x80  }
0x34: {  	[sflag:s7] =	ssyncset.done $0x0  }
0x35: {  	[sflag:s7] =	ssyncadd.s32 $0xFFFFFF80  }
0x36: {  	v3 =	vld [tilespmem:$0x0];
	_ =	sdelay $0x4  }
0x37: {  	v4 =	vshll.u32 v3, $0x2  }
0x38: {  	v3 =	vand.u32 $0x7, v3;
	v4 =	vand.u32 $0xFFFFFFE0, v4  }
0x39: {  	v3 =	vor.u32 v3, v4  }
0x3a: {  	v4 =	vperm.xlane v3, v0;
	_ =	sdelay $0x1  }
0x3b: {  	v4 =	vadd.s32 v1, v4;
	_ =	sdelay $0x1  }
0x3c: {  	v3 =	vperm.xlane v3, v2;
	_ =	sdelay $0x1  }
0x3d: {  	v3 =	vadd.s32 v1, v3  }
0x3e: {  	[tilespmem:s26], [sflag:$0x1] =	stream.indirect_vreg.gather [hbm4b:s1+s4], $0x80, v4, vm0, $0xb8;
	[tilespmem:$0x1C180] =	vst v63  }
0x3f: {  	s0 =	simm.s32 $0x980  }
0x40: {  	[tilespmem:s0], [sflag:$0x1] =	stream.indirect_vreg.gather [hbm4b:s5+s4], $0x80, v4, vm0, $0xb8;
	[tilespmem:$0x1C180] =	vst v63  }
0x41: {  	_ = 	snop  }
0x42: {  	[tilespmem:s22], [sflag:$0x1] =	stream.indirect_vreg.gather [hbm4b:s1+s4], $0x80, v3, vm0, $0xb8;
	[tilespmem:$0x1C180] =	vst v63  }
0x43: {  	_ = 	snop  }
0x44: {  	[tilespmem:s23], [sflag:$0x1] =	stream.indirect_vreg.gather [hbm4b:s5+s4], $0x80, v3, vm0, $0xb8;
	[tilespmem:$0x1C180] =	vst v63  }
0x45: {  	v3 =	vld [tilespmem:$0x10];
	_ =	sdelay $0x4  }
0x46: {  	v41 =	vshll.u32 v3, $0x2  }
0x47: {  	v3 =	vand.u32 $0x7, v3;
	v4 =	vand.u32 $0xFFFFFFE0, v41  }
0x48: {  	v3 =	vor.u32 v3, v4  }
0x49: {  	v4 =	vperm.xlane v3, v0;
	_ =	sdelay $0x1  }
0x4a: {  	v4 =	vadd.s32 v1, v4;
	_ =	sdelay $0x1  }
0x4b: {  	v3 =	vperm.xlane v3, v2;
	_ =	sdelay $0x1  }
0x4c: {  	v3 =	vadd.s32 v1, v3  }
0x4d: {  	[tilespmem:s24], [sflag:$0x1] =	stream.indirect_vreg.gather [hbm4b:s1+s4], $0x80, v4, vm0, $0xb8;
	[tilespmem:$0x1C180] =	vst v63  }
0x4e: {  	_ = 	snop  }
0x4f: {  	[tilespmem:s25], [sflag:$0x1] =	stream.indirect_vreg.gather [hbm4b:s5+s4], $0x80, v4, vm0, $0xb8;
	[tilespmem:$0x1C180] =	vst v63  }
0x50: {  	_ = 	snop  }
0x51: {  	[tilespmem:s28], [sflag:$0x1] =	stream.indirect_vreg.gather [hbm4b:s1+s4], $0x80, v3, vm0, $0xb8;
	[tilespmem:$0x1C180] =	vst v63  }
0x52: {  	_ = 	snop  }
0x53: {  	[tilespmem:s29], [sflag:$0x1] =	stream.indirect_vreg.gather [hbm4b:s5+s4], $0x80, v3, vm0, $0xb8;
	[tilespmem:$0x1C180] =	vst v63  }
0x54: {  	v3 =	vld [tilespmem:$0x20];
	_ =	sdelay $0x4  }
0x55: {  	v42 =	vshll.u32 v3, $0x2  }
0x56: {  	v3 =	vand.u32 $0x7, v3;
	v4 =	vand.u32 $0xFFFFFFE0, v42  }
0x57: {  	v3 =	vor.u32 v3, v4  }
0x58: {  	v4 =	vperm.xlane v3, v0;
	_ =	sdelay $0x1  }
0x59: {  	v4 =	vadd.s32 v1, v4;
	_ =	sdelay $0x1  }
0x5a: {  	v3 =	vperm.xlane v3, v2;
	_ =	sdelay $0x1  }
0x5b: {  	v3 =	vadd.s32 v1, v3  }
0x5c: {  	[tilespmem:s30], [sflag:$0x1] =	stream.indirect_vreg.gather [hbm4b:s1+s4], $0x80, v4, vm0, $0xb8;
	[tilespmem:$0x1C180] =	vst v63  }
0x5d: {  	_ = 	snop  }
0x5e: {  	[tilespmem:s31], [sflag:$0x1] =	stream.indirect_vreg.gather [hbm4b:s5+s4], $0x80, v4, vm0, $0xb8;
	[tilespmem:$0x1C180] =	vst v63  }
0x5f: {  	s19 =	simm.s32 $0x5180  }
0x60: {  	[tilespmem:s19], [sflag:$0x1] =	stream.indirect_vreg.gather [hbm4b:s1+s4], $0x80, v3, vm0, $0xb8;
	[tilespmem:$0x1C180] =	vst v63  }
0x61: {  	s20 =	simm.s32 $0x5980  }
0x62: {  	[tilespmem:s20], [sflag:$0x1] =	stream.indirect_vreg.gather [hbm4b:s5+s4], $0x80, v3, vm0, $0xb8;
	[tilespmem:$0x1C180] =	vst v63  }
0x63: {  	v3 =	vld [tilespmem:$0x30];
	_ =	sdelay $0x4  }
0x64: {  	v43 =	vshll.u32 v3, $0x2  }
0x65: {  	v3 =	vand.u32 $0x7, v3;
	v4 =	vand.u32 $0xFFFFFFE0, v43  }
0x66: {  	v3 =	vor.u32 v3, v4  }
0x67: {  	v4 =	vperm.xlane v3, v0;
	_ =	sdelay $0x1  }
0x68: {  	v4 =	vadd.s32 v1, v4;
	_ =	sdelay $0x1  }
0x69: {  	v3 =	vperm.xlane v3, v2;
	_ =	sdelay $0x1  }
0x6a: {  	s16 =	simm.s32 $0x6180;
	v3 =	vadd.s32 v1, v3  }
0x6b: {  	[tilespmem:s16], [sflag:$0x1] =	stream.indirect_vreg.gather [hbm4b:s1+s4], $0x80, v4, vm0, $0xb8;
	[tilespmem:$0x1C180] =	vst v63  }
0x6c: {  	s18 =	simm.s32 $0x6980  }
0x6d: {  	[tilespmem:s18], [sflag:$0x1] =	stream.indirect_vreg.gather [hbm4b:s5+s4], $0x80, v4, vm0, $0xb8;
	[tilespmem:$0x1C180] =	vst v63  }
0x6e: {  	s19 =	simm.s32 $0x7180  }
0x6f: {  	[tilespmem:s19], [sflag:$0x1] =	stream.indirect_vreg.gather [hbm4b:s1+s4], $0x80, v3, vm0, $0xb8;
	[tilespmem:$0x1C180] =	vst v63  }
0x70: {  	s20 =	simm.s32 $0x7980  }
0x71: {  	[tilespmem:s20], [sflag:$0x1] =	stream.indirect_vreg.gather [hbm4b:s5+s4], $0x80, v3, vm0, $0xb8;
	[tilespmem:$0x1C180] =	vst v63  }
0x72: {  	v3 =	vld [tilespmem:$0x40];
	_ =	sdelay $0x4  }
0x73: {  	v44 =	vshll.u32 v3, $0x2  }
0x74: {  	v3 =	vand.u32 $0x7, v3;
	v4 =	vand.u32 $0xFFFFFFE0, v44  }
0x75: {  	v3 =	vor.u32 v3, v4  }
0x76: {  	v4 =	vperm.xlane v3, v0;
	_ =	sdelay $0x1  }
0x77: {  	v4 =	vadd.s32 v1, v4;
	_ =	sdelay $0x1  }
0x78: {  	v3 =	vperm.xlane v3, v2;
	_ =	sdelay $0x1  }
0x79: {  	v3 =	vadd.s32 v1, v3  }
0x7a: {  	[tilespmem:s17], [sflag:$0x2] =	stream.indirect_vreg.gather [hbm4b:s1+s4], $0x80, v4, vm0, $0xb8;
	[tilespmem:$0x1C180] =	vst v63  }
0x7b: {  	s0 =	rddreg [dreg:$0xe]  }
0x7c: {  	[tilespmem:s0], [sflag:$0x2] =	stream.indirect_vreg.gather [hbm4b:s5+s4], $0x80, v4, vm0, $0xb8;
	[tilespmem:$0x1C180] =	vst v63  }
0x7d: {  	s19 =	rddreg [dreg:$0xf]  }
0x7e: {  	[tilespmem:s19], [sflag:$0x2] =	stream.indirect_vreg.gather [hbm4b:s1+s4], $0x80, v3, vm0, $0xb8;
	[tilespmem:$0x1C180] =	vst v63  }
0x7f: {  	s16 =	rddreg [dreg:$0x10]  }
0x80: {  	[tilespmem:s16], [sflag:$0x2] =	stream.indirect_vreg.gather [hbm4b:s5+s4], $0x80, v3, vm0, $0xb8;
	[tilespmem:$0x1C180] =	vst v63  }
0x81: {  	v3 =	vld [tilespmem:$0x50];
	_ =	sdelay $0x4  }
0x82: {  	v45 =	vshll.u32 v3, $0x2  }
0x83: {  	v3 =	vand.u32 $0x7, v3;
	v4 =	vand.u32 $0xFFFFFFE0, v45  }
0x84: {  	v3 =	vor.u32 v3, v4  }
0x85: {  	v4 =	vperm.xlane v3, v0;
	_ =	sdelay $0x1  }
0x86: {  	v4 =	vadd.s32 v1, v4;
	_ =	sdelay $0x1  }
0x87: {  	v3 =	vperm.xlane v3, v2;
	_ =	sdelay $0x1  }
0x88: {  	s19 =	rddreg [dreg:$0x11];
	v3 =	vadd.s32 v1, v3  }
0x89: {  	[tilespmem:s19], [sflag:$0x2] =	stream.indirect_vreg.gather [hbm4b:s1+s4], $0x80, v4, vm0, $0xb8;
	[tilespmem:$0x1C180] =	vst v63  }
0x8a: {  	s20 =	rddreg [dreg:$0x12]  }
0x8b: {  	[tilespmem:s20], [sflag:$0x2] =	stream.indirect_vreg.gather [hbm4b:s5+s4], $0x80, v4, vm0, $0xb8;
	[tilespmem:$0x1C180] =	vst v63  }
0x8c: {  	s0 =	rddreg [dreg:$0x13]  }
0x8d: {  	[tilespmem:s0], [sflag:$0x2] =	stream.indirect_vreg.gather [hbm4b:s1+s4], $0x80, v3, vm0, $0xb8;
	[tilespmem:$0x1C180] =	vst v63  }
0x8e: {  	s16 =	rddreg [dreg:$0x14]  }
0x8f: {  	[tilespmem:s16], [sflag:$0x2] =	stream.indirect_vreg.gather [hbm4b:s5+s4], $0x80, v3, vm0, $0xb8;
	[tilespmem:$0x1C180] =	vst v63  }
0x90: {  	v3 =	vld [tilespmem:$0x60];
	_ =	sdelay $0x4  }
0x91: {  	v46 =	vshll.u32 v3, $0x2  }
0x92: {  	v3 =	vand.u32 $0x7, v3;
	v4 =	vand.u32 $0xFFFFFFE0, v46  }
0x93: {  	v3 =	vor.u32 v3, v4  }
0x94: {  	v4 =	vperm.xlane v3, v0;
	_ =	sdelay $0x1  }
0x95: {  	v4 =	vadd.s32 v1, v4;
	_ =	sdelay $0x1  }
0x96: {  	v3 =	vperm.xlane v3, v2;
	_ =	sdelay $0x1  }
0x97: {  	s20 =	rddreg [dreg:$0x15];
	v3 =	vadd.s32 v1, v3  }
0x98: {  	[tilespmem:s20], [sflag:$0x2] =	stream.indirect_vreg.gather [hbm4b:s1+s4], $0x80, v4, vm0, $0xb8;
	[tilespmem:$0x1C180] =	vst v63  }
0x99: {  	s0 =	rddreg [dreg:$0x16]  }
0x9a: {  	[tilespmem:s0], [sflag:$0x2] =	stream.indirect_vreg.gather [hbm4b:s5+s4], $0x80, v4, vm0, $0xb8;
	[tilespmem:$0x1C180] =	vst v63  }
0x9b: {  	s16 =	rddreg [dreg:$0x17]  }
0x9c: {  	[tilespmem:s16], [sflag:$0x2] =	stream.indirect_vreg.gather [hbm4b:s1+s4], $0x80, v3, vm0, $0xb8;
	[tilespmem:$0x1C180] =	vst v63  }
0x9d: {  	s20 =	rddreg [dreg:$0x18]  }
0x9e: {  	[tilespmem:s20], [sflag:$0x2] =	stream.indirect_vreg.gather [hbm4b:s5+s4], $0x80, v3, vm0, $0xb8;
	[tilespmem:$0x1C180] =	vst v63  }
0x9f: {  	v3 =	vld [tilespmem:$0x70];
	_ =	sdelay $0x4  }
0xa0: {  	v47 =	vshll.u32 v3, $0x2  }
0xa1: {  	v3 =	vand.u32 $0x7, v3;
	v4 =	vand.u32 $0xFFFFFFE0, v47  }
0xa2: {  	v3 =	vor.u32 v3, v4  }
0xa3: {  	v4 =	vperm.xlane v3, v0;
	_ =	sdelay $0x1  }
0xa4: {  	v4 =	vadd.s32 v1, v4;
	_ =	sdelay $0x1  }
0xa5: {  	v3 =	vperm.xlane v3, v2  }
0xa6: {  	s0 =	rddreg [dreg:$0x19]  }
0xa7: {  	s16 =	rddreg [dreg:$0x1a];
	v3 =	vadd.s32 v1, v3  }
0xa8: {  	[tilespmem:s0], [sflag:$0x2] =	stream.indirect_vreg.gather [hbm4b:s1+s4], $0x80, v4, vm0, $0xb8;
	[tilespmem:$0x1C180] =	vst v63  }
0xa9: {  	s20 =	rddreg [dreg:$0x1b]  }
0xaa: {  	[tilespmem:s16], [sflag:$0x2] =	stream.indirect_vreg.gather [hbm4b:s5+s4], $0x80, v4, vm0, $0xb8;
	[tilespmem:$0x1C180] =	vst v63  }
0xab: {  	s0 =	rddreg [dreg:$0x1c]  }
0xac: {  	[tilespmem:s20], [sflag:$0x2] =	stream.indirect_vreg.gather [hbm4b:s1+s4], $0x80, v3, vm0, $0xb8;
	[tilespmem:$0x1C180] =	vst v63  }
0xad: {  	s16 =	rddreg [dreg:$0x6]  }
0xae: {  	[tilespmem:s0], [sflag:$0x2] =	stream.indirect_vreg.gather [hbm4b:s5+s4], $0x80, v3, vm0, $0xb8;
	[tilespmem:$0x1C180] =	vst v63  }
0xaf: {  	s20 =	rddreg [dreg:$0x1d]  }
0xb0: {  	[tilespmem:s20], [sflag:$0x9] =	stream.linear.gather [hbm4b:s16+s4], $0x80, $0x38;
	[tilespmem:$0x1C180] =	vst v63  }
0xb1: {  	_ =	swait.ge [sflag:s7], $0x80  }
0xb2: {  	[sflag:s7] =	ssyncset.done $0x0  }
0xb3: {  	[sflag:s7] =	ssyncadd.s32 $0xFFFFFF80  }
0xb4: {  	v3 =	vld [tilespmem:$0x100];
	_ =	sdelay $0x4  }
0xb5: {  	v48 =	vshll.u32 v3, $0x2  }
0xb6: {  	v3 =	vand.u32 $0x7, v3;
	v4 =	vand.u32 $0xFFFFFFE0, v48  }
0xb7: {  	v3 =	vor.u32 v3, v4  }
0xb8: {  	v4 =	vperm.xlane v3, v0;
	_ =	sdelay $0x1  }
0xb9: {  	v4 =	vadd.s32 v1, v4;
	_ =	sdelay $0x1  }
0xba: {  	v3 =	vperm.xlane v3, v2;
	_ =	sdelay $0x1  }
0xbb: {  	s20 =	rddreg [dreg:$0x1e];
	v3 =	vadd.s32 v1, v3  }
0xbc: {  	[tilespmem:s8], [sflag:$0x3] =	stream.indirect_vreg.gather [hbm4b:s1+s4], $0x80, v4, vm0, $0xb8;
	[tilespmem:$0x1C180] =	vst v63  }
0xbd: {  	s0 =	rddreg [dreg:$0x1f]  }
0xbe: {  	[tilespmem:s20], [sflag:$0x3] =	stream.indirect_vreg.gather [hbm4b:s5+s4], $0x80, v4, vm0, $0xb8;
	[tilespmem:$0x1C180] =	vst v63  }
0xbf: {  	s16 =	sld [smem:$0x7F0]  }
0xc0: {  	[tilespmem:s0], [sflag:$0x3] =	stream.indirect_vreg.gather [hbm4b:s1+s4], $0x80, v3, vm0, $0xb8;
	[tilespmem:$0x1C180] =	vst v63  }
0xc1: {  	_ = 	snop  }
0xc2: {  	[tilespmem:s16], [sflag:$0x3] =	stream.indirect_vreg.gather [hbm4b:s5+s4], $0x80, v3, vm0, $0xb8;
	[tilespmem:$0x1C180] =	vst v63  }
0xc3: {  	v3 =	vld [tilespmem:$0x110];
	_ =	sdelay $0x4  }
0xc4: {  	v49 =	vshll.u32 v3, $0x2  }
0xc5: {  	v3 =	vand.u32 $0x7, v3;
	v4 =	vand.u32 $0xFFFFFFE0, v49  }
0xc6: {  	v3 =	vor.u32 v3, v4  }
0xc7: {  	v4 =	vperm.xlane v3, v0;
	_ =	sdelay $0x1  }
0xc8: {  	v4 =	vadd.s32 v1, v4;
	_ =	sdelay $0x1  }
0xc9: {  	s19 =	sld [smem:$0x7F1];
	v3 =	vperm.xlane v3, v2;
	_ =	sdelay $0x1  }
0xca: {  	s20 =	sld [smem:$0x7F2];
	v3 =	vadd.s32 v1, v3  }
0xcb: {  	[tilespmem:s19], [sflag:$0x3] =	stream.indirect_vreg.gather [hbm4b:s1+s4], $0x80, v4, vm0, $0xb8;
	[tilespmem:$0x1C180] =	vst v63  }
0xcc: {  	s0 =	sld [smem:$0x7F3]  }
0xcd: {  	[tilespmem:s20], [sflag:$0x3] =	stream.indirect_vreg.gather [hbm4b:s5+s4], $0x80, v4, vm0, $0xb8;
	[tilespmem:$0x1C180] =	vst v63  }
0xce: {  	s16 =	sld [smem:$0x7F4]  }
0xcf: {  	[tilespmem:s0], [sflag:$0x3] =	stream.indirect_vreg.gather [hbm4b:s1+s4], $0x80, v3, vm0, $0xb8;
	[tilespmem:$0x1C180] =	vst v63  }
0xd0: {  	_ = 	snop  }
0xd1: {  	[tilespmem:s16], [sflag:$0x3] =	stream.indirect_vreg.gather [hbm4b:s5+s4], $0x80, v3, vm0, $0xb8;
	[tilespmem:$0x1C180] =	vst v63  }
0xd2: {  	v3 =	vld [tilespmem:$0x120];
	_ =	sdelay $0x4  }
0xd3: {  	v50 =	vshll.u32 v3, $0x2  }
0xd4: {  	v3 =	vand.u32 $0x7, v3;
	v4 =	vand.u32 $0xFFFFFFE0, v50  }
0xd5: {  	v3 =	vor.u32 v3, v4  }
0xd6: {  	v4 =	vperm.xlane v3, v0;
	_ =	sdelay $0x1  }
0xd7: {  	v4 =	vadd.s32 v1, v4;
	_ =	sdelay $0x1  }
0xd8: {  	s19 =	sld [smem:$0x7F5];
	v3 =	vperm.xlane v3, v2;
	_ =	sdelay $0x1  }
0xd9: {  	s20 =	sld [smem:$0x7F6];
	v3 =	vadd.s32 v1, v3  }
0xda: {  	[tilespmem:s19], [sflag:$0x3] =	stream.indirect_vreg.gather [hbm4b:s1+s4], $0x80, v4, vm0, $0xb8;
	[tilespmem:$0x1C180] =	vst v63  }
0xdb: {  	s0 =	sld [smem:$0x7F7]  }
0xdc: {  	[tilespmem:s20], [sflag:$0x3] =	stream.indirect_vreg.gather [hbm4b:s5+s4], $0x80, v4, vm0, $0xb8;
	[tilespmem:$0x1C180] =	vst v63  }
0xdd: {  	s16 =	sld [smem:$0x7F8]  }
0xde: {  	[tilespmem:s0], [sflag:$0x3] =	stream.indirect_vreg.gather [hbm4b:s1+s4], $0x80, v3, vm0, $0xb8;
	[tilespmem:$0x1C180] =	vst v63  }
0xdf: {  	_ = 	snop  }
0xe0: {  	[tilespmem:s16], [sflag:$0x3] =	stream.indirect_vreg.gather [hbm4b:s5+s4], $0x80, v3, vm0, $0xb8;
	[tilespmem:$0x1C180] =	vst v63  }
0xe1: {  	v3 =	vld [tilespmem:$0x130];
	_ =	sdelay $0x4  }
0xe2: {  	v51 =	vshll.u32 v3, $0x2  }
0xe3: {  	v3 =	vand.u32 $0x7, v3;
	v4 =	vand.u32 $0xFFFFFFE0, v51  }
0xe4: {  	v3 =	vor.u32 v3, v4  }
0xe5: {  	v4 =	vperm.xlane v3, v0;
	_ =	sdelay $0x1  }
0xe6: {  	v4 =	vadd.s32 v1, v4;
	_ =	sdelay $0x1  }
0xe7: {  	s20 =	sld [smem:$0x7F9];
	v3 =	vperm.xlane v3, v2;
	_ =	sdelay $0x1  }
0xe8: {  	s0 =	sld [smem:$0x7FA];
	v3 =	vadd.s32 v1, v3  }
0xe9: {  	[tilespmem:s20], [sflag:$0x3] =	stream.indirect_vreg.gather [hbm4b:s1+s4], $0x80, v4, vm0, $0xb8;
	[tilespmem:$0x1C180] =	vst v63  }
0xea: {  	s16 =	sld [smem:$0x7FB]  }
0xeb: {  	[tilespmem:s0], [sflag:$0x3] =	stream.indirect_vreg.gather [hbm4b:s5+s4], $0x80, v4, vm0, $0xb8;
	[tilespmem:$0x1C180] =	vst v63  }
0xec: {  	s19 =	sld [smem:$0x7FC]  }
0xed: {  	[tilespmem:s16], [sflag:$0x3] =	stream.indirect_vreg.gather [hbm4b:s1+s4], $0x80, v3, vm0, $0xb8;
	[tilespmem:$0x1C180] =	vst v63  }
0xee: {  	s0 =	sld [smem:$0x7FD]  }
0xef: {  	[tilespmem:s19], [sflag:$0x3] =	stream.indirect_vreg.gather [hbm4b:s5+s4], $0x80, v3, vm0, $0xb8;
	[tilespmem:$0x1C180] =	vst v63  }
0xf0: {  	s20 =	rddreg [dreg:$0x7]  }
0xf1: {  	[tilespmem:s0], [sflag:$0x9] =	stream.linear.gather [hbm4b:s20+s4], $0x80, $0x38;
	[tilespmem:$0x1C180] =	vst v63  }
0xf2: {  	_ =	swait.ge [sflag:s7], $0x80  }
0xf3: {  	[sflag:s7] =	ssyncset.done $0x0  }
0xf4: {  	[sflag:s7] =	ssyncadd.s32 $0xFFFFFF80  }
0xf5: {  	v3 =	vld [tilespmem:$0x80];
	_ =	sdelay $0x4  }
0xf6: {  	v52 =	vshll.u32 v3, $0x1  }
0xf7: {  	v3 =	vand.u32 $0x7, v3;
	v4 =	vand.u32 $0xFFFFFFF0, v52  }
0xf8: {  	v3 =	vor.u32 v3, v4  }
0xf9: {  	v4 =	vperm.xlane v3, v0;
	_ =	sdelay $0x1  }
0xfa: {  	v3 =	vperm.xlane v3, v2;
	v4 =	vadd.s32 v1, v4;
	_ =	sdelay $0x1  }
0xfb: {  	v3 =	vadd.s32 v1, v3;
	_ =	sdelay $0x1  }
0xfc: {  	s19 =	simm.s32 $0x18180  }
0xfd: {  	[tilespmem:s19], [sflag:$0x4] =	stream.indirect_vreg.gather [hbm4b:s2+s4], $0x80, v4, vm0, $0xb8;
	[tilespmem:$0x1C180] =	vst v63  }
0xfe: {  	s20 =	simm.s32 $0x18980  }
0xff: {  	[tilespmem:s20], [sflag:$0x4] =	stream.indirect_vreg.gather [hbm4b:s2+s4], $0x80, v3, vm0, $0xb8;
	[tilespmem:$0x1C180] =	vst v63  }
0x100: {  	v3 =	vld [tilespmem:$0x90];
	_ =	sdelay $0x4  }
0x101: {  	v53 =	vshll.u32 v3, $0x1  }
0x102: {  	v3 =	vand.u32 $0x7, v3;
	v4 =	vand.u32 $0xFFFFFFF0, v53  }
0x103: {  	v3 =	vor.u32 v3, v4  }
0x104: {  	v4 =	vperm.xlane v3, v0;
	_ =	sdelay $0x1  }
0x105: {  	v3 =	vperm.xlane v3, v2;
	v4 =	vadd.s32 v1, v4;
	_ =	sdelay $0x1  }
0x106: {  	v3 =	vadd.s32 v1, v3;
	_ =	sdelay $0x1  }
0x107: {  	s0 =	simm.s32 $0x19180  }
0x108: {  	[tilespmem:s0], [sflag:$0x4] =	stream.indirect_vreg.gather [hbm4b:s2+s4], $0x80, v4, vm0, $0xb8;
	[tilespmem:$0x1C180] =	vst v63  }
0x109: {  	_ = 	snop  }
0x10a: {  	[tilespmem:s3], [sflag:$0x4] =	stream.indirect_vreg.gather [hbm4b:s2+s4], $0x80, v3, vm0, $0xb8;
	[tilespmem:$0x1C180] =	vst v63  }
0x10b: {  	v3 =	vld [tilespmem:$0xA0];
	_ =	sdelay $0x4  }
0x10c: {  	v54 =	vshll.u32 v3, $0x1  }
0x10d: {  	v3 =	vand.u32 $0x7, v3;
	v4 =	vand.u32 $0xFFFFFFF0, v54  }
0x10e: {  	v3 =	vor.u32 v3, v4  }
0x10f: {  	v4 =	vperm.xlane v3, v0;
	_ =	sdelay $0x1  }
0x110: {  	v3 =	vperm.xlane v3, v2;
	v4 =	vadd.s32 v1, v4;
	_ =	sdelay $0x1  }
0x111: {  	v3 =	vadd.s32 v1, v3;
	_ =	sdelay $0x2  }
0x112: {  	[tilespmem:s10], [sflag:$0x4] =	stream.indirect_vreg.gather [hbm4b:s2+s4], $0x80, v4, vm0, $0xb8;
	[tilespmem:$0x1C180] =	vst v63  }
0x113: {  	_ = 	snop  }
0x114: {  	[tilespmem:s9], [sflag:$0x4] =	stream.indirect_vreg.gather [hbm4b:s2+s4], $0x80, v3, vm0, $0xb8;
	[tilespmem:$0x1C180] =	vst v63  }
0x115: {  	v3 =	vld [tilespmem:$0xB0];
	_ =	sdelay $0x4  }
0x116: {  	v55 =	vshll.u32 v3, $0x1  }
0x117: {  	v3 =	vand.u32 $0x7, v3;
	v4 =	vand.u32 $0xFFFFFFF0, v55  }
0x118: {  	v3 =	vor.u32 v3, v4  }
0x119: {  	v4 =	vperm.xlane v3, v0;
	_ =	sdelay $0x1  }
0x11a: {  	v3 =	vperm.xlane v3, v2;
	v4 =	vadd.s32 v1, v4;
	_ =	sdelay $0x1  }
0x11b: {  	v3 =	vadd.s32 v1, v3;
	_ =	sdelay $0x2  }
0x11c: {  	[tilespmem:s11], [sflag:$0x4] =	stream.indirect_vreg.gather [hbm4b:s2+s4], $0x80, v4, vm0, $0xb8;
	[tilespmem:$0x1C180] =	vst v63  }
0x11d: {  	_ = 	snop  }
0x11e: {  	[tilespmem:s15], [sflag:$0x4] =	stream.indirect_vreg.gather [hbm4b:s2+s4], $0x80, v3, vm0, $0xb8;
	[tilespmem:$0x1C180] =	vst v63  }
0x11f: {  	_ =	swait.ge [sflag:s21], $0x8000  }
0x120: {  	[sflag:s21] =	ssyncset.done $0x0  }
0x121: {  	s16 =	rddreg [dreg:$0x8];
	[sflag:s21] =	ssyncadd.s32 $0xFFFF8000  }
0x122: {  	[hbm4b:s16+s4] =	stream.linear.scatter [tilespmem:s26], [sflag:$0x5], $0x8000, $0x38;
	[tilespmem:$0x1C180] =	vst v63  }
0x123: {  	s16 =	simm.s32 $0x2  }
0x124: {  	_ =	swait.ge [sflag:s16], $0x8000  }
0x125: {  	[sflag:s16] =	ssyncset.done $0x0  }
0x126: {  	s18 =	rddreg [dreg:$0x9];
	[sflag:s16] =	ssyncadd.s32 $0xFFFF8000  }
0x127: {  	[hbm4b:s18+s4] =	stream.linear.scatter [tilespmem:s17], [sflag:$0x6], $0x8000, $0x38;
	[tilespmem:$0x1C180] =	vst v63  }
0x128: {  	_ =	swait.ge [sflag:s12], $0x8000  }
0x129: {  	[sflag:s12] =	ssyncset.done $0x0  }
0x12a: {  	[sflag:s12] =	ssyncadd.s32 $0xFFFF8000  }
0x12b: {  	v3 =	vld [tilespmem:$0x140];
	_ =	sdelay $0x4  }
0x12c: {  	v56 =	vshll.u32 v3, $0x2  }
0x12d: {  	v3 =	vand.u32 $0x7, v3;
	v4 =	vand.u32 $0xFFFFFFE0, v56  }
0x12e: {  	v3 =	vor.u32 v3, v4  }
0x12f: {  	v4 =	vperm.xlane v3, v0;
	_ =	sdelay $0x1  }
0x130: {  	v4 =	vadd.s32 v1, v4;
	_ =	sdelay $0x1  }
0x131: {  	v3 =	vperm.xlane v3, v2;
	_ =	sdelay $0x1  }
0x132: {  	v3 =	vadd.s32 v1, v3  }
0x133: {  	[tilespmem:s26], [sflag:$0x1] =	stream.indirect_vreg.gather [hbm4b:s1+s4], $0x80, v4, vm0, $0xb8;
	[tilespmem:$0x1C180] =	vst v63  }
0x134: {  	s18 =	simm.s32 $0x980  }
0x135: {  	[tilespmem:s18], [sflag:$0x1] =	stream.indirect_vreg.gather [hbm4b:s5+s4], $0x80, v4, vm0, $0xb8;
	[tilespmem:$0x1C180] =	vst v63  }
0x136: {  	_ = 	snop  }
0x137: {  	[tilespmem:s22], [sflag:$0x1] =	stream.indirect_vreg.gather [hbm4b:s1+s4], $0x80, v3, vm0, $0xb8;
	[tilespmem:$0x1C180] =	vst v63  }
0x138: {  	_ = 	snop  }
0x139: {  	[tilespmem:s23], [sflag:$0x1] =	stream.indirect_vreg.gather [hbm4b:s5+s4], $0x80, v3, vm0, $0xb8;
	[tilespmem:$0x1C180] =	vst v63  }
0x13a: {  	v3 =	vld [tilespmem:$0x150];
	_ =	sdelay $0x4  }
0x13b: {  	v57 =	vshll.u32 v3, $0x2  }
0x13c: {  	v3 =	vand.u32 $0x7, v3;
	v4 =	vand.u32 $0xFFFFFFE0, v57  }
0x13d: {  	v3 =	vor.u32 v3, v4  }
0x13e: {  	v4 =	vperm.xlane v3, v0;
	_ =	sdelay $0x1  }
0x13f: {  	v4 =	vadd.s32 v1, v4;
	_ =	sdelay $0x1  }
0x140: {  	v3 =	vperm.xlane v3, v2;
	_ =	sdelay $0x1  }
0x141: {  	v3 =	vadd.s32 v1, v3  }
0x142: {  	[tilespmem:s24], [sflag:$0x1] =	stream.indirect_vreg.gather [hbm4b:s1+s4], $0x80, v4, vm0, $0xb8;
	[tilespmem:$0x1C180] =	vst v63  }
0x143: {  	_ = 	snop  }
0x144: {  	[tilespmem:s25], [sflag:$0x1] =	stream.indirect_vreg.gather [hbm4b:s5+s4], $0x80, v4, vm0, $0xb8;
	[tilespmem:$0x1C180] =	vst v63  }
0x145: {  	_ = 	snop  }
0x146: {  	[tilespmem:s28], [sflag:$0x1] =	stream.indirect_vreg.gather [hbm4b:s1+s4], $0x80, v3, vm0, $0xb8;
	[tilespmem:$0x1C180] =	vst v63  }
0x147: {  	_ = 	snop  }
0x148: {  	[tilespmem:s29], [sflag:$0x1] =	stream.indirect_vreg.gather [hbm4b:s5+s4], $0x80, v3, vm0, $0xb8;
	[tilespmem:$0x1C180] =	vst v63  }
0x149: {  	v3 =	vld [tilespmem:$0x160];
	_ =	sdelay $0x4  }
0x14a: {  	v58 =	vshll.u32 v3, $0x2  }
0x14b: {  	v3 =	vand.u32 $0x7, v3;
	v4 =	vand.u32 $0xFFFFFFE0, v58  }
0x14c: {  	v3 =	vor.u32 v3, v4  }
0x14d: {  	v4 =	vperm.xlane v3, v0;
	_ =	sdelay $0x1  }
0x14e: {  	v4 =	vadd.s32 v1, v4;
	_ =	sdelay $0x1  }
0x14f: {  	v3 =	vperm.xlane v3, v2;
	_ =	sdelay $0x1  }
0x150: {  	v3 =	vadd.s32 v1, v3  }
0x151: {  	[tilespmem:s30], [sflag:$0x1] =	stream.indirect_vreg.gather [hbm4b:s1+s4], $0x80, v4, vm0, $0xb8;
	[tilespmem:$0x1C180] =	vst v63  }
0x152: {  	_ = 	snop  }
0x153: {  	[tilespmem:s31], [sflag:$0x1] =	stream.indirect_vreg.gather [hbm4b:s5+s4], $0x80, v4, vm0, $0xb8;
	[tilespmem:$0x1C180] =	vst v63  }
0x154: {  	s18 =	simm.s32 $0x5180  }
0x155: {  	[tilespmem:s18], [sflag:$0x1] =	stream.indirect_vreg.gather [hbm4b:s1+s4], $0x80, v3, vm0, $0xb8;
	[tilespmem:$0x1C180] =	vst v63  }
0x156: {  	s18 =	simm.s32 $0x5980  }
0x157: {  	[tilespmem:s18], [sflag:$0x1] =	stream.indirect_vreg.gather [hbm4b:s5+s4], $0x80, v3, vm0, $0xb8;
	[tilespmem:$0x1C180] =	vst v63  }
0x158: {  	v3 =	vld [tilespmem:$0x170];
	_ =	sdelay $0x4  }
0x159: {  	v59 =	vshll.u32 v3, $0x2  }
0x15a: {  	v3 =	vand.u32 $0x7, v3;
	v4 =	vand.u32 $0xFFFFFFE0, v59  }
0x15b: {  	v3 =	vor.u32 v3, v4  }
0x15c: {  	v4 =	vperm.xlane v3, v0;
	_ =	sdelay $0x1  }
0x15d: {  	v4 =	vadd.s32 v1, v4;
	_ =	sdelay $0x1  }
0x15e: {  	v3 =	vperm.xlane v3, v2;
	_ =	sdelay $0x1  }
0x15f: {  	s18 =	simm.s32 $0x6180;
	v3 =	vadd.s32 v1, v3  }
0x160: {  	[tilespmem:s18], [sflag:$0x1] =	stream.indirect_vreg.gather [hbm4b:s1+s4], $0x80, v4, vm0, $0xb8;
	[tilespmem:$0x1C180] =	vst v63  }
0x161: {  	s18 =	simm.s32 $0x6980  }
0x162: {  	[tilespmem:s18], [sflag:$0x1] =	stream.indirect_vreg.gather [hbm4b:s5+s4], $0x80, v4, vm0, $0xb8;
	[tilespmem:$0x1C180] =	vst v63  }
0x163: {  	s18 =	simm.s32 $0x7180  }
0x164: {  	[tilespmem:s18], [sflag:$0x1] =	stream.indirect_vreg.gather [hbm4b:s1+s4], $0x80, v3, vm0, $0xb8;
	[tilespmem:$0x1C180] =	vst v63  }
0x165: {  	s18 =	simm.s32 $0x7980  }
0x166: {  	[tilespmem:s18], [sflag:$0x1] =	stream.indirect_vreg.gather [hbm4b:s5+s4], $0x80, v3, vm0, $0xb8;
	[tilespmem:$0x1C180] =	vst v63  }
0x167: {  	_ =	swait.ge [sflag:s13], $0x4000  }
0x168: {  	[sflag:s13] =	ssyncset.done $0x0  }
0x169: {  	s16 =	rddreg [dreg:$0xa];
	[sflag:s13] =	ssyncadd.s32 $0xFFFFC000  }
0x16a: {  	[hbm4b:s16+s4] =	stream.linear.scatter [tilespmem:s19], [sflag:$0x8], $0x4000, $0x38;
	[tilespmem:$0x1C180] =	vst v63  }
0x16b: {  	_ =	swait.ge [sflag:s14], $0x4000  }
0x16c: {  	[sflag:s14] =	ssyncset.done $0x0  }
0x16d: {  	[sflag:s14] =	ssyncadd.s32 $0xFFFFC000  }
0x16e: {  	v3 =	vld [tilespmem:$0xC0];
	_ =	sdelay $0x4  }
0x16f: {  	v60 =	vshll.u32 v3, $0x1  }
0x170: {  	v3 =	vand.u32 $0x7, v3;
	v4 =	vand.u32 $0xFFFFFFF0, v60  }
0x171: {  	v3 =	vor.u32 v3, v4  }
0x172: {  	v4 =	vperm.xlane v3, v0;
	_ =	sdelay $0x1  }
0x173: {  	v3 =	vperm.xlane v3, v2;
	v4 =	vadd.s32 v1, v4;
	_ =	sdelay $0x1  }
0x174: {  	v3 =	vadd.s32 v1, v3;
	_ =	sdelay $0x2  }
0x175: {  	[tilespmem:s19], [sflag:$0x4] =	stream.indirect_vreg.gather [hbm4b:s2+s4], $0x80, v4, vm0, $0xb8;
	[tilespmem:$0x1C180] =	vst v63  }
0x176: {  	_ = 	snop  }
0x177: {  	[tilespmem:s20], [sflag:$0x4] =	stream.indirect_vreg.gather [hbm4b:s2+s4], $0x80, v3, vm0, $0xb8;
	[tilespmem:$0x1C180] =	vst v63  }
0x178: {  	v3 =	vld [tilespmem:$0xD0];
	_ =	sdelay $0x4  }
0x179: {  	v61 =	vshll.u32 v3, $0x1  }
0x17a: {  	v3 =	vand.u32 $0x7, v3;
	v4 =	vand.u32 $0xFFFFFFF0, v61  }
0x17b: {  	v3 =	vor.u32 v3, v4  }
0x17c: {  	v4 =	vperm.xlane v3, v0;
	_ =	sdelay $0x1  }
0x17d: {  	v3 =	vperm.xlane v3, v2;
	v4 =	vadd.s32 v1, v4;
	_ =	sdelay $0x1  }
0x17e: {  	v3 =	vadd.s32 v1, v3;
	_ =	sdelay $0x2  }
0x17f: {  	[tilespmem:s0], [sflag:$0x4] =	stream.indirect_vreg.gather [hbm4b:s2+s4], $0x80, v4, vm0, $0xb8;
	[tilespmem:$0x1C180] =	vst v63  }
0x180: {  	_ = 	snop  }
0x181: {  	[tilespmem:s3], [sflag:$0x4] =	stream.indirect_vreg.gather [hbm4b:s2+s4], $0x80, v3, vm0, $0xb8;
	[tilespmem:$0x1C180] =	vst v63  }
0x182: {  	v3 =	vld [tilespmem:$0xE0];
	_ =	sdelay $0x4  }
0x183: {  	v62 =	vshll.u32 v3, $0x1  }
0x184: {  	v3 =	vand.u32 $0x7, v3;
	v4 =	vand.u32 $0xFFFFFFF0, v62  }
0x185: {  	v3 =	vor.u32 v3, v4  }
0x186: {  	v4 =	vperm.xlane v3, v0;
	_ =	sdelay $0x1  }
0x187: {  	v3 =	vperm.xlane v3, v2;
	v4 =	vadd.s32 v1, v4;
	_ =	sdelay $0x1  }
0x188: {  	v3 =	vadd.s32 v1, v3;
	_ =	sdelay $0x2  }
0x189: {  	[tilespmem:s10], [sflag:$0x4] =	stream.indirect_vreg.gather [hbm4b:s2+s4], $0x80, v4, vm0, $0xb8;
	[tilespmem:$0x1C180] =	vst v63  }
0x18a: {  	_ = 	snop  }
0x18b: {  	[tilespmem:s9], [sflag:$0x4] =	stream.indirect_vreg.gather [hbm4b:s2+s4], $0x80, v3, vm0, $0xb8;
	[tilespmem:$0x1C180] =	vst v63  }
0x18c: {  	v3 =	vld [tilespmem:$0xF0];
	_ =	sdelay $0x4  }
0x18d: {  	v63 =	vshll.u32 v3, $0x1  }
0x18e: {  	v3 =	vand.u32 $0x7, v3;
	v4 =	vand.u32 $0xFFFFFFF0, v63  }
0x18f: {  	v3 =	vor.u32 v3, v4  }
0x190: {  	v4 =	vperm.xlane v3, v0;
	_ =	sdelay $0x1  }
0x191: {  	v3 =	vperm.xlane v3, v2;
	v4 =	vadd.s32 v1, v4;
	_ =	sdelay $0x1  }
0x192: {  	v3 =	vadd.s32 v1, v3;
	_ =	sdelay $0x2  }
0x193: {  	[tilespmem:s11], [sflag:$0x4] =	stream.indirect_vreg.gather [hbm4b:s2+s4], $0x80, v4, vm0, $0xb8;
	[tilespmem:$0x1C180] =	vst v63  }
0x194: {  	s18 =	simm.s32 $0x3  }
0x195: {  	[tilespmem:s15], [sflag:$0x4] =	stream.indirect_vreg.gather [hbm4b:s2+s4], $0x80, v3, vm0, $0xb8;
	[tilespmem:$0x1C180] =	vst v63  }
0x196: {  	_ =	swait.ge [sflag:s18], $0x8000  }
0x197: {  	[sflag:s18] =	ssyncset.done $0x0  }
0x198: {  	s20 =	rddreg [dreg:$0xb];
	[sflag:s18] =	ssyncadd.s32 $0xFFFF8000  }
0x199: {  	[hbm4b:s20+s4] =	stream.linear.scatter [tilespmem:s8], [sflag:$0x7], $0x8000, $0x38;
	[tilespmem:$0x1C180] =	vst v63  }
0x19a: {  	_ =	swait.ge [sflag:s21], $0x8000  }
0x19b: {  	[sflag:s21] =	ssyncset.done $0x0  }
0x19c: {  	s0 =	rddreg [dreg:$0xc];
	[sflag:s21] =	ssyncadd.s32 $0xFFFF8000  }
0x19d: {  	[hbm4b:s0+s4] =	stream.linear.scatter [tilespmem:s26], [sflag:$0x5], $0x8000, $0x38;
	[tilespmem:$0x1C180] =	vst v63  }
0x19e: {  	_ =	swait.ge [sflag:s13], $0x4000  }
0x19f: {  	[sflag:s13] =	ssyncset.done $0x0  }
0x1a0: {  	s16 =	rddreg [dreg:$0xd];
	[sflag:s13] =	ssyncadd.s32 $0xFFFFC000  }
0x1a1: {  	[hbm4b:s16+s4] =	stream.linear.scatter [tilespmem:s19], [sflag:$0x8], $0x4000, $0x38;
	[tilespmem:$0x1C180] =	vst v63  }
0x1a2: {  	s19 =	simm.s32 $0x6  }
0x1a3: {  	_ =	swait.ge [sflag:s19], $0x8000  }
0x1a4: {  	[sflag:s19] =	ssyncset.done $0x0  }
0x1a5: {  	s20 =	simm.s32 $0x7;
	[sflag:s19] =	ssyncadd.s32 $0xFFFF8000  }
0x1a6: {  	_ =	swait.ge [sflag:s20], $0x8000  }
0x1a7: {  	[sflag:s20] =	ssyncset.done $0x0  }
0x1a8: {  	[sflag:s20] =	ssyncadd.s32 $0xFFFF8000  }
0x1a9: {  	p0 =	sne.s32 s6, $0x1;
	_ =	swait.ge [sflag:s12], $0x8000  }
.Ltmp0:
0x1aa: {  	[sflag:s12] =	ssyncset.done $0x0;
	(pc) =	sbr.rel @p0 .LBB2_1-.Ltmp0, $4  }
0x1ab: {  	[sflag:s12] =	ssyncadd.s32 $0xFFFF8000  }
0x1ac: {  	_ =	swait.ge [sflag:s14], $0x4000  }
0x1ad: {  	[sflag:s14] =	ssyncset.done $0x0  }
0x1ae: {  	s6 =	sadd.s32 $0xFFFFFFFF, s6;
	[sflag:s14] =	ssyncadd.s32 $0xFFFFC000  }
0x1af: {  	_ =	sfence.sel $0x180000  }
0x1b0: {  	[bflag:$0x0] =	sbarrier.arrive $0xFFFF  }
0x1b1: {  	_ =	strace $0x90000047  }
0x1b2: {  	s0 =	stileid.u32;
	[bflag:$0x2] =	sbarrier.arrive $0xFFFF  }
0x1b3: {  	p0 =	sne.s32 s0, $0x0;
	s0 =	rddreg [dreg:$0x4]  }
0x1b4: {  	s0 =	sadd.s32 @!p0 $0x100000, s0  }
0x1b5: {  	[sflag:s0] =	ssyncadd.tile.s32 @!p0 $0x1;
	_ =	shalt  }
.Lfunc_end2:
_tile_overlayer_lowered:
.L_overlay_start_2:
0x1b6: {  	(tag) =	ssettag $0x2  }
0x1b7: {  	s0 =	rddreg [dreg:$0x0];
	s2 =	stileid.u32  }
0x1b8: {  	s1 =	rddreg [dreg:$0x1];
	p0 =	sne.s32 s2, $0x0  }
0x1b9: {  	s3 =	rddreg [dreg:$0x2];
	[bflag:$0x3] =	sbarrier.arrive $0xFFFF;
	s2 =	simm.s32 @!p0 $0x1C09  }
0x1ba: {  	[timem:s3], [sflag:s2] =	dma.local @!p0 [hbm:s0], s1  }
0x1bb: {  	s0 =	simm.s32 @!p0 $0x9  }
0x1bc: {  	_ =	swait.ge @!p0 [sflag:s0], s1  }
0x1bd: {  	s1 =	ssub.s32 @!p0 $0x0, s1;
	[sflag:s0] =	ssyncset.done @!p0 $0x0  }
0x1be: {  	[sflag:s0] =	ssyncadd.s32 @!p0 s1  }
0x1bf: {  	[bflag:$0x3] =	sbarrier.arrive $0xFFFF  }
0x1c0: {  	_ =	shalt  }

</sc_bundles>
